<compile_context>
chip_gen: v7x
topology: tpu7x:2x2x1
jax: 0.10.2.dev20260603
libtpu: 0.0.44.dev20260713+nightly
codegen_flags: <defaults>
</compile_context>

<pallas_src>
import functools

import jax
import jax.numpy as jnp
from jax import lax
from jax.experimental import pallas as pl
from jax.experimental.pallas import tpu as pltpu
from jax.experimental.pallas import tpu_sc as plsc

_N = 10000
_E = 320000
_D = 128
_H = 128
_C = 10
_G = 64

_NC = 2
_NS = 16
_NW = _NC * _NS
_CH = 128
_NCH = 160
_EP = _NS * _NCH * _CH
_NBUF = 5
_HH = _H // _NC
_NP = 10240
_STRIPE = _NP // _NS
_ZR = 64

_mesh = plsc.VectorSubcoreMesh(core_axis_name="c", subcore_axis_name="s")


def _zero_fill(zbuf, width):
    @pl.loop(0, zbuf.shape[0])
    def _rows(r):
        @pl.loop(0, width, step=16)
        def _lanes(l):
            zbuf[r, pl.ds(l, 16)] = jnp.zeros((16,), jnp.float32)


def _stripe_zero(zbuf, acc, s):
    reps = _STRIPE // zbuf.shape[0]
    @pl.loop(0, reps)
    def _cp(i):
        pltpu.sync_copy(zbuf, acc.at[pl.ds(s * _STRIPE + i * zbuf.shape[0],
                                           zbuf.shape[0])])


@functools.partial(
    pl.kernel,
    mesh=_mesh,
    out_type=jax.ShapeDtypeStruct((_NC, _NP, 16), jnp.float32),
    compiler_params=pltpu.CompilerParams(use_tc_tiling_on_sc=False),
    scratch_types=[
        pltpu.VMEM((_NCH, _CH), jnp.int32),
        pltpu.VMEM((_CH, 16), jnp.float32),
        pltpu.VMEM((_ZR, 16), jnp.float32),
        pltpu.VMEM_SHARED((_NP, 16), jnp.float32),
    ],
)
def _deg_kernel(dst_hbm, out_hbm, dst_v, ones_v, zero_v, acc_sh):
    c = lax.axis_index("c")
    s = lax.axis_index("s")
    pltpu.sync_copy(dst_hbm.at[s], dst_v)

    @pl.loop(0, _CH)
    def _ones(r):
        ones_v[r, pl.ds(0, 16)] = jnp.ones((16,), jnp.float32)

    _zero_fill(zero_v, 16)
    _stripe_zero(zero_v, acc_sh, s)
    plsc.subcore_barrier()

    @pl.loop(0, _NCH // _NC)
    def _edges(k):
        pltpu.sync_copy(ones_v, acc_sh.at[dst_v.at[c * (_NCH // _NC) + k]],
                        add=True)

    plsc.subcore_barrier()
    pltpu.sync_copy(acc_sh.at[pl.ds(s * _STRIPE, _STRIPE)],
                    out_hbm.at[c].at[pl.ds(s * _STRIPE, _STRIPE)])


@functools.partial(
    pl.kernel,
    mesh=_mesh,
    out_type=jax.ShapeDtypeStruct((_NC, _NP, _HH), jnp.float32),
    compiler_params=pltpu.CompilerParams(use_tc_tiling_on_sc=False),
    scratch_types=[
        pltpu.VMEM((_NCH, _CH), jnp.int32),
        pltpu.VMEM((_NCH, _CH), jnp.int32),
    ] + [pltpu.VMEM((_CH, _HH), jnp.float32)] * _NBUF
      + [pltpu.VMEM((_ZR, _HH), jnp.float32),
         pltpu.VMEM_SHARED((_NP, _HH), jnp.float32)]
      + [pltpu.SemaphoreType.DMA] * _NBUF,
)
def _agg_kernel(hs_hbm, src_hbm, dst_hbm, out_hbm,
                src_v, dst_v, *rest):
    bufs = rest[:_NBUF]
    zero_v = rest[_NBUF]
    acc_sh = rest[_NBUF + 1]
    sems = rest[_NBUF + 2:]
    c = lax.axis_index("c")
    s = lax.axis_index("s")
    pltpu.sync_copy(src_hbm.at[s], src_v)
    pltpu.sync_copy(dst_hbm.at[s], dst_v)

    _zero_fill(zero_v, _HH)
    _stripe_zero(zero_v, acc_sh, s)
    plsc.subcore_barrier()

    for j in range(_NBUF):
        pltpu.async_copy(hs_hbm.at[c].at[src_v.at[j]], bufs[j], sems[j])

    @pl.loop(0, _NCH // _NBUF - 1)
    def _grp(g):
        k = g * _NBUF
        for j in range(_NBUF):
            pltpu.make_async_copy(hs_hbm.at[c].at[src_v.at[k + j]],
                                  bufs[j], sems[j]).wait()
            pltpu.sync_copy(bufs[j], acc_sh.at[dst_v.at[k + j]], add=True)
            pltpu.async_copy(hs_hbm.at[c].at[src_v.at[k + j + _NBUF]],
                             bufs[j], sems[j])

    kl = _NCH - _NBUF
    for j in range(_NBUF):
        pltpu.make_async_copy(hs_hbm.at[c].at[src_v.at[kl + j]],
                              bufs[j], sems[j]).wait()
        pltpu.sync_copy(bufs[j], acc_sh.at[dst_v.at[kl + j]], add=True)

    plsc.subcore_barrier()
    pltpu.sync_copy(acc_sh.at[pl.ds(s * _STRIPE, _STRIPE)],
                    out_hbm.at[c].at[pl.ds(s * _STRIPE, _STRIPE)])


def _tc_first(x_ref, w_ref, degp_ref, hs_ref, dinv_ref):
    deg = degp_ref[0, :, 0:1] + degp_ref[1, :, 0:1] + 1.0
    dinv = lax.rsqrt(deg)
    dinv_ref[...] = dinv
    h = jnp.dot(x_ref[...], w_ref[...],
                preferred_element_type=jnp.float32) * dinv
    hs_ref[0] = h[:, :_HH]
    hs_ref[1] = h[:, _HH:]


def _tc_mid(p_ref, hs_ref, dinv_ref, b_ref, w_ref, out_ref):
    agg = jnp.concatenate([p_ref[0] + hs_ref[0], p_ref[1] + hs_ref[1]], axis=1)
    h = jnp.maximum(agg * dinv_ref[...] + b_ref[...], 0.0)
    hn = jnp.dot(h, w_ref[...],
                 preferred_element_type=jnp.float32) * dinv_ref[...]
    out_ref[0] = hn[:, :_HH]
    out_ref[1] = hn[:, _HH:]


def _tc_final(p_ref, hs_ref, dinv_ref, b_ref, batch_ref, wfc_ref, bfc_ref,
              out_ref):
    agg = jnp.concatenate([p_ref[0] + hs_ref[0], p_ref[1] + hs_ref[1]], axis=1)
    h = jnp.maximum(agg * dinv_ref[...] + b_ref[...], 0.0)
    gids = lax.broadcasted_iota(jnp.int32, (_G, _NP), 0)
    onehot = jnp.where(batch_ref[...] == gids, 1.0, 0.0)
    sums = jnp.dot(onehot, h, preferred_element_type=jnp.float32)
    counts = jnp.sum(onehot, axis=1, keepdims=True)
    pooled = sums / jnp.maximum(counts, 1.0)
    logits = jnp.dot(pooled, wfc_ref[...],
                     preferred_element_type=jnp.float32) + bfc_ref[...]
    z = logits - jnp.max(logits, axis=1, keepdims=True)
    lse = jnp.log(jnp.sum(jnp.exp(z), axis=1, keepdims=True))
    out_ref[...] = z - lse


def kernel(x, edge_index, batch, W1, b1, W2, b2, W3, b3, Wfc, bfc):
    padidx = (jnp.arange(_EP - _E, dtype=jnp.int32) % (_NP - _N)) + _N
    src = jnp.concatenate([edge_index[0].astype(jnp.int32), padidx])
    dst = jnp.concatenate([edge_index[1].astype(jnp.int32), padidx])
    src = src.reshape(_NS, _NCH, _CH)
    dst = dst.reshape(_NS, _NCH, _CH)
    xp = jnp.pad(x, ((0, _NP - _N), (0, 0)))
    batch2 = jnp.pad(batch.astype(jnp.int32), (0, _NP - _N),
                     constant_values=_G).reshape(1, _NP)
    b1r = b1.reshape(1, _H)
    b2r = b2.reshape(1, _H)
    b3r = b3.reshape(1, _H)
    bfcr = bfc.reshape(1, _C)

    degp = _deg_kernel(dst)

    hs1, dinv = pl.pallas_call(
        _tc_first,
        out_shape=(jax.ShapeDtypeStruct((_NC, _NP, _HH), jnp.float32),
                   jax.ShapeDtypeStruct((_NP, 1), jnp.float32)),
    )(xp, W1, degp)

    p1 = _agg_kernel(hs1, src, dst)
    hs2 = pl.pallas_call(
        _tc_mid, out_shape=jax.ShapeDtypeStruct((_NC, _NP, _HH), jnp.float32),
    )(p1, hs1, dinv, b1r, W2)

    p2 = _agg_kernel(hs2, src, dst)
    hs3 = pl.pallas_call(
        _tc_mid, out_shape=jax.ShapeDtypeStruct((_NC, _NP, _HH), jnp.float32),
    )(p2, hs2, dinv, b2r, W3)

    p3 = _agg_kernel(hs3, src, dst)
    out = pl.pallas_call(
        _tc_final, out_shape=jax.ShapeDtypeStruct((_G, _C), jnp.float32),
    )(p3, hs3, dinv, b3r, batch2, Wfc, bfcr)
    return out

# --- scband reference (transcript-rebuilt; emitter-appended) ---
"""Pipeline reference for scband-pose-gcn-13511967113414 (READ-ONLY COPY).

The authoritative reference and input builder live on the scoring server;
editing this copy changes nothing except your own understanding.
"""

import jax, jax.numpy as jnp
import numpy as np

N = 10000
E = 320000
D = 128
H = 128
C = 10
G = 64


def setup_inputs(seed: int = 0) -> dict:
    key = jax.random.key(seed)
    ks = jax.random.split(key, 12)
    x = jax.random.normal(ks[0], (N, D), dtype=jnp.float32)
    edge_index = jax.random.randint(ks[1], (2, E), 0, N, dtype=jnp.int64)
    batch = jnp.sort(jax.random.randint(ks[2], (N,), 0, G, dtype=jnp.int64))
    s1 = 1.0 / np.sqrt(D)
    s2 = 1.0 / np.sqrt(H)
    W1 = jax.random.uniform(ks[3], (D, H), jnp.float32, -s1, s1)
    b1 = jnp.zeros((H,), jnp.float32)
    W2 = jax.random.uniform(ks[4], (H, H), jnp.float32, -s2, s2)
    b2 = jnp.zeros((H,), jnp.float32)
    W3 = jax.random.uniform(ks[5], (H, H), jnp.float32, -s2, s2)
    b3 = jnp.zeros((H,), jnp.float32)
    Wfc = jax.random.uniform(ks[6], (H, C), jnp.float32, -s2, s2)
    bfc = jnp.zeros((C,), jnp.float32)
    return {"x": x, "edge_index": edge_index, "batch": batch,
            "W1": W1, "b1": b1, "W2": W2, "b2": b2, "W3": W3, "b3": b3,
            "Wfc": Wfc, "bfc": bfc}


def _gcn_conv(x, W, b, src, dst, coef):
    h = x @ W
    msg = h[src] * coef[:, None]
    out = jax.ops.segment_sum(msg, dst, num_segments=N)
    return out + b


def reference(x, edge_index, batch, W1, b1, W2, b2, W3, b3, Wfc, bfc):
    # add self loops (GCNConv default)
    loop = jnp.arange(N, dtype=edge_index.dtype)
    src = jnp.concatenate([edge_index[0], loop])
    dst = jnp.concatenate([edge_index[1], loop])
    deg = jax.ops.segment_sum(jnp.ones_like(dst, dtype=jnp.float32), dst, num_segments=N)
    dinv = jnp.where(deg > 0, deg ** -0.5, 0.0)
    coef = dinv[src] * dinv[dst]

    h = _gcn_conv(x, W1, b1, src, dst, coef)
    h = jax.nn.relu(h)  # dropout is identity at inference
    h = _gcn_conv(h, W2, b2, src, dst, coef)
    h = jax.nn.relu(h)
    h = _gcn_conv(h, W3, b3, src, dst, coef)
    h = jax.nn.relu(h)

    # global mean pool over graphs
    sums = jax.ops.segment_sum(h, batch, num_segments=G)
    counts = jax.ops.segment_sum(jnp.ones((N,), jnp.float32), batch, num_segments=G)
    pooled = sums / jnp.maximum(counts, 1.0)[:, None]

    logits = pooled @ Wfc + bfc
    return jax.nn.log_softmax(logits, axis=1)

if __name__ == "__main__":
    import jax
    _d = setup_inputs()
    print(jax.jit(kernel)(*tuple(_d.values())))

</pallas_src>

<mosaic_0001>
#map = affine_map<(d0, d1) -> (0, 0, 0)>
module attributes {stable_mosaic.version = 14 : i64} {
  func.func @_deg_kernel(%arg0: i32, %arg1: i32, %arg2: memref<16x160x128xi32, #tpu.memory_space<hbm>>, %arg3: memref<2x10240x16xf32, #tpu.memory_space<hbm>>, %arg4: memref<160x128xi32, #tpu.memory_space<vmem>>, %arg5: memref<128x16xf32, #tpu.memory_space<vmem>>, %arg6: memref<64x16xf32, #tpu.memory_space<vmem>>, %arg7: memref<10240x16xf32, #tpu.memory_space<vmem_shared>>) attributes {dimension_semantics = [#tpu.dimension_semantics<core_parallel>, #tpu.dimension_semantics<subcore_parallel>], iteration_bounds = array<i64: 2, 16>, scalar_prefetch = 0 : i64, scratch_operands = 4 : i64, tpu.core_type = #tpu.core_type<sc_vector_subcore>, window_params = [{transform_indices = #map}, {transform_indices = #map}]} {
    "tpu.region"() ({
      %run_scoped3A = tpu.sem_alloc : memref<!tpu.dma_semaphore, #tpu.memory_space<semaphore_mem>>
      %dma_start3A = arith.constant 0 : i32
      %dma_start3A_23 = arith.constant 0 : i32
      %dma_start3A_24 = tpu.memref_slice %arg2[%arg1, %dma_start3A, %dma_start3A_23] : memref<16x160x128xi32, #tpu.memory_space<hbm>> -> memref<1x160x128xi32, #tpu.memory_space<hbm>>
      %dma_start3A_25 = tpu.memref_squeeze %dma_start3A_24 : memref<1x160x128xi32, #tpu.memory_space<hbm>> -> memref<160x128xi32, #tpu.memory_space<hbm>>
      %dma_start3A_26 = arith.constant 0 : i32
      %dma_start3A_27 = arith.constant 0 : i32
      %dma_start3A_28 = tpu.memref_slice %arg2[%arg1, %dma_start3A_26, %dma_start3A_27] : memref<16x160x128xi32, #tpu.memory_space<hbm>> -> memref<1x160x128xi32, #tpu.memory_space<hbm>>
      %dma_start3A_29 = tpu.memref_squeeze %dma_start3A_28 : memref<1x160x128xi32, #tpu.memory_space<hbm>> -> memref<160x128xi32, #tpu.memory_space<hbm>>
      tpu.enqueue_dma source(%dma_start3A_29 : memref<160x128xi32, #tpu.memory_space<hbm>>) target(%arg4 : memref<160x128xi32, #tpu.memory_space<vmem>>) target_semaphore(%run_scoped3A : memref<!tpu.dma_semaphore, #tpu.memory_space<semaphore_mem>>)
      %dma_wait3A = arith.constant 0 : i32
      %dma_wait3A_30 = arith.constant 0 : i32
      %dma_wait3A_31 = tpu.memref_slice %arg2[%arg1, %dma_wait3A, %dma_wait3A_30] : memref<16x160x128xi32, #tpu.memory_space<hbm>> -> memref<1x160x128xi32, #tpu.memory_space<hbm>>
      %dma_wait3A_32 = tpu.memref_squeeze %dma_wait3A_31 : memref<1x160x128xi32, #tpu.memory_space<hbm>> -> memref<160x128xi32, #tpu.memory_space<hbm>>
      %dma_wait3A_33 = arith.constant 0 : i32
      %dma_wait3A_34 = arith.constant 0 : i32
      %dma_wait3A_35 = tpu.memref_slice %arg2[%arg1, %dma_wait3A_33, %dma_wait3A_34] : memref<16x160x128xi32, #tpu.memory_space<hbm>> -> memref<1x160x128xi32, #tpu.memory_space<hbm>>
      %dma_wait3A_36 = tpu.memref_squeeze %dma_wait3A_35 : memref<1x160x128xi32, #tpu.memory_space<hbm>> -> memref<160x128xi32, #tpu.memory_space<hbm>>
      tpu.wait_dma2 semaphore(%run_scoped3A : memref<!tpu.dma_semaphore, #tpu.memory_space<semaphore_mem>>) src(%dma_wait3A_36 : memref<160x128xi32, #tpu.memory_space<hbm>>) dst(%arg4 : memref<160x128xi32, #tpu.memory_space<vmem>>)
      tpu.yield
    }) : () -> ()
    %scan3A = arith.constant 0 : i32
    %scan3A_0 = arith.constant 128 : i32
    %scan3A_1 = arith.addi %scan3A, %scan3A_0 : i32
    %scan3A_2 = arith.constant 1 : i32
    scf.for %scan3A_23 = %scan3A to %scan3A_1 step %scan3A_2  : i32 {
      %mul3A_24 = arith.constant 1 : i32
      %mul3A_25 = arith.muli %scan3A_23, %mul3A_24 : i32
      %add3A = arith.constant 0 : i32
      %add3A_26 = arith.addi %add3A, %mul3A_25 : i32
      %broadcast_in_dim3A = arith.constant 1.000000e+00 : f32
      %broadcast_in_dim3A_27 = vector.broadcast %broadcast_in_dim3A : f32 to vector<16xf32>
      %swap3A = arith.index_cast %add3A_26 : i32 to index
      %swap3A_28 = arith.constant 0 : index
      %swap3A_29 = tpu.vector_load %arg5[%swap3A, %swap3A_28] {strides = array<i32>} : memref<128x16xf32, #tpu.memory_space<vmem>>, vector<1x16xf32>,
      %swap3A_30 = vector.shape_cast %swap3A_29 : vector<1x16xf32> to vector<16xf32>
      %swap3A_31 = vector.shape_cast %broadcast_in_dim3A_27 : vector<16xf32> to vector<1x16xf32>
      tpu.vector_store %arg5[%swap3A, %swap3A_28], %swap3A_31 {strides = array<i32>} : memref<128x16xf32, #tpu.memory_space<vmem>>, vector<1x16xf32>,
    }
    %scan3A_3 = arith.constant 128 : i32
    %scan3A_4 = arith.constant 0 : i32
    %scan3A_5 = arith.constant 64 : i32
    %scan3A_6 = arith.addi %scan3A_4, %scan3A_5 : i32
    %scan3A_7 = arith.constant 1 : i32
    scf.for %scan3A_23 = %scan3A_4 to %scan3A_6 step %scan3A_7  : i32 {
      %mul3A_24 = arith.constant 1 : i32
      %mul3A_25 = arith.muli %scan3A_23, %mul3A_24 : i32
      %add3A = arith.constant 0 : i32
      %add3A_26 = arith.addi %add3A, %mul3A_25 : i32
      %scan3A_27 = arith.constant 0 : i32
      %mul3A_28 = arith.constant 16 : i32
      %mul3A_29 = arith.muli %scan3A_27, %mul3A_28 : i32
      %add3A_30 = arith.constant 0 : i32
      %add3A_31 = arith.addi %add3A_30, %mul3A_29 : i32
      %broadcast_in_dim3A = arith.constant 0.000000e+00 : f32
      %broadcast_in_dim3A_32 = vector.broadcast %broadcast_in_dim3A : f32 to vector<16xf32>
      %swap3A = arith.index_cast %add3A_26 : i32 to index
      %swap3A_33 = arith.index_cast %add3A_31 : i32 to index
      %swap3A_34 = tpu.vector_load %arg6[%swap3A, %swap3A_33] {strides = array<i32>} : memref<64x16xf32, #tpu.memory_space<vmem>>, vector<1x16xf32>,
      %swap3A_35 = vector.shape_cast %swap3A_34 : vector<1x16xf32> to vector<16xf32>
      %swap3A_36 = vector.shape_cast %broadcast_in_dim3A_32 : vector<16xf32> to vector<1x16xf32>
      tpu.vector_store %arg6[%swap3A, %swap3A_33], %swap3A_36 {strides = array<i32>} : memref<64x16xf32, #tpu.memory_space<vmem>>, vector<1x16xf32>,
      %scan3A_37 = arith.constant 1 : i32
    }
    %scan3A_8 = arith.constant 64 : i32
    %scan3A_9 = arith.constant 0 : i32
    %scan3A_10 = arith.constant 10 : i32
    %scan3A_11 = arith.addi %scan3A_9, %scan3A_10 : i32
    %scan3A_12 = arith.constant 1 : i32
    scf.for %scan3A_23 = %scan3A_9 to %scan3A_11 step %scan3A_12  : i32 {
      %mul3A_24 = arith.constant 1 : i32
      %mul3A_25 = arith.muli %scan3A_23, %mul3A_24 : i32
      %add3A = arith.constant 0 : i32
      %add3A_26 = arith.addi %add3A, %mul3A_25 : i32
      %mul3A_27 = arith.constant 640 : i32
      %mul3A_28 = arith.muli %arg1, %mul3A_27 : i32
      %mul3A_29 = arith.constant 64 : i32
      %mul3A_30 = arith.muli %add3A_26, %mul3A_29 : i32
      %add3A_31 = arith.addi %mul3A_28, %mul3A_30 : i32
      "tpu.region"() ({
        %run_scoped3A = tpu.sem_alloc : memref<!tpu.dma_semaphore, #tpu.memory_space<semaphore_mem>>
        %dma_start3A = arith.constant 0 : i32
        %dma_start3A_32 = tpu.memref_slice %arg7[%add3A_31, %dma_start3A] : memref<10240x16xf32, #tpu.memory_space<vmem_shared>> -> memref<64x16xf32, #tpu.memory_space<vmem_shared>>
        %dma_start3A_33 = arith.constant 0 : i32
        %dma_start3A_34 = tpu.memref_slice %arg7[%add3A_31, %dma_start3A_33] : memref<10240x16xf32, #tpu.memory_space<vmem_shared>> -> memref<64x16xf32, #tpu.memory_space<vmem_shared>>
        tpu.enqueue_dma source(%arg6 : memref<64x16xf32, #tpu.memory_space<vmem>>) target(%dma_start3A_34 : memref<64x16xf32, #tpu.memory_space<vmem_shared>>) target_semaphore(%run_scoped3A : memref<!tpu.dma_semaphore, #tpu.memory_space<semaphore_mem>>)
        %dma_wait3A = arith.constant 0 : i32
        %dma_wait3A_35 = tpu.memref_slice %arg7[%add3A_31, %dma_wait3A] : memref<10240x16xf32, #tpu.memory_space<vmem_shared>> -> memref<64x16xf32, #tpu.memory_space<vmem_shared>>
        %dma_wait3A_36 = arith.constant 0 : i32
        %dma_wait3A_37 = tpu.memref_slice %arg7[%add3A_31, %dma_wait3A_36] : memref<10240x16xf32, #tpu.memory_space<vmem_shared>> -> memref<64x16xf32, #tpu.memory_space<vmem_shared>>
        tpu.wait_dma2 semaphore(%run_scoped3A : memref<!tpu.dma_semaphore, #tpu.memory_space<semaphore_mem>>) src(%arg6 : memref<64x16xf32, #tpu.memory_space<vmem>>) dst(%dma_wait3A_37 : memref<64x16xf32, #tpu.memory_space<vmem_shared>>)
        tpu.yield
      }) : () -> ()
    }
    %scan3A_13 = arith.constant 10 : i32
    %barrier3A = arith.constant 0 : index
    tpu.barrier barrier_id(%barrier3A)
    %scan3A_14 = arith.constant 0 : i32
    %scan3A_15 = arith.constant 80 : i32
    %scan3A_16 = arith.addi %scan3A_14, %scan3A_15 : i32
    %scan3A_17 = arith.constant 1 : i32
    scf.for %scan3A_23 = %scan3A_14 to %scan3A_16 step %scan3A_17  : i32 {
      %mul3A_24 = arith.constant 1 : i32
      %mul3A_25 = arith.muli %scan3A_23, %mul3A_24 : i32
      %add3A = arith.constant 0 : i32
      %add3A_26 = arith.addi %add3A, %mul3A_25 : i32
      %mul3A_27 = arith.constant 80 : i32
      %mul3A_28 = arith.muli %arg0, %mul3A_27 : i32
      %add3A_29 = arith.addi %mul3A_28, %add3A_26 : i32
      "tpu.region"() ({
        %run_scoped3A = tpu.sem_alloc : memref<!tpu.dma_semaphore, #tpu.memory_space<semaphore_mem>>
        %dma_start3A = arith.constant 0 : i32
        %dma_start3A_30 = tpu.memref_slice %arg4[%add3A_29, %dma_start3A] : memref<160x128xi32, #tpu.memory_space<vmem>> -> memref<1x128xi32, #tpu.memory_space<vmem>>
        %dma_start3A_31 = tpu.memref_squeeze %dma_start3A_30 : memref<1x128xi32, #tpu.memory_space<vmem>> -> memref<128xi32, #tpu.memory_space<vmem>>
        %dma_start3A_32 = arith.constant 0 : i32
        %dma_start3A_33 = arith.constant 0 : i32
        %dma_start3A_34 = tpu.memref_slice %arg7[%dma_start3A_32, %dma_start3A_33] : memref<10240x16xf32, #tpu.memory_space<vmem_shared>> -> memref<10240x16xf32, #tpu.memory_space<vmem_shared>>
        tpu.enqueue_indirect_dma source(%arg5 : memref<128x16xf32, #tpu.memory_space<vmem>>) target(%dma_start3A_34 : memref<10240x16xf32, #tpu.memory_space<vmem_shared>>) offsets(%dma_start3A_31 : memref<128xi32, #tpu.memory_space<vmem>>) semaphore(%run_scoped3A : memref<!tpu.dma_semaphore, #tpu.memory_space<semaphore_mem>>) {add = true}
        %dma_wait3A = arith.constant 0 : i32
        %dma_wait3A_35 = tpu.memref_slice %arg4[%add3A_29, %dma_wait3A] : memref<160x128xi32, #tpu.memory_space<vmem>> -> memref<1x128xi32, #tpu.memory_space<vmem>>
        %dma_wait3A_36 = tpu.memref_squeeze %dma_wait3A_35 : memref<1x128xi32, #tpu.memory_space<vmem>> -> memref<128xi32, #tpu.memory_space<vmem>>
        %dma_wait3A_37 = arith.constant 0 : i32
        %dma_wait3A_38 = arith.constant 0 : i32
        %dma_wait3A_39 = tpu.memref_slice %arg7[%dma_wait3A_37, %dma_wait3A_38] : memref<10240x16xf32, #tpu.memory_space<vmem_shared>> -> memref<10240x16xf32, #tpu.memory_space<vmem_shared>>
        tpu.wait_indirect_dma semaphore(%run_scoped3A : memref<!tpu.dma_semaphore, #tpu.memory_space<semaphore_mem>>) src(%arg5 : memref<128x16xf32, #tpu.memory_space<vmem>>) dst(%dma_wait3A_39 : memref<10240x16xf32, #tpu.memory_space<vmem_shared>>)
        tpu.yield
      }) : () -> ()
    }
    %scan3A_18 = arith.constant 80 : i32
    %barrier3A_19 = arith.constant 0 : index
    tpu.barrier barrier_id(%barrier3A_19)
    %mul3A = arith.constant 640 : i32
    %mul3A_20 = arith.muli %arg1, %mul3A : i32
    %mul3A_21 = arith.constant 640 : i32
    %mul3A_22 = arith.muli %arg1, %mul3A_21 : i32
    "tpu.region"() ({
      %run_scoped3A = tpu.sem_alloc : memref<!tpu.dma_semaphore, #tpu.memory_space<semaphore_mem>>
      %dma_start3A = arith.constant 0 : i32
      %dma_start3A_23 = arith.constant 0 : i32
      %dma_start3A_24 = tpu.memref_slice %arg3[%arg0, %dma_start3A, %dma_start3A_23] : memref<2x10240x16xf32, #tpu.memory_space<hbm>> -> memref<1x10240x16xf32, #tpu.memory_space<hbm>>
      %dma_start3A_25 = tpu.memref_squeeze %dma_start3A_24 : memref<1x10240x16xf32, #tpu.memory_space<hbm>> -> memref<10240x16xf32, #tpu.memory_space<hbm>>
      %dma_start3A_26 = arith.constant 0 : i32
      %dma_start3A_27 = tpu.memref_slice %dma_start3A_25[%mul3A_22, %dma_start3A_26] : memref<10240x16xf32, #tpu.memory_space<hbm>> -> memref<640x16xf32, #tpu.memory_space<hbm>>
      %dma_start3A_28 = arith.constant 0 : i32
      %dma_start3A_29 = tpu.memref_slice %arg7[%mul3A_20, %dma_start3A_28] : memref<10240x16xf32, #tpu.memory_space<vmem_shared>> -> memref<640x16xf32, #tpu.memory_space<vmem_shared>>
      tpu.enqueue_dma source(%dma_start3A_29 : memref<640x16xf32, #tpu.memory_space<vmem_shared>>) target(%dma_start3A_27 : memref<640x16xf32, #tpu.memory_space<hbm>>) target_semaphore(%run_scoped3A : memref<!tpu.dma_semaphore, #tpu.memory_space<semaphore_mem>>)
      %dma_wait3A = arith.constant 0 : i32
      %dma_wait3A_30 = arith.constant 0 : i32
      %dma_wait3A_31 = tpu.memref_slice %arg3[%arg0, %dma_wait3A, %dma_wait3A_30] : memref<2x10240x16xf32, #tpu.memory_space<hbm>> -> memref<1x10240x16xf32, #tpu.memory_space<hbm>>
      %dma_wait3A_32 = tpu.memref_squeeze %dma_wait3A_31 : memref<1x10240x16xf32, #tpu.memory_space<hbm>> -> memref<10240x16xf32, #tpu.memory_space<hbm>>
      %dma_wait3A_33 = arith.constant 0 : i32
      %dma_wait3A_34 = tpu.memref_slice %dma_wait3A_32[%mul3A_22, %dma_wait3A_33] : memref<10240x16xf32, #tpu.memory_space<hbm>> -> memref<640x16xf32, #tpu.memory_space<hbm>>
      %dma_wait3A_35 = arith.constant 0 : i32
      %dma_wait3A_36 = tpu.memref_slice %arg7[%mul3A_20, %dma_wait3A_35] : memref<10240x16xf32, #tpu.memory_space<vmem_shared>> -> memref<640x16xf32, #tpu.memory_space<vmem_shared>>
      tpu.wait_dma2 semaphore(%run_scoped3A : memref<!tpu.dma_semaphore, #tpu.memory_space<semaphore_mem>>) src(%dma_wait3A_36 : memref<640x16xf32, #tpu.memory_space<vmem_shared>>) dst(%dma_wait3A_34 : memref<640x16xf32, #tpu.memory_space<hbm>>)
      tpu.yield
    }) : () -> ()
    return
  }
}

#map = affine_map<(d0, d1) -> (0, 0, 0)>
module attributes {stable_mosaic.version = 14 : i64} {
  func.func @_agg_kernel(%arg0: i32, %arg1: i32, %arg2: memref<2x10240x64xf32, #tpu.memory_space<hbm>>, %arg3: memref<16x160x128xi32, #tpu.memory_space<hbm>>, %arg4: memref<16x160x128xi32, #tpu.memory_space<hbm>>, %arg5: memref<2x10240x64xf32, #tpu.memory_space<hbm>>, %arg6: memref<160x128xi32, #tpu.memory_space<vmem>>, %arg7: memref<160x128xi32, #tpu.memory_space<vmem>>, %arg8: memref<128x64xf32, #tpu.memory_space<vmem>>, %arg9: memref<128x64xf32, #tpu.memory_space<vmem>>, %arg10: memref<128x64xf32, #tpu.memory_space<vmem>>, %arg11: memref<128x64xf32, #tpu.memory_space<vmem>>, %arg12: memref<128x64xf32, #tpu.memory_space<vmem>>, %arg13: memref<64x64xf32, #tpu.memory_space<vmem>>, %arg14: memref<10240x64xf32, #tpu.memory_space<vmem_shared>>, %arg15: memref<!tpu.dma_semaphore, #tpu.memory_space<semaphore_mem>>, %arg16: memref<!tpu.dma_semaphore, #tpu.memory_space<semaphore_mem>>, %arg17: memref<!tpu.dma_semaphore, #tpu.memory_space<semaphore_mem>>, %arg18: memref<!tpu.dma_semaphore, #tpu.memory_space<semaphore_mem>>, %arg19: memref<!tpu.dma_semaphore, #tpu.memory_space<semaphore_mem>>) attributes {dimension_semantics = [#tpu.dimension_semantics<core_parallel>, #tpu.dimension_semantics<subcore_parallel>], iteration_bounds = array<i64: 2, 16>, scalar_prefetch = 0 : i64, scratch_operands = 14 : i64, tpu.core_type = #tpu.core_type<sc_vector_subcore>, window_params = [{transform_indices = #map}, {transform_indices = #map}, {transform_indices = #map}, {transform_indices = #map}]} {
    "tpu.region"() ({
      %run_scoped3A_130 = tpu.sem_alloc : memref<!tpu.dma_semaphore, #tpu.memory_space<semaphore_mem>>
      %dma_start3A_131 = arith.constant 0 : i32
      %dma_start3A_132 = arith.constant 0 : i32
      %dma_start3A_133 = tpu.memref_slice %arg3[%arg1, %dma_start3A_131, %dma_start3A_132] : memref<16x160x128xi32, #tpu.memory_space<hbm>> -> memref<1x160x128xi32, #tpu.memory_space<hbm>>
      %dma_start3A_134 = tpu.memref_squeeze %dma_start3A_133 : memref<1x160x128xi32, #tpu.memory_space<hbm>> -> memref<160x128xi32, #tpu.memory_space<hbm>>
      %dma_start3A_135 = arith.constant 0 : i32
      %dma_start3A_136 = arith.constant 0 : i32
      %dma_start3A_137 = tpu.memref_slice %arg3[%arg1, %dma_start3A_135, %dma_start3A_136] : memref<16x160x128xi32, #tpu.memory_space<hbm>> -> memref<1x160x128xi32, #tpu.memory_space<hbm>>
      %dma_start3A_138 = tpu.memref_squeeze %dma_start3A_137 : memref<1x160x128xi32, #tpu.memory_space<hbm>> -> memref<160x128xi32, #tpu.memory_space<hbm>>
      tpu.enqueue_dma source(%dma_start3A_138 : memref<160x128xi32, #tpu.memory_space<hbm>>) target(%arg6 : memref<160x128xi32, #tpu.memory_space<vmem>>) target_semaphore(%run_scoped3A_130 : memref<!tpu.dma_semaphore, #tpu.memory_space<semaphore_mem>>)
      %dma_wait3A_139 = arith.constant 0 : i32
      %dma_wait3A_140 = arith.constant 0 : i32
      %dma_wait3A_141 = tpu.memref_slice %arg3[%arg1, %dma_wait3A_139, %dma_wait3A_140] : memref<16x160x128xi32, #tpu.memory_space<hbm>> -> memref<1x160x128xi32, #tpu.memory_space<hbm>>
      %dma_wait3A_142 = tpu.memref_squeeze %dma_wait3A_141 : memref<1x160x128xi32, #tpu.memory_space<hbm>> -> memref<160x128xi32, #tpu.memory_space<hbm>>
      %dma_wait3A_143 = arith.constant 0 : i32
      %dma_wait3A_144 = arith.constant 0 : i32
      %dma_wait3A_145 = tpu.memref_slice %arg3[%arg1, %dma_wait3A_143, %dma_wait3A_144] : memref<16x160x128xi32, #tpu.memory_space<hbm>> -> memref<1x160x128xi32, #tpu.memory_space<hbm>>
      %dma_wait3A_146 = tpu.memref_squeeze %dma_wait3A_145 : memref<1x160x128xi32, #tpu.memory_space<hbm>> -> memref<160x128xi32, #tpu.memory_space<hbm>>
      tpu.wait_dma2 semaphore(%run_scoped3A_130 : memref<!tpu.dma_semaphore, #tpu.memory_space<semaphore_mem>>) src(%dma_wait3A_146 : memref<160x128xi32, #tpu.memory_space<hbm>>) dst(%arg6 : memref<160x128xi32, #tpu.memory_space<vmem>>)
      tpu.yield
    }) : () -> ()
    "tpu.region"() ({
      %run_scoped3A_130 = tpu.sem_alloc : memref<!tpu.dma_semaphore, #tpu.memory_space<semaphore_mem>>
      %dma_start3A_131 = arith.constant 0 : i32
      %dma_start3A_132 = arith.constant 0 : i32
      %dma_start3A_133 = tpu.memref_slice %arg4[%arg1, %dma_start3A_131, %dma_start3A_132] : memref<16x160x128xi32, #tpu.memory_space<hbm>> -> memref<1x160x128xi32, #tpu.memory_space<hbm>>
      %dma_start3A_134 = tpu.memref_squeeze %dma_start3A_133 : memref<1x160x128xi32, #tpu.memory_space<hbm>> -> memref<160x128xi32, #tpu.memory_space<hbm>>
      %dma_start3A_135 = arith.constant 0 : i32
      %dma_start3A_136 = arith.constant 0 : i32
      %dma_start3A_137 = tpu.memref_slice %arg4[%arg1, %dma_start3A_135, %dma_start3A_136] : memref<16x160x128xi32, #tpu.memory_space<hbm>> -> memref<1x160x128xi32, #tpu.memory_space<hbm>>
      %dma_start3A_138 = tpu.memref_squeeze %dma_start3A_137 : memref<1x160x128xi32, #tpu.memory_space<hbm>> -> memref<160x128xi32, #tpu.memory_space<hbm>>
      tpu.enqueue_dma source(%dma_start3A_138 : memref<160x128xi32, #tpu.memory_space<hbm>>) target(%arg7 : memref<160x128xi32, #tpu.memory_space<vmem>>) target_semaphore(%run_scoped3A_130 : memref<!tpu.dma_semaphore, #tpu.memory_space<semaphore_mem>>)
      %dma_wait3A_139 = arith.constant 0 : i32
      %dma_wait3A_140 = arith.constant 0 : i32
      %dma_wait3A_141 = tpu.memref_slice %arg4[%arg1, %dma_wait3A_139, %dma_wait3A_140] : memref<16x160x128xi32, #tpu.memory_space<hbm>> -> memref<1x160x128xi32, #tpu.memory_space<hbm>>
      %dma_wait3A_142 = tpu.memref_squeeze %dma_wait3A_141 : memref<1x160x128xi32, #tpu.memory_space<hbm>> -> memref<160x128xi32, #tpu.memory_space<hbm>>
      %dma_wait3A_143 = arith.constant 0 : i32
      %dma_wait3A_144 = arith.constant 0 : i32
      %dma_wait3A_145 = tpu.memref_slice %arg4[%arg1, %dma_wait3A_143, %dma_wait3A_144] : memref<16x160x128xi32, #tpu.memory_space<hbm>> -> memref<1x160x128xi32, #tpu.memory_space<hbm>>
      %dma_wait3A_146 = tpu.memref_squeeze %dma_wait3A_145 : memref<1x160x128xi32, #tpu.memory_space<hbm>> -> memref<160x128xi32, #tpu.memory_space<hbm>>
      tpu.wait_dma2 semaphore(%run_scoped3A_130 : memref<!tpu.dma_semaphore, #tpu.memory_space<semaphore_mem>>) src(%dma_wait3A_146 : memref<160x128xi32, #tpu.memory_space<hbm>>) dst(%arg7 : memref<160x128xi32, #tpu.memory_space<vmem>>)
      tpu.yield
    }) : () -> ()
    %scan3A = arith.constant 0 : i32
    %scan3A_0 = arith.constant 64 : i32
    %scan3A_1 = arith.addi %scan3A, %scan3A_0 : i32
    %scan3A_2 = arith.constant 1 : i32
    scf.for %scan3A_130 = %scan3A to %scan3A_1 step %scan3A_2  : i32 {
      %mul3A_131 = arith.constant 1 : i32
      %mul3A_132 = arith.muli %scan3A_130, %mul3A_131 : i32
      %add3A = arith.constant 0 : i32
      %add3A_133 = arith.addi %add3A, %mul3A_132 : i32
      %scan3A_134 = arith.constant 0 : i32
      %scan3A_135 = arith.constant 4 : i32
      %scan3A_136 = arith.addi %scan3A_134, %scan3A_135 : i32
      %scan3A_137 = arith.constant 1 : i32
      scf.for %scan3A_139 = %scan3A_134 to %scan3A_136 step %scan3A_137  : i32 {
        %mul3A_140 = arith.constant 16 : i32
        %mul3A_141 = arith.muli %scan3A_139, %mul3A_140 : i32
        %add3A_142 = arith.constant 0 : i32
        %add3A_143 = arith.addi %add3A_142, %mul3A_141 : i32
        %broadcast_in_dim3A = arith.constant 0.000000e+00 : f32
        %broadcast_in_dim3A_144 = vector.broadcast %broadcast_in_dim3A : f32 to vector<16xf32>
        %swap3A = arith.index_cast %add3A_133 : i32 to index
        %swap3A_145 = arith.index_cast %add3A_143 : i32 to index
        %swap3A_146 = tpu.vector_load %arg13[%swap3A, %swap3A_145] {strides = array<i32>} : memref<64x64xf32, #tpu.memory_space<vmem>>, vector<1x16xf32>,
        %swap3A_147 = vector.shape_cast %swap3A_146 : vector<1x16xf32> to vector<16xf32>
        %swap3A_148 = vector.shape_cast %broadcast_in_dim3A_144 : vector<16xf32> to vector<1x16xf32>
        tpu.vector_store %arg13[%swap3A, %swap3A_145], %swap3A_148 {strides = array<i32>} : memref<64x64xf32, #tpu.memory_space<vmem>>, vector<1x16xf32>,
      }
      %scan3A_138 = arith.constant 4 : i32
    }
    %scan3A_3 = arith.constant 64 : i32
    %scan3A_4 = arith.constant 0 : i32
    %scan3A_5 = arith.constant 10 : i32
    %scan3A_6 = arith.addi %scan3A_4, %scan3A_5 : i32
    %scan3A_7 = arith.constant 1 : i32
    scf.for %scan3A_130 = %scan3A_4 to %scan3A_6 step %scan3A_7  : i32 {
      %mul3A_131 = arith.constant 1 : i32
      %mul3A_132 = arith.muli %scan3A_130, %mul3A_131 : i32
      %add3A = arith.constant 0 : i32
      %add3A_133 = arith.addi %add3A, %mul3A_132 : i32
      %mul3A_134 = arith.constant 640 : i32
      %mul3A_135 = arith.muli %arg1, %mul3A_134 : i32
      %mul3A_136 = arith.constant 64 : i32
      %mul3A_137 = arith.muli %add3A_133, %mul3A_136 : i32
      %add3A_138 = arith.addi %mul3A_135, %mul3A_137 : i32
      "tpu.region"() ({
        %run_scoped3A_139 = tpu.sem_alloc : memref<!tpu.dma_semaphore, #tpu.memory_space<semaphore_mem>>
        %dma_start3A_140 = arith.constant 0 : i32
        %dma_start3A_141 = tpu.memref_slice %arg14[%add3A_138, %dma_start3A_140] : memref<10240x64xf32, #tpu.memory_space<vmem_shared>> -> memref<64x64xf32, #tpu.memory_space<vmem_shared>>
        %dma_start3A_142 = arith.constant 0 : i32
        %dma_start3A_143 = tpu.memref_slice %arg14[%add3A_138, %dma_start3A_142] : memref<10240x64xf32, #tpu.memory_space<vmem_shared>> -> memref<64x64xf32, #tpu.memory_space<vmem_shared>>
        tpu.enqueue_dma source(%arg13 : memref<64x64xf32, #tpu.memory_space<vmem>>) target(%dma_start3A_143 : memref<64x64xf32, #tpu.memory_space<vmem_shared>>) target_semaphore(%run_scoped3A_139 : memref<!tpu.dma_semaphore, #tpu.memory_space<semaphore_mem>>)
        %dma_wait3A_144 = arith.constant 0 : i32
        %dma_wait3A_145 = tpu.memref_slice %arg14[%add3A_138, %dma_wait3A_144] : memref<10240x64xf32, #tpu.memory_space<vmem_shared>> -> memref<64x64xf32, #tpu.memory_space<vmem_shared>>
        %dma_wait3A_146 = arith.constant 0 : i32
        %dma_wait3A_147 = tpu.memref_slice %arg14[%add3A_138, %dma_wait3A_146] : memref<10240x64xf32, #tpu.memory_space<vmem_shared>> -> memref<64x64xf32, #tpu.memory_space<vmem_shared>>
        tpu.wait_dma2 semaphore(%run_scoped3A_139 : memref<!tpu.dma_semaphore, #tpu.memory_space<semaphore_mem>>) src(%arg13 : memref<64x64xf32, #tpu.memory_space<vmem>>) dst(%dma_wait3A_147 : memref<64x64xf32, #tpu.memory_space<vmem_shared>>)
        tpu.yield
      }) : () -> ()
    }
    %scan3A_8 = arith.constant 10 : i32
    %barrier3A = arith.constant 0 : index
    tpu.barrier barrier_id(%barrier3A)
    %dma_start3A = arith.constant 0 : i32
    %dma_start3A_9 = arith.constant 0 : i32
    %dma_start3A_10 = tpu.memref_slice %arg6[%dma_start3A, %dma_start3A_9] : memref<160x128xi32, #tpu.memory_space<vmem>> -> memref<1x128xi32, #tpu.memory_space<vmem>>
    %dma_start3A_11 = tpu.memref_squeeze %dma_start3A_10 : memref<1x128xi32, #tpu.memory_space<vmem>> -> memref<128xi32, #tpu.memory_space<vmem>>
    %dma_start3A_12 = arith.constant 0 : i32
    %dma_start3A_13 = arith.constant 0 : i32
    %dma_start3A_14 = tpu.memref_slice %arg2[%arg0, %dma_start3A_12, %dma_start3A_13] : memref<2x10240x64xf32, #tpu.memory_space<hbm>> -> memref<1x10240x64xf32, #tpu.memory_space<hbm>>
    %dma_start3A_15 = tpu.memref_squeeze %dma_start3A_14 : memref<1x10240x64xf32, #tpu.memory_space<hbm>> -> memref<10240x64xf32, #tpu.memory_space<hbm>>
    %dma_start3A_16 = arith.constant 0 : i32
    %dma_start3A_17 = arith.constant 0 : i32
    %dma_start3A_18 = tpu.memref_slice %dma_start3A_15[%dma_start3A_16, %dma_start3A_17] : memref<10240x64xf32, #tpu.memory_space<hbm>> -> memref<10240x64xf32, #tpu.memory_space<hbm>>
    tpu.enqueue_indirect_dma source(%dma_start3A_18 : memref<10240x64xf32, #tpu.memory_space<hbm>>) target(%arg8 : memref<128x64xf32, #tpu.memory_space<vmem>>) offsets(%dma_start3A_11 : memref<128xi32, #tpu.memory_space<vmem>>) semaphore(%arg15 : memref<!tpu.dma_semaphore, #tpu.memory_space<semaphore_mem>>)
    %dma_start3A_19 = arith.constant 1 : i32
    %dma_start3A_20 = arith.constant 0 : i32
    %dma_start3A_21 = tpu.memref_slice %arg6[%dma_start3A_19, %dma_start3A_20] : memref<160x128xi32, #tpu.memory_space<vmem>> -> memref<1x128xi32, #tpu.memory_space<vmem>>
    %dma_start3A_22 = tpu.memref_squeeze %dma_start3A_21 : memref<1x128xi32, #tpu.memory_space<vmem>> -> memref<128xi32, #tpu.memory_space<vmem>>
    %dma_start3A_23 = arith.constant 0 : i32
    %dma_start3A_24 = arith.constant 0 : i32
    %dma_start3A_25 = tpu.memref_slice %arg2[%arg0, %dma_start3A_23, %dma_start3A_24] : memref<2x10240x64xf32, #tpu.memory_space<hbm>> -> memref<1x10240x64xf32, #tpu.memory_space<hbm>>
    %dma_start3A_26 = tpu.memref_squeeze %dma_start3A_25 : memref<1x10240x64xf32, #tpu.memory_space<hbm>> -> memref<10240x64xf32, #tpu.memory_space<hbm>>
    %dma_start3A_27 = arith.constant 0 : i32
    %dma_start3A_28 = arith.constant 0 : i32
    %dma_start3A_29 = tpu.memref_slice %dma_start3A_26[%dma_start3A_27, %dma_start3A_28] : memref<10240x64xf32, #tpu.memory_space<hbm>> -> memref<10240x64xf32, #tpu.memory_space<hbm>>
    tpu.enqueue_indirect_dma source(%dma_start3A_29 : memref<10240x64xf32, #tpu.memory_space<hbm>>) target(%arg9 : memref<128x64xf32, #tpu.memory_space<vmem>>) offsets(%dma_start3A_22 : memref<128xi32, #tpu.memory_space<vmem>>) semaphore(%arg16 : memref<!tpu.dma_semaphore, #tpu.memory_space<semaphore_mem>>)
    %dma_start3A_30 = arith.constant 2 : i32
    %dma_start3A_31 = arith.constant 0 : i32
    %dma_start3A_32 = tpu.memref_slice %arg6[%dma_start3A_30, %dma_start3A_31] : memref<160x128xi32, #tpu.memory_space<vmem>> -> memref<1x128xi32, #tpu.memory_space<vmem>>
    %dma_start3A_33 = tpu.memref_squeeze %dma_start3A_32 : memref<1x128xi32, #tpu.memory_space<vmem>> -> memref<128xi32, #tpu.memory_space<vmem>>
    %dma_start3A_34 = arith.constant 0 : i32
    %dma_start3A_35 = arith.constant 0 : i32
    %dma_start3A_36 = tpu.memref_slice %arg2[%arg0, %dma_start3A_34, %dma_start3A_35] : memref<2x10240x64xf32, #tpu.memory_space<hbm>> -> memref<1x10240x64xf32, #tpu.memory_space<hbm>>
    %dma_start3A_37 = tpu.memref_squeeze %dma_start3A_36 : memref<1x10240x64xf32, #tpu.memory_space<hbm>> -> memref<10240x64xf32, #tpu.memory_space<hbm>>
    %dma_start3A_38 = arith.constant 0 : i32
    %dma_start3A_39 = arith.constant 0 : i32
    %dma_start3A_40 = tpu.memref_slice %dma_start3A_37[%dma_start3A_38, %dma_start3A_39] : memref<10240x64xf32, #tpu.memory_space<hbm>> -> memref<10240x64xf32, #tpu.memory_space<hbm>>
    tpu.enqueue_indirect_dma source(%dma_start3A_40 : memref<10240x64xf32, #tpu.memory_space<hbm>>) target(%arg10 : memref<128x64xf32, #tpu.memory_space<vmem>>) offsets(%dma_start3A_33 : memref<128xi32, #tpu.memory_space<vmem>>) semaphore(%arg17 : memref<!tpu.dma_semaphore, #tpu.memory_space<semaphore_mem>>)
    %dma_start3A_41 = arith.constant 3 : i32
    %dma_start3A_42 = arith.constant 0 : i32
    %dma_start3A_43 = tpu.memref_slice %arg6[%dma_start3A_41, %dma_start3A_42] : memref<160x128xi32, #tpu.memory_space<vmem>> -> memref<1x128xi32, #tpu.memory_space<vmem>>
    %dma_start3A_44 = tpu.memref_squeeze %dma_start3A_43 : memref<1x128xi32, #tpu.memory_space<vmem>> -> memref<128xi32, #tpu.memory_space<vmem>>
    %dma_start3A_45 = arith.constant 0 : i32
    %dma_start3A_46 = arith.constant 0 : i32
    %dma_start3A_47 = tpu.memref_slice %arg2[%arg0, %dma_start3A_45, %dma_start3A_46] : memref<2x10240x64xf32, #tpu.memory_space<hbm>> -> memref<1x10240x64xf32, #tpu.memory_space<hbm>>
    %dma_start3A_48 = tpu.memref_squeeze %dma_start3A_47 : memref<1x10240x64xf32, #tpu.memory_space<hbm>> -> memref<10240x64xf32, #tpu.memory_space<hbm>>
    %dma_start3A_49 = arith.constant 0 : i32
    %dma_start3A_50 = arith.constant 0 : i32
    %dma_start3A_51 = tpu.memref_slice %dma_start3A_48[%dma_start3A_49, %dma_start3A_50] : memref<10240x64xf32, #tpu.memory_space<hbm>> -> memref<10240x64xf32, #tpu.memory_space<hbm>>
    tpu.enqueue_indirect_dma source(%dma_start3A_51 : memref<10240x64xf32, #tpu.memory_space<hbm>>) target(%arg11 : memref<128x64xf32, #tpu.memory_space<vmem>>) offsets(%dma_start3A_44 : memref<128xi32, #tpu.memory_space<vmem>>) semaphore(%arg18 : memref<!tpu.dma_semaphore, #tpu.memory_space<semaphore_mem>>)
    %dma_start3A_52 = arith.constant 4 : i32
    %dma_start3A_53 = arith.constant 0 : i32
    %dma_start3A_54 = tpu.memref_slice %arg6[%dma_start3A_52, %dma_start3A_53] : memref<160x128xi32, #tpu.memory_space<vmem>> -> memref<1x128xi32, #tpu.memory_space<vmem>>
    %dma_start3A_55 = tpu.memref_squeeze %dma_start3A_54 : memref<1x128xi32, #tpu.memory_space<vmem>> -> memref<128xi32, #tpu.memory_space<vmem>>
    %dma_start3A_56 = arith.constant 0 : i32
    %dma_start3A_57 = arith.constant 0 : i32
    %dma_start3A_58 = tpu.memref_slice %arg2[%arg0, %dma_start3A_56, %dma_start3A_57] : memref<2x10240x64xf32, #tpu.memory_space<hbm>> -> memref<1x10240x64xf32, #tpu.memory_space<hbm>>
    %dma_start3A_59 = tpu.memref_squeeze %dma_start3A_58 : memref<1x10240x64xf32, #tpu.memory_space<hbm>> -> memref<10240x64xf32, #tpu.memory_space<hbm>>
    %dma_start3A_60 = arith.constant 0 : i32
    %dma_start3A_61 = arith.constant 0 : i32
    %dma_start3A_62 = tpu.memref_slice %dma_start3A_59[%dma_start3A_60, %dma_start3A_61] : memref<10240x64xf32, #tpu.memory_space<hbm>> -> memref<10240x64xf32, #tpu.memory_space<hbm>>
    tpu.enqueue_indirect_dma source(%dma_start3A_62 : memref<10240x64xf32, #tpu.memory_space<hbm>>) target(%arg12 : memref<128x64xf32, #tpu.memory_space<vmem>>) offsets(%dma_start3A_55 : memref<128xi32, #tpu.memory_space<vmem>>) semaphore(%arg19 : memref<!tpu.dma_semaphore, #tpu.memory_space<semaphore_mem>>)
    %scan3A_63 = arith.constant 0 : i32
    %scan3A_64 = arith.constant 31 : i32
    %scan3A_65 = arith.addi %scan3A_63, %scan3A_64 : i32
    %scan3A_66 = arith.constant 1 : i32
    scf.for %scan3A_130 = %scan3A_63 to %scan3A_65 step %scan3A_66  : i32 {
      %mul3A_131 = arith.constant 1 : i32
      %mul3A_132 = arith.muli %scan3A_130, %mul3A_131 : i32
      %add3A = arith.constant 0 : i32
      %add3A_133 = arith.addi %add3A, %mul3A_132 : i32
      %mul3A_134 = arith.constant 5 : i32
      %mul3A_135 = arith.muli %add3A_133, %mul3A_134 : i32
      %add3A_136 = arith.constant 0 : i32
      %add3A_137 = arith.addi %mul3A_135, %add3A_136 : i32
      %dma_wait3A_138 = arith.constant 0 : i32
      %dma_wait3A_139 = tpu.memref_slice %arg6[%add3A_137, %dma_wait3A_138] : memref<160x128xi32, #tpu.memory_space<vmem>> -> memref<1x128xi32, #tpu.memory_space<vmem>>
      %dma_wait3A_140 = tpu.memref_squeeze %dma_wait3A_139 : memref<1x128xi32, #tpu.memory_space<vmem>> -> memref<128xi32, #tpu.memory_space<vmem>>
      %dma_wait3A_141 = arith.constant 0 : i32
      %dma_wait3A_142 = arith.constant 0 : i32
      %dma_wait3A_143 = tpu.memref_slice %arg2[%arg0, %dma_wait3A_141, %dma_wait3A_142] : memref<2x10240x64xf32, #tpu.memory_space<hbm>> -> memref<1x10240x64xf32, #tpu.memory_space<hbm>>
      %dma_wait3A_144 = tpu.memref_squeeze %dma_wait3A_143 : memref<1x10240x64xf32, #tpu.memory_space<hbm>> -> memref<10240x64xf32, #tpu.memory_space<hbm>>
      %dma_wait3A_145 = arith.constant 0 : i32
      %dma_wait3A_146 = arith.constant 0 : i32
      %dma_wait3A_147 = tpu.memref_slice %dma_wait3A_144[%dma_wait3A_145, %dma_wait3A_146] : memref<10240x64xf32, #tpu.memory_space<hbm>> -> memref<10240x64xf32, #tpu.memory_space<hbm>>
      tpu.wait_indirect_dma semaphore(%arg15 : memref<!tpu.dma_semaphore, #tpu.memory_space<semaphore_mem>>) src(%dma_wait3A_147 : memref<10240x64xf32, #tpu.memory_space<hbm>>) dst(%arg8 : memref<128x64xf32, #tpu.memory_space<vmem>>)
      %add3A_148 = arith.constant 0 : i32
      %add3A_149 = arith.addi %mul3A_135, %add3A_148 : i32
      "tpu.region"() ({
        %run_scoped3A_276 = tpu.sem_alloc : memref<!tpu.dma_semaphore, #tpu.memory_space<semaphore_mem>>
        %dma_start3A_277 = arith.constant 0 : i32
        %dma_start3A_278 = tpu.memref_slice %arg7[%add3A_149, %dma_start3A_277] : memref<160x128xi32, #tpu.memory_space<vmem>> -> memref<1x128xi32, #tpu.memory_space<vmem>>
        %dma_start3A_279 = tpu.memref_squeeze %dma_start3A_278 : memref<1x128xi32, #tpu.memory_space<vmem>> -> memref<128xi32, #tpu.memory_space<vmem>>
        %dma_start3A_280 = arith.constant 0 : i32
        %dma_start3A_281 = arith.constant 0 : i32
        %dma_start3A_282 = tpu.memref_slice %arg14[%dma_start3A_280, %dma_start3A_281] : memref<10240x64xf32, #tpu.memory_space<vmem_shared>> -> memref<10240x64xf32, #tpu.memory_space<vmem_shared>>
        tpu.enqueue_indirect_dma source(%arg8 : memref<128x64xf32, #tpu.memory_space<vmem>>) target(%dma_start3A_282 : memref<10240x64xf32, #tpu.memory_space<vmem_shared>>) offsets(%dma_start3A_279 : memref<128xi32, #tpu.memory_space<vmem>>) semaphore(%run_scoped3A_276 : memref<!tpu.dma_semaphore, #tpu.memory_space<semaphore_mem>>) {add = true}
        %dma_wait3A_283 = arith.constant 0 : i32
        %dma_wait3A_284 = tpu.memref_slice %arg7[%add3A_149, %dma_wait3A_283] : memref<160x128xi32, #tpu.memory_space<vmem>> -> memref<1x128xi32, #tpu.memory_space<vmem>>
        %dma_wait3A_285 = tpu.memref_squeeze %dma_wait3A_284 : memref<1x128xi32, #tpu.memory_space<vmem>> -> memref<128xi32, #tpu.memory_space<vmem>>
        %dma_wait3A_286 = arith.constant 0 : i32
        %dma_wait3A_287 = arith.constant 0 : i32
        %dma_wait3A_288 = tpu.memref_slice %arg14[%dma_wait3A_286, %dma_wait3A_287] : memref<10240x64xf32, #tpu.memory_space<vmem_shared>> -> memref<10240x64xf32, #tpu.memory_space<vmem_shared>>
        tpu.wait_indirect_dma semaphore(%run_scoped3A_276 : memref<!tpu.dma_semaphore, #tpu.memory_space<semaphore_mem>>) src(%arg8 : memref<128x64xf32, #tpu.memory_space<vmem>>) dst(%dma_wait3A_288 : memref<10240x64xf32, #tpu.memory_space<vmem_shared>>)
        tpu.yield
      }) : () -> ()
      %add3A_150 = arith.constant 0 : i32
      %add3A_151 = arith.addi %mul3A_135, %add3A_150 : i32
      %add3A_152 = arith.constant 5 : i32
      %add3A_153 = arith.addi %add3A_151, %add3A_152 : i32
      %dma_start3A_154 = arith.constant 0 : i32
      %dma_start3A_155 = tpu.memref_slice %arg6[%add3A_153, %dma_start3A_154] : memref<160x128xi32, #tpu.memory_space<vmem>> -> memref<1x128xi32, #tpu.memory_space<vmem>>
      %dma_start3A_156 = tpu.memref_squeeze %dma_start3A_155 : memref<1x128xi32, #tpu.memory_space<vmem>> -> memref<128xi32, #tpu.memory_space<vmem>>
      %dma_start3A_157 = arith.constant 0 : i32
      %dma_start3A_158 = arith.constant 0 : i32
      %dma_start3A_159 = tpu.memref_slice %arg2[%arg0, %dma_start3A_157, %dma_start3A_158] : memref<2x10240x64xf32, #tpu.memory_space<hbm>> -> memref<1x10240x64xf32, #tpu.memory_space<hbm>>
      %dma_start3A_160 = tpu.memref_squeeze %dma_start3A_159 : memref<1x10240x64xf32, #tpu.memory_space<hbm>> -> memref<10240x64xf32, #tpu.memory_space<hbm>>
      %dma_start3A_161 = arith.constant 0 : i32
      %dma_start3A_162 = arith.constant 0 : i32
      %dma_start3A_163 = tpu.memref_slice %dma_start3A_160[%dma_start3A_161, %dma_start3A_162] : memref<10240x64xf32, #tpu.memory_space<hbm>> -> memref<10240x64xf32, #tpu.memory_space<hbm>>
      tpu.enqueue_indirect_dma source(%dma_start3A_163 : memref<10240x64xf32, #tpu.memory_space<hbm>>) target(%arg8 : memref<128x64xf32, #tpu.memory_space<vmem>>) offsets(%dma_start3A_156 : memref<128xi32, #tpu.memory_space<vmem>>) semaphore(%arg15 : memref<!tpu.dma_semaphore, #tpu.memory_space<semaphore_mem>>)
      %add3A_164 = arith.constant 1 : i32
      %add3A_165 = arith.addi %mul3A_135, %add3A_164 : i32
      %dma_wait3A_166 = arith.constant 0 : i32
      %dma_wait3A_167 = tpu.memref_slice %arg6[%add3A_165, %dma_wait3A_166] : memref<160x128xi32, #tpu.memory_space<vmem>> -> memref<1x128xi32, #tpu.memory_space<vmem>>
      %dma_wait3A_168 = tpu.memref_squeeze %dma_wait3A_167 : memref<1x128xi32, #tpu.memory_space<vmem>> -> memref<128xi32, #tpu.memory_space<vmem>>
      %dma_wait3A_169 = arith.constant 0 : i32
      %dma_wait3A_170 = arith.constant 0 : i32
      %dma_wait3A_171 = tpu.memref_slice %arg2[%arg0, %dma_wait3A_169, %dma_wait3A_170] : memref<2x10240x64xf32, #tpu.memory_space<hbm>> -> memref<1x10240x64xf32, #tpu.memory_space<hbm>>
      %dma_wait3A_172 = tpu.memref_squeeze %dma_wait3A_171 : memref<1x10240x64xf32, #tpu.memory_space<hbm>> -> memref<10240x64xf32, #tpu.memory_space<hbm>>
      %dma_wait3A_173 = arith.constant 0 : i32
      %dma_wait3A_174 = arith.constant 0 : i32
      %dma_wait3A_175 = tpu.memref_slice %dma_wait3A_172[%dma_wait3A_173, %dma_wait3A_174] : memref<10240x64xf32, #tpu.memory_space<hbm>> -> memref<10240x64xf32, #tpu.memory_space<hbm>>
      tpu.wait_indirect_dma semaphore(%arg16 : memref<!tpu.dma_semaphore, #tpu.memory_space<semaphore_mem>>) src(%dma_wait3A_175 : memref<10240x64xf32, #tpu.memory_space<hbm>>) dst(%arg9 : memref<128x64xf32, #tpu.memory_space<vmem>>)
      %add3A_176 = arith.constant 1 : i32
      %add3A_177 = arith.addi %mul3A_135, %add3A_176 : i32
      "tpu.region"() ({
        %run_scoped3A_276 = tpu.sem_alloc : memref<!tpu.dma_semaphore, #tpu.memory_space<semaphore_mem>>
        %dma_start3A_277 = arith.constant 0 : i32
        %dma_start3A_278 = tpu.memref_slice %arg7[%add3A_177, %dma_start3A_277] : memref<160x128xi32, #tpu.memory_space<vmem>> -> memref<1x128xi32, #tpu.memory_space<vmem>>
        %dma_start3A_279 = tpu.memref_squeeze %dma_start3A_278 : memref<1x128xi32, #tpu.memory_space<vmem>> -> memref<128xi32, #tpu.memory_space<vmem>>
        %dma_start3A_280 = arith.constant 0 : i32
        %dma_start3A_281 = arith.constant 0 : i32
        %dma_start3A_282 = tpu.memref_slice %arg14[%dma_start3A_280, %dma_start3A_281] : memref<10240x64xf32, #tpu.memory_space<vmem_shared>> -> memref<10240x64xf32, #tpu.memory_space<vmem_shared>>
        tpu.enqueue_indirect_dma source(%arg9 : memref<128x64xf32, #tpu.memory_space<vmem>>) target(%dma_start3A_282 : memref<10240x64xf32, #tpu.memory_space<vmem_shared>>) offsets(%dma_start3A_279 : memref<128xi32, #tpu.memory_space<vmem>>) semaphore(%run_scoped3A_276 : memref<!tpu.dma_semaphore, #tpu.memory_space<semaphore_mem>>) {add = true}
        %dma_wait3A_283 = arith.constant 0 : i32
        %dma_wait3A_284 = tpu.memref_slice %arg7[%add3A_177, %dma_wait3A_283] : memref<160x128xi32, #tpu.memory_space<vmem>> -> memref<1x128xi32, #tpu.memory_space<vmem>>
        %dma_wait3A_285 = tpu.memref_squeeze %dma_wait3A_284 : memref<1x128xi32, #tpu.memory_space<vmem>> -> memref<128xi32, #tpu.memory_space<vmem>>
        %dma_wait3A_286 = arith.constant 0 : i32
        %dma_wait3A_287 = arith.constant 0 : i32
        %dma_wait3A_288 = tpu.memref_slice %arg14[%dma_wait3A_286, %dma_wait3A_287] : memref<10240x64xf32, #tpu.memory_space<vmem_shared>> -> memref<10240x64xf32, #tpu.memory_space<vmem_shared>>
        tpu.wait_indirect_dma semaphore(%run_scoped3A_276 : memref<!tpu.dma_semaphore, #tpu.memory_space<semaphore_mem>>) src(%arg9 : memref<128x64xf32, #tpu.memory_space<vmem>>) dst(%dma_wait3A_288 : memref<10240x64xf32, #tpu.memory_space<vmem_shared>>)
        tpu.yield
      }) : () -> ()
      %add3A_178 = arith.constant 1 : i32
      %add3A_179 = arith.addi %mul3A_135, %add3A_178 : i32
      %add3A_180 = arith.constant 5 : i32
      %add3A_181 = arith.addi %add3A_179, %add3A_180 : i32
      %dma_start3A_182 = arith.constant 0 : i32
      %dma_start3A_183 = tpu.memref_slice %arg6[%add3A_181, %dma_start3A_182] : memref<160x128xi32, #tpu.memory_space<vmem>> -> memref<1x128xi32, #tpu.memory_space<vmem>>
      %dma_start3A_184 = tpu.memref_squeeze %dma_start3A_183 : memref<1x128xi32, #tpu.memory_space<vmem>> -> memref<128xi32, #tpu.memory_space<vmem>>
      %dma_start3A_185 = arith.constant 0 : i32
      %dma_start3A_186 = arith.constant 0 : i32
      %dma_start3A_187 = tpu.memref_slice %arg2[%arg0, %dma_start3A_185, %dma_start3A_186] : memref<2x10240x64xf32, #tpu.memory_space<hbm>> -> memref<1x10240x64xf32, #tpu.memory_space<hbm>>
      %dma_start3A_188 = tpu.memref_squeeze %dma_start3A_187 : memref<1x10240x64xf32, #tpu.memory_space<hbm>> -> memref<10240x64xf32, #tpu.memory_space<hbm>>
      %dma_start3A_189 = arith.constant 0 : i32
      %dma_start3A_190 = arith.constant 0 : i32
      %dma_start3A_191 = tpu.memref_slice %dma_start3A_188[%dma_start3A_189, %dma_start3A_190] : memref<10240x64xf32, #tpu.memory_space<hbm>> -> memref<10240x64xf32, #tpu.memory_space<hbm>>
      tpu.enqueue_indirect_dma source(%dma_start3A_191 : memref<10240x64xf32, #tpu.memory_space<hbm>>) target(%arg9 : memref<128x64xf32, #tpu.memory_space<vmem>>) offsets(%dma_start3A_184 : memref<128xi32, #tpu.memory_space<vmem>>) semaphore(%arg16 : memref<!tpu.dma_semaphore, #tpu.memory_space<semaphore_mem>>)
      %add3A_192 = arith.constant 2 : i32
      %add3A_193 = arith.addi %mul3A_135, %add3A_192 : i32
      %dma_wait3A_194 = arith.constant 0 : i32
      %dma_wait3A_195 = tpu.memref_slice %arg6[%add3A_193, %dma_wait3A_194] : memref<160x128xi32, #tpu.memory_space<vmem>> -> memref<1x128xi32, #tpu.memory_space<vmem>>
      %dma_wait3A_196 = tpu.memref_squeeze %dma_wait3A_195 : memref<1x128xi32, #tpu.memory_space<vmem>> -> memref<128xi32, #tpu.memory_space<vmem>>
      %dma_wait3A_197 = arith.constant 0 : i32
      %dma_wait3A_198 = arith.constant 0 : i32
      %dma_wait3A_199 = tpu.memref_slice %arg2[%arg0, %dma_wait3A_197, %dma_wait3A_198] : memref<2x10240x64xf32, #tpu.memory_space<hbm>> -> memref<1x10240x64xf32, #tpu.memory_space<hbm>>
      %dma_wait3A_200 = tpu.memref_squeeze %dma_wait3A_199 : memref<1x10240x64xf32, #tpu.memory_space<hbm>> -> memref<10240x64xf32, #tpu.memory_space<hbm>>
      %dma_wait3A_201 = arith.constant 0 : i32
      %dma_wait3A_202 = arith.constant 0 : i32
      %dma_wait3A_203 = tpu.memref_slice %dma_wait3A_200[%dma_wait3A_201, %dma_wait3A_202] : memref<10240x64xf32, #tpu.memory_space<hbm>> -> memref<10240x64xf32, #tpu.memory_space<hbm>>
      tpu.wait_indirect_dma semaphore(%arg17 : memref<!tpu.dma_semaphore, #tpu.memory_space<semaphore_mem>>) src(%dma_wait3A_203 : memref<10240x64xf32, #tpu.memory_space<hbm>>) dst(%arg10 : memref<128x64xf32, #tpu.memory_space<vmem>>)
      %add3A_204 = arith.constant 2 : i32
      %add3A_205 = arith.addi %mul3A_135, %add3A_204 : i32
      "tpu.region"() ({
        %run_scoped3A_276 = tpu.sem_alloc : memref<!tpu.dma_semaphore, #tpu.memory_space<semaphore_mem>>
        %dma_start3A_277 = arith.constant 0 : i32
        %dma_start3A_278 = tpu.memref_slice %arg7[%add3A_205, %dma_start3A_277] : memref<160x128xi32, #tpu.memory_space<vmem>> -> memref<1x128xi32, #tpu.memory_space<vmem>>
        %dma_start3A_279 = tpu.memref_squeeze %dma_start3A_278 : memref<1x128xi32, #tpu.memory_space<vmem>> -> memref<128xi32, #tpu.memory_space<vmem>>
        %dma_start3A_280 = arith.constant 0 : i32
        %dma_start3A_281 = arith.constant 0 : i32
        %dma_start3A_282 = tpu.memref_slice %arg14[%dma_start3A_280, %dma_start3A_281] : memref<10240x64xf32, #tpu.memory_space<vmem_shared>> -> memref<10240x64xf32, #tpu.memory_space<vmem_shared>>
        tpu.enqueue_indirect_dma source(%arg10 : memref<128x64xf32, #tpu.memory_space<vmem>>) target(%dma_start3A_282 : memref<10240x64xf32, #tpu.memory_space<vmem_shared>>) offsets(%dma_start3A_279 : memref<128xi32, #tpu.memory_space<vmem>>) semaphore(%run_scoped3A_276 : memref<!tpu.dma_semaphore, #tpu.memory_space<semaphore_mem>>) {add = true}
        %dma_wait3A_283 = arith.constant 0 : i32
        %dma_wait3A_284 = tpu.memref_slice %arg7[%add3A_205, %dma_wait3A_283] : memref<160x128xi32, #tpu.memory_space<vmem>> -> memref<1x128xi32, #tpu.memory_space<vmem>>
        %dma_wait3A_285 = tpu.memref_squeeze %dma_wait3A_284 : memref<1x128xi32, #tpu.memory_space<vmem>> -> memref<128xi32, #tpu.memory_space<vmem>>
        %dma_wait3A_286 = arith.constant 0 : i32
        %dma_wait3A_287 = arith.constant 0 : i32
        %dma_wait3A_288 = tpu.memref_slice %arg14[%dma_wait3A_286, %dma_wait3A_287] : memref<10240x64xf32, #tpu.memory_space<vmem_shared>> -> memref<10240x64xf32, #tpu.memory_space<vmem_shared>>
        tpu.wait_indirect_dma semaphore(%run_scoped3A_276 : memref<!tpu.dma_semaphore, #tpu.memory_space<semaphore_mem>>) src(%arg10 : memref<128x64xf32, #tpu.memory_space<vmem>>) dst(%dma_wait3A_288 : memref<10240x64xf32, #tpu.memory_space<vmem_shared>>)
        tpu.yield
      }) : () -> ()
      %add3A_206 = arith.constant 2 : i32
      %add3A_207 = arith.addi %mul3A_135, %add3A_206 : i32
      %add3A_208 = arith.constant 5 : i32
      %add3A_209 = arith.addi %add3A_207, %add3A_208 : i32
      %dma_start3A_210 = arith.constant 0 : i32
      %dma_start3A_211 = tpu.memref_slice %arg6[%add3A_209, %dma_start3A_210] : memref<160x128xi32, #tpu.memory_space<vmem>> -> memref<1x128xi32, #tpu.memory_space<vmem>>
      %dma_start3A_212 = tpu.memref_squeeze %dma_start3A_211 : memref<1x128xi32, #tpu.memory_space<vmem>> -> memref<128xi32, #tpu.memory_space<vmem>>
      %dma_start3A_213 = arith.constant 0 : i32
      %dma_start3A_214 = arith.constant 0 : i32
      %dma_start3A_215 = tpu.memref_slice %arg2[%arg0, %dma_start3A_213, %dma_start3A_214] : memref<2x10240x64xf32, #tpu.memory_space<hbm>> -> memref<1x10240x64xf32, #tpu.memory_space<hbm>>
      %dma_start3A_216 = tpu.memref_squeeze %dma_start3A_215 : memref<1x10240x64xf32, #tpu.memory_space<hbm>> -> memref<10240x64xf32, #tpu.memory_space<hbm>>
      %dma_start3A_217 = arith.constant 0 : i32
      %dma_start3A_218 = arith.constant 0 : i32
      %dma_start3A_219 = tpu.memref_slice %dma_start3A_216[%dma_start3A_217, %dma_start3A_218] : memref<10240x64xf32, #tpu.memory_space<hbm>> -> memref<10240x64xf32, #tpu.memory_space<hbm>>
      tpu.enqueue_indirect_dma source(%dma_start3A_219 : memref<10240x64xf32, #tpu.memory_space<hbm>>) target(%arg10 : memref<128x64xf32, #tpu.memory_space<vmem>>) offsets(%dma_start3A_212 : memref<128xi32, #tpu.memory_space<vmem>>) semaphore(%arg17 : memref<!tpu.dma_semaphore, #tpu.memory_space<semaphore_mem>>)
      %add3A_220 = arith.constant 3 : i32
      %add3A_221 = arith.addi %mul3A_135, %add3A_220 : i32
      %dma_wait3A_222 = arith.constant 0 : i32
      %dma_wait3A_223 = tpu.memref_slice %arg6[%add3A_221, %dma_wait3A_222] : memref<160x128xi32, #tpu.memory_space<vmem>> -> memref<1x128xi32, #tpu.memory_space<vmem>>
      %dma_wait3A_224 = tpu.memref_squeeze %dma_wait3A_223 : memref<1x128xi32, #tpu.memory_space<vmem>> -> memref<128xi32, #tpu.memory_space<vmem>>
      %dma_wait3A_225 = arith.constant 0 : i32
      %dma_wait3A_226 = arith.constant 0 : i32
      %dma_wait3A_227 = tpu.memref_slice %arg2[%arg0, %dma_wait3A_225, %dma_wait3A_226] : memref<2x10240x64xf32, #tpu.memory_space<hbm>> -> memref<1x10240x64xf32, #tpu.memory_space<hbm>>
      %dma_wait3A_228 = tpu.memref_squeeze %dma_wait3A_227 : memref<1x10240x64xf32, #tpu.memory_space<hbm>> -> memref<10240x64xf32, #tpu.memory_space<hbm>>
      %dma_wait3A_229 = arith.constant 0 : i32
      %dma_wait3A_230 = arith.constant 0 : i32
      %dma_wait3A_231 = tpu.memref_slice %dma_wait3A_228[%dma_wait3A_229, %dma_wait3A_230] : memref<10240x64xf32, #tpu.memory_space<hbm>> -> memref<10240x64xf32, #tpu.memory_space<hbm>>
      tpu.wait_indirect_dma semaphore(%arg18 : memref<!tpu.dma_semaphore, #tpu.memory_space<semaphore_mem>>) src(%dma_wait3A_231 : memref<10240x64xf32, #tpu.memory_space<hbm>>) dst(%arg11 : memref<128x64xf32, #tpu.memory_space<vmem>>)
      %add3A_232 = arith.constant 3 : i32
      %add3A_233 = arith.addi %mul3A_135, %add3A_232 : i32
      "tpu.region"() ({
        %run_scoped3A_276 = tpu.sem_alloc : memref<!tpu.dma_semaphore, #tpu.memory_space<semaphore_mem>>
        %dma_start3A_277 = arith.constant 0 : i32
        %dma_start3A_278 = tpu.memref_slice %arg7[%add3A_233, %dma_start3A_277] : memref<160x128xi32, #tpu.memory_space<vmem>> -> memref<1x128xi32, #tpu.memory_space<vmem>>
        %dma_start3A_279 = tpu.memref_squeeze %dma_start3A_278 : memref<1x128xi32, #tpu.memory_space<vmem>> -> memref<128xi32, #tpu.memory_space<vmem>>
        %dma_start3A_280 = arith.constant 0 : i32
        %dma_start3A_281 = arith.constant 0 : i32
        %dma_start3A_282 = tpu.memref_slice %arg14[%dma_start3A_280, %dma_start3A_281] : memref<10240x64xf32, #tpu.memory_space<vmem_shared>> -> memref<10240x64xf32, #tpu.memory_space<vmem_shared>>
        tpu.enqueue_indirect_dma source(%arg11 : memref<128x64xf32, #tpu.memory_space<vmem>>) target(%dma_start3A_282 : memref<10240x64xf32, #tpu.memory_space<vmem_shared>>) offsets(%dma_start3A_279 : memref<128xi32, #tpu.memory_space<vmem>>) semaphore(%run_scoped3A_276 : memref<!tpu.dma_semaphore, #tpu.memory_space<semaphore_mem>>) {add = true}
        %dma_wait3A_283 = arith.constant 0 : i32
        %dma_wait3A_284 = tpu.memref_slice %arg7[%add3A_233, %dma_wait3A_283] : memref<160x128xi32, #tpu.memory_space<vmem>> -> memref<1x128xi32, #tpu.memory_space<vmem>>
        %dma_wait3A_285 = tpu.memref_squeeze %dma_wait3A_284 : memref<1x128xi32, #tpu.memory_space<vmem>> -> memref<128xi32, #tpu.memory_space<vmem>>
        %dma_wait3A_286 = arith.constant 0 : i32
        %dma_wait3A_287 = arith.constant 0 : i32
        %dma_wait3A_288 = tpu.memref_slice %arg14[%dma_wait3A_286, %dma_wait3A_287] : memref<10240x64xf32, #tpu.memory_space<vmem_shared>> -> memref<10240x64xf32, #tpu.memory_space<vmem_shared>>
        tpu.wait_indirect_dma semaphore(%run_scoped3A_276 : memref<!tpu.dma_semaphore, #tpu.memory_space<semaphore_mem>>) src(%arg11 : memref<128x64xf32, #tpu.memory_space<vmem>>) dst(%dma_wait3A_288 : memref<10240x64xf32, #tpu.memory_space<vmem_shared>>)
        tpu.yield
      }) : () -> ()
      %add3A_234 = arith.constant 3 : i32
      %add3A_235 = arith.addi %mul3A_135, %add3A_234 : i32
      %add3A_236 = arith.constant 5 : i32
      %add3A_237 = arith.addi %add3A_235, %add3A_236 : i32
      %dma_start3A_238 = arith.constant 0 : i32
      %dma_start3A_239 = tpu.memref_slice %arg6[%add3A_237, %dma_start3A_238] : memref<160x128xi32, #tpu.memory_space<vmem>> -> memref<1x128xi32, #tpu.memory_space<vmem>>
      %dma_start3A_240 = tpu.memref_squeeze %dma_start3A_239 : memref<1x128xi32, #tpu.memory_space<vmem>> -> memref<128xi32, #tpu.memory_space<vmem>>
      %dma_start3A_241 = arith.constant 0 : i32
      %dma_start3A_242 = arith.constant 0 : i32
      %dma_start3A_243 = tpu.memref_slice %arg2[%arg0, %dma_start3A_241, %dma_start3A_242] : memref<2x10240x64xf32, #tpu.memory_space<hbm>> -> memref<1x10240x64xf32, #tpu.memory_space<hbm>>
      %dma_start3A_244 = tpu.memref_squeeze %dma_start3A_243 : memref<1x10240x64xf32, #tpu.memory_space<hbm>> -> memref<10240x64xf32, #tpu.memory_space<hbm>>
      %dma_start3A_245 = arith.constant 0 : i32
      %dma_start3A_246 = arith.constant 0 : i32
      %dma_start3A_247 = tpu.memref_slice %dma_start3A_244[%dma_start3A_245, %dma_start3A_246] : memref<10240x64xf32, #tpu.memory_space<hbm>> -> memref<10240x64xf32, #tpu.memory_space<hbm>>
      tpu.enqueue_indirect_dma source(%dma_start3A_247 : memref<10240x64xf32, #tpu.memory_space<hbm>>) target(%arg11 : memref<128x64xf32, #tpu.memory_space<vmem>>) offsets(%dma_start3A_240 : memref<128xi32, #tpu.memory_space<vmem>>) semaphore(%arg18 : memref<!tpu.dma_semaphore, #tpu.memory_space<semaphore_mem>>)
      %add3A_248 = arith.constant 4 : i32
      %add3A_249 = arith.addi %mul3A_135, %add3A_248 : i32
      %dma_wait3A_250 = arith.constant 0 : i32
      %dma_wait3A_251 = tpu.memref_slice %arg6[%add3A_249, %dma_wait3A_250] : memref<160x128xi32, #tpu.memory_space<vmem>> -> memref<1x128xi32, #tpu.memory_space<vmem>>
      %dma_wait3A_252 = tpu.memref_squeeze %dma_wait3A_251 : memref<1x128xi32, #tpu.memory_space<vmem>> -> memref<128xi32, #tpu.memory_space<vmem>>
      %dma_wait3A_253 = arith.constant 0 : i32
      %dma_wait3A_254 = arith.constant 0 : i32
      %dma_wait3A_255 = tpu.memref_slice %arg2[%arg0, %dma_wait3A_253, %dma_wait3A_254] : memref<2x10240x64xf32, #tpu.memory_space<hbm>> -> memref<1x10240x64xf32, #tpu.memory_space<hbm>>
      %dma_wait3A_256 = tpu.memref_squeeze %dma_wait3A_255 : memref<1x10240x64xf32, #tpu.memory_space<hbm>> -> memref<10240x64xf32, #tpu.memory_space<hbm>>
      %dma_wait3A_257 = arith.constant 0 : i32
      %dma_wait3A_258 = arith.constant 0 : i32
      %dma_wait3A_259 = tpu.memref_slice %dma_wait3A_256[%dma_wait3A_257, %dma_wait3A_258] : memref<10240x64xf32, #tpu.memory_space<hbm>> -> memref<10240x64xf32, #tpu.memory_space<hbm>>
      tpu.wait_indirect_dma semaphore(%arg19 : memref<!tpu.dma_semaphore, #tpu.memory_space<semaphore_mem>>) src(%dma_wait3A_259 : memref<10240x64xf32, #tpu.memory_space<hbm>>) dst(%arg12 : memref<128x64xf32, #tpu.memory_space<vmem>>)
      %add3A_260 = arith.constant 4 : i32
      %add3A_261 = arith.addi %mul3A_135, %add3A_260 : i32
      "tpu.region"() ({
        %run_scoped3A_276 = tpu.sem_alloc : memref<!tpu.dma_semaphore, #tpu.memory_space<semaphore_mem>>
        %dma_start3A_277 = arith.constant 0 : i32
        %dma_start3A_278 = tpu.memref_slice %arg7[%add3A_261, %dma_start3A_277] : memref<160x128xi32, #tpu.memory_space<vmem>> -> memref<1x128xi32, #tpu.memory_space<vmem>>
        %dma_start3A_279 = tpu.memref_squeeze %dma_start3A_278 : memref<1x128xi32, #tpu.memory_space<vmem>> -> memref<128xi32, #tpu.memory_space<vmem>>
        %dma_start3A_280 = arith.constant 0 : i32
        %dma_start3A_281 = arith.constant 0 : i32
        %dma_start3A_282 = tpu.memref_slice %arg14[%dma_start3A_280, %dma_start3A_281] : memref<10240x64xf32, #tpu.memory_space<vmem_shared>> -> memref<10240x64xf32, #tpu.memory_space<vmem_shared>>
        tpu.enqueue_indirect_dma source(%arg12 : memref<128x64xf32, #tpu.memory_space<vmem>>) target(%dma_start3A_282 : memref<10240x64xf32, #tpu.memory_space<vmem_shared>>) offsets(%dma_start3A_279 : memref<128xi32, #tpu.memory_space<vmem>>) semaphore(%run_scoped3A_276 : memref<!tpu.dma_semaphore, #tpu.memory_space<semaphore_mem>>) {add = true}
        %dma_wait3A_283 = arith.constant 0 : i32
        %dma_wait3A_284 = tpu.memref_slice %arg7[%add3A_261, %dma_wait3A_283] : memref<160x128xi32, #tpu.memory_space<vmem>> -> memref<1x128xi32, #tpu.memory_space<vmem>>
        %dma_wait3A_285 = tpu.memref_squeeze %dma_wait3A_284 : memref<1x128xi32, #tpu.memory_space<vmem>> -> memref<128xi32, #tpu.memory_space<vmem>>
        %dma_wait3A_286 = arith.constant 0 : i32
        %dma_wait3A_287 = arith.constant 0 : i32
        %dma_wait3A_288 = tpu.memref_slice %arg14[%dma_wait3A_286, %dma_wait3A_287] : memref<10240x64xf32, #tpu.memory_space<vmem_shared>> -> memref<10240x64xf32, #tpu.memory_space<vmem_shared>>
        tpu.wait_indirect_dma semaphore(%run_scoped3A_276 : memref<!tpu.dma_semaphore, #tpu.memory_space<semaphore_mem>>) src(%arg12 : memref<128x64xf32, #tpu.memory_space<vmem>>) dst(%dma_wait3A_288 : memref<10240x64xf32, #tpu.memory_space<vmem_shared>>)
        tpu.yield
      }) : () -> ()
      %add3A_262 = arith.constant 4 : i32
      %add3A_263 = arith.addi %mul3A_135, %add3A_262 : i32
      %add3A_264 = arith.constant 5 : i32
      %add3A_265 = arith.addi %add3A_263, %add3A_264 : i32
      %dma_start3A_266 = arith.constant 0 : i32
      %dma_start3A_267 = tpu.memref_slice %arg6[%add3A_265, %dma_start3A_266] : memref<160x128xi32, #tpu.memory_space<vmem>> -> memref<1x128xi32, #tpu.memory_space<vmem>>
      %dma_start3A_268 = tpu.memref_squeeze %dma_start3A_267 : memref<1x128xi32, #tpu.memory_space<vmem>> -> memref<128xi32, #tpu.memory_space<vmem>>
      %dma_start3A_269 = arith.constant 0 : i32
      %dma_start3A_270 = arith.constant 0 : i32
      %dma_start3A_271 = tpu.memref_slice %arg2[%arg0, %dma_start3A_269, %dma_start3A_270] : memref<2x10240x64xf32, #tpu.memory_space<hbm>> -> memref<1x10240x64xf32, #tpu.memory_space<hbm>>
      %dma_start3A_272 = tpu.memref_squeeze %dma_start3A_271 : memref<1x10240x64xf32, #tpu.memory_space<hbm>> -> memref<10240x64xf32, #tpu.memory_space<hbm>>
      %dma_start3A_273 = arith.constant 0 : i32
      %dma_start3A_274 = arith.constant 0 : i32
      %dma_start3A_275 = tpu.memref_slice %dma_start3A_272[%dma_start3A_273, %dma_start3A_274] : memref<10240x64xf32, #tpu.memory_space<hbm>> -> memref<10240x64xf32, #tpu.memory_space<hbm>>
      tpu.enqueue_indirect_dma source(%dma_start3A_275 : memref<10240x64xf32, #tpu.memory_space<hbm>>) target(%arg12 : memref<128x64xf32, #tpu.memory_space<vmem>>) offsets(%dma_start3A_268 : memref<128xi32, #tpu.memory_space<vmem>>) semaphore(%arg19 : memref<!tpu.dma_semaphore, #tpu.memory_space<semaphore_mem>>)
    }
    %scan3A_67 = arith.constant 31 : i32
    %dma_wait3A = arith.constant 155 : i32
    %dma_wait3A_68 = arith.constant 0 : i32
    %dma_wait3A_69 = tpu.memref_slice %arg6[%dma_wait3A, %dma_wait3A_68] : memref<160x128xi32, #tpu.memory_space<vmem>> -> memref<1x128xi32, #tpu.memory_space<vmem>>
    %dma_wait3A_70 = tpu.memref_squeeze %dma_wait3A_69 : memref<1x128xi32, #tpu.memory_space<vmem>> -> memref<128xi32, #tpu.memory_space<vmem>>
    %dma_wait3A_71 = arith.constant 0 : i32
    %dma_wait3A_72 = arith.constant 0 : i32
    %dma_wait3A_73 = tpu.memref_slice %arg2[%arg0, %dma_wait3A_71, %dma_wait3A_72] : memref<2x10240x64xf32, #tpu.memory_space<hbm>> -> memref<1x10240x64xf32, #tpu.memory_space<hbm>>
    %dma_wait3A_74 = tpu.memref_squeeze %dma_wait3A_73 : memref<1x10240x64xf32, #tpu.memory_space<hbm>> -> memref<10240x64xf32, #tpu.memory_space<hbm>>
    %dma_wait3A_75 = arith.constant 0 : i32
    %dma_wait3A_76 = arith.constant 0 : i32
    %dma_wait3A_77 = tpu.memref_slice %dma_wait3A_74[%dma_wait3A_75, %dma_wait3A_76] : memref<10240x64xf32, #tpu.memory_space<hbm>> -> memref<10240x64xf32, #tpu.memory_space<hbm>>
    tpu.wait_indirect_dma semaphore(%arg15 : memref<!tpu.dma_semaphore, #tpu.memory_space<semaphore_mem>>) src(%dma_wait3A_77 : memref<10240x64xf32, #tpu.memory_space<hbm>>) dst(%arg8 : memref<128x64xf32, #tpu.memory_space<vmem>>)
    %run_scoped3A = arith.constant 155 : i32
    "tpu.region"() ({
      %run_scoped3A_130 = tpu.sem_alloc : memref<!tpu.dma_semaphore, #tpu.memory_space<semaphore_mem>>
      %dma_start3A_131 = arith.constant 0 : i32
      %dma_start3A_132 = tpu.memref_slice %arg7[%run_scoped3A, %dma_start3A_131] : memref<160x128xi32, #tpu.memory_space<vmem>> -> memref<1x128xi32, #tpu.memory_space<vmem>>
      %dma_start3A_133 = tpu.memref_squeeze %dma_start3A_132 : memref<1x128xi32, #tpu.memory_space<vmem>> -> memref<128xi32, #tpu.memory_space<vmem>>
      %dma_start3A_134 = arith.constant 0 : i32
      %dma_start3A_135 = arith.constant 0 : i32
      %dma_start3A_136 = tpu.memref_slice %arg14[%dma_start3A_134, %dma_start3A_135] : memref<10240x64xf32, #tpu.memory_space<vmem_shared>> -> memref<10240x64xf32, #tpu.memory_space<vmem_shared>>
      tpu.enqueue_indirect_dma source(%arg8 : memref<128x64xf32, #tpu.memory_space<vmem>>) target(%dma_start3A_136 : memref<10240x64xf32, #tpu.memory_space<vmem_shared>>) offsets(%dma_start3A_133 : memref<128xi32, #tpu.memory_space<vmem>>) semaphore(%run_scoped3A_130 : memref<!tpu.dma_semaphore, #tpu.memory_space<semaphore_mem>>) {add = true}
      %dma_wait3A_137 = arith.constant 0 : i32
      %dma_wait3A_138 = tpu.memref_slice %arg7[%run_scoped3A, %dma_wait3A_137] : memref<160x128xi32, #tpu.memory_space<vmem>> -> memref<1x128xi32, #tpu.memory_space<vmem>>
      %dma_wait3A_139 = tpu.memref_squeeze %dma_wait3A_138 : memref<1x128xi32, #tpu.memory_space<vmem>> -> memref<128xi32, #tpu.memory_space<vmem>>
      %dma_wait3A_140 = arith.constant 0 : i32
      %dma_wait3A_141 = arith.constant 0 : i32
      %dma_wait3A_142 = tpu.memref_slice %arg14[%dma_wait3A_140, %dma_wait3A_141] : memref<10240x64xf32, #tpu.memory_space<vmem_shared>> -> memref<10240x64xf32, #tpu.memory_space<vmem_shared>>
      tpu.wait_indirect_dma semaphore(%run_scoped3A_130 : memref<!tpu.dma_semaphore, #tpu.memory_space<semaphore_mem>>) src(%arg8 : memref<128x64xf32, #tpu.memory_space<vmem>>) dst(%dma_wait3A_142 : memref<10240x64xf32, #tpu.memory_space<vmem_shared>>)
      tpu.yield
    }) : () -> ()
    %dma_wait3A_78 = arith.constant 156 : i32
    %dma_wait3A_79 = arith.constant 0 : i32
    %dma_wait3A_80 = tpu.memref_slice %arg6[%dma_wait3A_78, %dma_wait3A_79] : memref<160x128xi32, #tpu.memory_space<vmem>> -> memref<1x128xi32, #tpu.memory_space<vmem>>
    %dma_wait3A_81 = tpu.memref_squeeze %dma_wait3A_80 : memref<1x128xi32, #tpu.memory_space<vmem>> -> memref<128xi32, #tpu.memory_space<vmem>>
    %dma_wait3A_82 = arith.constant 0 : i32
    %dma_wait3A_83 = arith.constant 0 : i32
    %dma_wait3A_84 = tpu.memref_slice %arg2[%arg0, %dma_wait3A_82, %dma_wait3A_83] : memref<2x10240x64xf32, #tpu.memory_space<hbm>> -> memref<1x10240x64xf32, #tpu.memory_space<hbm>>
    %dma_wait3A_85 = tpu.memref_squeeze %dma_wait3A_84 : memref<1x10240x64xf32, #tpu.memory_space<hbm>> -> memref<10240x64xf32, #tpu.memory_space<hbm>>
    %dma_wait3A_86 = arith.constant 0 : i32
    %dma_wait3A_87 = arith.constant 0 : i32
    %dma_wait3A_88 = tpu.memref_slice %dma_wait3A_85[%dma_wait3A_86, %dma_wait3A_87] : memref<10240x64xf32, #tpu.memory_space<hbm>> -> memref<10240x64xf32, #tpu.memory_space<hbm>>
    tpu.wait_indirect_dma semaphore(%arg16 : memref<!tpu.dma_semaphore, #tpu.memory_space<semaphore_mem>>) src(%dma_wait3A_88 : memref<10240x64xf32, #tpu.memory_space<hbm>>) dst(%arg9 : memref<128x64xf32, #tpu.memory_space<vmem>>)
    %run_scoped3A_89 = arith.constant 156 : i32
    "tpu.region"() ({
      %run_scoped3A_130 = tpu.sem_alloc : memref<!tpu.dma_semaphore, #tpu.memory_space<semaphore_mem>>
      %dma_start3A_131 = arith.constant 0 : i32
      %dma_start3A_132 = tpu.memref_slice %arg7[%run_scoped3A_89, %dma_start3A_131] : memref<160x128xi32, #tpu.memory_space<vmem>> -> memref<1x128xi32, #tpu.memory_space<vmem>>
      %dma_start3A_133 = tpu.memref_squeeze %dma_start3A_132 : memref<1x128xi32, #tpu.memory_space<vmem>> -> memref<128xi32, #tpu.memory_space<vmem>>
      %dma_start3A_134 = arith.constant 0 : i32
      %dma_start3A_135 = arith.constant 0 : i32
      %dma_start3A_136 = tpu.memref_slice %arg14[%dma_start3A_134, %dma_start3A_135] : memref<10240x64xf32, #tpu.memory_space<vmem_shared>> -> memref<10240x64xf32, #tpu.memory_space<vmem_shared>>
      tpu.enqueue_indirect_dma source(%arg9 : memref<128x64xf32, #tpu.memory_space<vmem>>) target(%dma_start3A_136 : memref<10240x64xf32, #tpu.memory_space<vmem_shared>>) offsets(%dma_start3A_133 : memref<128xi32, #tpu.memory_space<vmem>>) semaphore(%run_scoped3A_130 : memref<!tpu.dma_semaphore, #tpu.memory_space<semaphore_mem>>) {add = true}
      %dma_wait3A_137 = arith.constant 0 : i32
      %dma_wait3A_138 = tpu.memref_slice %arg7[%run_scoped3A_89, %dma_wait3A_137] : memref<160x128xi32, #tpu.memory_space<vmem>> -> memref<1x128xi32, #tpu.memory_space<vmem>>
      %dma_wait3A_139 = tpu.memref_squeeze %dma_wait3A_138 : memref<1x128xi32, #tpu.memory_space<vmem>> -> memref<128xi32, #tpu.memory_space<vmem>>
      %dma_wait3A_140 = arith.constant 0 : i32
      %dma_wait3A_141 = arith.constant 0 : i32
      %dma_wait3A_142 = tpu.memref_slice %arg14[%dma_wait3A_140, %dma_wait3A_141] : memref<10240x64xf32, #tpu.memory_space<vmem_shared>> -> memref<10240x64xf32, #tpu.memory_space<vmem_shared>>
      tpu.wait_indirect_dma semaphore(%run_scoped3A_130 : memref<!tpu.dma_semaphore, #tpu.memory_space<semaphore_mem>>) src(%arg9 : memref<128x64xf32, #tpu.memory_space<vmem>>) dst(%dma_wait3A_142 : memref<10240x64xf32, #tpu.memory_space<vmem_shared>>)
      tpu.yield
    }) : () -> ()
    %dma_wait3A_90 = arith.constant 157 : i32
    %dma_wait3A_91 = arith.constant 0 : i32
    %dma_wait3A_92 = tpu.memref_slice %arg6[%dma_wait3A_90, %dma_wait3A_91] : memref<160x128xi32, #tpu.memory_space<vmem>> -> memref<1x128xi32, #tpu.memory_space<vmem>>
    %dma_wait3A_93 = tpu.memref_squeeze %dma_wait3A_92 : memref<1x128xi32, #tpu.memory_space<vmem>> -> memref<128xi32, #tpu.memory_space<vmem>>
    %dma_wait3A_94 = arith.constant 0 : i32
    %dma_wait3A_95 = arith.constant 0 : i32
    %dma_wait3A_96 = tpu.memref_slice %arg2[%arg0, %dma_wait3A_94, %dma_wait3A_95] : memref<2x10240x64xf32, #tpu.memory_space<hbm>> -> memref<1x10240x64xf32, #tpu.memory_space<hbm>>
    %dma_wait3A_97 = tpu.memref_squeeze %dma_wait3A_96 : memref<1x10240x64xf32, #tpu.memory_space<hbm>> -> memref<10240x64xf32, #tpu.memory_space<hbm>>
    %dma_wait3A_98 = arith.constant 0 : i32
    %dma_wait3A_99 = arith.constant 0 : i32
    %dma_wait3A_100 = tpu.memref_slice %dma_wait3A_97[%dma_wait3A_98, %dma_wait3A_99] : memref<10240x64xf32, #tpu.memory_space<hbm>> -> memref<10240x64xf32, #tpu.memory_space<hbm>>
    tpu.wait_indirect_dma semaphore(%arg17 : memref<!tpu.dma_semaphore, #tpu.memory_space<semaphore_mem>>) src(%dma_wait3A_100 : memref<10240x64xf32, #tpu.memory_space<hbm>>) dst(%arg10 : memref<128x64xf32, #tpu.memory_space<vmem>>)
    %run_scoped3A_101 = arith.constant 157 : i32
    "tpu.region"() ({
      %run_scoped3A_130 = tpu.sem_alloc : memref<!tpu.dma_semaphore, #tpu.memory_space<semaphore_mem>>
      %dma_start3A_131 = arith.constant 0 : i32
      %dma_start3A_132 = tpu.memref_slice %arg7[%run_scoped3A_101, %dma_start3A_131] : memref<160x128xi32, #tpu.memory_space<vmem>> -> memref<1x128xi32, #tpu.memory_space<vmem>>
      %dma_start3A_133 = tpu.memref_squeeze %dma_start3A_132 : memref<1x128xi32, #tpu.memory_space<vmem>> -> memref<128xi32, #tpu.memory_space<vmem>>
      %dma_start3A_134 = arith.constant 0 : i32
      %dma_start3A_135 = arith.constant 0 : i32
      %dma_start3A_136 = tpu.memref_slice %arg14[%dma_start3A_134, %dma_start3A_135] : memref<10240x64xf32, #tpu.memory_space<vmem_shared>> -> memref<10240x64xf32, #tpu.memory_space<vmem_shared>>
      tpu.enqueue_indirect_dma source(%arg10 : memref<128x64xf32, #tpu.memory_space<vmem>>) target(%dma_start3A_136 : memref<10240x64xf32, #tpu.memory_space<vmem_shared>>) offsets(%dma_start3A_133 : memref<128xi32, #tpu.memory_space<vmem>>) semaphore(%run_scoped3A_130 : memref<!tpu.dma_semaphore, #tpu.memory_space<semaphore_mem>>) {add = true}
      %dma_wait3A_137 = arith.constant 0 : i32
      %dma_wait3A_138 = tpu.memref_slice %arg7[%run_scoped3A_101, %dma_wait3A_137] : memref<160x128xi32, #tpu.memory_space<vmem>> -> memref<1x128xi32, #tpu.memory_space<vmem>>
      %dma_wait3A_139 = tpu.memref_squeeze %dma_wait3A_138 : memref<1x128xi32, #tpu.memory_space<vmem>> -> memref<128xi32, #tpu.memory_space<vmem>>
      %dma_wait3A_140 = arith.constant 0 : i32
      %dma_wait3A_141 = arith.constant 0 : i32
      %dma_wait3A_142 = tpu.memref_slice %arg14[%dma_wait3A_140, %dma_wait3A_141] : memref<10240x64xf32, #tpu.memory_space<vmem_shared>> -> memref<10240x64xf32, #tpu.memory_space<vmem_shared>>
      tpu.wait_indirect_dma semaphore(%run_scoped3A_130 : memref<!tpu.dma_semaphore, #tpu.memory_space<semaphore_mem>>) src(%arg10 : memref<128x64xf32, #tpu.memory_space<vmem>>) dst(%dma_wait3A_142 : memref<10240x64xf32, #tpu.memory_space<vmem_shared>>)
      tpu.yield
    }) : () -> ()
    %dma_wait3A_102 = arith.constant 158 : i32
    %dma_wait3A_103 = arith.constant 0 : i32
    %dma_wait3A_104 = tpu.memref_slice %arg6[%dma_wait3A_102, %dma_wait3A_103] : memref<160x128xi32, #tpu.memory_space<vmem>> -> memref<1x128xi32, #tpu.memory_space<vmem>>
    %dma_wait3A_105 = tpu.memref_squeeze %dma_wait3A_104 : memref<1x128xi32, #tpu.memory_space<vmem>> -> memref<128xi32, #tpu.memory_space<vmem>>
    %dma_wait3A_106 = arith.constant 0 : i32
    %dma_wait3A_107 = arith.constant 0 : i32
    %dma_wait3A_108 = tpu.memref_slice %arg2[%arg0, %dma_wait3A_106, %dma_wait3A_107] : memref<2x10240x64xf32, #tpu.memory_space<hbm>> -> memref<1x10240x64xf32, #tpu.memory_space<hbm>>
    %dma_wait3A_109 = tpu.memref_squeeze %dma_wait3A_108 : memref<1x10240x64xf32, #tpu.memory_space<hbm>> -> memref<10240x64xf32, #tpu.memory_space<hbm>>
    %dma_wait3A_110 = arith.constant 0 : i32
    %dma_wait3A_111 = arith.constant 0 : i32
    %dma_wait3A_112 = tpu.memref_slice %dma_wait3A_109[%dma_wait3A_110, %dma_wait3A_111] : memref<10240x64xf32, #tpu.memory_space<hbm>> -> memref<10240x64xf32, #tpu.memory_space<hbm>>
    tpu.wait_indirect_dma semaphore(%arg18 : memref<!tpu.dma_semaphore, #tpu.memory_space<semaphore_mem>>) src(%dma_wait3A_112 : memref<10240x64xf32, #tpu.memory_space<hbm>>) dst(%arg11 : memref<128x64xf32, #tpu.memory_space<vmem>>)
    %run_scoped3A_113 = arith.constant 158 : i32
    "tpu.region"() ({
      %run_scoped3A_130 = tpu.sem_alloc : memref<!tpu.dma_semaphore, #tpu.memory_space<semaphore_mem>>
      %dma_start3A_131 = arith.constant 0 : i32
      %dma_start3A_132 = tpu.memref_slice %arg7[%run_scoped3A_113, %dma_start3A_131] : memref<160x128xi32, #tpu.memory_space<vmem>> -> memref<1x128xi32, #tpu.memory_space<vmem>>
      %dma_start3A_133 = tpu.memref_squeeze %dma_start3A_132 : memref<1x128xi32, #tpu.memory_space<vmem>> -> memref<128xi32, #tpu.memory_space<vmem>>
      %dma_start3A_134 = arith.constant 0 : i32
      %dma_start3A_135 = arith.constant 0 : i32
      %dma_start3A_136 = tpu.memref_slice %arg14[%dma_start3A_134, %dma_start3A_135] : memref<10240x64xf32, #tpu.memory_space<vmem_shared>> -> memref<10240x64xf32, #tpu.memory_space<vmem_shared>>
      tpu.enqueue_indirect_dma source(%arg11 : memref<128x64xf32, #tpu.memory_space<vmem>>) target(%dma_start3A_136 : memref<10240x64xf32, #tpu.memory_space<vmem_shared>>) offsets(%dma_start3A_133 : memref<128xi32, #tpu.memory_space<vmem>>) semaphore(%run_scoped3A_130 : memref<!tpu.dma_semaphore, #tpu.memory_space<semaphore_mem>>) {add = true}
      %dma_wait3A_137 = arith.constant 0 : i32
      %dma_wait3A_138 = tpu.memref_slice %arg7[%run_scoped3A_113, %dma_wait3A_137] : memref<160x128xi32, #tpu.memory_space<vmem>> -> memref<1x128xi32, #tpu.memory_space<vmem>>
      %dma_wait3A_139 = tpu.memref_squeeze %dma_wait3A_138 : memref<1x128xi32, #tpu.memory_space<vmem>> -> memref<128xi32, #tpu.memory_space<vmem>>
      %dma_wait3A_140 = arith.constant 0 : i32
      %dma_wait3A_141 = arith.constant 0 : i32
      %dma_wait3A_142 = tpu.memref_slice %arg14[%dma_wait3A_140, %dma_wait3A_141] : memref<10240x64xf32, #tpu.memory_space<vmem_shared>> -> memref<10240x64xf32, #tpu.memory_space<vmem_shared>>
      tpu.wait_indirect_dma semaphore(%run_scoped3A_130 : memref<!tpu.dma_semaphore, #tpu.memory_space<semaphore_mem>>) src(%arg11 : memref<128x64xf32, #tpu.memory_space<vmem>>) dst(%dma_wait3A_142 : memref<10240x64xf32, #tpu.memory_space<vmem_shared>>)
      tpu.yield
    }) : () -> ()
    %dma_wait3A_114 = arith.constant 159 : i32
    %dma_wait3A_115 = arith.constant 0 : i32
    %dma_wait3A_116 = tpu.memref_slice %arg6[%dma_wait3A_114, %dma_wait3A_115] : memref<160x128xi32, #tpu.memory_space<vmem>> -> memref<1x128xi32, #tpu.memory_space<vmem>>
    %dma_wait3A_117 = tpu.memref_squeeze %dma_wait3A_116 : memref<1x128xi32, #tpu.memory_space<vmem>> -> memref<128xi32, #tpu.memory_space<vmem>>
    %dma_wait3A_118 = arith.constant 0 : i32
    %dma_wait3A_119 = arith.constant 0 : i32
    %dma_wait3A_120 = tpu.memref_slice %arg2[%arg0, %dma_wait3A_118, %dma_wait3A_119] : memref<2x10240x64xf32, #tpu.memory_space<hbm>> -> memref<1x10240x64xf32, #tpu.memory_space<hbm>>
    %dma_wait3A_121 = tpu.memref_squeeze %dma_wait3A_120 : memref<1x10240x64xf32, #tpu.memory_space<hbm>> -> memref<10240x64xf32, #tpu.memory_space<hbm>>
    %dma_wait3A_122 = arith.constant 0 : i32
    %dma_wait3A_123 = arith.constant 0 : i32
    %dma_wait3A_124 = tpu.memref_slice %dma_wait3A_121[%dma_wait3A_122, %dma_wait3A_123] : memref<10240x64xf32, #tpu.memory_space<hbm>> -> memref<10240x64xf32, #tpu.memory_space<hbm>>
    tpu.wait_indirect_dma semaphore(%arg19 : memref<!tpu.dma_semaphore, #tpu.memory_space<semaphore_mem>>) src(%dma_wait3A_124 : memref<10240x64xf32, #tpu.memory_space<hbm>>) dst(%arg12 : memref<128x64xf32, #tpu.memory_space<vmem>>)
    %run_scoped3A_125 = arith.constant 159 : i32
    "tpu.region"() ({
      %run_scoped3A_130 = tpu.sem_alloc : memref<!tpu.dma_semaphore, #tpu.memory_space<semaphore_mem>>
      %dma_start3A_131 = arith.constant 0 : i32
      %dma_start3A_132 = tpu.memref_slice %arg7[%run_scoped3A_125, %dma_start3A_131] : memref<160x128xi32, #tpu.memory_space<vmem>> -> memref<1x128xi32, #tpu.memory_space<vmem>>
      %dma_start3A_133 = tpu.memref_squeeze %dma_start3A_132 : memref<1x128xi32, #tpu.memory_space<vmem>> -> memref<128xi32, #tpu.memory_space<vmem>>
      %dma_start3A_134 = arith.constant 0 : i32
      %dma_start3A_135 = arith.constant 0 : i32
      %dma_start3A_136 = tpu.memref_slice %arg14[%dma_start3A_134, %dma_start3A_135] : memref<10240x64xf32, #tpu.memory_space<vmem_shared>> -> memref<10240x64xf32, #tpu.memory_space<vmem_shared>>
      tpu.enqueue_indirect_dma source(%arg12 : memref<128x64xf32, #tpu.memory_space<vmem>>) target(%dma_start3A_136 : memref<10240x64xf32, #tpu.memory_space<vmem_shared>>) offsets(%dma_start3A_133 : memref<128xi32, #tpu.memory_space<vmem>>) semaphore(%run_scoped3A_130 : memref<!tpu.dma_semaphore, #tpu.memory_space<semaphore_mem>>) {add = true}
      %dma_wait3A_137 = arith.constant 0 : i32
      %dma_wait3A_138 = tpu.memref_slice %arg7[%run_scoped3A_125, %dma_wait3A_137] : memref<160x128xi32, #tpu.memory_space<vmem>> -> memref<1x128xi32, #tpu.memory_space<vmem>>
      %dma_wait3A_139 = tpu.memref_squeeze %dma_wait3A_138 : memref<1x128xi32, #tpu.memory_space<vmem>> -> memref<128xi32, #tpu.memory_space<vmem>>
      %dma_wait3A_140 = arith.constant 0 : i32
      %dma_wait3A_141 = arith.constant 0 : i32
      %dma_wait3A_142 = tpu.memref_slice %arg14[%dma_wait3A_140, %dma_wait3A_141] : memref<10240x64xf32, #tpu.memory_space<vmem_shared>> -> memref<10240x64xf32, #tpu.memory_space<vmem_shared>>
      tpu.wait_indirect_dma semaphore(%run_scoped3A_130 : memref<!tpu.dma_semaphore, #tpu.memory_space<semaphore_mem>>) src(%arg12 : memref<128x64xf32, #tpu.memory_space<vmem>>) dst(%dma_wait3A_142 : memref<10240x64xf32, #tpu.memory_space<vmem_shared>>)
      tpu.yield
    }) : () -> ()
    %barrier3A_126 = arith.constant 0 : index
    tpu.barrier barrier_id(%barrier3A_126)
    %mul3A = arith.constant 640 : i32
    %mul3A_127 = arith.muli %arg1, %mul3A : i32
    %mul3A_128 = arith.constant 640 : i32
    %mul3A_129 = arith.muli %arg1, %mul3A_128 : i32
    "tpu.region"() ({
      %run_scoped3A_130 = tpu.sem_alloc : memref<!tpu.dma_semaphore, #tpu.memory_space<semaphore_mem>>
      %dma_start3A_131 = arith.constant 0 : i32
      %dma_start3A_132 = arith.constant 0 : i32
      %dma_start3A_133 = tpu.memref_slice %arg5[%arg0, %dma_start3A_131, %dma_start3A_132] : memref<2x10240x64xf32, #tpu.memory_space<hbm>> -> memref<1x10240x64xf32, #tpu.memory_space<hbm>>
      %dma_start3A_134 = tpu.memref_squeeze %dma_start3A_133 : memref<1x10240x64xf32, #tpu.memory_space<hbm>> -> memref<10240x64xf32, #tpu.memory_space<hbm>>
      %dma_start3A_135 = arith.constant 0 : i32
      %dma_start3A_136 = tpu.memref_slice %dma_start3A_134[%mul3A_129, %dma_start3A_135] : memref<10240x64xf32, #tpu.memory_space<hbm>> -> memref<640x64xf32, #tpu.memory_space<hbm>>
      %dma_start3A_137 = arith.constant 0 : i32
      %dma_start3A_138 = tpu.memref_slice %arg14[%mul3A_127, %dma_start3A_137] : memref<10240x64xf32, #tpu.memory_space<vmem_shared>> -> memref<640x64xf32, #tpu.memory_space<vmem_shared>>
      tpu.enqueue_dma source(%dma_start3A_138 : memref<640x64xf32, #tpu.memory_space<vmem_shared>>) target(%dma_start3A_136 : memref<640x64xf32, #tpu.memory_space<hbm>>) target_semaphore(%run_scoped3A_130 : memref<!tpu.dma_semaphore, #tpu.memory_space<semaphore_mem>>)
      %dma_wait3A_139 = arith.constant 0 : i32
      %dma_wait3A_140 = arith.constant 0 : i32
      %dma_wait3A_141 = tpu.memref_slice %arg5[%arg0, %dma_wait3A_139, %dma_wait3A_140] : memref<2x10240x64xf32, #tpu.memory_space<hbm>> -> memref<1x10240x64xf32, #tpu.memory_space<hbm>>
      %dma_wait3A_142 = tpu.memref_squeeze %dma_wait3A_141 : memref<1x10240x64xf32, #tpu.memory_space<hbm>> -> memref<10240x64xf32, #tpu.memory_space<hbm>>
      %dma_wait3A_143 = arith.constant 0 : i32
      %dma_wait3A_144 = tpu.memref_slice %dma_wait3A_142[%mul3A_129, %dma_wait3A_143] : memref<10240x64xf32, #tpu.memory_space<hbm>> -> memref<640x64xf32, #tpu.memory_space<hbm>>
      %dma_wait3A_145 = arith.constant 0 : i32
      %dma_wait3A_146 = tpu.memref_slice %arg14[%mul3A_127, %dma_wait3A_145] : memref<10240x64xf32, #tpu.memory_space<vmem_shared>> -> memref<640x64xf32, #tpu.memory_space<vmem_shared>>
      tpu.wait_dma2 semaphore(%run_scoped3A_130 : memref<!tpu.dma_semaphore, #tpu.memory_space<semaphore_mem>>) src(%dma_wait3A_146 : memref<640x64xf32, #tpu.memory_space<vmem_shared>>) dst(%dma_wait3A_144 : memref<640x64xf32, #tpu.memory_space<hbm>>)
      tpu.yield
    }) : () -> ()
    return
  }
}

#map = affine_map<(d0, d1) -> (0, 0, 0)>
module attributes {stable_mosaic.version = 14 : i64} {
  func.func @_agg_kernel(%arg0: i32, %arg1: i32, %arg2: memref<2x10240x64xf32, #tpu.memory_space<hbm>>, %arg3: memref<16x160x128xi32, #tpu.memory_space<hbm>>, %arg4: memref<16x160x128xi32, #tpu.memory_space<hbm>>, %arg5: memref<2x10240x64xf32, #tpu.memory_space<hbm>>, %arg6: memref<160x128xi32, #tpu.memory_space<vmem>>, %arg7: memref<160x128xi32, #tpu.memory_space<vmem>>, %arg8: memref<128x64xf32, #tpu.memory_space<vmem>>, %arg9: memref<128x64xf32, #tpu.memory_space<vmem>>, %arg10: memref<128x64xf32, #tpu.memory_space<vmem>>, %arg11: memref<128x64xf32, #tpu.memory_space<vmem>>, %arg12: memref<128x64xf32, #tpu.memory_space<vmem>>, %arg13: memref<64x64xf32, #tpu.memory_space<vmem>>, %arg14: memref<10240x64xf32, #tpu.memory_space<vmem_shared>>, %arg15: memref<!tpu.dma_semaphore, #tpu.memory_space<semaphore_mem>>, %arg16: memref<!tpu.dma_semaphore, #tpu.memory_space<semaphore_mem>>, %arg17: memref<!tpu.dma_semaphore, #tpu.memory_space<semaphore_mem>>, %arg18: memref<!tpu.dma_semaphore, #tpu.memory_space<semaphore_mem>>, %arg19: memref<!tpu.dma_semaphore, #tpu.memory_space<semaphore_mem>>) attributes {dimension_semantics = [#tpu.dimension_semantics<core_parallel>, #tpu.dimension_semantics<subcore_parallel>], iteration_bounds = array<i64: 2, 16>, scalar_prefetch = 0 : i64, scratch_operands = 14 : i64, tpu.core_type = #tpu.core_type<sc_vector_subcore>, window_params = [{transform_indices = #map}, {transform_indices = #map}, {transform_indices = #map}, {transform_indices = #map}]} {
    "tpu.region"() ({
      %run_scoped3A_130 = tpu.sem_alloc : memref<!tpu.dma_semaphore, #tpu.memory_space<semaphore_mem>>
      %dma_start3A_131 = arith.constant 0 : i32
      %dma_start3A_132 = arith.constant 0 : i32
      %dma_start3A_133 = tpu.memref_slice %arg3[%arg1, %dma_start3A_131, %dma_start3A_132] : memref<16x160x128xi32, #tpu.memory_space<hbm>> -> memref<1x160x128xi32, #tpu.memory_space<hbm>>
      %dma_start3A_134 = tpu.memref_squeeze %dma_start3A_133 : memref<1x160x128xi32, #tpu.memory_space<hbm>> -> memref<160x128xi32, #tpu.memory_space<hbm>>
      %dma_start3A_135 = arith.constant 0 : i32
      %dma_start3A_136 = arith.constant 0 : i32
      %dma_start3A_137 = tpu.memref_slice %arg3[%arg1, %dma_start3A_135, %dma_start3A_136] : memref<16x160x128xi32, #tpu.memory_space<hbm>> -> memref<1x160x128xi32, #tpu.memory_space<hbm>>
      %dma_start3A_138 = tpu.memref_squeeze %dma_start3A_137 : memref<1x160x128xi32, #tpu.memory_space<hbm>> -> memref<160x128xi32, #tpu.memory_space<hbm>>
      tpu.enqueue_dma source(%dma_start3A_138 : memref<160x128xi32, #tpu.memory_space<hbm>>) target(%arg6 : memref<160x128xi32, #tpu.memory_space<vmem>>) target_semaphore(%run_scoped3A_130 : memref<!tpu.dma_semaphore, #tpu.memory_space<semaphore_mem>>)
      %dma_wait3A_139 = arith.constant 0 : i32
      %dma_wait3A_140 = arith.constant 0 : i32
      %dma_wait3A_141 = tpu.memref_slice %arg3[%arg1, %dma_wait3A_139, %dma_wait3A_140] : memref<16x160x128xi32, #tpu.memory_space<hbm>> -> memref<1x160x128xi32, #tpu.memory_space<hbm>>
      %dma_wait3A_142 = tpu.memref_squeeze %dma_wait3A_141 : memref<1x160x128xi32, #tpu.memory_space<hbm>> -> memref<160x128xi32, #tpu.memory_space<hbm>>
      %dma_wait3A_143 = arith.constant 0 : i32
      %dma_wait3A_144 = arith.constant 0 : i32
      %dma_wait3A_145 = tpu.memref_slice %arg3[%arg1, %dma_wait3A_143, %dma_wait3A_144] : memref<16x160x128xi32, #tpu.memory_space<hbm>> -> memref<1x160x128xi32, #tpu.memory_space<hbm>>
      %dma_wait3A_146 = tpu.memref_squeeze %dma_wait3A_145 : memref<1x160x128xi32, #tpu.memory_space<hbm>> -> memref<160x128xi32, #tpu.memory_space<hbm>>
      tpu.wait_dma2 semaphore(%run_scoped3A_130 : memref<!tpu.dma_semaphore, #tpu.memory_space<semaphore_mem>>) src(%dma_wait3A_146 : memref<160x128xi32, #tpu.memory_space<hbm>>) dst(%arg6 : memref<160x128xi32, #tpu.memory_space<vmem>>)
      tpu.yield
    }) : () -> ()
    "tpu.region"() ({
      %run_scoped3A_130 = tpu.sem_alloc : memref<!tpu.dma_semaphore, #tpu.memory_space<semaphore_mem>>
      %dma_start3A_131 = arith.constant 0 : i32
      %dma_start3A_132 = arith.constant 0 : i32
      %dma_start3A_133 = tpu.memref_slice %arg4[%arg1, %dma_start3A_131, %dma_start3A_132] : memref<16x160x128xi32, #tpu.memory_space<hbm>> -> memref<1x160x128xi32, #tpu.memory_space<hbm>>
      %dma_start3A_134 = tpu.memref_squeeze %dma_start3A_133 : memref<1x160x128xi32, #tpu.memory_space<hbm>> -> memref<160x128xi32, #tpu.memory_space<hbm>>
      %dma_start3A_135 = arith.constant 0 : i32
      %dma_start3A_136 = arith.constant 0 : i32
      %dma_start3A_137 = tpu.memref_slice %arg4[%arg1, %dma_start3A_135, %dma_start3A_136] : memref<16x160x128xi32, #tpu.memory_space<hbm>> -> memref<1x160x128xi32, #tpu.memory_space<hbm>>
      %dma_start3A_138 = tpu.memref_squeeze %dma_start3A_137 : memref<1x160x128xi32, #tpu.memory_space<hbm>> -> memref<160x128xi32, #tpu.memory_space<hbm>>
      tpu.enqueue_dma source(%dma_start3A_138 : memref<160x128xi32, #tpu.memory_space<hbm>>) target(%arg7 : memref<160x128xi32, #tpu.memory_space<vmem>>) target_semaphore(%run_scoped3A_130 : memref<!tpu.dma_semaphore, #tpu.memory_space<semaphore_mem>>)
      %dma_wait3A_139 = arith.constant 0 : i32
      %dma_wait3A_140 = arith.constant 0 : i32
      %dma_wait3A_141 = tpu.memref_slice %arg4[%arg1, %dma_wait3A_139, %dma_wait3A_140] : memref<16x160x128xi32, #tpu.memory_space<hbm>> -> memref<1x160x128xi32, #tpu.memory_space<hbm>>
      %dma_wait3A_142 = tpu.memref_squeeze %dma_wait3A_141 : memref<1x160x128xi32, #tpu.memory_space<hbm>> -> memref<160x128xi32, #tpu.memory_space<hbm>>
      %dma_wait3A_143 = arith.constant 0 : i32
      %dma_wait3A_144 = arith.constant 0 : i32
      %dma_wait3A_145 = tpu.memref_slice %arg4[%arg1, %dma_wait3A_143, %dma_wait3A_144] : memref<16x160x128xi32, #tpu.memory_space<hbm>> -> memref<1x160x128xi32, #tpu.memory_space<hbm>>
      %dma_wait3A_146 = tpu.memref_squeeze %dma_wait3A_145 : memref<1x160x128xi32, #tpu.memory_space<hbm>> -> memref<160x128xi32, #tpu.memory_space<hbm>>
      tpu.wait_dma2 semaphore(%run_scoped3A_130 : memref<!tpu.dma_semaphore, #tpu.memory_space<semaphore_mem>>) src(%dma_wait3A_146 : memref<160x128xi32, #tpu.memory_space<hbm>>) dst(%arg7 : memref<160x128xi32, #tpu.memory_space<vmem>>)
      tpu.yield
    }) : () -> ()
    %scan3A = arith.constant 0 : i32
    %scan3A_0 = arith.constant 64 : i32
    %scan3A_1 = arith.addi %scan3A, %scan3A_0 : i32
    %scan3A_2 = arith.constant 1 : i32
    scf.for %scan3A_130 = %scan3A to %scan3A_1 step %scan3A_2  : i32 {
      %mul3A_131 = arith.constant 1 : i32
      %mul3A_132 = arith.muli %scan3A_130, %mul3A_131 : i32
      %add3A = arith.constant 0 : i32
      %add3A_133 = arith.addi %add3A, %mul3A_132 : i32
      %scan3A_134 = arith.constant 0 : i32
      %scan3A_135 = arith.constant 4 : i32
      %scan3A_136 = arith.addi %scan3A_134, %scan3A_135 : i32
      %scan3A_137 = arith.constant 1 : i32
      scf.for %scan3A_139 = %scan3A_134 to %scan3A_136 step %scan3A_137  : i32 {
        %mul3A_140 = arith.constant 16 : i32
        %mul3A_141 = arith.muli %scan3A_139, %mul3A_140 : i32
        %add3A_142 = arith.constant 0 : i32
        %add3A_143 = arith.addi %add3A_142, %mul3A_141 : i32
        %broadcast_in_dim3A = arith.constant 0.000000e+00 : f32
        %broadcast_in_dim3A_144 = vector.broadcast %broadcast_in_dim3A : f32 to vector<16xf32>
        %swap3A = arith.index_cast %add3A_133 : i32 to index
        %swap3A_145 = arith.index_cast %add3A_143 : i32 to index
        %swap3A_146 = tpu.vector_load %arg13[%swap3A, %swap3A_145] {strides = array<i32>} : memref<64x64xf32, #tpu.memory_space<vmem>>, vector<1x16xf32>,
        %swap3A_147 = vector.shape_cast %swap3A_146 : vector<1x16xf32> to vector<16xf32>
        %swap3A_148 = vector.shape_cast %broadcast_in_dim3A_144 : vector<16xf32> to vector<1x16xf32>
        tpu.vector_store %arg13[%swap3A, %swap3A_145], %swap3A_148 {strides = array<i32>} : memref<64x64xf32, #tpu.memory_space<vmem>>, vector<1x16xf32>,
      }
      %scan3A_138 = arith.constant 4 : i32
    }
    %scan3A_3 = arith.constant 64 : i32
    %scan3A_4 = arith.constant 0 : i32
    %scan3A_5 = arith.constant 10 : i32
    %scan3A_6 = arith.addi %scan3A_4, %scan3A_5 : i32
    %scan3A_7 = arith.constant 1 : i32
    scf.for %scan3A_130 = %scan3A_4 to %scan3A_6 step %scan3A_7  : i32 {
      %mul3A_131 = arith.constant 1 : i32
      %mul3A_132 = arith.muli %scan3A_130, %mul3A_131 : i32
      %add3A = arith.constant 0 : i32
      %add3A_133 = arith.addi %add3A, %mul3A_132 : i32
      %mul3A_134 = arith.constant 640 : i32
      %mul3A_135 = arith.muli %arg1, %mul3A_134 : i32
      %mul3A_136 = arith.constant 64 : i32
      %mul3A_137 = arith.muli %add3A_133, %mul3A_136 : i32
      %add3A_138 = arith.addi %mul3A_135, %mul3A_137 : i32
      "tpu.region"() ({
        %run_scoped3A_139 = tpu.sem_alloc : memref<!tpu.dma_semaphore, #tpu.memory_space<semaphore_mem>>
        %dma_start3A_140 = arith.constant 0 : i32
        %dma_start3A_141 = tpu.memref_slice %arg14[%add3A_138, %dma_start3A_140] : memref<10240x64xf32, #tpu.memory_space<vmem_shared>> -> memref<64x64xf32, #tpu.memory_space<vmem_shared>>
        %dma_start3A_142 = arith.constant 0 : i32
        %dma_start3A_143 = tpu.memref_slice %arg14[%add3A_138, %dma_start3A_142] : memref<10240x64xf32, #tpu.memory_space<vmem_shared>> -> memref<64x64xf32, #tpu.memory_space<vmem_shared>>
        tpu.enqueue_dma source(%arg13 : memref<64x64xf32, #tpu.memory_space<vmem>>) target(%dma_start3A_143 : memref<64x64xf32, #tpu.memory_space<vmem_shared>>) target_semaphore(%run_scoped3A_139 : memref<!tpu.dma_semaphore, #tpu.memory_space<semaphore_mem>>)
        %dma_wait3A_144 = arith.constant 0 : i32
        %dma_wait3A_145 = tpu.memref_slice %arg14[%add3A_138, %dma_wait3A_144] : memref<10240x64xf32, #tpu.memory_space<vmem_shared>> -> memref<64x64xf32, #tpu.memory_space<vmem_shared>>
        %dma_wait3A_146 = arith.constant 0 : i32
        %dma_wait3A_147 = tpu.memref_slice %arg14[%add3A_138, %dma_wait3A_146] : memref<10240x64xf32, #tpu.memory_space<vmem_shared>> -> memref<64x64xf32, #tpu.memory_space<vmem_shared>>
        tpu.wait_dma2 semaphore(%run_scoped3A_139 : memref<!tpu.dma_semaphore, #tpu.memory_space<semaphore_mem>>) src(%arg13 : memref<64x64xf32, #tpu.memory_space<vmem>>) dst(%dma_wait3A_147 : memref<64x64xf32, #tpu.memory_space<vmem_shared>>)
        tpu.yield
      }) : () -> ()
    }
    %scan3A_8 = arith.constant 10 : i32
    %barrier3A = arith.constant 0 : index
    tpu.barrier barrier_id(%barrier3A)
    %dma_start3A = arith.constant 0 : i32
    %dma_start3A_9 = arith.constant 0 : i32
    %dma_start3A_10 = tpu.memref_slice %arg6[%dma_start3A, %dma_start3A_9] : memref<160x128xi32, #tpu.memory_space<vmem>> -> memref<1x128xi32, #tpu.memory_space<vmem>>
    %dma_start3A_11 = tpu.memref_squeeze %dma_start3A_10 : memref<1x128xi32, #tpu.memory_space<vmem>> -> memref<128xi32, #tpu.memory_space<vmem>>
    %dma_start3A_12 = arith.constant 0 : i32
    %dma_start3A_13 = arith.constant 0 : i32
    %dma_start3A_14 = tpu.memref_slice %arg2[%arg0, %dma_start3A_12, %dma_start3A_13] : memref<2x10240x64xf32, #tpu.memory_space<hbm>> -> memref<1x10240x64xf32, #tpu.memory_space<hbm>>
    %dma_start3A_15 = tpu.memref_squeeze %dma_start3A_14 : memref<1x10240x64xf32, #tpu.memory_space<hbm>> -> memref<10240x64xf32, #tpu.memory_space<hbm>>
    %dma_start3A_16 = arith.constant 0 : i32
    %dma_start3A_17 = arith.constant 0 : i32
    %dma_start3A_18 = tpu.memref_slice %dma_start3A_15[%dma_start3A_16, %dma_start3A_17] : memref<10240x64xf32, #tpu.memory_space<hbm>> -> memref<10240x64xf32, #tpu.memory_space<hbm>>
    tpu.enqueue_indirect_dma source(%dma_start3A_18 : memref<10240x64xf32, #tpu.memory_space<hbm>>) target(%arg8 : memref<128x64xf32, #tpu.memory_space<vmem>>) offsets(%dma_start3A_11 : memref<128xi32, #tpu.memory_space<vmem>>) semaphore(%arg15 : memref<!tpu.dma_semaphore, #tpu.memory_space<semaphore_mem>>)
    %dma_start3A_19 = arith.constant 1 : i32
    %dma_start3A_20 = arith.constant 0 : i32
    %dma_start3A_21 = tpu.memref_slice %arg6[%dma_start3A_19, %dma_start3A_20] : memref<160x128xi32, #tpu.memory_space<vmem>> -> memref<1x128xi32, #tpu.memory_space<vmem>>
    %dma_start3A_22 = tpu.memref_squeeze %dma_start3A_21 : memref<1x128xi32, #tpu.memory_space<vmem>> -> memref<128xi32, #tpu.memory_space<vmem>>
    %dma_start3A_23 = arith.constant 0 : i32
    %dma_start3A_24 = arith.constant 0 : i32
    %dma_start3A_25 = tpu.memref_slice %arg2[%arg0, %dma_start3A_23, %dma_start3A_24] : memref<2x10240x64xf32, #tpu.memory_space<hbm>> -> memref<1x10240x64xf32, #tpu.memory_space<hbm>>
    %dma_start3A_26 = tpu.memref_squeeze %dma_start3A_25 : memref<1x10240x64xf32, #tpu.memory_space<hbm>> -> memref<10240x64xf32, #tpu.memory_space<hbm>>
    %dma_start3A_27 = arith.constant 0 : i32
    %dma_start3A_28 = arith.constant 0 : i32
    %dma_start3A_29 = tpu.memref_slice %dma_start3A_26[%dma_start3A_27, %dma_start3A_28] : memref<10240x64xf32, #tpu.memory_space<hbm>> -> memref<10240x64xf32, #tpu.memory_space<hbm>>
    tpu.enqueue_indirect_dma source(%dma_start3A_29 : memref<10240x64xf32, #tpu.memory_space<hbm>>) target(%arg9 : memref<128x64xf32, #tpu.memory_space<vmem>>) offsets(%dma_start3A_22 : memref<128xi32, #tpu.memory_space<vmem>>) semaphore(%arg16 : memref<!tpu.dma_semaphore, #tpu.memory_space<semaphore_mem>>)
    %dma_start3A_30 = arith.constant 2 : i32
    %dma_start3A_31 = arith.constant 0 : i32
    %dma_start3A_32 = tpu.memref_slice %arg6[%dma_start3A_30, %dma_start3A_31] : memref<160x128xi32, #tpu.memory_space<vmem>> -> memref<1x128xi32, #tpu.memory_space<vmem>>
    %dma_start3A_33 = tpu.memref_squeeze %dma_start3A_32 : memref<1x128xi32, #tpu.memory_space<vmem>> -> memref<128xi32, #tpu.memory_space<vmem>>
    %dma_start3A_34 = arith.constant 0 : i32
    %dma_start3A_35 = arith.constant 0 : i32
    %dma_start3A_36 = tpu.memref_slice %arg2[%arg0, %dma_start3A_34, %dma_start3A_35] : memref<2x10240x64xf32, #tpu.memory_space<hbm>> -> memref<1x10240x64xf32, #tpu.memory_space<hbm>>
    %dma_start3A_37 = tpu.memref_squeeze %dma_start3A_36 : memref<1x10240x64xf32, #tpu.memory_space<hbm>> -> memref<10240x64xf32, #tpu.memory_space<hbm>>
    %dma_start3A_38 = arith.constant 0 : i32
    %dma_start3A_39 = arith.constant 0 : i32
    %dma_start3A_40 = tpu.memref_slice %dma_start3A_37[%dma_start3A_38, %dma_start3A_39] : memref<10240x64xf32, #tpu.memory_space<hbm>> -> memref<10240x64xf32, #tpu.memory_space<hbm>>
    tpu.enqueue_indirect_dma source(%dma_start3A_40 : memref<10240x64xf32, #tpu.memory_space<hbm>>) target(%arg10 : memref<128x64xf32, #tpu.memory_space<vmem>>) offsets(%dma_start3A_33 : memref<128xi32, #tpu.memory_space<vmem>>) semaphore(%arg17 : memref<!tpu.dma_semaphore, #tpu.memory_space<semaphore_mem>>)
    %dma_start3A_41 = arith.constant 3 : i32
    %dma_start3A_42 = arith.constant 0 : i32
    %dma_start3A_43 = tpu.memref_slice %arg6[%dma_start3A_41, %dma_start3A_42] : memref<160x128xi32, #tpu.memory_space<vmem>> -> memref<1x128xi32, #tpu.memory_space<vmem>>
    %dma_start3A_44 = tpu.memref_squeeze %dma_start3A_43 : memref<1x128xi32, #tpu.memory_space<vmem>> -> memref<128xi32, #tpu.memory_space<vmem>>
    %dma_start3A_45 = arith.constant 0 : i32
    %dma_start3A_46 = arith.constant 0 : i32
    %dma_start3A_47 = tpu.memref_slice %arg2[%arg0, %dma_start3A_45, %dma_start3A_46] : memref<2x10240x64xf32, #tpu.memory_space<hbm>> -> memref<1x10240x64xf32, #tpu.memory_space<hbm>>
    %dma_start3A_48 = tpu.memref_squeeze %dma_start3A_47 : memref<1x10240x64xf32, #tpu.memory_space<hbm>> -> memref<10240x64xf32, #tpu.memory_space<hbm>>
    %dma_start3A_49 = arith.constant 0 : i32
    %dma_start3A_50 = arith.constant 0 : i32
    %dma_start3A_51 = tpu.memref_slice %dma_start3A_48[%dma_start3A_49, %dma_start3A_50] : memref<10240x64xf32, #tpu.memory_space<hbm>> -> memref<10240x64xf32, #tpu.memory_space<hbm>>
    tpu.enqueue_indirect_dma source(%dma_start3A_51 : memref<10240x64xf32, #tpu.memory_space<hbm>>) target(%arg11 : memref<128x64xf32, #tpu.memory_space<vmem>>) offsets(%dma_start3A_44 : memref<128xi32, #tpu.memory_space<vmem>>) semaphore(%arg18 : memref<!tpu.dma_semaphore, #tpu.memory_space<semaphore_mem>>)
    %dma_start3A_52 = arith.constant 4 : i32
    %dma_start3A_53 = arith.constant 0 : i32
    %dma_start3A_54 = tpu.memref_slice %arg6[%dma_start3A_52, %dma_start3A_53] : memref<160x128xi32, #tpu.memory_space<vmem>> -> memref<1x128xi32, #tpu.memory_space<vmem>>
    %dma_start3A_55 = tpu.memref_squeeze %dma_start3A_54 : memref<1x128xi32, #tpu.memory_space<vmem>> -> memref<128xi32, #tpu.memory_space<vmem>>
    %dma_start3A_56 = arith.constant 0 : i32
    %dma_start3A_57 = arith.constant 0 : i32
    %dma_start3A_58 = tpu.memref_slice %arg2[%arg0, %dma_start3A_56, %dma_start3A_57] : memref<2x10240x64xf32, #tpu.memory_space<hbm>> -> memref<1x10240x64xf32, #tpu.memory_space<hbm>>
    %dma_start3A_59 = tpu.memref_squeeze %dma_start3A_58 : memref<1x10240x64xf32, #tpu.memory_space<hbm>> -> memref<10240x64xf32, #tpu.memory_space<hbm>>
    %dma_start3A_60 = arith.constant 0 : i32
    %dma_start3A_61 = arith.constant 0 : i32
    %dma_start3A_62 = tpu.memref_slice %dma_start3A_59[%dma_start3A_60, %dma_start3A_61] : memref<10240x64xf32, #tpu.memory_space<hbm>> -> memref<10240x64xf32, #tpu.memory_space<hbm>>
    tpu.enqueue_indirect_dma source(%dma_start3A_62 : memref<10240x64xf32, #tpu.memory_space<hbm>>) target(%arg12 : memref<128x64xf32, #tpu.memory_space<vmem>>) offsets(%dma_start3A_55 : memref<128xi32, #tpu.memory_space<vmem>>) semaphore(%arg19 : memref<!tpu.dma_semaphore, #tpu.memory_space<semaphore_mem>>)
    %scan3A_63 = arith.constant 0 : i32
    %scan3A_64 = arith.constant 31 : i32
    %scan3A_65 = arith.addi %scan3A_63, %scan3A_64 : i32
    %scan3A_66 = arith.constant 1 : i32
    scf.for %scan3A_130 = %scan3A_63 to %scan3A_65 step %scan3A_66  : i32 {
      %mul3A_131 = arith.constant 1 : i32
      %mul3A_132 = arith.muli %scan3A_130, %mul3A_131 : i32
      %add3A = arith.constant 0 : i32
      %add3A_133 = arith.addi %add3A, %mul3A_132 : i32
      %mul3A_134 = arith.constant 5 : i32
      %mul3A_135 = arith.muli %add3A_133, %mul3A_134 : i32
      %add3A_136 = arith.constant 0 : i32
      %add3A_137 = arith.addi %mul3A_135, %add3A_136 : i32
      %dma_wait3A_138 = arith.constant 0 : i32
      %dma_wait3A_139 = tpu.memref_slice %arg6[%add3A_137, %dma_wait3A_138] : memref<160x128xi32, #tpu.memory_space<vmem>> -> memref<1x128xi32, #tpu.memory_space<vmem>>
      %dma_wait3A_140 = tpu.memref_squeeze %dma_wait3A_139 : memref<1x128xi32, #tpu.memory_space<vmem>> -> memref<128xi32, #tpu.memory_space<vmem>>
      %dma_wait3A_141 = arith.constant 0 : i32
      %dma_wait3A_142 = arith.constant 0 : i32
      %dma_wait3A_143 = tpu.memref_slice %arg2[%arg0, %dma_wait3A_141, %dma_wait3A_142] : memref<2x10240x64xf32, #tpu.memory_space<hbm>> -> memref<1x10240x64xf32, #tpu.memory_space<hbm>>
      %dma_wait3A_144 = tpu.memref_squeeze %dma_wait3A_143 : memref<1x10240x64xf32, #tpu.memory_space<hbm>> -> memref<10240x64xf32, #tpu.memory_space<hbm>>
      %dma_wait3A_145 = arith.constant 0 : i32
      %dma_wait3A_146 = arith.constant 0 : i32
      %dma_wait3A_147 = tpu.memref_slice %dma_wait3A_144[%dma_wait3A_145, %dma_wait3A_146] : memref<10240x64xf32, #tpu.memory_space<hbm>> -> memref<10240x64xf32, #tpu.memory_space<hbm>>
      tpu.wait_indirect_dma semaphore(%arg15 : memref<!tpu.dma_semaphore, #tpu.memory_space<semaphore_mem>>) src(%dma_wait3A_147 : memref<10240x64xf32, #tpu.memory_space<hbm>>) dst(%arg8 : memref<128x64xf32, #tpu.memory_space<vmem>>)
      %add3A_148 = arith.constant 0 : i32
      %add3A_149 = arith.addi %mul3A_135, %add3A_148 : i32
      "tpu.region"() ({
        %run_scoped3A_276 = tpu.sem_alloc : memref<!tpu.dma_semaphore, #tpu.memory_space<semaphore_mem>>
        %dma_start3A_277 = arith.constant 0 : i32
        %dma_start3A_278 = tpu.memref_slice %arg7[%add3A_149, %dma_start3A_277] : memref<160x128xi32, #tpu.memory_space<vmem>> -> memref<1x128xi32, #tpu.memory_space<vmem>>
        %dma_start3A_279 = tpu.memref_squeeze %dma_start3A_278 : memref<1x128xi32, #tpu.memory_space<vmem>> -> memref<128xi32, #tpu.memory_space<vmem>>
        %dma_start3A_280 = arith.constant 0 : i32
        %dma_start3A_281 = arith.constant 0 : i32
        %dma_start3A_282 = tpu.memref_slice %arg14[%dma_start3A_280, %dma_start3A_281] : memref<10240x64xf32, #tpu.memory_space<vmem_shared>> -> memref<10240x64xf32, #tpu.memory_space<vmem_shared>>
        tpu.enqueue_indirect_dma source(%arg8 : memref<128x64xf32, #tpu.memory_space<vmem>>) target(%dma_start3A_282 : memref<10240x64xf32, #tpu.memory_space<vmem_shared>>) offsets(%dma_start3A_279 : memref<128xi32, #tpu.memory_space<vmem>>) semaphore(%run_scoped3A_276 : memref<!tpu.dma_semaphore, #tpu.memory_space<semaphore_mem>>) {add = true}
        %dma_wait3A_283 = arith.constant 0 : i32
        %dma_wait3A_284 = tpu.memref_slice %arg7[%add3A_149, %dma_wait3A_283] : memref<160x128xi32, #tpu.memory_space<vmem>> -> memref<1x128xi32, #tpu.memory_space<vmem>>
        %dma_wait3A_285 = tpu.memref_squeeze %dma_wait3A_284 : memref<1x128xi32, #tpu.memory_space<vmem>> -> memref<128xi32, #tpu.memory_space<vmem>>
        %dma_wait3A_286 = arith.constant 0 : i32
        %dma_wait3A_287 = arith.constant 0 : i32
        %dma_wait3A_288 = tpu.memref_slice %arg14[%dma_wait3A_286, %dma_wait3A_287] : memref<10240x64xf32, #tpu.memory_space<vmem_shared>> -> memref<10240x64xf32, #tpu.memory_space<vmem_shared>>
        tpu.wait_indirect_dma semaphore(%run_scoped3A_276 : memref<!tpu.dma_semaphore, #tpu.memory_space<semaphore_mem>>) src(%arg8 : memref<128x64xf32, #tpu.memory_space<vmem>>) dst(%dma_wait3A_288 : memref<10240x64xf32, #tpu.memory_space<vmem_shared>>)
        tpu.yield
      }) : () -> ()
      %add3A_150 = arith.constant 0 : i32
      %add3A_151 = arith.addi %mul3A_135, %add3A_150 : i32
      %add3A_152 = arith.constant 5 : i32
      %add3A_153 = arith.addi %add3A_151, %add3A_152 : i32
      %dma_start3A_154 = arith.constant 0 : i32
      %dma_start3A_155 = tpu.memref_slice %arg6[%add3A_153, %dma_start3A_154] : memref<160x128xi32, #tpu.memory_space<vmem>> -> memref<1x128xi32, #tpu.memory_space<vmem>>
      %dma_start3A_156 = tpu.memref_squeeze %dma_start3A_155 : memref<1x128xi32, #tpu.memory_space<vmem>> -> memref<128xi32, #tpu.memory_space<vmem>>
      %dma_start3A_157 = arith.constant 0 : i32
      %dma_start3A_158 = arith.constant 0 : i32
      %dma_start3A_159 = tpu.memref_slice %arg2[%arg0, %dma_start3A_157, %dma_start3A_158] : memref<2x10240x64xf32, #tpu.memory_space<hbm>> -> memref<1x10240x64xf32, #tpu.memory_space<hbm>>
      %dma_start3A_160 = tpu.memref_squeeze %dma_start3A_159 : memref<1x10240x64xf32, #tpu.memory_space<hbm>> -> memref<10240x64xf32, #tpu.memory_space<hbm>>
      %dma_start3A_161 = arith.constant 0 : i32
      %dma_start3A_162 = arith.constant 0 : i32
      %dma_start3A_163 = tpu.memref_slice %dma_start3A_160[%dma_start3A_161, %dma_start3A_162] : memref<10240x64xf32, #tpu.memory_space<hbm>> -> memref<10240x64xf32, #tpu.memory_space<hbm>>
      tpu.enqueue_indirect_dma source(%dma_start3A_163 : memref<10240x64xf32, #tpu.memory_space<hbm>>) target(%arg8 : memref<128x64xf32, #tpu.memory_space<vmem>>) offsets(%dma_start3A_156 : memref<128xi32, #tpu.memory_space<vmem>>) semaphore(%arg15 : memref<!tpu.dma_semaphore, #tpu.memory_space<semaphore_mem>>)
      %add3A_164 = arith.constant 1 : i32
      %add3A_165 = arith.addi %mul3A_135, %add3A_164 : i32
      %dma_wait3A_166 = arith.constant 0 : i32
      %dma_wait3A_167 = tpu.memref_slice %arg6[%add3A_165, %dma_wait3A_166] : memref<160x128xi32, #tpu.memory_space<vmem>> -> memref<1x128xi32, #tpu.memory_space<vmem>>
      %dma_wait3A_168 = tpu.memref_squeeze %dma_wait3A_167 : memref<1x128xi32, #tpu.memory_space<vmem>> -> memref<128xi32, #tpu.memory_space<vmem>>
      %dma_wait3A_169 = arith.constant 0 : i32
      %dma_wait3A_170 = arith.constant 0 : i32
      %dma_wait3A_171 = tpu.memref_slice %arg2[%arg0, %dma_wait3A_169, %dma_wait3A_170] : memref<2x10240x64xf32, #tpu.memory_space<hbm>> -> memref<1x10240x64xf32, #tpu.memory_space<hbm>>
      %dma_wait3A_172 = tpu.memref_squeeze %dma_wait3A_171 : memref<1x10240x64xf32, #tpu.memory_space<hbm>> -> memref<10240x64xf32, #tpu.memory_space<hbm>>
      %dma_wait3A_173 = arith.constant 0 : i32
      %dma_wait3A_174 = arith.constant 0 : i32
      %dma_wait3A_175 = tpu.memref_slice %dma_wait3A_172[%dma_wait3A_173, %dma_wait3A_174] : memref<10240x64xf32, #tpu.memory_space<hbm>> -> memref<10240x64xf32, #tpu.memory_space<hbm>>
      tpu.wait_indirect_dma semaphore(%arg16 : memref<!tpu.dma_semaphore, #tpu.memory_space<semaphore_mem>>) src(%dma_wait3A_175 : memref<10240x64xf32, #tpu.memory_space<hbm>>) dst(%arg9 : memref<128x64xf32, #tpu.memory_space<vmem>>)
      %add3A_176 = arith.constant 1 : i32
      %add3A_177 = arith.addi %mul3A_135, %add3A_176 : i32
      "tpu.region"() ({
        %run_scoped3A_276 = tpu.sem_alloc : memref<!tpu.dma_semaphore, #tpu.memory_space<semaphore_mem>>
        %dma_start3A_277 = arith.constant 0 : i32
        %dma_start3A_278 = tpu.memref_slice %arg7[%add3A_177, %dma_start3A_277] : memref<160x128xi32, #tpu.memory_space<vmem>> -> memref<1x128xi32, #tpu.memory_space<vmem>>
        %dma_start3A_279 = tpu.memref_squeeze %dma_start3A_278 : memref<1x128xi32, #tpu.memory_space<vmem>> -> memref<128xi32, #tpu.memory_space<vmem>>
        %dma_start3A_280 = arith.constant 0 : i32
        %dma_start3A_281 = arith.constant 0 : i32
        %dma_start3A_282 = tpu.memref_slice %arg14[%dma_start3A_280, %dma_start3A_281] : memref<10240x64xf32, #tpu.memory_space<vmem_shared>> -> memref<10240x64xf32, #tpu.memory_space<vmem_shared>>
        tpu.enqueue_indirect_dma source(%arg9 : memref<128x64xf32, #tpu.memory_space<vmem>>) target(%dma_start3A_282 : memref<10240x64xf32, #tpu.memory_space<vmem_shared>>) offsets(%dma_start3A_279 : memref<128xi32, #tpu.memory_space<vmem>>) semaphore(%run_scoped3A_276 : memref<!tpu.dma_semaphore, #tpu.memory_space<semaphore_mem>>) {add = true}
        %dma_wait3A_283 = arith.constant 0 : i32
        %dma_wait3A_284 = tpu.memref_slice %arg7[%add3A_177, %dma_wait3A_283] : memref<160x128xi32, #tpu.memory_space<vmem>> -> memref<1x128xi32, #tpu.memory_space<vmem>>
        %dma_wait3A_285 = tpu.memref_squeeze %dma_wait3A_284 : memref<1x128xi32, #tpu.memory_space<vmem>> -> memref<128xi32, #tpu.memory_space<vmem>>
        %dma_wait3A_286 = arith.constant 0 : i32
        %dma_wait3A_287 = arith.constant 0 : i32
        %dma_wait3A_288 = tpu.memref_slice %arg14[%dma_wait3A_286, %dma_wait3A_287] : memref<10240x64xf32, #tpu.memory_space<vmem_shared>> -> memref<10240x64xf32, #tpu.memory_space<vmem_shared>>
        tpu.wait_indirect_dma semaphore(%run_scoped3A_276 : memref<!tpu.dma_semaphore, #tpu.memory_space<semaphore_mem>>) src(%arg9 : memref<128x64xf32, #tpu.memory_space<vmem>>) dst(%dma_wait3A_288 : memref<10240x64xf32, #tpu.memory_space<vmem_shared>>)
        tpu.yield
      }) : () -> ()
      %add3A_178 = arith.constant 1 : i32
      %add3A_179 = arith.addi %mul3A_135, %add3A_178 : i32
      %add3A_180 = arith.constant 5 : i32
      %add3A_181 = arith.addi %add3A_179, %add3A_180 : i32
      %dma_start3A_182 = arith.constant 0 : i32
      %dma_start3A_183 = tpu.memref_slice %arg6[%add3A_181, %dma_start3A_182] : memref<160x128xi32, #tpu.memory_space<vmem>> -> memref<1x128xi32, #tpu.memory_space<vmem>>
      %dma_start3A_184 = tpu.memref_squeeze %dma_start3A_183 : memref<1x128xi32, #tpu.memory_space<vmem>> -> memref<128xi32, #tpu.memory_space<vmem>>
      %dma_start3A_185 = arith.constant 0 : i32
      %dma_start3A_186 = arith.constant 0 : i32
      %dma_start3A_187 = tpu.memref_slice %arg2[%arg0, %dma_start3A_185, %dma_start3A_186] : memref<2x10240x64xf32, #tpu.memory_space<hbm>> -> memref<1x10240x64xf32, #tpu.memory_space<hbm>>
      %dma_start3A_188 = tpu.memref_squeeze %dma_start3A_187 : memref<1x10240x64xf32, #tpu.memory_space<hbm>> -> memref<10240x64xf32, #tpu.memory_space<hbm>>
      %dma_start3A_189 = arith.constant 0 : i32
      %dma_start3A_190 = arith.constant 0 : i32
      %dma_start3A_191 = tpu.memref_slice %dma_start3A_188[%dma_start3A_189, %dma_start3A_190] : memref<10240x64xf32, #tpu.memory_space<hbm>> -> memref<10240x64xf32, #tpu.memory_space<hbm>>
      tpu.enqueue_indirect_dma source(%dma_start3A_191 : memref<10240x64xf32, #tpu.memory_space<hbm>>) target(%arg9 : memref<128x64xf32, #tpu.memory_space<vmem>>) offsets(%dma_start3A_184 : memref<128xi32, #tpu.memory_space<vmem>>) semaphore(%arg16 : memref<!tpu.dma_semaphore, #tpu.memory_space<semaphore_mem>>)
      %add3A_192 = arith.constant 2 : i32
      %add3A_193 = arith.addi %mul3A_135, %add3A_192 : i32
      %dma_wait3A_194 = arith.constant 0 : i32
      %dma_wait3A_195 = tpu.memref_slice %arg6[%add3A_193, %dma_wait3A_194] : memref<160x128xi32, #tpu.memory_space<vmem>> -> memref<1x128xi32, #tpu.memory_space<vmem>>
      %dma_wait3A_196 = tpu.memref_squeeze %dma_wait3A_195 : memref<1x128xi32, #tpu.memory_space<vmem>> -> memref<128xi32, #tpu.memory_space<vmem>>
      %dma_wait3A_197 = arith.constant 0 : i32
      %dma_wait3A_198 = arith.constant 0 : i32
      %dma_wait3A_199 = tpu.memref_slice %arg2[%arg0, %dma_wait3A_197, %dma_wait3A_198] : memref<2x10240x64xf32, #tpu.memory_space<hbm>> -> memref<1x10240x64xf32, #tpu.memory_space<hbm>>
      %dma_wait3A_200 = tpu.memref_squeeze %dma_wait3A_199 : memref<1x10240x64xf32, #tpu.memory_space<hbm>> -> memref<10240x64xf32, #tpu.memory_space<hbm>>
      %dma_wait3A_201 = arith.constant 0 : i32
      %dma_wait3A_202 = arith.constant 0 : i32
      %dma_wait3A_203 = tpu.memref_slice %dma_wait3A_200[%dma_wait3A_201, %dma_wait3A_202] : memref<10240x64xf32, #tpu.memory_space<hbm>> -> memref<10240x64xf32, #tpu.memory_space<hbm>>
      tpu.wait_indirect_dma semaphore(%arg17 : memref<!tpu.dma_semaphore, #tpu.memory_space<semaphore_mem>>) src(%dma_wait3A_203 : memref<10240x64xf32, #tpu.memory_space<hbm>>) dst(%arg10 : memref<128x64xf32, #tpu.memory_space<vmem>>)
      %add3A_204 = arith.constant 2 : i32
      %add3A_205 = arith.addi %mul3A_135, %add3A_204 : i32
      "tpu.region"() ({
        %run_scoped3A_276 = tpu.sem_alloc : memref<!tpu.dma_semaphore, #tpu.memory_space<semaphore_mem>>
        %dma_start3A_277 = arith.constant 0 : i32
        %dma_start3A_278 = tpu.memref_slice %arg7[%add3A_205, %dma_start3A_277] : memref<160x128xi32, #tpu.memory_space<vmem>> -> memref<1x128xi32, #tpu.memory_space<vmem>>
        %dma_start3A_279 = tpu.memref_squeeze %dma_start3A_278 : memref<1x128xi32, #tpu.memory_space<vmem>> -> memref<128xi32, #tpu.memory_space<vmem>>
        %dma_start3A_280 = arith.constant 0 : i32
        %dma_start3A_281 = arith.constant 0 : i32
        %dma_start3A_282 = tpu.memref_slice %arg14[%dma_start3A_280, %dma_start3A_281] : memref<10240x64xf32, #tpu.memory_space<vmem_shared>> -> memref<10240x64xf32, #tpu.memory_space<vmem_shared>>
        tpu.enqueue_indirect_dma source(%arg10 : memref<128x64xf32, #tpu.memory_space<vmem>>) target(%dma_start3A_282 : memref<10240x64xf32, #tpu.memory_space<vmem_shared>>) offsets(%dma_start3A_279 : memref<128xi32, #tpu.memory_space<vmem>>) semaphore(%run_scoped3A_276 : memref<!tpu.dma_semaphore, #tpu.memory_space<semaphore_mem>>) {add = true}
        %dma_wait3A_283 = arith.constant 0 : i32
        %dma_wait3A_284 = tpu.memref_slice %arg7[%add3A_205, %dma_wait3A_283] : memref<160x128xi32, #tpu.memory_space<vmem>> -> memref<1x128xi32, #tpu.memory_space<vmem>>
        %dma_wait3A_285 = tpu.memref_squeeze %dma_wait3A_284 : memref<1x128xi32, #tpu.memory_space<vmem>> -> memref<128xi32, #tpu.memory_space<vmem>>
        %dma_wait3A_286 = arith.constant 0 : i32
        %dma_wait3A_287 = arith.constant 0 : i32
        %dma_wait3A_288 = tpu.memref_slice %arg14[%dma_wait3A_286, %dma_wait3A_287] : memref<10240x64xf32, #tpu.memory_space<vmem_shared>> -> memref<10240x64xf32, #tpu.memory_space<vmem_shared>>
        tpu.wait_indirect_dma semaphore(%run_scoped3A_276 : memref<!tpu.dma_semaphore, #tpu.memory_space<semaphore_mem>>) src(%arg10 : memref<128x64xf32, #tpu.memory_space<vmem>>) dst(%dma_wait3A_288 : memref<10240x64xf32, #tpu.memory_space<vmem_shared>>)
        tpu.yield
      }) : () -> ()
      %add3A_206 = arith.constant 2 : i32
      %add3A_207 = arith.addi %mul3A_135, %add3A_206 : i32
      %add3A_208 = arith.constant 5 : i32
      %add3A_209 = arith.addi %add3A_207, %add3A_208 : i32
      %dma_start3A_210 = arith.constant 0 : i32
      %dma_start3A_211 = tpu.memref_slice %arg6[%add3A_209, %dma_start3A_210] : memref<160x128xi32, #tpu.memory_space<vmem>> -> memref<1x128xi32, #tpu.memory_space<vmem>>
      %dma_start3A_212 = tpu.memref_squeeze %dma_start3A_211 : memref<1x128xi32, #tpu.memory_space<vmem>> -> memref<128xi32, #tpu.memory_space<vmem>>
      %dma_start3A_213 = arith.constant 0 : i32
      %dma_start3A_214 = arith.constant 0 : i32
      %dma_start3A_215 = tpu.memref_slice %arg2[%arg0, %dma_start3A_213, %dma_start3A_214] : memref<2x10240x64xf32, #tpu.memory_space<hbm>> -> memref<1x10240x64xf32, #tpu.memory_space<hbm>>
      %dma_start3A_216 = tpu.memref_squeeze %dma_start3A_215 : memref<1x10240x64xf32, #tpu.memory_space<hbm>> -> memref<10240x64xf32, #tpu.memory_space<hbm>>
      %dma_start3A_217 = arith.constant 0 : i32
      %dma_start3A_218 = arith.constant 0 : i32
      %dma_start3A_219 = tpu.memref_slice %dma_start3A_216[%dma_start3A_217, %dma_start3A_218] : memref<10240x64xf32, #tpu.memory_space<hbm>> -> memref<10240x64xf32, #tpu.memory_space<hbm>>
      tpu.enqueue_indirect_dma source(%dma_start3A_219 : memref<10240x64xf32, #tpu.memory_space<hbm>>) target(%arg10 : memref<128x64xf32, #tpu.memory_space<vmem>>) offsets(%dma_start3A_212 : memref<128xi32, #tpu.memory_space<vmem>>) semaphore(%arg17 : memref<!tpu.dma_semaphore, #tpu.memory_space<semaphore_mem>>)
      %add3A_220 = arith.constant 3 : i32
      %add3A_221 = arith.addi %mul3A_135, %add3A_220 : i32
      %dma_wait3A_222 = arith.constant 0 : i32
      %dma_wait3A_223 = tpu.memref_slice %arg6[%add3A_221, %dma_wait3A_222] : memref<160x128xi32, #tpu.memory_space<vmem>> -> memref<1x128xi32, #tpu.memory_space<vmem>>
      %dma_wait3A_224 = tpu.memref_squeeze %dma_wait3A_223 : memref<1x128xi32, #tpu.memory_space<vmem>> -> memref<128xi32, #tpu.memory_space<vmem>>
      %dma_wait3A_225 = arith.constant 0 : i32
      %dma_wait3A_226 = arith.constant 0 : i32
      %dma_wait3A_227 = tpu.memref_slice %arg2[%arg0, %dma_wait3A_225, %dma_wait3A_226] : memref<2x10240x64xf32, #tpu.memory_space<hbm>> -> memref<1x10240x64xf32, #tpu.memory_space<hbm>>
      %dma_wait3A_228 = tpu.memref_squeeze %dma_wait3A_227 : memref<1x10240x64xf32, #tpu.memory_space<hbm>> -> memref<10240x64xf32, #tpu.memory_space<hbm>>
      %dma_wait3A_229 = arith.constant 0 : i32
      %dma_wait3A_230 = arith.constant 0 : i32
      %dma_wait3A_231 = tpu.memref_slice %dma_wait3A_228[%dma_wait3A_229, %dma_wait3A_230] : memref<10240x64xf32, #tpu.memory_space<hbm>> -> memref<10240x64xf32, #tpu.memory_space<hbm>>
      tpu.wait_indirect_dma semaphore(%arg18 : memref<!tpu.dma_semaphore, #tpu.memory_space<semaphore_mem>>) src(%dma_wait3A_231 : memref<10240x64xf32, #tpu.memory_space<hbm>>) dst(%arg11 : memref<128x64xf32, #tpu.memory_space<vmem>>)
      %add3A_232 = arith.constant 3 : i32
      %add3A_233 = arith.addi %mul3A_135, %add3A_232 : i32
      "tpu.region"() ({
        %run_scoped3A_276 = tpu.sem_alloc : memref<!tpu.dma_semaphore, #tpu.memory_space<semaphore_mem>>
        %dma_start3A_277 = arith.constant 0 : i32
        %dma_start3A_278 = tpu.memref_slice %arg7[%add3A_233, %dma_start3A_277] : memref<160x128xi32, #tpu.memory_space<vmem>> -> memref<1x128xi32, #tpu.memory_space<vmem>>
        %dma_start3A_279 = tpu.memref_squeeze %dma_start3A_278 : memref<1x128xi32, #tpu.memory_space<vmem>> -> memref<128xi32, #tpu.memory_space<vmem>>
        %dma_start3A_280 = arith.constant 0 : i32
        %dma_start3A_281 = arith.constant 0 : i32
        %dma_start3A_282 = tpu.memref_slice %arg14[%dma_start3A_280, %dma_start3A_281] : memref<10240x64xf32, #tpu.memory_space<vmem_shared>> -> memref<10240x64xf32, #tpu.memory_space<vmem_shared>>
        tpu.enqueue_indirect_dma source(%arg11 : memref<128x64xf32, #tpu.memory_space<vmem>>) target(%dma_start3A_282 : memref<10240x64xf32, #tpu.memory_space<vmem_shared>>) offsets(%dma_start3A_279 : memref<128xi32, #tpu.memory_space<vmem>>) semaphore(%run_scoped3A_276 : memref<!tpu.dma_semaphore, #tpu.memory_space<semaphore_mem>>) {add = true}
        %dma_wait3A_283 = arith.constant 0 : i32
        %dma_wait3A_284 = tpu.memref_slice %arg7[%add3A_233, %dma_wait3A_283] : memref<160x128xi32, #tpu.memory_space<vmem>> -> memref<1x128xi32, #tpu.memory_space<vmem>>
        %dma_wait3A_285 = tpu.memref_squeeze %dma_wait3A_284 : memref<1x128xi32, #tpu.memory_space<vmem>> -> memref<128xi32, #tpu.memory_space<vmem>>
        %dma_wait3A_286 = arith.constant 0 : i32
        %dma_wait3A_287 = arith.constant 0 : i32
        %dma_wait3A_288 = tpu.memref_slice %arg14[%dma_wait3A_286, %dma_wait3A_287] : memref<10240x64xf32, #tpu.memory_space<vmem_shared>> -> memref<10240x64xf32, #tpu.memory_space<vmem_shared>>
        tpu.wait_indirect_dma semaphore(%run_scoped3A_276 : memref<!tpu.dma_semaphore, #tpu.memory_space<semaphore_mem>>) src(%arg11 : memref<128x64xf32, #tpu.memory_space<vmem>>) dst(%dma_wait3A_288 : memref<10240x64xf32, #tpu.memory_space<vmem_shared>>)
        tpu.yield
      }) : () -> ()
      %add3A_234 = arith.constant 3 : i32
      %add3A_235 = arith.addi %mul3A_135, %add3A_234 : i32
      %add3A_236 = arith.constant 5 : i32
      %add3A_237 = arith.addi %add3A_235, %add3A_236 : i32
      %dma_start3A_238 = arith.constant 0 : i32
      %dma_start3A_239 = tpu.memref_slice %arg6[%add3A_237, %dma_start3A_238] : memref<160x128xi32, #tpu.memory_space<vmem>> -> memref<1x128xi32, #tpu.memory_space<vmem>>
      %dma_start3A_240 = tpu.memref_squeeze %dma_start3A_239 : memref<1x128xi32, #tpu.memory_space<vmem>> -> memref<128xi32, #tpu.memory_space<vmem>>
      %dma_start3A_241 = arith.constant 0 : i32
      %dma_start3A_242 = arith.constant 0 : i32
      %dma_start3A_243 = tpu.memref_slice %arg2[%arg0, %dma_start3A_241, %dma_start3A_242] : memref<2x10240x64xf32, #tpu.memory_space<hbm>> -> memref<1x10240x64xf32, #tpu.memory_space<hbm>>
      %dma_start3A_244 = tpu.memref_squeeze %dma_start3A_243 : memref<1x10240x64xf32, #tpu.memory_space<hbm>> -> memref<10240x64xf32, #tpu.memory_space<hbm>>
      %dma_start3A_245 = arith.constant 0 : i32
      %dma_start3A_246 = arith.constant 0 : i32
      %dma_start3A_247 = tpu.memref_slice %dma_start3A_244[%dma_start3A_245, %dma_start3A_246] : memref<10240x64xf32, #tpu.memory_space<hbm>> -> memref<10240x64xf32, #tpu.memory_space<hbm>>
      tpu.enqueue_indirect_dma source(%dma_start3A_247 : memref<10240x64xf32, #tpu.memory_space<hbm>>) target(%arg11 : memref<128x64xf32, #tpu.memory_space<vmem>>) offsets(%dma_start3A_240 : memref<128xi32, #tpu.memory_space<vmem>>) semaphore(%arg18 : memref<!tpu.dma_semaphore, #tpu.memory_space<semaphore_mem>>)
      %add3A_248 = arith.constant 4 : i32
      %add3A_249 = arith.addi %mul3A_135, %add3A_248 : i32
      %dma_wait3A_250 = arith.constant 0 : i32
      %dma_wait3A_251 = tpu.memref_slice %arg6[%add3A_249, %dma_wait3A_250] : memref<160x128xi32, #tpu.memory_space<vmem>> -> memref<1x128xi32, #tpu.memory_space<vmem>>
      %dma_wait3A_252 = tpu.memref_squeeze %dma_wait3A_251 : memref<1x128xi32, #tpu.memory_space<vmem>> -> memref<128xi32, #tpu.memory_space<vmem>>
      %dma_wait3A_253 = arith.constant 0 : i32
      %dma_wait3A_254 = arith.constant 0 : i32
      %dma_wait3A_255 = tpu.memref_slice %arg2[%arg0, %dma_wait3A_253, %dma_wait3A_254] : memref<2x10240x64xf32, #tpu.memory_space<hbm>> -> memref<1x10240x64xf32, #tpu.memory_space<hbm>>
      %dma_wait3A_256 = tpu.memref_squeeze %dma_wait3A_255 : memref<1x10240x64xf32, #tpu.memory_space<hbm>> -> memref<10240x64xf32, #tpu.memory_space<hbm>>
      %dma_wait3A_257 = arith.constant 0 : i32
      %dma_wait3A_258 = arith.constant 0 : i32
      %dma_wait3A_259 = tpu.memref_slice %dma_wait3A_256[%dma_wait3A_257, %dma_wait3A_258] : memref<10240x64xf32, #tpu.memory_space<hbm>> -> memref<10240x64xf32, #tpu.memory_space<hbm>>
      tpu.wait_indirect_dma semaphore(%arg19 : memref<!tpu.dma_semaphore, #tpu.memory_space<semaphore_mem>>) src(%dma_wait3A_259 : memref<10240x64xf32, #tpu.memory_space<hbm>>) dst(%arg12 : memref<128x64xf32, #tpu.memory_space<vmem>>)
      %add3A_260 = arith.constant 4 : i32
      %add3A_261 = arith.addi %mul3A_135, %add3A_260 : i32
      "tpu.region"() ({
        %run_scoped3A_276 = tpu.sem_alloc : memref<!tpu.dma_semaphore, #tpu.memory_space<semaphore_mem>>
        %dma_start3A_277 = arith.constant 0 : i32
        %dma_start3A_278 = tpu.memref_slice %arg7[%add3A_261, %dma_start3A_277] : memref<160x128xi32, #tpu.memory_space<vmem>> -> memref<1x128xi32, #tpu.memory_space<vmem>>
        %dma_start3A_279 = tpu.memref_squeeze %dma_start3A_278 : memref<1x128xi32, #tpu.memory_space<vmem>> -> memref<128xi32, #tpu.memory_space<vmem>>
        %dma_start3A_280 = arith.constant 0 : i32
        %dma_start3A_281 = arith.constant 0 : i32
        %dma_start3A_282 = tpu.memref_slice %arg14[%dma_start3A_280, %dma_start3A_281] : memref<10240x64xf32, #tpu.memory_space<vmem_shared>> -> memref<10240x64xf32, #tpu.memory_space<vmem_shared>>
        tpu.enqueue_indirect_dma source(%arg12 : memref<128x64xf32, #tpu.memory_space<vmem>>) target(%dma_start3A_282 : memref<10240x64xf32, #tpu.memory_space<vmem_shared>>) offsets(%dma_start3A_279 : memref<128xi32, #tpu.memory_space<vmem>>) semaphore(%run_scoped3A_276 : memref<!tpu.dma_semaphore, #tpu.memory_space<semaphore_mem>>) {add = true}
        %dma_wait3A_283 = arith.constant 0 : i32
        %dma_wait3A_284 = tpu.memref_slice %arg7[%add3A_261, %dma_wait3A_283] : memref<160x128xi32, #tpu.memory_space<vmem>> -> memref<1x128xi32, #tpu.memory_space<vmem>>
        %dma_wait3A_285 = tpu.memref_squeeze %dma_wait3A_284 : memref<1x128xi32, #tpu.memory_space<vmem>> -> memref<128xi32, #tpu.memory_space<vmem>>
        %dma_wait3A_286 = arith.constant 0 : i32
        %dma_wait3A_287 = arith.constant 0 : i32
        %dma_wait3A_288 = tpu.memref_slice %arg14[%dma_wait3A_286, %dma_wait3A_287] : memref<10240x64xf32, #tpu.memory_space<vmem_shared>> -> memref<10240x64xf32, #tpu.memory_space<vmem_shared>>
        tpu.wait_indirect_dma semaphore(%run_scoped3A_276 : memref<!tpu.dma_semaphore, #tpu.memory_space<semaphore_mem>>) src(%arg12 : memref<128x64xf32, #tpu.memory_space<vmem>>) dst(%dma_wait3A_288 : memref<10240x64xf32, #tpu.memory_space<vmem_shared>>)
        tpu.yield
      }) : () -> ()
      %add3A_262 = arith.constant 4 : i32
      %add3A_263 = arith.addi %mul3A_135, %add3A_262 : i32
      %add3A_264 = arith.constant 5 : i32
      %add3A_265 = arith.addi %add3A_263, %add3A_264 : i32
      %dma_start3A_266 = arith.constant 0 : i32
      %dma_start3A_267 = tpu.memref_slice %arg6[%add3A_265, %dma_start3A_266] : memref<160x128xi32, #tpu.memory_space<vmem>> -> memref<1x128xi32, #tpu.memory_space<vmem>>
      %dma_start3A_268 = tpu.memref_squeeze %dma_start3A_267 : memref<1x128xi32, #tpu.memory_space<vmem>> -> memref<128xi32, #tpu.memory_space<vmem>>
      %dma_start3A_269 = arith.constant 0 : i32
      %dma_start3A_270 = arith.constant 0 : i32
      %dma_start3A_271 = tpu.memref_slice %arg2[%arg0, %dma_start3A_269, %dma_start3A_270] : memref<2x10240x64xf32, #tpu.memory_space<hbm>> -> memref<1x10240x64xf32, #tpu.memory_space<hbm>>
      %dma_start3A_272 = tpu.memref_squeeze %dma_start3A_271 : memref<1x10240x64xf32, #tpu.memory_space<hbm>> -> memref<10240x64xf32, #tpu.memory_space<hbm>>
      %dma_start3A_273 = arith.constant 0 : i32
      %dma_start3A_274 = arith.constant 0 : i32
      %dma_start3A_275 = tpu.memref_slice %dma_start3A_272[%dma_start3A_273, %dma_start3A_274] : memref<10240x64xf32, #tpu.memory_space<hbm>> -> memref<10240x64xf32, #tpu.memory_space<hbm>>
      tpu.enqueue_indirect_dma source(%dma_start3A_275 : memref<10240x64xf32, #tpu.memory_space<hbm>>) target(%arg12 : memref<128x64xf32, #tpu.memory_space<vmem>>) offsets(%dma_start3A_268 : memref<128xi32, #tpu.memory_space<vmem>>) semaphore(%arg19 : memref<!tpu.dma_semaphore, #tpu.memory_space<semaphore_mem>>)
    }
    %scan3A_67 = arith.constant 31 : i32
    %dma_wait3A = arith.constant 155 : i32
    %dma_wait3A_68 = arith.constant 0 : i32
    %dma_wait3A_69 = tpu.memref_slice %arg6[%dma_wait3A, %dma_wait3A_68] : memref<160x128xi32, #tpu.memory_space<vmem>> -> memref<1x128xi32, #tpu.memory_space<vmem>>
    %dma_wait3A_70 = tpu.memref_squeeze %dma_wait3A_69 : memref<1x128xi32, #tpu.memory_space<vmem>> -> memref<128xi32, #tpu.memory_space<vmem>>
    %dma_wait3A_71 = arith.constant 0 : i32
    %dma_wait3A_72 = arith.constant 0 : i32
    %dma_wait3A_73 = tpu.memref_slice %arg2[%arg0, %dma_wait3A_71, %dma_wait3A_72] : memref<2x10240x64xf32, #tpu.memory_space<hbm>> -> memref<1x10240x64xf32, #tpu.memory_space<hbm>>
    %dma_wait3A_74 = tpu.memref_squeeze %dma_wait3A_73 : memref<1x10240x64xf32, #tpu.memory_space<hbm>> -> memref<10240x64xf32, #tpu.memory_space<hbm>>
    %dma_wait3A_75 = arith.constant 0 : i32
    %dma_wait3A_76 = arith.constant 0 : i32
    %dma_wait3A_77 = tpu.memref_slice %dma_wait3A_74[%dma_wait3A_75, %dma_wait3A_76] : memref<10240x64xf32, #tpu.memory_space<hbm>> -> memref<10240x64xf32, #tpu.memory_space<hbm>>
    tpu.wait_indirect_dma semaphore(%arg15 : memref<!tpu.dma_semaphore, #tpu.memory_space<semaphore_mem>>) src(%dma_wait3A_77 : memref<10240x64xf32, #tpu.memory_space<hbm>>) dst(%arg8 : memref<128x64xf32, #tpu.memory_space<vmem>>)
    %run_scoped3A = arith.constant 155 : i32
    "tpu.region"() ({
      %run_scoped3A_130 = tpu.sem_alloc : memref<!tpu.dma_semaphore, #tpu.memory_space<semaphore_mem>>
      %dma_start3A_131 = arith.constant 0 : i32
      %dma_start3A_132 = tpu.memref_slice %arg7[%run_scoped3A, %dma_start3A_131] : memref<160x128xi32, #tpu.memory_space<vmem>> -> memref<1x128xi32, #tpu.memory_space<vmem>>
      %dma_start3A_133 = tpu.memref_squeeze %dma_start3A_132 : memref<1x128xi32, #tpu.memory_space<vmem>> -> memref<128xi32, #tpu.memory_space<vmem>>
      %dma_start3A_134 = arith.constant 0 : i32
      %dma_start3A_135 = arith.constant 0 : i32
      %dma_start3A_136 = tpu.memref_slice %arg14[%dma_start3A_134, %dma_start3A_135] : memref<10240x64xf32, #tpu.memory_space<vmem_shared>> -> memref<10240x64xf32, #tpu.memory_space<vmem_shared>>
      tpu.enqueue_indirect_dma source(%arg8 : memref<128x64xf32, #tpu.memory_space<vmem>>) target(%dma_start3A_136 : memref<10240x64xf32, #tpu.memory_space<vmem_shared>>) offsets(%dma_start3A_133 : memref<128xi32, #tpu.memory_space<vmem>>) semaphore(%run_scoped3A_130 : memref<!tpu.dma_semaphore, #tpu.memory_space<semaphore_mem>>) {add = true}
      %dma_wait3A_137 = arith.constant 0 : i32
      %dma_wait3A_138 = tpu.memref_slice %arg7[%run_scoped3A, %dma_wait3A_137] : memref<160x128xi32, #tpu.memory_space<vmem>> -> memref<1x128xi32, #tpu.memory_space<vmem>>
      %dma_wait3A_139 = tpu.memref_squeeze %dma_wait3A_138 : memref<1x128xi32, #tpu.memory_space<vmem>> -> memref<128xi32, #tpu.memory_space<vmem>>
      %dma_wait3A_140 = arith.constant 0 : i32
      %dma_wait3A_141 = arith.constant 0 : i32
      %dma_wait3A_142 = tpu.memref_slice %arg14[%dma_wait3A_140, %dma_wait3A_141] : memref<10240x64xf32, #tpu.memory_space<vmem_shared>> -> memref<10240x64xf32, #tpu.memory_space<vmem_shared>>
      tpu.wait_indirect_dma semaphore(%run_scoped3A_130 : memref<!tpu.dma_semaphore, #tpu.memory_space<semaphore_mem>>) src(%arg8 : memref<128x64xf32, #tpu.memory_space<vmem>>) dst(%dma_wait3A_142 : memref<10240x64xf32, #tpu.memory_space<vmem_shared>>)
      tpu.yield
    }) : () -> ()
    %dma_wait3A_78 = arith.constant 156 : i32
    %dma_wait3A_79 = arith.constant 0 : i32
    %dma_wait3A_80 = tpu.memref_slice %arg6[%dma_wait3A_78, %dma_wait3A_79] : memref<160x128xi32, #tpu.memory_space<vmem>> -> memref<1x128xi32, #tpu.memory_space<vmem>>
    %dma_wait3A_81 = tpu.memref_squeeze %dma_wait3A_80 : memref<1x128xi32, #tpu.memory_space<vmem>> -> memref<128xi32, #tpu.memory_space<vmem>>
    %dma_wait3A_82 = arith.constant 0 : i32
    %dma_wait3A_83 = arith.constant 0 : i32
    %dma_wait3A_84 = tpu.memref_slice %arg2[%arg0, %dma_wait3A_82, %dma_wait3A_83] : memref<2x10240x64xf32, #tpu.memory_space<hbm>> -> memref<1x10240x64xf32, #tpu.memory_space<hbm>>
    %dma_wait3A_85 = tpu.memref_squeeze %dma_wait3A_84 : memref<1x10240x64xf32, #tpu.memory_space<hbm>> -> memref<10240x64xf32, #tpu.memory_space<hbm>>
    %dma_wait3A_86 = arith.constant 0 : i32
    %dma_wait3A_87 = arith.constant 0 : i32
    %dma_wait3A_88 = tpu.memref_slice %dma_wait3A_85[%dma_wait3A_86, %dma_wait3A_87] : memref<10240x64xf32, #tpu.memory_space<hbm>> -> memref<10240x64xf32, #tpu.memory_space<hbm>>
    tpu.wait_indirect_dma semaphore(%arg16 : memref<!tpu.dma_semaphore, #tpu.memory_space<semaphore_mem>>) src(%dma_wait3A_88 : memref<10240x64xf32, #tpu.memory_space<hbm>>) dst(%arg9 : memref<128x64xf32, #tpu.memory_space<vmem>>)
    %run_scoped3A_89 = arith.constant 156 : i32
    "tpu.region"() ({
      %run_scoped3A_130 = tpu.sem_alloc : memref<!tpu.dma_semaphore, #tpu.memory_space<semaphore_mem>>
      %dma_start3A_131 = arith.constant 0 : i32
      %dma_start3A_132 = tpu.memref_slice %arg7[%run_scoped3A_89, %dma_start3A_131] : memref<160x128xi32, #tpu.memory_space<vmem>> -> memref<1x128xi32, #tpu.memory_space<vmem>>
      %dma_start3A_133 = tpu.memref_squeeze %dma_start3A_132 : memref<1x128xi32, #tpu.memory_space<vmem>> -> memref<128xi32, #tpu.memory_space<vmem>>
      %dma_start3A_134 = arith.constant 0 : i32
      %dma_start3A_135 = arith.constant 0 : i32
      %dma_start3A_136 = tpu.memref_slice %arg14[%dma_start3A_134, %dma_start3A_135] : memref<10240x64xf32, #tpu.memory_space<vmem_shared>> -> memref<10240x64xf32, #tpu.memory_space<vmem_shared>>
      tpu.enqueue_indirect_dma source(%arg9 : memref<128x64xf32, #tpu.memory_space<vmem>>) target(%dma_start3A_136 : memref<10240x64xf32, #tpu.memory_space<vmem_shared>>) offsets(%dma_start3A_133 : memref<128xi32, #tpu.memory_space<vmem>>) semaphore(%run_scoped3A_130 : memref<!tpu.dma_semaphore, #tpu.memory_space<semaphore_mem>>) {add = true}
      %dma_wait3A_137 = arith.constant 0 : i32
      %dma_wait3A_138 = tpu.memref_slice %arg7[%run_scoped3A_89, %dma_wait3A_137] : memref<160x128xi32, #tpu.memory_space<vmem>> -> memref<1x128xi32, #tpu.memory_space<vmem>>
      %dma_wait3A_139 = tpu.memref_squeeze %dma_wait3A_138 : memref<1x128xi32, #tpu.memory_space<vmem>> -> memref<128xi32, #tpu.memory_space<vmem>>
      %dma_wait3A_140 = arith.constant 0 : i32
      %dma_wait3A_141 = arith.constant 0 : i32
      %dma_wait3A_142 = tpu.memref_slice %arg14[%dma_wait3A_140, %dma_wait3A_141] : memref<10240x64xf32, #tpu.memory_space<vmem_shared>> -> memref<10240x64xf32, #tpu.memory_space<vmem_shared>>
      tpu.wait_indirect_dma semaphore(%run_scoped3A_130 : memref<!tpu.dma_semaphore, #tpu.memory_space<semaphore_mem>>) src(%arg9 : memref<128x64xf32, #tpu.memory_space<vmem>>) dst(%dma_wait3A_142 : memref<10240x64xf32, #tpu.memory_space<vmem_shared>>)
      tpu.yield
    }) : () -> ()
    %dma_wait3A_90 = arith.constant 157 : i32
    %dma_wait3A_91 = arith.constant 0 : i32
    %dma_wait3A_92 = tpu.memref_slice %arg6[%dma_wait3A_90, %dma_wait3A_91] : memref<160x128xi32, #tpu.memory_space<vmem>> -> memref<1x128xi32, #tpu.memory_space<vmem>>
    %dma_wait3A_93 = tpu.memref_squeeze %dma_wait3A_92 : memref<1x128xi32, #tpu.memory_space<vmem>> -> memref<128xi32, #tpu.memory_space<vmem>>
    %dma_wait3A_94 = arith.constant 0 : i32
    %dma_wait3A_95 = arith.constant 0 : i32
    %dma_wait3A_96 = tpu.memref_slice %arg2[%arg0, %dma_wait3A_94, %dma_wait3A_95] : memref<2x10240x64xf32, #tpu.memory_space<hbm>> -> memref<1x10240x64xf32, #tpu.memory_space<hbm>>
    %dma_wait3A_97 = tpu.memref_squeeze %dma_wait3A_96 : memref<1x10240x64xf32, #tpu.memory_space<hbm>> -> memref<10240x64xf32, #tpu.memory_space<hbm>>
    %dma_wait3A_98 = arith.constant 0 : i32
    %dma_wait3A_99 = arith.constant 0 : i32
    %dma_wait3A_100 = tpu.memref_slice %dma_wait3A_97[%dma_wait3A_98, %dma_wait3A_99] : memref<10240x64xf32, #tpu.memory_space<hbm>> -> memref<10240x64xf32, #tpu.memory_space<hbm>>
    tpu.wait_indirect_dma semaphore(%arg17 : memref<!tpu.dma_semaphore, #tpu.memory_space<semaphore_mem>>) src(%dma_wait3A_100 : memref<10240x64xf32, #tpu.memory_space<hbm>>) dst(%arg10 : memref<128x64xf32, #tpu.memory_space<vmem>>)
    %run_scoped3A_101 = arith.constant 157 : i32
    "tpu.region"() ({
      %run_scoped3A_130 = tpu.sem_alloc : memref<!tpu.dma_semaphore, #tpu.memory_space<semaphore_mem>>
      %dma_start3A_131 = arith.constant 0 : i32
      %dma_start3A_132 = tpu.memref_slice %arg7[%run_scoped3A_101, %dma_start3A_131] : memref<160x128xi32, #tpu.memory_space<vmem>> -> memref<1x128xi32, #tpu.memory_space<vmem>>
      %dma_start3A_133 = tpu.memref_squeeze %dma_start3A_132 : memref<1x128xi32, #tpu.memory_space<vmem>> -> memref<128xi32, #tpu.memory_space<vmem>>
      %dma_start3A_134 = arith.constant 0 : i32
      %dma_start3A_135 = arith.constant 0 : i32
      %dma_start3A_136 = tpu.memref_slice %arg14[%dma_start3A_134, %dma_start3A_135] : memref<10240x64xf32, #tpu.memory_space<vmem_shared>> -> memref<10240x64xf32, #tpu.memory_space<vmem_shared>>
      tpu.enqueue_indirect_dma source(%arg10 : memref<128x64xf32, #tpu.memory_space<vmem>>) target(%dma_start3A_136 : memref<10240x64xf32, #tpu.memory_space<vmem_shared>>) offsets(%dma_start3A_133 : memref<128xi32, #tpu.memory_space<vmem>>) semaphore(%run_scoped3A_130 : memref<!tpu.dma_semaphore, #tpu.memory_space<semaphore_mem>>) {add = true}
      %dma_wait3A_137 = arith.constant 0 : i32
      %dma_wait3A_138 = tpu.memref_slice %arg7[%run_scoped3A_101, %dma_wait3A_137] : memref<160x128xi32, #tpu.memory_space<vmem>> -> memref<1x128xi32, #tpu.memory_space<vmem>>
      %dma_wait3A_139 = tpu.memref_squeeze %dma_wait3A_138 : memref<1x128xi32, #tpu.memory_space<vmem>> -> memref<128xi32, #tpu.memory_space<vmem>>
      %dma_wait3A_140 = arith.constant 0 : i32
      %dma_wait3A_141 = arith.constant 0 : i32
      %dma_wait3A_142 = tpu.memref_slice %arg14[%dma_wait3A_140, %dma_wait3A_141] : memref<10240x64xf32, #tpu.memory_space<vmem_shared>> -> memref<10240x64xf32, #tpu.memory_space<vmem_shared>>
      tpu.wait_indirect_dma semaphore(%run_scoped3A_130 : memref<!tpu.dma_semaphore, #tpu.memory_space<semaphore_mem>>) src(%arg10 : memref<128x64xf32, #tpu.memory_space<vmem>>) dst(%dma_wait3A_142 : memref<10240x64xf32, #tpu.memory_space<vmem_shared>>)
      tpu.yield
    }) : () -> ()
    %dma_wait3A_102 = arith.constant 158 : i32
    %dma_wait3A_103 = arith.constant 0 : i32
    %dma_wait3A_104 = tpu.memref_slice %arg6[%dma_wait3A_102, %dma_wait3A_103] : memref<160x128xi32, #tpu.memory_space<vmem>> -> memref<1x128xi32, #tpu.memory_space<vmem>>
    %dma_wait3A_105 = tpu.memref_squeeze %dma_wait3A_104 : memref<1x128xi32, #tpu.memory_space<vmem>> -> memref<128xi32, #tpu.memory_space<vmem>>
    %dma_wait3A_106 = arith.constant 0 : i32
    %dma_wait3A_107 = arith.constant 0 : i32
    %dma_wait3A_108 = tpu.memref_slice %arg2[%arg0, %dma_wait3A_106, %dma_wait3A_107] : memref<2x10240x64xf32, #tpu.memory_space<hbm>> -> memref<1x10240x64xf32, #tpu.memory_space<hbm>>
    %dma_wait3A_109 = tpu.memref_squeeze %dma_wait3A_108 : memref<1x10240x64xf32, #tpu.memory_space<hbm>> -> memref<10240x64xf32, #tpu.memory_space<hbm>>
    %dma_wait3A_110 = arith.constant 0 : i32
    %dma_wait3A_111 = arith.constant 0 : i32
    %dma_wait3A_112 = tpu.memref_slice %dma_wait3A_109[%dma_wait3A_110, %dma_wait3A_111] : memref<10240x64xf32, #tpu.memory_space<hbm>> -> memref<10240x64xf32, #tpu.memory_space<hbm>>
    tpu.wait_indirect_dma semaphore(%arg18 : memref<!tpu.dma_semaphore, #tpu.memory_space<semaphore_mem>>) src(%dma_wait3A_112 : memref<10240x64xf32, #tpu.memory_space<hbm>>) dst(%arg11 : memref<128x64xf32, #tpu.memory_space<vmem>>)
    %run_scoped3A_113 = arith.constant 158 : i32
    "tpu.region"() ({
      %run_scoped3A_130 = tpu.sem_alloc : memref<!tpu.dma_semaphore, #tpu.memory_space<semaphore_mem>>
      %dma_start3A_131 = arith.constant 0 : i32
      %dma_start3A_132 = tpu.memref_slice %arg7[%run_scoped3A_113, %dma_start3A_131] : memref<160x128xi32, #tpu.memory_space<vmem>> -> memref<1x128xi32, #tpu.memory_space<vmem>>
      %dma_start3A_133 = tpu.memref_squeeze %dma_start3A_132 : memref<1x128xi32, #tpu.memory_space<vmem>> -> memref<128xi32, #tpu.memory_space<vmem>>
      %dma_start3A_134 = arith.constant 0 : i32
      %dma_start3A_135 = arith.constant 0 : i32
      %dma_start3A_136 = tpu.memref_slice %arg14[%dma_start3A_134, %dma_start3A_135] : memref<10240x64xf32, #tpu.memory_space<vmem_shared>> -> memref<10240x64xf32, #tpu.memory_space<vmem_shared>>
      tpu.enqueue_indirect_dma source(%arg11 : memref<128x64xf32, #tpu.memory_space<vmem>>) target(%dma_start3A_136 : memref<10240x64xf32, #tpu.memory_space<vmem_shared>>) offsets(%dma_start3A_133 : memref<128xi32, #tpu.memory_space<vmem>>) semaphore(%run_scoped3A_130 : memref<!tpu.dma_semaphore, #tpu.memory_space<semaphore_mem>>) {add = true}
      %dma_wait3A_137 = arith.constant 0 : i32
      %dma_wait3A_138 = tpu.memref_slice %arg7[%run_scoped3A_113, %dma_wait3A_137] : memref<160x128xi32, #tpu.memory_space<vmem>> -> memref<1x128xi32, #tpu.memory_space<vmem>>
      %dma_wait3A_139 = tpu.memref_squeeze %dma_wait3A_138 : memref<1x128xi32, #tpu.memory_space<vmem>> -> memref<128xi32, #tpu.memory_space<vmem>>
      %dma_wait3A_140 = arith.constant 0 : i32
      %dma_wait3A_141 = arith.constant 0 : i32
      %dma_wait3A_142 = tpu.memref_slice %arg14[%dma_wait3A_140, %dma_wait3A_141] : memref<10240x64xf32, #tpu.memory_space<vmem_shared>> -> memref<10240x64xf32, #tpu.memory_space<vmem_shared>>
      tpu.wait_indirect_dma semaphore(%run_scoped3A_130 : memref<!tpu.dma_semaphore, #tpu.memory_space<semaphore_mem>>) src(%arg11 : memref<128x64xf32, #tpu.memory_space<vmem>>) dst(%dma_wait3A_142 : memref<10240x64xf32, #tpu.memory_space<vmem_shared>>)
      tpu.yield
    }) : () -> ()
    %dma_wait3A_114 = arith.constant 159 : i32
    %dma_wait3A_115 = arith.constant 0 : i32
    %dma_wait3A_116 = tpu.memref_slice %arg6[%dma_wait3A_114, %dma_wait3A_115] : memref<160x128xi32, #tpu.memory_space<vmem>> -> memref<1x128xi32, #tpu.memory_space<vmem>>
    %dma_wait3A_117 = tpu.memref_squeeze %dma_wait3A_116 : memref<1x128xi32, #tpu.memory_space<vmem>> -> memref<128xi32, #tpu.memory_space<vmem>>
    %dma_wait3A_118 = arith.constant 0 : i32
    %dma_wait3A_119 = arith.constant 0 : i32
    %dma_wait3A_120 = tpu.memref_slice %arg2[%arg0, %dma_wait3A_118, %dma_wait3A_119] : memref<2x10240x64xf32, #tpu.memory_space<hbm>> -> memref<1x10240x64xf32, #tpu.memory_space<hbm>>
    %dma_wait3A_121 = tpu.memref_squeeze %dma_wait3A_120 : memref<1x10240x64xf32, #tpu.memory_space<hbm>> -> memref<10240x64xf32, #tpu.memory_space<hbm>>
    %dma_wait3A_122 = arith.constant 0 : i32
    %dma_wait3A_123 = arith.constant 0 : i32
    %dma_wait3A_124 = tpu.memref_slice %dma_wait3A_121[%dma_wait3A_122, %dma_wait3A_123] : memref<10240x64xf32, #tpu.memory_space<hbm>> -> memref<10240x64xf32, #tpu.memory_space<hbm>>
    tpu.wait_indirect_dma semaphore(%arg19 : memref<!tpu.dma_semaphore, #tpu.memory_space<semaphore_mem>>) src(%dma_wait3A_124 : memref<10240x64xf32, #tpu.memory_space<hbm>>) dst(%arg12 : memref<128x64xf32, #tpu.memory_space<vmem>>)
    %run_scoped3A_125 = arith.constant 159 : i32
    "tpu.region"() ({
      %run_scoped3A_130 = tpu.sem_alloc : memref<!tpu.dma_semaphore, #tpu.memory_space<semaphore_mem>>
      %dma_start3A_131 = arith.constant 0 : i32
      %dma_start3A_132 = tpu.memref_slice %arg7[%run_scoped3A_125, %dma_start3A_131] : memref<160x128xi32, #tpu.memory_space<vmem>> -> memref<1x128xi32, #tpu.memory_space<vmem>>
      %dma_start3A_133 = tpu.memref_squeeze %dma_start3A_132 : memref<1x128xi32, #tpu.memory_space<vmem>> -> memref<128xi32, #tpu.memory_space<vmem>>
      %dma_start3A_134 = arith.constant 0 : i32
      %dma_start3A_135 = arith.constant 0 : i32
      %dma_start3A_136 = tpu.memref_slice %arg14[%dma_start3A_134, %dma_start3A_135] : memref<10240x64xf32, #tpu.memory_space<vmem_shared>> -> memref<10240x64xf32, #tpu.memory_space<vmem_shared>>
      tpu.enqueue_indirect_dma source(%arg12 : memref<128x64xf32, #tpu.memory_space<vmem>>) target(%dma_start3A_136 : memref<10240x64xf32, #tpu.memory_space<vmem_shared>>) offsets(%dma_start3A_133 : memref<128xi32, #tpu.memory_space<vmem>>) semaphore(%run_scoped3A_130 : memref<!tpu.dma_semaphore, #tpu.memory_space<semaphore_mem>>) {add = true}
      %dma_wait3A_137 = arith.constant 0 : i32
      %dma_wait3A_138 = tpu.memref_slice %arg7[%run_scoped3A_125, %dma_wait3A_137] : memref<160x128xi32, #tpu.memory_space<vmem>> -> memref<1x128xi32, #tpu.memory_space<vmem>>
      %dma_wait3A_139 = tpu.memref_squeeze %dma_wait3A_138 : memref<1x128xi32, #tpu.memory_space<vmem>> -> memref<128xi32, #tpu.memory_space<vmem>>
      %dma_wait3A_140 = arith.constant 0 : i32
      %dma_wait3A_141 = arith.constant 0 : i32
      %dma_wait3A_142 = tpu.memref_slice %arg14[%dma_wait3A_140, %dma_wait3A_141] : memref<10240x64xf32, #tpu.memory_space<vmem_shared>> -> memref<10240x64xf32, #tpu.memory_space<vmem_shared>>
      tpu.wait_indirect_dma semaphore(%run_scoped3A_130 : memref<!tpu.dma_semaphore, #tpu.memory_space<semaphore_mem>>) src(%arg12 : memref<128x64xf32, #tpu.memory_space<vmem>>) dst(%dma_wait3A_142 : memref<10240x64xf32, #tpu.memory_space<vmem_shared>>)
      tpu.yield
    }) : () -> ()
    %barrier3A_126 = arith.constant 0 : index
    tpu.barrier barrier_id(%barrier3A_126)
    %mul3A = arith.constant 640 : i32
    %mul3A_127 = arith.muli %arg1, %mul3A : i32
    %mul3A_128 = arith.constant 640 : i32
    %mul3A_129 = arith.muli %arg1, %mul3A_128 : i32
    "tpu.region"() ({
      %run_scoped3A_130 = tpu.sem_alloc : memref<!tpu.dma_semaphore, #tpu.memory_space<semaphore_mem>>
      %dma_start3A_131 = arith.constant 0 : i32
      %dma_start3A_132 = arith.constant 0 : i32
      %dma_start3A_133 = tpu.memref_slice %arg5[%arg0, %dma_start3A_131, %dma_start3A_132] : memref<2x10240x64xf32, #tpu.memory_space<hbm>> -> memref<1x10240x64xf32, #tpu.memory_space<hbm>>
      %dma_start3A_134 = tpu.memref_squeeze %dma_start3A_133 : memref<1x10240x64xf32, #tpu.memory_space<hbm>> -> memref<10240x64xf32, #tpu.memory_space<hbm>>
      %dma_start3A_135 = arith.constant 0 : i32
      %dma_start3A_136 = tpu.memref_slice %dma_start3A_134[%mul3A_129, %dma_start3A_135] : memref<10240x64xf32, #tpu.memory_space<hbm>> -> memref<640x64xf32, #tpu.memory_space<hbm>>
      %dma_start3A_137 = arith.constant 0 : i32
      %dma_start3A_138 = tpu.memref_slice %arg14[%mul3A_127, %dma_start3A_137] : memref<10240x64xf32, #tpu.memory_space<vmem_shared>> -> memref<640x64xf32, #tpu.memory_space<vmem_shared>>
      tpu.enqueue_dma source(%dma_start3A_138 : memref<640x64xf32, #tpu.memory_space<vmem_shared>>) target(%dma_start3A_136 : memref<640x64xf32, #tpu.memory_space<hbm>>) target_semaphore(%run_scoped3A_130 : memref<!tpu.dma_semaphore, #tpu.memory_space<semaphore_mem>>)
      %dma_wait3A_139 = arith.constant 0 : i32
      %dma_wait3A_140 = arith.constant 0 : i32
      %dma_wait3A_141 = tpu.memref_slice %arg5[%arg0, %dma_wait3A_139, %dma_wait3A_140] : memref<2x10240x64xf32, #tpu.memory_space<hbm>> -> memref<1x10240x64xf32, #tpu.memory_space<hbm>>
      %dma_wait3A_142 = tpu.memref_squeeze %dma_wait3A_141 : memref<1x10240x64xf32, #tpu.memory_space<hbm>> -> memref<10240x64xf32, #tpu.memory_space<hbm>>
      %dma_wait3A_143 = arith.constant 0 : i32
      %dma_wait3A_144 = tpu.memref_slice %dma_wait3A_142[%mul3A_129, %dma_wait3A_143] : memref<10240x64xf32, #tpu.memory_space<hbm>> -> memref<640x64xf32, #tpu.memory_space<hbm>>
      %dma_wait3A_145 = arith.constant 0 : i32
      %dma_wait3A_146 = tpu.memref_slice %arg14[%mul3A_127, %dma_wait3A_145] : memref<10240x64xf32, #tpu.memory_space<vmem_shared>> -> memref<640x64xf32, #tpu.memory_space<vmem_shared>>
      tpu.wait_dma2 semaphore(%run_scoped3A_130 : memref<!tpu.dma_semaphore, #tpu.memory_space<semaphore_mem>>) src(%dma_wait3A_146 : memref<640x64xf32, #tpu.memory_space<vmem_shared>>) dst(%dma_wait3A_144 : memref<640x64xf32, #tpu.memory_space<hbm>>)
      tpu.yield
    }) : () -> ()
    return
  }
}

#map = affine_map<(d0, d1) -> (0, 0, 0)>
module attributes {stable_mosaic.version = 14 : i64} {
  func.func @_agg_kernel(%arg0: i32, %arg1: i32, %arg2: memref<2x10240x64xf32, #tpu.memory_space<hbm>>, %arg3: memref<16x160x128xi32, #tpu.memory_space<hbm>>, %arg4: memref<16x160x128xi32, #tpu.memory_space<hbm>>, %arg5: memref<2x10240x64xf32, #tpu.memory_space<hbm>>, %arg6: memref<160x128xi32, #tpu.memory_space<vmem>>, %arg7: memref<160x128xi32, #tpu.memory_space<vmem>>, %arg8: memref<128x64xf32, #tpu.memory_space<vmem>>, %arg9: memref<128x64xf32, #tpu.memory_space<vmem>>, %arg10: memref<128x64xf32, #tpu.memory_space<vmem>>, %arg11: memref<128x64xf32, #tpu.memory_space<vmem>>, %arg12: memref<128x64xf32, #tpu.memory_space<vmem>>, %arg13: memref<64x64xf32, #tpu.memory_space<vmem>>, %arg14: memref<10240x64xf32, #tpu.memory_space<vmem_shared>>, %arg15: memref<!tpu.dma_semaphore, #tpu.memory_space<semaphore_mem>>, %arg16: memref<!tpu.dma_semaphore, #tpu.memory_space<semaphore_mem>>, %arg17: memref<!tpu.dma_semaphore, #tpu.memory_space<semaphore_mem>>, %arg18: memref<!tpu.dma_semaphore, #tpu.memory_space<semaphore_mem>>, %arg19: memref<!tpu.dma_semaphore, #tpu.memory_space<semaphore_mem>>) attributes {dimension_semantics = [#tpu.dimension_semantics<core_parallel>, #tpu.dimension_semantics<subcore_parallel>], iteration_bounds = array<i64: 2, 16>, scalar_prefetch = 0 : i64, scratch_operands = 14 : i64, tpu.core_type = #tpu.core_type<sc_vector_subcore>, window_params = [{transform_indices = #map}, {transform_indices = #map}, {transform_indices = #map}, {transform_indices = #map}]} {
    "tpu.region"() ({
      %run_scoped3A_130 = tpu.sem_alloc : memref<!tpu.dma_semaphore, #tpu.memory_space<semaphore_mem>>
      %dma_start3A_131 = arith.constant 0 : i32
      %dma_start3A_132 = arith.constant 0 : i32
      %dma_start3A_133 = tpu.memref_slice %arg3[%arg1, %dma_start3A_131, %dma_start3A_132] : memref<16x160x128xi32, #tpu.memory_space<hbm>> -> memref<1x160x128xi32, #tpu.memory_space<hbm>>
      %dma_start3A_134 = tpu.memref_squeeze %dma_start3A_133 : memref<1x160x128xi32, #tpu.memory_space<hbm>> -> memref<160x128xi32, #tpu.memory_space<hbm>>
      %dma_start3A_135 = arith.constant 0 : i32
      %dma_start3A_136 = arith.constant 0 : i32
      %dma_start3A_137 = tpu.memref_slice %arg3[%arg1, %dma_start3A_135, %dma_start3A_136] : memref<16x160x128xi32, #tpu.memory_space<hbm>> -> memref<1x160x128xi32, #tpu.memory_space<hbm>>
      %dma_start3A_138 = tpu.memref_squeeze %dma_start3A_137 : memref<1x160x128xi32, #tpu.memory_space<hbm>> -> memref<160x128xi32, #tpu.memory_space<hbm>>
      tpu.enqueue_dma source(%dma_start3A_138 : memref<160x128xi32, #tpu.memory_space<hbm>>) target(%arg6 : memref<160x128xi32, #tpu.memory_space<vmem>>) target_semaphore(%run_scoped3A_130 : memref<!tpu.dma_semaphore, #tpu.memory_space<semaphore_mem>>)
      %dma_wait3A_139 = arith.constant 0 : i32
      %dma_wait3A_140 = arith.constant 0 : i32
      %dma_wait3A_141 = tpu.memref_slice %arg3[%arg1, %dma_wait3A_139, %dma_wait3A_140] : memref<16x160x128xi32, #tpu.memory_space<hbm>> -> memref<1x160x128xi32, #tpu.memory_space<hbm>>
      %dma_wait3A_142 = tpu.memref_squeeze %dma_wait3A_141 : memref<1x160x128xi32, #tpu.memory_space<hbm>> -> memref<160x128xi32, #tpu.memory_space<hbm>>
      %dma_wait3A_143 = arith.constant 0 : i32
      %dma_wait3A_144 = arith.constant 0 : i32
      %dma_wait3A_145 = tpu.memref_slice %arg3[%arg1, %dma_wait3A_143, %dma_wait3A_144] : memref<16x160x128xi32, #tpu.memory_space<hbm>> -> memref<1x160x128xi32, #tpu.memory_space<hbm>>
      %dma_wait3A_146 = tpu.memref_squeeze %dma_wait3A_145 : memref<1x160x128xi32, #tpu.memory_space<hbm>> -> memref<160x128xi32, #tpu.memory_space<hbm>>
      tpu.wait_dma2 semaphore(%run_scoped3A_130 : memref<!tpu.dma_semaphore, #tpu.memory_space<semaphore_mem>>) src(%dma_wait3A_146 : memref<160x128xi32, #tpu.memory_space<hbm>>) dst(%arg6 : memref<160x128xi32, #tpu.memory_space<vmem>>)
      tpu.yield
    }) : () -> ()
    "tpu.region"() ({
      %run_scoped3A_130 = tpu.sem_alloc : memref<!tpu.dma_semaphore, #tpu.memory_space<semaphore_mem>>
      %dma_start3A_131 = arith.constant 0 : i32
      %dma_start3A_132 = arith.constant 0 : i32
      %dma_start3A_133 = tpu.memref_slice %arg4[%arg1, %dma_start3A_131, %dma_start3A_132] : memref<16x160x128xi32, #tpu.memory_space<hbm>> -> memref<1x160x128xi32, #tpu.memory_space<hbm>>
      %dma_start3A_134 = tpu.memref_squeeze %dma_start3A_133 : memref<1x160x128xi32, #tpu.memory_space<hbm>> -> memref<160x128xi32, #tpu.memory_space<hbm>>
      %dma_start3A_135 = arith.constant 0 : i32
      %dma_start3A_136 = arith.constant 0 : i32
      %dma_start3A_137 = tpu.memref_slice %arg4[%arg1, %dma_start3A_135, %dma_start3A_136] : memref<16x160x128xi32, #tpu.memory_space<hbm>> -> memref<1x160x128xi32, #tpu.memory_space<hbm>>
      %dma_start3A_138 = tpu.memref_squeeze %dma_start3A_137 : memref<1x160x128xi32, #tpu.memory_space<hbm>> -> memref<160x128xi32, #tpu.memory_space<hbm>>
      tpu.enqueue_dma source(%dma_start3A_138 : memref<160x128xi32, #tpu.memory_space<hbm>>) target(%arg7 : memref<160x128xi32, #tpu.memory_space<vmem>>) target_semaphore(%run_scoped3A_130 : memref<!tpu.dma_semaphore, #tpu.memory_space<semaphore_mem>>)
      %dma_wait3A_139 = arith.constant 0 : i32
      %dma_wait3A_140 = arith.constant 0 : i32
      %dma_wait3A_141 = tpu.memref_slice %arg4[%arg1, %dma_wait3A_139, %dma_wait3A_140] : memref<16x160x128xi32, #tpu.memory_space<hbm>> -> memref<1x160x128xi32, #tpu.memory_space<hbm>>
      %dma_wait3A_142 = tpu.memref_squeeze %dma_wait3A_141 : memref<1x160x128xi32, #tpu.memory_space<hbm>> -> memref<160x128xi32, #tpu.memory_space<hbm>>
      %dma_wait3A_143 = arith.constant 0 : i32
      %dma_wait3A_144 = arith.constant 0 : i32
      %dma_wait3A_145 = tpu.memref_slice %arg4[%arg1, %dma_wait3A_143, %dma_wait3A_144] : memref<16x160x128xi32, #tpu.memory_space<hbm>> -> memref<1x160x128xi32, #tpu.memory_space<hbm>>
      %dma_wait3A_146 = tpu.memref_squeeze %dma_wait3A_145 : memref<1x160x128xi32, #tpu.memory_space<hbm>> -> memref<160x128xi32, #tpu.memory_space<hbm>>
      tpu.wait_dma2 semaphore(%run_scoped3A_130 : memref<!tpu.dma_semaphore, #tpu.memory_space<semaphore_mem>>) src(%dma_wait3A_146 : memref<160x128xi32, #tpu.memory_space<hbm>>) dst(%arg7 : memref<160x128xi32, #tpu.memory_space<vmem>>)
      tpu.yield
    }) : () -> ()
    %scan3A = arith.constant 0 : i32
    %scan3A_0 = arith.constant 64 : i32
    %scan3A_1 = arith.addi %scan3A, %scan3A_0 : i32
    %scan3A_2 = arith.constant 1 : i32
    scf.for %scan3A_130 = %scan3A to %scan3A_1 step %scan3A_2  : i32 {
      %mul3A_131 = arith.constant 1 : i32
      %mul3A_132 = arith.muli %scan3A_130, %mul3A_131 : i32
      %add3A = arith.constant 0 : i32
      %add3A_133 = arith.addi %add3A, %mul3A_132 : i32
      %scan3A_134 = arith.constant 0 : i32
      %scan3A_135 = arith.constant 4 : i32
      %scan3A_136 = arith.addi %scan3A_134, %scan3A_135 : i32
      %scan3A_137 = arith.constant 1 : i32
      scf.for %scan3A_139 = %scan3A_134 to %scan3A_136 step %scan3A_137  : i32 {
        %mul3A_140 = arith.constant 16 : i32
        %mul3A_141 = arith.muli %scan3A_139, %mul3A_140 : i32
        %add3A_142 = arith.constant 0 : i32
        %add3A_143 = arith.addi %add3A_142, %mul3A_141 : i32
        %broadcast_in_dim3A = arith.constant 0.000000e+00 : f32
        %broadcast_in_dim3A_144 = vector.broadcast %broadcast_in_dim3A : f32 to vector<16xf32>
        %swap3A = arith.index_cast %add3A_133 : i32 to index
        %swap3A_145 = arith.index_cast %add3A_143 : i32 to index
        %swap3A_146 = tpu.vector_load %arg13[%swap3A, %swap3A_145] {strides = array<i32>} : memref<64x64xf32, #tpu.memory_space<vmem>>, vector<1x16xf32>,
        %swap3A_147 = vector.shape_cast %swap3A_146 : vector<1x16xf32> to vector<16xf32>
        %swap3A_148 = vector.shape_cast %broadcast_in_dim3A_144 : vector<16xf32> to vector<1x16xf32>
        tpu.vector_store %arg13[%swap3A, %swap3A_145], %swap3A_148 {strides = array<i32>} : memref<64x64xf32, #tpu.memory_space<vmem>>, vector<1x16xf32>,
      }
      %scan3A_138 = arith.constant 4 : i32
    }
    %scan3A_3 = arith.constant 64 : i32
    %scan3A_4 = arith.constant 0 : i32
    %scan3A_5 = arith.constant 10 : i32
    %scan3A_6 = arith.addi %scan3A_4, %scan3A_5 : i32
    %scan3A_7 = arith.constant 1 : i32
    scf.for %scan3A_130 = %scan3A_4 to %scan3A_6 step %scan3A_7  : i32 {
      %mul3A_131 = arith.constant 1 : i32
      %mul3A_132 = arith.muli %scan3A_130, %mul3A_131 : i32
      %add3A = arith.constant 0 : i32
      %add3A_133 = arith.addi %add3A, %mul3A_132 : i32
      %mul3A_134 = arith.constant 640 : i32
      %mul3A_135 = arith.muli %arg1, %mul3A_134 : i32
      %mul3A_136 = arith.constant 64 : i32
      %mul3A_137 = arith.muli %add3A_133, %mul3A_136 : i32
      %add3A_138 = arith.addi %mul3A_135, %mul3A_137 : i32
      "tpu.region"() ({
        %run_scoped3A_139 = tpu.sem_alloc : memref<!tpu.dma_semaphore, #tpu.memory_space<semaphore_mem>>
        %dma_start3A_140 = arith.constant 0 : i32
        %dma_start3A_141 = tpu.memref_slice %arg14[%add3A_138, %dma_start3A_140] : memref<10240x64xf32, #tpu.memory_space<vmem_shared>> -> memref<64x64xf32, #tpu.memory_space<vmem_shared>>
        %dma_start3A_142 = arith.constant 0 : i32
        %dma_start3A_143 = tpu.memref_slice %arg14[%add3A_138, %dma_start3A_142] : memref<10240x64xf32, #tpu.memory_space<vmem_shared>> -> memref<64x64xf32, #tpu.memory_space<vmem_shared>>
        tpu.enqueue_dma source(%arg13 : memref<64x64xf32, #tpu.memory_space<vmem>>) target(%dma_start3A_143 : memref<64x64xf32, #tpu.memory_space<vmem_shared>>) target_semaphore(%run_scoped3A_139 : memref<!tpu.dma_semaphore, #tpu.memory_space<semaphore_mem>>)
        %dma_wait3A_144 = arith.constant 0 : i32
        %dma_wait3A_145 = tpu.memref_slice %arg14[%add3A_138, %dma_wait3A_144] : memref<10240x64xf32, #tpu.memory_space<vmem_shared>> -> memref<64x64xf32, #tpu.memory_space<vmem_shared>>
        %dma_wait3A_146 = arith.constant 0 : i32
        %dma_wait3A_147 = tpu.memref_slice %arg14[%add3A_138, %dma_wait3A_146] : memref<10240x64xf32, #tpu.memory_space<vmem_shared>> -> memref<64x64xf32, #tpu.memory_space<vmem_shared>>
        tpu.wait_dma2 semaphore(%run_scoped3A_139 : memref<!tpu.dma_semaphore, #tpu.memory_space<semaphore_mem>>) src(%arg13 : memref<64x64xf32, #tpu.memory_space<vmem>>) dst(%dma_wait3A_147 : memref<64x64xf32, #tpu.memory_space<vmem_shared>>)
        tpu.yield
      }) : () -> ()
    }
    %scan3A_8 = arith.constant 10 : i32
    %barrier3A = arith.constant 0 : index
    tpu.barrier barrier_id(%barrier3A)
    %dma_start3A = arith.constant 0 : i32
    %dma_start3A_9 = arith.constant 0 : i32
    %dma_start3A_10 = tpu.memref_slice %arg6[%dma_start3A, %dma_start3A_9] : memref<160x128xi32, #tpu.memory_space<vmem>> -> memref<1x128xi32, #tpu.memory_space<vmem>>
    %dma_start3A_11 = tpu.memref_squeeze %dma_start3A_10 : memref<1x128xi32, #tpu.memory_space<vmem>> -> memref<128xi32, #tpu.memory_space<vmem>>
    %dma_start3A_12 = arith.constant 0 : i32
    %dma_start3A_13 = arith.constant 0 : i32
    %dma_start3A_14 = tpu.memref_slice %arg2[%arg0, %dma_start3A_12, %dma_start3A_13] : memref<2x10240x64xf32, #tpu.memory_space<hbm>> -> memref<1x10240x64xf32, #tpu.memory_space<hbm>>
    %dma_start3A_15 = tpu.memref_squeeze %dma_start3A_14 : memref<1x10240x64xf32, #tpu.memory_space<hbm>> -> memref<10240x64xf32, #tpu.memory_space<hbm>>
    %dma_start3A_16 = arith.constant 0 : i32
    %dma_start3A_17 = arith.constant 0 : i32
    %dma_start3A_18 = tpu.memref_slice %dma_start3A_15[%dma_start3A_16, %dma_start3A_17] : memref<10240x64xf32, #tpu.memory_space<hbm>> -> memref<10240x64xf32, #tpu.memory_space<hbm>>
    tpu.enqueue_indirect_dma source(%dma_start3A_18 : memref<10240x64xf32, #tpu.memory_space<hbm>>) target(%arg8 : memref<128x64xf32, #tpu.memory_space<vmem>>) offsets(%dma_start3A_11 : memref<128xi32, #tpu.memory_space<vmem>>) semaphore(%arg15 : memref<!tpu.dma_semaphore, #tpu.memory_space<semaphore_mem>>)
    %dma_start3A_19 = arith.constant 1 : i32
    %dma_start3A_20 = arith.constant 0 : i32
    %dma_start3A_21 = tpu.memref_slice %arg6[%dma_start3A_19, %dma_start3A_20] : memref<160x128xi32, #tpu.memory_space<vmem>> -> memref<1x128xi32, #tpu.memory_space<vmem>>
    %dma_start3A_22 = tpu.memref_squeeze %dma_start3A_21 : memref<1x128xi32, #tpu.memory_space<vmem>> -> memref<128xi32, #tpu.memory_space<vmem>>
    %dma_start3A_23 = arith.constant 0 : i32
    %dma_start3A_24 = arith.constant 0 : i32
    %dma_start3A_25 = tpu.memref_slice %arg2[%arg0, %dma_start3A_23, %dma_start3A_24] : memref<2x10240x64xf32, #tpu.memory_space<hbm>> -> memref<1x10240x64xf32, #tpu.memory_space<hbm>>
    %dma_start3A_26 = tpu.memref_squeeze %dma_start3A_25 : memref<1x10240x64xf32, #tpu.memory_space<hbm>> -> memref<10240x64xf32, #tpu.memory_space<hbm>>
    %dma_start3A_27 = arith.constant 0 : i32
    %dma_start3A_28 = arith.constant 0 : i32
    %dma_start3A_29 = tpu.memref_slice %dma_start3A_26[%dma_start3A_27, %dma_start3A_28] : memref<10240x64xf32, #tpu.memory_space<hbm>> -> memref<10240x64xf32, #tpu.memory_space<hbm>>
    tpu.enqueue_indirect_dma source(%dma_start3A_29 : memref<10240x64xf32, #tpu.memory_space<hbm>>) target(%arg9 : memref<128x64xf32, #tpu.memory_space<vmem>>) offsets(%dma_start3A_22 : memref<128xi32, #tpu.memory_space<vmem>>) semaphore(%arg16 : memref<!tpu.dma_semaphore, #tpu.memory_space<semaphore_mem>>)
    %dma_start3A_30 = arith.constant 2 : i32
    %dma_start3A_31 = arith.constant 0 : i32
    %dma_start3A_32 = tpu.memref_slice %arg6[%dma_start3A_30, %dma_start3A_31] : memref<160x128xi32, #tpu.memory_space<vmem>> -> memref<1x128xi32, #tpu.memory_space<vmem>>
    %dma_start3A_33 = tpu.memref_squeeze %dma_start3A_32 : memref<1x128xi32, #tpu.memory_space<vmem>> -> memref<128xi32, #tpu.memory_space<vmem>>
    %dma_start3A_34 = arith.constant 0 : i32
    %dma_start3A_35 = arith.constant 0 : i32
    %dma_start3A_36 = tpu.memref_slice %arg2[%arg0, %dma_start3A_34, %dma_start3A_35] : memref<2x10240x64xf32, #tpu.memory_space<hbm>> -> memref<1x10240x64xf32, #tpu.memory_space<hbm>>
    %dma_start3A_37 = tpu.memref_squeeze %dma_start3A_36 : memref<1x10240x64xf32, #tpu.memory_space<hbm>> -> memref<10240x64xf32, #tpu.memory_space<hbm>>
    %dma_start3A_38 = arith.constant 0 : i32
    %dma_start3A_39 = arith.constant 0 : i32
    %dma_start3A_40 = tpu.memref_slice %dma_start3A_37[%dma_start3A_38, %dma_start3A_39] : memref<10240x64xf32, #tpu.memory_space<hbm>> -> memref<10240x64xf32, #tpu.memory_space<hbm>>
    tpu.enqueue_indirect_dma source(%dma_start3A_40 : memref<10240x64xf32, #tpu.memory_space<hbm>>) target(%arg10 : memref<128x64xf32, #tpu.memory_space<vmem>>) offsets(%dma_start3A_33 : memref<128xi32, #tpu.memory_space<vmem>>) semaphore(%arg17 : memref<!tpu.dma_semaphore, #tpu.memory_space<semaphore_mem>>)
    %dma_start3A_41 = arith.constant 3 : i32
    %dma_start3A_42 = arith.constant 0 : i32
    %dma_start3A_43 = tpu.memref_slice %arg6[%dma_start3A_41, %dma_start3A_42] : memref<160x128xi32, #tpu.memory_space<vmem>> -> memref<1x128xi32, #tpu.memory_space<vmem>>
    %dma_start3A_44 = tpu.memref_squeeze %dma_start3A_43 : memref<1x128xi32, #tpu.memory_space<vmem>> -> memref<128xi32, #tpu.memory_space<vmem>>
    %dma_start3A_45 = arith.constant 0 : i32
    %dma_start3A_46 = arith.constant 0 : i32
    %dma_start3A_47 = tpu.memref_slice %arg2[%arg0, %dma_start3A_45, %dma_start3A_46] : memref<2x10240x64xf32, #tpu.memory_space<hbm>> -> memref<1x10240x64xf32, #tpu.memory_space<hbm>>
    %dma_start3A_48 = tpu.memref_squeeze %dma_start3A_47 : memref<1x10240x64xf32, #tpu.memory_space<hbm>> -> memref<10240x64xf32, #tpu.memory_space<hbm>>
    %dma_start3A_49 = arith.constant 0 : i32
    %dma_start3A_50 = arith.constant 0 : i32
    %dma_start3A_51 = tpu.memref_slice %dma_start3A_48[%dma_start3A_49, %dma_start3A_50] : memref<10240x64xf32, #tpu.memory_space<hbm>> -> memref<10240x64xf32, #tpu.memory_space<hbm>>
    tpu.enqueue_indirect_dma source(%dma_start3A_51 : memref<10240x64xf32, #tpu.memory_space<hbm>>) target(%arg11 : memref<128x64xf32, #tpu.memory_space<vmem>>) offsets(%dma_start3A_44 : memref<128xi32, #tpu.memory_space<vmem>>) semaphore(%arg18 : memref<!tpu.dma_semaphore, #tpu.memory_space<semaphore_mem>>)
    %dma_start3A_52 = arith.constant 4 : i32
    %dma_start3A_53 = arith.constant 0 : i32
    %dma_start3A_54 = tpu.memref_slice %arg6[%dma_start3A_52, %dma_start3A_53] : memref<160x128xi32, #tpu.memory_space<vmem>> -> memref<1x128xi32, #tpu.memory_space<vmem>>
    %dma_start3A_55 = tpu.memref_squeeze %dma_start3A_54 : memref<1x128xi32, #tpu.memory_space<vmem>> -> memref<128xi32, #tpu.memory_space<vmem>>
    %dma_start3A_56 = arith.constant 0 : i32
    %dma_start3A_57 = arith.constant 0 : i32
    %dma_start3A_58 = tpu.memref_slice %arg2[%arg0, %dma_start3A_56, %dma_start3A_57] : memref<2x10240x64xf32, #tpu.memory_space<hbm>> -> memref<1x10240x64xf32, #tpu.memory_space<hbm>>
    %dma_start3A_59 = tpu.memref_squeeze %dma_start3A_58 : memref<1x10240x64xf32, #tpu.memory_space<hbm>> -> memref<10240x64xf32, #tpu.memory_space<hbm>>
    %dma_start3A_60 = arith.constant 0 : i32
    %dma_start3A_61 = arith.constant 0 : i32
    %dma_start3A_62 = tpu.memref_slice %dma_start3A_59[%dma_start3A_60, %dma_start3A_61] : memref<10240x64xf32, #tpu.memory_space<hbm>> -> memref<10240x64xf32, #tpu.memory_space<hbm>>
    tpu.enqueue_indirect_dma source(%dma_start3A_62 : memref<10240x64xf32, #tpu.memory_space<hbm>>) target(%arg12 : memref<128x64xf32, #tpu.memory_space<vmem>>) offsets(%dma_start3A_55 : memref<128xi32, #tpu.memory_space<vmem>>) semaphore(%arg19 : memref<!tpu.dma_semaphore, #tpu.memory_space<semaphore_mem>>)
    %scan3A_63 = arith.constant 0 : i32
    %scan3A_64 = arith.constant 31 : i32
    %scan3A_65 = arith.addi %scan3A_63, %scan3A_64 : i32
    %scan3A_66 = arith.constant 1 : i32
    scf.for %scan3A_130 = %scan3A_63 to %scan3A_65 step %scan3A_66  : i32 {
      %mul3A_131 = arith.constant 1 : i32
      %mul3A_132 = arith.muli %scan3A_130, %mul3A_131 : i32
      %add3A = arith.constant 0 : i32
      %add3A_133 = arith.addi %add3A, %mul3A_132 : i32
      %mul3A_134 = arith.constant 5 : i32
      %mul3A_135 = arith.muli %add3A_133, %mul3A_134 : i32
      %add3A_136 = arith.constant 0 : i32
      %add3A_137 = arith.addi %mul3A_135, %add3A_136 : i32
      %dma_wait3A_138 = arith.constant 0 : i32
      %dma_wait3A_139 = tpu.memref_slice %arg6[%add3A_137, %dma_wait3A_138] : memref<160x128xi32, #tpu.memory_space<vmem>> -> memref<1x128xi32, #tpu.memory_space<vmem>>
      %dma_wait3A_140 = tpu.memref_squeeze %dma_wait3A_139 : memref<1x128xi32, #tpu.memory_space<vmem>> -> memref<128xi32, #tpu.memory_space<vmem>>
      %dma_wait3A_141 = arith.constant 0 : i32
      %dma_wait3A_142 = arith.constant 0 : i32
      %dma_wait3A_143 = tpu.memref_slice %arg2[%arg0, %dma_wait3A_141, %dma_wait3A_142] : memref<2x10240x64xf32, #tpu.memory_space<hbm>> -> memref<1x10240x64xf32, #tpu.memory_space<hbm>>
      %dma_wait3A_144 = tpu.memref_squeeze %dma_wait3A_143 : memref<1x10240x64xf32, #tpu.memory_space<hbm>> -> memref<10240x64xf32, #tpu.memory_space<hbm>>
      %dma_wait3A_145 = arith.constant 0 : i32
      %dma_wait3A_146 = arith.constant 0 : i32
      %dma_wait3A_147 = tpu.memref_slice %dma_wait3A_144[%dma_wait3A_145, %dma_wait3A_146] : memref<10240x64xf32, #tpu.memory_space<hbm>> -> memref<10240x64xf32, #tpu.memory_space<hbm>>
      tpu.wait_indirect_dma semaphore(%arg15 : memref<!tpu.dma_semaphore, #tpu.memory_space<semaphore_mem>>) src(%dma_wait3A_147 : memref<10240x64xf32, #tpu.memory_space<hbm>>) dst(%arg8 : memref<128x64xf32, #tpu.memory_space<vmem>>)
      %add3A_148 = arith.constant 0 : i32
      %add3A_149 = arith.addi %mul3A_135, %add3A_148 : i32
      "tpu.region"() ({
        %run_scoped3A_276 = tpu.sem_alloc : memref<!tpu.dma_semaphore, #tpu.memory_space<semaphore_mem>>
        %dma_start3A_277 = arith.constant 0 : i32
        %dma_start3A_278 = tpu.memref_slice %arg7[%add3A_149, %dma_start3A_277] : memref<160x128xi32, #tpu.memory_space<vmem>> -> memref<1x128xi32, #tpu.memory_space<vmem>>
        %dma_start3A_279 = tpu.memref_squeeze %dma_start3A_278 : memref<1x128xi32, #tpu.memory_space<vmem>> -> memref<128xi32, #tpu.memory_space<vmem>>
        %dma_start3A_280 = arith.constant 0 : i32
        %dma_start3A_281 = arith.constant 0 : i32
        %dma_start3A_282 = tpu.memref_slice %arg14[%dma_start3A_280, %dma_start3A_281] : memref<10240x64xf32, #tpu.memory_space<vmem_shared>> -> memref<10240x64xf32, #tpu.memory_space<vmem_shared>>
        tpu.enqueue_indirect_dma source(%arg8 : memref<128x64xf32, #tpu.memory_space<vmem>>) target(%dma_start3A_282 : memref<10240x64xf32, #tpu.memory_space<vmem_shared>>) offsets(%dma_start3A_279 : memref<128xi32, #tpu.memory_space<vmem>>) semaphore(%run_scoped3A_276 : memref<!tpu.dma_semaphore, #tpu.memory_space<semaphore_mem>>) {add = true}
        %dma_wait3A_283 = arith.constant 0 : i32
        %dma_wait3A_284 = tpu.memref_slice %arg7[%add3A_149, %dma_wait3A_283] : memref<160x128xi32, #tpu.memory_space<vmem>> -> memref<1x128xi32, #tpu.memory_space<vmem>>
        %dma_wait3A_285 = tpu.memref_squeeze %dma_wait3A_284 : memref<1x128xi32, #tpu.memory_space<vmem>> -> memref<128xi32, #tpu.memory_space<vmem>>
        %dma_wait3A_286 = arith.constant 0 : i32
        %dma_wait3A_287 = arith.constant 0 : i32
        %dma_wait3A_288 = tpu.memref_slice %arg14[%dma_wait3A_286, %dma_wait3A_287] : memref<10240x64xf32, #tpu.memory_space<vmem_shared>> -> memref<10240x64xf32, #tpu.memory_space<vmem_shared>>
        tpu.wait_indirect_dma semaphore(%run_scoped3A_276 : memref<!tpu.dma_semaphore, #tpu.memory_space<semaphore_mem>>) src(%arg8 : memref<128x64xf32, #tpu.memory_space<vmem>>) dst(%dma_wait3A_288 : memref<10240x64xf32, #tpu.memory_space<vmem_shared>>)
        tpu.yield
      }) : () -> ()
      %add3A_150 = arith.constant 0 : i32
      %add3A_151 = arith.addi %mul3A_135, %add3A_150 : i32
      %add3A_152 = arith.constant 5 : i32
      %add3A_153 = arith.addi %add3A_151, %add3A_152 : i32
      %dma_start3A_154 = arith.constant 0 : i32
      %dma_start3A_155 = tpu.memref_slice %arg6[%add3A_153, %dma_start3A_154] : memref<160x128xi32, #tpu.memory_space<vmem>> -> memref<1x128xi32, #tpu.memory_space<vmem>>
      %dma_start3A_156 = tpu.memref_squeeze %dma_start3A_155 : memref<1x128xi32, #tpu.memory_space<vmem>> -> memref<128xi32, #tpu.memory_space<vmem>>
      %dma_start3A_157 = arith.constant 0 : i32
      %dma_start3A_158 = arith.constant 0 : i32
      %dma_start3A_159 = tpu.memref_slice %arg2[%arg0, %dma_start3A_157, %dma_start3A_158] : memref<2x10240x64xf32, #tpu.memory_space<hbm>> -> memref<1x10240x64xf32, #tpu.memory_space<hbm>>
      %dma_start3A_160 = tpu.memref_squeeze %dma_start3A_159 : memref<1x10240x64xf32, #tpu.memory_space<hbm>> -> memref<10240x64xf32, #tpu.memory_space<hbm>>
      %dma_start3A_161 = arith.constant 0 : i32
      %dma_start3A_162 = arith.constant 0 : i32
      %dma_start3A_163 = tpu.memref_slice %dma_start3A_160[%dma_start3A_161, %dma_start3A_162] : memref<10240x64xf32, #tpu.memory_space<hbm>> -> memref<10240x64xf32, #tpu.memory_space<hbm>>
      tpu.enqueue_indirect_dma source(%dma_start3A_163 : memref<10240x64xf32, #tpu.memory_space<hbm>>) target(%arg8 : memref<128x64xf32, #tpu.memory_space<vmem>>) offsets(%dma_start3A_156 : memref<128xi32, #tpu.memory_space<vmem>>) semaphore(%arg15 : memref<!tpu.dma_semaphore, #tpu.memory_space<semaphore_mem>>)
      %add3A_164 = arith.constant 1 : i32
      %add3A_165 = arith.addi %mul3A_135, %add3A_164 : i32
      %dma_wait3A_166 = arith.constant 0 : i32
      %dma_wait3A_167 = tpu.memref_slice %arg6[%add3A_165, %dma_wait3A_166] : memref<160x128xi32, #tpu.memory_space<vmem>> -> memref<1x128xi32, #tpu.memory_space<vmem>>
      %dma_wait3A_168 = tpu.memref_squeeze %dma_wait3A_167 : memref<1x128xi32, #tpu.memory_space<vmem>> -> memref<128xi32, #tpu.memory_space<vmem>>
      %dma_wait3A_169 = arith.constant 0 : i32
      %dma_wait3A_170 = arith.constant 0 : i32
      %dma_wait3A_171 = tpu.memref_slice %arg2[%arg0, %dma_wait3A_169, %dma_wait3A_170] : memref<2x10240x64xf32, #tpu.memory_space<hbm>> -> memref<1x10240x64xf32, #tpu.memory_space<hbm>>
      %dma_wait3A_172 = tpu.memref_squeeze %dma_wait3A_171 : memref<1x10240x64xf32, #tpu.memory_space<hbm>> -> memref<10240x64xf32, #tpu.memory_space<hbm>>
      %dma_wait3A_173 = arith.constant 0 : i32
      %dma_wait3A_174 = arith.constant 0 : i32
      %dma_wait3A_175 = tpu.memref_slice %dma_wait3A_172[%dma_wait3A_173, %dma_wait3A_174] : memref<10240x64xf32, #tpu.memory_space<hbm>> -> memref<10240x64xf32, #tpu.memory_space<hbm>>
      tpu.wait_indirect_dma semaphore(%arg16 : memref<!tpu.dma_semaphore, #tpu.memory_space<semaphore_mem>>) src(%dma_wait3A_175 : memref<10240x64xf32, #tpu.memory_space<hbm>>) dst(%arg9 : memref<128x64xf32, #tpu.memory_space<vmem>>)
      %add3A_176 = arith.constant 1 : i32
      %add3A_177 = arith.addi %mul3A_135, %add3A_176 : i32
      "tpu.region"() ({
        %run_scoped3A_276 = tpu.sem_alloc : memref<!tpu.dma_semaphore, #tpu.memory_space<semaphore_mem>>
        %dma_start3A_277 = arith.constant 0 : i32
        %dma_start3A_278 = tpu.memref_slice %arg7[%add3A_177, %dma_start3A_277] : memref<160x128xi32, #tpu.memory_space<vmem>> -> memref<1x128xi32, #tpu.memory_space<vmem>>
        %dma_start3A_279 = tpu.memref_squeeze %dma_start3A_278 : memref<1x128xi32, #tpu.memory_space<vmem>> -> memref<128xi32, #tpu.memory_space<vmem>>
        %dma_start3A_280 = arith.constant 0 : i32
        %dma_start3A_281 = arith.constant 0 : i32
        %dma_start3A_282 = tpu.memref_slice %arg14[%dma_start3A_280, %dma_start3A_281] : memref<10240x64xf32, #tpu.memory_space<vmem_shared>> -> memref<10240x64xf32, #tpu.memory_space<vmem_shared>>
        tpu.enqueue_indirect_dma source(%arg9 : memref<128x64xf32, #tpu.memory_space<vmem>>) target(%dma_start3A_282 : memref<10240x64xf32, #tpu.memory_space<vmem_shared>>) offsets(%dma_start3A_279 : memref<128xi32, #tpu.memory_space<vmem>>) semaphore(%run_scoped3A_276 : memref<!tpu.dma_semaphore, #tpu.memory_space<semaphore_mem>>) {add = true}
        %dma_wait3A_283 = arith.constant 0 : i32
        %dma_wait3A_284 = tpu.memref_slice %arg7[%add3A_177, %dma_wait3A_283] : memref<160x128xi32, #tpu.memory_space<vmem>> -> memref<1x128xi32, #tpu.memory_space<vmem>>
        %dma_wait3A_285 = tpu.memref_squeeze %dma_wait3A_284 : memref<1x128xi32, #tpu.memory_space<vmem>> -> memref<128xi32, #tpu.memory_space<vmem>>
        %dma_wait3A_286 = arith.constant 0 : i32
        %dma_wait3A_287 = arith.constant 0 : i32
        %dma_wait3A_288 = tpu.memref_slice %arg14[%dma_wait3A_286, %dma_wait3A_287] : memref<10240x64xf32, #tpu.memory_space<vmem_shared>> -> memref<10240x64xf32, #tpu.memory_space<vmem_shared>>
        tpu.wait_indirect_dma semaphore(%run_scoped3A_276 : memref<!tpu.dma_semaphore, #tpu.memory_space<semaphore_mem>>) src(%arg9 : memref<128x64xf32, #tpu.memory_space<vmem>>) dst(%dma_wait3A_288 : memref<10240x64xf32, #tpu.memory_space<vmem_shared>>)
        tpu.yield
      }) : () -> ()
      %add3A_178 = arith.constant 1 : i32
      %add3A_179 = arith.addi %mul3A_135, %add3A_178 : i32
      %add3A_180 = arith.constant 5 : i32
      %add3A_181 = arith.addi %add3A_179, %add3A_180 : i32
      %dma_start3A_182 = arith.constant 0 : i32
      %dma_start3A_183 = tpu.memref_slice %arg6[%add3A_181, %dma_start3A_182] : memref<160x128xi32, #tpu.memory_space<vmem>> -> memref<1x128xi32, #tpu.memory_space<vmem>>
      %dma_start3A_184 = tpu.memref_squeeze %dma_start3A_183 : memref<1x128xi32, #tpu.memory_space<vmem>> -> memref<128xi32, #tpu.memory_space<vmem>>
      %dma_start3A_185 = arith.constant 0 : i32
      %dma_start3A_186 = arith.constant 0 : i32
      %dma_start3A_187 = tpu.memref_slice %arg2[%arg0, %dma_start3A_185, %dma_start3A_186] : memref<2x10240x64xf32, #tpu.memory_space<hbm>> -> memref<1x10240x64xf32, #tpu.memory_space<hbm>>
      %dma_start3A_188 = tpu.memref_squeeze %dma_start3A_187 : memref<1x10240x64xf32, #tpu.memory_space<hbm>> -> memref<10240x64xf32, #tpu.memory_space<hbm>>
      %dma_start3A_189 = arith.constant 0 : i32
      %dma_start3A_190 = arith.constant 0 : i32
      %dma_start3A_191 = tpu.memref_slice %dma_start3A_188[%dma_start3A_189, %dma_start3A_190] : memref<10240x64xf32, #tpu.memory_space<hbm>> -> memref<10240x64xf32, #tpu.memory_space<hbm>>
      tpu.enqueue_indirect_dma source(%dma_start3A_191 : memref<10240x64xf32, #tpu.memory_space<hbm>>) target(%arg9 : memref<128x64xf32, #tpu.memory_space<vmem>>) offsets(%dma_start3A_184 : memref<128xi32, #tpu.memory_space<vmem>>) semaphore(%arg16 : memref<!tpu.dma_semaphore, #tpu.memory_space<semaphore_mem>>)
      %add3A_192 = arith.constant 2 : i32
      %add3A_193 = arith.addi %mul3A_135, %add3A_192 : i32
      %dma_wait3A_194 = arith.constant 0 : i32
      %dma_wait3A_195 = tpu.memref_slice %arg6[%add3A_193, %dma_wait3A_194] : memref<160x128xi32, #tpu.memory_space<vmem>> -> memref<1x128xi32, #tpu.memory_space<vmem>>
      %dma_wait3A_196 = tpu.memref_squeeze %dma_wait3A_195 : memref<1x128xi32, #tpu.memory_space<vmem>> -> memref<128xi32, #tpu.memory_space<vmem>>
      %dma_wait3A_197 = arith.constant 0 : i32
      %dma_wait3A_198 = arith.constant 0 : i32
      %dma_wait3A_199 = tpu.memref_slice %arg2[%arg0, %dma_wait3A_197, %dma_wait3A_198] : memref<2x10240x64xf32, #tpu.memory_space<hbm>> -> memref<1x10240x64xf32, #tpu.memory_space<hbm>>
      %dma_wait3A_200 = tpu.memref_squeeze %dma_wait3A_199 : memref<1x10240x64xf32, #tpu.memory_space<hbm>> -> memref<10240x64xf32, #tpu.memory_space<hbm>>
      %dma_wait3A_201 = arith.constant 0 : i32
      %dma_wait3A_202 = arith.constant 0 : i32
      %dma_wait3A_203 = tpu.memref_slice %dma_wait3A_200[%dma_wait3A_201, %dma_wait3A_202] : memref<10240x64xf32, #tpu.memory_space<hbm>> -> memref<10240x64xf32, #tpu.memory_space<hbm>>
      tpu.wait_indirect_dma semaphore(%arg17 : memref<!tpu.dma_semaphore, #tpu.memory_space<semaphore_mem>>) src(%dma_wait3A_203 : memref<10240x64xf32, #tpu.memory_space<hbm>>) dst(%arg10 : memref<128x64xf32, #tpu.memory_space<vmem>>)
      %add3A_204 = arith.constant 2 : i32
      %add3A_205 = arith.addi %mul3A_135, %add3A_204 : i32
      "tpu.region"() ({
        %run_scoped3A_276 = tpu.sem_alloc : memref<!tpu.dma_semaphore, #tpu.memory_space<semaphore_mem>>
        %dma_start3A_277 = arith.constant 0 : i32
        %dma_start3A_278 = tpu.memref_slice %arg7[%add3A_205, %dma_start3A_277] : memref<160x128xi32, #tpu.memory_space<vmem>> -> memref<1x128xi32, #tpu.memory_space<vmem>>
        %dma_start3A_279 = tpu.memref_squeeze %dma_start3A_278 : memref<1x128xi32, #tpu.memory_space<vmem>> -> memref<128xi32, #tpu.memory_space<vmem>>
        %dma_start3A_280 = arith.constant 0 : i32
        %dma_start3A_281 = arith.constant 0 : i32
        %dma_start3A_282 = tpu.memref_slice %arg14[%dma_start3A_280, %dma_start3A_281] : memref<10240x64xf32, #tpu.memory_space<vmem_shared>> -> memref<10240x64xf32, #tpu.memory_space<vmem_shared>>
        tpu.enqueue_indirect_dma source(%arg10 : memref<128x64xf32, #tpu.memory_space<vmem>>) target(%dma_start3A_282 : memref<10240x64xf32, #tpu.memory_space<vmem_shared>>) offsets(%dma_start3A_279 : memref<128xi32, #tpu.memory_space<vmem>>) semaphore(%run_scoped3A_276 : memref<!tpu.dma_semaphore, #tpu.memory_space<semaphore_mem>>) {add = true}
        %dma_wait3A_283 = arith.constant 0 : i32
        %dma_wait3A_284 = tpu.memref_slice %arg7[%add3A_205, %dma_wait3A_283] : memref<160x128xi32, #tpu.memory_space<vmem>> -> memref<1x128xi32, #tpu.memory_space<vmem>>
        %dma_wait3A_285 = tpu.memref_squeeze %dma_wait3A_284 : memref<1x128xi32, #tpu.memory_space<vmem>> -> memref<128xi32, #tpu.memory_space<vmem>>
        %dma_wait3A_286 = arith.constant 0 : i32
        %dma_wait3A_287 = arith.constant 0 : i32
        %dma_wait3A_288 = tpu.memref_slice %arg14[%dma_wait3A_286, %dma_wait3A_287] : memref<10240x64xf32, #tpu.memory_space<vmem_shared>> -> memref<10240x64xf32, #tpu.memory_space<vmem_shared>>
        tpu.wait_indirect_dma semaphore(%run_scoped3A_276 : memref<!tpu.dma_semaphore, #tpu.memory_space<semaphore_mem>>) src(%arg10 : memref<128x64xf32, #tpu.memory_space<vmem>>) dst(%dma_wait3A_288 : memref<10240x64xf32, #tpu.memory_space<vmem_shared>>)
        tpu.yield
      }) : () -> ()
      %add3A_206 = arith.constant 2 : i32
      %add3A_207 = arith.addi %mul3A_135, %add3A_206 : i32
      %add3A_208 = arith.constant 5 : i32
      %add3A_209 = arith.addi %add3A_207, %add3A_208 : i32
      %dma_start3A_210 = arith.constant 0 : i32
      %dma_start3A_211 = tpu.memref_slice %arg6[%add3A_209, %dma_start3A_210] : memref<160x128xi32, #tpu.memory_space<vmem>> -> memref<1x128xi32, #tpu.memory_space<vmem>>
      %dma_start3A_212 = tpu.memref_squeeze %dma_start3A_211 : memref<1x128xi32, #tpu.memory_space<vmem>> -> memref<128xi32, #tpu.memory_space<vmem>>
      %dma_start3A_213 = arith.constant 0 : i32
      %dma_start3A_214 = arith.constant 0 : i32
      %dma_start3A_215 = tpu.memref_slice %arg2[%arg0, %dma_start3A_213, %dma_start3A_214] : memref<2x10240x64xf32, #tpu.memory_space<hbm>> -> memref<1x10240x64xf32, #tpu.memory_space<hbm>>
      %dma_start3A_216 = tpu.memref_squeeze %dma_start3A_215 : memref<1x10240x64xf32, #tpu.memory_space<hbm>> -> memref<10240x64xf32, #tpu.memory_space<hbm>>
      %dma_start3A_217 = arith.constant 0 : i32
      %dma_start3A_218 = arith.constant 0 : i32
      %dma_start3A_219 = tpu.memref_slice %dma_start3A_216[%dma_start3A_217, %dma_start3A_218] : memref<10240x64xf32, #tpu.memory_space<hbm>> -> memref<10240x64xf32, #tpu.memory_space<hbm>>
      tpu.enqueue_indirect_dma source(%dma_start3A_219 : memref<10240x64xf32, #tpu.memory_space<hbm>>) target(%arg10 : memref<128x64xf32, #tpu.memory_space<vmem>>) offsets(%dma_start3A_212 : memref<128xi32, #tpu.memory_space<vmem>>) semaphore(%arg17 : memref<!tpu.dma_semaphore, #tpu.memory_space<semaphore_mem>>)
      %add3A_220 = arith.constant 3 : i32
      %add3A_221 = arith.addi %mul3A_135, %add3A_220 : i32
      %dma_wait3A_222 = arith.constant 0 : i32
      %dma_wait3A_223 = tpu.memref_slice %arg6[%add3A_221, %dma_wait3A_222] : memref<160x128xi32, #tpu.memory_space<vmem>> -> memref<1x128xi32, #tpu.memory_space<vmem>>
      %dma_wait3A_224 = tpu.memref_squeeze %dma_wait3A_223 : memref<1x128xi32, #tpu.memory_space<vmem>> -> memref<128xi32, #tpu.memory_space<vmem>>
      %dma_wait3A_225 = arith.constant 0 : i32
      %dma_wait3A_226 = arith.constant 0 : i32
      %dma_wait3A_227 = tpu.memref_slice %arg2[%arg0, %dma_wait3A_225, %dma_wait3A_226] : memref<2x10240x64xf32, #tpu.memory_space<hbm>> -> memref<1x10240x64xf32, #tpu.memory_space<hbm>>
      %dma_wait3A_228 = tpu.memref_squeeze %dma_wait3A_227 : memref<1x10240x64xf32, #tpu.memory_space<hbm>> -> memref<10240x64xf32, #tpu.memory_space<hbm>>
      %dma_wait3A_229 = arith.constant 0 : i32
      %dma_wait3A_230 = arith.constant 0 : i32
      %dma_wait3A_231 = tpu.memref_slice %dma_wait3A_228[%dma_wait3A_229, %dma_wait3A_230] : memref<10240x64xf32, #tpu.memory_space<hbm>> -> memref<10240x64xf32, #tpu.memory_space<hbm>>
      tpu.wait_indirect_dma semaphore(%arg18 : memref<!tpu.dma_semaphore, #tpu.memory_space<semaphore_mem>>) src(%dma_wait3A_231 : memref<10240x64xf32, #tpu.memory_space<hbm>>) dst(%arg11 : memref<128x64xf32, #tpu.memory_space<vmem>>)
      %add3A_232 = arith.constant 3 : i32
      %add3A_233 = arith.addi %mul3A_135, %add3A_232 : i32
      "tpu.region"() ({
        %run_scoped3A_276 = tpu.sem_alloc : memref<!tpu.dma_semaphore, #tpu.memory_space<semaphore_mem>>
        %dma_start3A_277 = arith.constant 0 : i32
        %dma_start3A_278 = tpu.memref_slice %arg7[%add3A_233, %dma_start3A_277] : memref<160x128xi32, #tpu.memory_space<vmem>> -> memref<1x128xi32, #tpu.memory_space<vmem>>
        %dma_start3A_279 = tpu.memref_squeeze %dma_start3A_278 : memref<1x128xi32, #tpu.memory_space<vmem>> -> memref<128xi32, #tpu.memory_space<vmem>>
        %dma_start3A_280 = arith.constant 0 : i32
        %dma_start3A_281 = arith.constant 0 : i32
        %dma_start3A_282 = tpu.memref_slice %arg14[%dma_start3A_280, %dma_start3A_281] : memref<10240x64xf32, #tpu.memory_space<vmem_shared>> -> memref<10240x64xf32, #tpu.memory_space<vmem_shared>>
        tpu.enqueue_indirect_dma source(%arg11 : memref<128x64xf32, #tpu.memory_space<vmem>>) target(%dma_start3A_282 : memref<10240x64xf32, #tpu.memory_space<vmem_shared>>) offsets(%dma_start3A_279 : memref<128xi32, #tpu.memory_space<vmem>>) semaphore(%run_scoped3A_276 : memref<!tpu.dma_semaphore, #tpu.memory_space<semaphore_mem>>) {add = true}
        %dma_wait3A_283 = arith.constant 0 : i32
        %dma_wait3A_284 = tpu.memref_slice %arg7[%add3A_233, %dma_wait3A_283] : memref<160x128xi32, #tpu.memory_space<vmem>> -> memref<1x128xi32, #tpu.memory_space<vmem>>
        %dma_wait3A_285 = tpu.memref_squeeze %dma_wait3A_284 : memref<1x128xi32, #tpu.memory_space<vmem>> -> memref<128xi32, #tpu.memory_space<vmem>>
        %dma_wait3A_286 = arith.constant 0 : i32
        %dma_wait3A_287 = arith.constant 0 : i32
        %dma_wait3A_288 = tpu.memref_slice %arg14[%dma_wait3A_286, %dma_wait3A_287] : memref<10240x64xf32, #tpu.memory_space<vmem_shared>> -> memref<10240x64xf32, #tpu.memory_space<vmem_shared>>
        tpu.wait_indirect_dma semaphore(%run_scoped3A_276 : memref<!tpu.dma_semaphore, #tpu.memory_space<semaphore_mem>>) src(%arg11 : memref<128x64xf32, #tpu.memory_space<vmem>>) dst(%dma_wait3A_288 : memref<10240x64xf32, #tpu.memory_space<vmem_shared>>)
        tpu.yield
      }) : () -> ()
      %add3A_234 = arith.constant 3 : i32
      %add3A_235 = arith.addi %mul3A_135, %add3A_234 : i32
      %add3A_236 = arith.constant 5 : i32
      %add3A_237 = arith.addi %add3A_235, %add3A_236 : i32
      %dma_start3A_238 = arith.constant 0 : i32
      %dma_start3A_239 = tpu.memref_slice %arg6[%add3A_237, %dma_start3A_238] : memref<160x128xi32, #tpu.memory_space<vmem>> -> memref<1x128xi32, #tpu.memory_space<vmem>>
      %dma_start3A_240 = tpu.memref_squeeze %dma_start3A_239 : memref<1x128xi32, #tpu.memory_space<vmem>> -> memref<128xi32, #tpu.memory_space<vmem>>
      %dma_start3A_241 = arith.constant 0 : i32
      %dma_start3A_242 = arith.constant 0 : i32
      %dma_start3A_243 = tpu.memref_slice %arg2[%arg0, %dma_start3A_241, %dma_start3A_242] : memref<2x10240x64xf32, #tpu.memory_space<hbm>> -> memref<1x10240x64xf32, #tpu.memory_space<hbm>>
      %dma_start3A_244 = tpu.memref_squeeze %dma_start3A_243 : memref<1x10240x64xf32, #tpu.memory_space<hbm>> -> memref<10240x64xf32, #tpu.memory_space<hbm>>
      %dma_start3A_245 = arith.constant 0 : i32
      %dma_start3A_246 = arith.constant 0 : i32
      %dma_start3A_247 = tpu.memref_slice %dma_start3A_244[%dma_start3A_245, %dma_start3A_246] : memref<10240x64xf32, #tpu.memory_space<hbm>> -> memref<10240x64xf32, #tpu.memory_space<hbm>>
      tpu.enqueue_indirect_dma source(%dma_start3A_247 : memref<10240x64xf32, #tpu.memory_space<hbm>>) target(%arg11 : memref<128x64xf32, #tpu.memory_space<vmem>>) offsets(%dma_start3A_240 : memref<128xi32, #tpu.memory_space<vmem>>) semaphore(%arg18 : memref<!tpu.dma_semaphore, #tpu.memory_space<semaphore_mem>>)
      %add3A_248 = arith.constant 4 : i32
      %add3A_249 = arith.addi %mul3A_135, %add3A_248 : i32
      %dma_wait3A_250 = arith.constant 0 : i32
      %dma_wait3A_251 = tpu.memref_slice %arg6[%add3A_249, %dma_wait3A_250] : memref<160x128xi32, #tpu.memory_space<vmem>> -> memref<1x128xi32, #tpu.memory_space<vmem>>
      %dma_wait3A_252 = tpu.memref_squeeze %dma_wait3A_251 : memref<1x128xi32, #tpu.memory_space<vmem>> -> memref<128xi32, #tpu.memory_space<vmem>>
      %dma_wait3A_253 = arith.constant 0 : i32
      %dma_wait3A_254 = arith.constant 0 : i32
      %dma_wait3A_255 = tpu.memref_slice %arg2[%arg0, %dma_wait3A_253, %dma_wait3A_254] : memref<2x10240x64xf32, #tpu.memory_space<hbm>> -> memref<1x10240x64xf32, #tpu.memory_space<hbm>>
      %dma_wait3A_256 = tpu.memref_squeeze %dma_wait3A_255 : memref<1x10240x64xf32, #tpu.memory_space<hbm>> -> memref<10240x64xf32, #tpu.memory_space<hbm>>
      %dma_wait3A_257 = arith.constant 0 : i32
      %dma_wait3A_258 = arith.constant 0 : i32
      %dma_wait3A_259 = tpu.memref_slice %dma_wait3A_256[%dma_wait3A_257, %dma_wait3A_258] : memref<10240x64xf32, #tpu.memory_space<hbm>> -> memref<10240x64xf32, #tpu.memory_space<hbm>>
      tpu.wait_indirect_dma semaphore(%arg19 : memref<!tpu.dma_semaphore, #tpu.memory_space<semaphore_mem>>) src(%dma_wait3A_259 : memref<10240x64xf32, #tpu.memory_space<hbm>>) dst(%arg12 : memref<128x64xf32, #tpu.memory_space<vmem>>)
      %add3A_260 = arith.constant 4 : i32
      %add3A_261 = arith.addi %mul3A_135, %add3A_260 : i32
      "tpu.region"() ({
        %run_scoped3A_276 = tpu.sem_alloc : memref<!tpu.dma_semaphore, #tpu.memory_space<semaphore_mem>>
        %dma_start3A_277 = arith.constant 0 : i32
        %dma_start3A_278 = tpu.memref_slice %arg7[%add3A_261, %dma_start3A_277] : memref<160x128xi32, #tpu.memory_space<vmem>> -> memref<1x128xi32, #tpu.memory_space<vmem>>
        %dma_start3A_279 = tpu.memref_squeeze %dma_start3A_278 : memref<1x128xi32, #tpu.memory_space<vmem>> -> memref<128xi32, #tpu.memory_space<vmem>>
        %dma_start3A_280 = arith.constant 0 : i32
        %dma_start3A_281 = arith.constant 0 : i32
        %dma_start3A_282 = tpu.memref_slice %arg14[%dma_start3A_280, %dma_start3A_281] : memref<10240x64xf32, #tpu.memory_space<vmem_shared>> -> memref<10240x64xf32, #tpu.memory_space<vmem_shared>>
        tpu.enqueue_indirect_dma source(%arg12 : memref<128x64xf32, #tpu.memory_space<vmem>>) target(%dma_start3A_282 : memref<10240x64xf32, #tpu.memory_space<vmem_shared>>) offsets(%dma_start3A_279 : memref<128xi32, #tpu.memory_space<vmem>>) semaphore(%run_scoped3A_276 : memref<!tpu.dma_semaphore, #tpu.memory_space<semaphore_mem>>) {add = true}
        %dma_wait3A_283 = arith.constant 0 : i32
        %dma_wait3A_284 = tpu.memref_slice %arg7[%add3A_261, %dma_wait3A_283] : memref<160x128xi32, #tpu.memory_space<vmem>> -> memref<1x128xi32, #tpu.memory_space<vmem>>
        %dma_wait3A_285 = tpu.memref_squeeze %dma_wait3A_284 : memref<1x128xi32, #tpu.memory_space<vmem>> -> memref<128xi32, #tpu.memory_space<vmem>>
        %dma_wait3A_286 = arith.constant 0 : i32
        %dma_wait3A_287 = arith.constant 0 : i32
        %dma_wait3A_288 = tpu.memref_slice %arg14[%dma_wait3A_286, %dma_wait3A_287] : memref<10240x64xf32, #tpu.memory_space<vmem_shared>> -> memref<10240x64xf32, #tpu.memory_space<vmem_shared>>
        tpu.wait_indirect_dma semaphore(%run_scoped3A_276 : memref<!tpu.dma_semaphore, #tpu.memory_space<semaphore_mem>>) src(%arg12 : memref<128x64xf32, #tpu.memory_space<vmem>>) dst(%dma_wait3A_288 : memref<10240x64xf32, #tpu.memory_space<vmem_shared>>)
        tpu.yield
      }) : () -> ()
      %add3A_262 = arith.constant 4 : i32
      %add3A_263 = arith.addi %mul3A_135, %add3A_262 : i32
      %add3A_264 = arith.constant 5 : i32
      %add3A_265 = arith.addi %add3A_263, %add3A_264 : i32
      %dma_start3A_266 = arith.constant 0 : i32
      %dma_start3A_267 = tpu.memref_slice %arg6[%add3A_265, %dma_start3A_266] : memref<160x128xi32, #tpu.memory_space<vmem>> -> memref<1x128xi32, #tpu.memory_space<vmem>>
      %dma_start3A_268 = tpu.memref_squeeze %dma_start3A_267 : memref<1x128xi32, #tpu.memory_space<vmem>> -> memref<128xi32, #tpu.memory_space<vmem>>
      %dma_start3A_269 = arith.constant 0 : i32
      %dma_start3A_270 = arith.constant 0 : i32
      %dma_start3A_271 = tpu.memref_slice %arg2[%arg0, %dma_start3A_269, %dma_start3A_270] : memref<2x10240x64xf32, #tpu.memory_space<hbm>> -> memref<1x10240x64xf32, #tpu.memory_space<hbm>>
      %dma_start3A_272 = tpu.memref_squeeze %dma_start3A_271 : memref<1x10240x64xf32, #tpu.memory_space<hbm>> -> memref<10240x64xf32, #tpu.memory_space<hbm>>
      %dma_start3A_273 = arith.constant 0 : i32
      %dma_start3A_274 = arith.constant 0 : i32
      %dma_start3A_275 = tpu.memref_slice %dma_start3A_272[%dma_start3A_273, %dma_start3A_274] : memref<10240x64xf32, #tpu.memory_space<hbm>> -> memref<10240x64xf32, #tpu.memory_space<hbm>>
      tpu.enqueue_indirect_dma source(%dma_start3A_275 : memref<10240x64xf32, #tpu.memory_space<hbm>>) target(%arg12 : memref<128x64xf32, #tpu.memory_space<vmem>>) offsets(%dma_start3A_268 : memref<128xi32, #tpu.memory_space<vmem>>) semaphore(%arg19 : memref<!tpu.dma_semaphore, #tpu.memory_space<semaphore_mem>>)
    }
    %scan3A_67 = arith.constant 31 : i32
    %dma_wait3A = arith.constant 155 : i32
    %dma_wait3A_68 = arith.constant 0 : i32
    %dma_wait3A_69 = tpu.memref_slice %arg6[%dma_wait3A, %dma_wait3A_68] : memref<160x128xi32, #tpu.memory_space<vmem>> -> memref<1x128xi32, #tpu.memory_space<vmem>>
    %dma_wait3A_70 = tpu.memref_squeeze %dma_wait3A_69 : memref<1x128xi32, #tpu.memory_space<vmem>> -> memref<128xi32, #tpu.memory_space<vmem>>
    %dma_wait3A_71 = arith.constant 0 : i32
    %dma_wait3A_72 = arith.constant 0 : i32
    %dma_wait3A_73 = tpu.memref_slice %arg2[%arg0, %dma_wait3A_71, %dma_wait3A_72] : memref<2x10240x64xf32, #tpu.memory_space<hbm>> -> memref<1x10240x64xf32, #tpu.memory_space<hbm>>
    %dma_wait3A_74 = tpu.memref_squeeze %dma_wait3A_73 : memref<1x10240x64xf32, #tpu.memory_space<hbm>> -> memref<10240x64xf32, #tpu.memory_space<hbm>>
    %dma_wait3A_75 = arith.constant 0 : i32
    %dma_wait3A_76 = arith.constant 0 : i32
    %dma_wait3A_77 = tpu.memref_slice %dma_wait3A_74[%dma_wait3A_75, %dma_wait3A_76] : memref<10240x64xf32, #tpu.memory_space<hbm>> -> memref<10240x64xf32, #tpu.memory_space<hbm>>
    tpu.wait_indirect_dma semaphore(%arg15 : memref<!tpu.dma_semaphore, #tpu.memory_space<semaphore_mem>>) src(%dma_wait3A_77 : memref<10240x64xf32, #tpu.memory_space<hbm>>) dst(%arg8 : memref<128x64xf32, #tpu.memory_space<vmem>>)
    %run_scoped3A = arith.constant 155 : i32
    "tpu.region"() ({
      %run_scoped3A_130 = tpu.sem_alloc : memref<!tpu.dma_semaphore, #tpu.memory_space<semaphore_mem>>
      %dma_start3A_131 = arith.constant 0 : i32
      %dma_start3A_132 = tpu.memref_slice %arg7[%run_scoped3A, %dma_start3A_131] : memref<160x128xi32, #tpu.memory_space<vmem>> -> memref<1x128xi32, #tpu.memory_space<vmem>>
      %dma_start3A_133 = tpu.memref_squeeze %dma_start3A_132 : memref<1x128xi32, #tpu.memory_space<vmem>> -> memref<128xi32, #tpu.memory_space<vmem>>
      %dma_start3A_134 = arith.constant 0 : i32
      %dma_start3A_135 = arith.constant 0 : i32
      %dma_start3A_136 = tpu.memref_slice %arg14[%dma_start3A_134, %dma_start3A_135] : memref<10240x64xf32, #tpu.memory_space<vmem_shared>> -> memref<10240x64xf32, #tpu.memory_space<vmem_shared>>
      tpu.enqueue_indirect_dma source(%arg8 : memref<128x64xf32, #tpu.memory_space<vmem>>) target(%dma_start3A_136 : memref<10240x64xf32, #tpu.memory_space<vmem_shared>>) offsets(%dma_start3A_133 : memref<128xi32, #tpu.memory_space<vmem>>) semaphore(%run_scoped3A_130 : memref<!tpu.dma_semaphore, #tpu.memory_space<semaphore_mem>>) {add = true}
      %dma_wait3A_137 = arith.constant 0 : i32
      %dma_wait3A_138 = tpu.memref_slice %arg7[%run_scoped3A, %dma_wait3A_137] : memref<160x128xi32, #tpu.memory_space<vmem>> -> memref<1x128xi32, #tpu.memory_space<vmem>>
      %dma_wait3A_139 = tpu.memref_squeeze %dma_wait3A_138 : memref<1x128xi32, #tpu.memory_space<vmem>> -> memref<128xi32, #tpu.memory_space<vmem>>
      %dma_wait3A_140 = arith.constant 0 : i32
      %dma_wait3A_141 = arith.constant 0 : i32
      %dma_wait3A_142 = tpu.memref_slice %arg14[%dma_wait3A_140, %dma_wait3A_141] : memref<10240x64xf32, #tpu.memory_space<vmem_shared>> -> memref<10240x64xf32, #tpu.memory_space<vmem_shared>>
      tpu.wait_indirect_dma semaphore(%run_scoped3A_130 : memref<!tpu.dma_semaphore, #tpu.memory_space<semaphore_mem>>) src(%arg8 : memref<128x64xf32, #tpu.memory_space<vmem>>) dst(%dma_wait3A_142 : memref<10240x64xf32, #tpu.memory_space<vmem_shared>>)
      tpu.yield
    }) : () -> ()
    %dma_wait3A_78 = arith.constant 156 : i32
    %dma_wait3A_79 = arith.constant 0 : i32
    %dma_wait3A_80 = tpu.memref_slice %arg6[%dma_wait3A_78, %dma_wait3A_79] : memref<160x128xi32, #tpu.memory_space<vmem>> -> memref<1x128xi32, #tpu.memory_space<vmem>>
    %dma_wait3A_81 = tpu.memref_squeeze %dma_wait3A_80 : memref<1x128xi32, #tpu.memory_space<vmem>> -> memref<128xi32, #tpu.memory_space<vmem>>
    %dma_wait3A_82 = arith.constant 0 : i32
    %dma_wait3A_83 = arith.constant 0 : i32
    %dma_wait3A_84 = tpu.memref_slice %arg2[%arg0, %dma_wait3A_82, %dma_wait3A_83] : memref<2x10240x64xf32, #tpu.memory_space<hbm>> -> memref<1x10240x64xf32, #tpu.memory_space<hbm>>
    %dma_wait3A_85 = tpu.memref_squeeze %dma_wait3A_84 : memref<1x10240x64xf32, #tpu.memory_space<hbm>> -> memref<10240x64xf32, #tpu.memory_space<hbm>>
    %dma_wait3A_86 = arith.constant 0 : i32
    %dma_wait3A_87 = arith.constant 0 : i32
    %dma_wait3A_88 = tpu.memref_slice %dma_wait3A_85[%dma_wait3A_86, %dma_wait3A_87] : memref<10240x64xf32, #tpu.memory_space<hbm>> -> memref<10240x64xf32, #tpu.memory_space<hbm>>
    tpu.wait_indirect_dma semaphore(%arg16 : memref<!tpu.dma_semaphore, #tpu.memory_space<semaphore_mem>>) src(%dma_wait3A_88 : memref<10240x64xf32, #tpu.memory_space<hbm>>) dst(%arg9 : memref<128x64xf32, #tpu.memory_space<vmem>>)
    %run_scoped3A_89 = arith.constant 156 : i32
    "tpu.region"() ({
      %run_scoped3A_130 = tpu.sem_alloc : memref<!tpu.dma_semaphore, #tpu.memory_space<semaphore_mem>>
      %dma_start3A_131 = arith.constant 0 : i32
      %dma_start3A_132 = tpu.memref_slice %arg7[%run_scoped3A_89, %dma_start3A_131] : memref<160x128xi32, #tpu.memory_space<vmem>> -> memref<1x128xi32, #tpu.memory_space<vmem>>
      %dma_start3A_133 = tpu.memref_squeeze %dma_start3A_132 : memref<1x128xi32, #tpu.memory_space<vmem>> -> memref<128xi32, #tpu.memory_space<vmem>>
      %dma_start3A_134 = arith.constant 0 : i32
      %dma_start3A_135 = arith.constant 0 : i32
      %dma_start3A_136 = tpu.memref_slice %arg14[%dma_start3A_134, %dma_start3A_135] : memref<10240x64xf32, #tpu.memory_space<vmem_shared>> -> memref<10240x64xf32, #tpu.memory_space<vmem_shared>>
      tpu.enqueue_indirect_dma source(%arg9 : memref<128x64xf32, #tpu.memory_space<vmem>>) target(%dma_start3A_136 : memref<10240x64xf32, #tpu.memory_space<vmem_shared>>) offsets(%dma_start3A_133 : memref<128xi32, #tpu.memory_space<vmem>>) semaphore(%run_scoped3A_130 : memref<!tpu.dma_semaphore, #tpu.memory_space<semaphore_mem>>) {add = true}
      %dma_wait3A_137 = arith.constant 0 : i32
      %dma_wait3A_138 = tpu.memref_slice %arg7[%run_scoped3A_89, %dma_wait3A_137] : memref<160x128xi32, #tpu.memory_space<vmem>> -> memref<1x128xi32, #tpu.memory_space<vmem>>
      %dma_wait3A_139 = tpu.memref_squeeze %dma_wait3A_138 : memref<1x128xi32, #tpu.memory_space<vmem>> -> memref<128xi32, #tpu.memory_space<vmem>>
      %dma_wait3A_140 = arith.constant 0 : i32
      %dma_wait3A_141 = arith.constant 0 : i32
      %dma_wait3A_142 = tpu.memref_slice %arg14[%dma_wait3A_140, %dma_wait3A_141] : memref<10240x64xf32, #tpu.memory_space<vmem_shared>> -> memref<10240x64xf32, #tpu.memory_space<vmem_shared>>
      tpu.wait_indirect_dma semaphore(%run_scoped3A_130 : memref<!tpu.dma_semaphore, #tpu.memory_space<semaphore_mem>>) src(%arg9 : memref<128x64xf32, #tpu.memory_space<vmem>>) dst(%dma_wait3A_142 : memref<10240x64xf32, #tpu.memory_space<vmem_shared>>)
      tpu.yield
    }) : () -> ()
    %dma_wait3A_90 = arith.constant 157 : i32
    %dma_wait3A_91 = arith.constant 0 : i32
    %dma_wait3A_92 = tpu.memref_slice %arg6[%dma_wait3A_90, %dma_wait3A_91] : memref<160x128xi32, #tpu.memory_space<vmem>> -> memref<1x128xi32, #tpu.memory_space<vmem>>
    %dma_wait3A_93 = tpu.memref_squeeze %dma_wait3A_92 : memref<1x128xi32, #tpu.memory_space<vmem>> -> memref<128xi32, #tpu.memory_space<vmem>>
    %dma_wait3A_94 = arith.constant 0 : i32
    %dma_wait3A_95 = arith.constant 0 : i32
    %dma_wait3A_96 = tpu.memref_slice %arg2[%arg0, %dma_wait3A_94, %dma_wait3A_95] : memref<2x10240x64xf32, #tpu.memory_space<hbm>> -> memref<1x10240x64xf32, #tpu.memory_space<hbm>>
    %dma_wait3A_97 = tpu.memref_squeeze %dma_wait3A_96 : memref<1x10240x64xf32, #tpu.memory_space<hbm>> -> memref<10240x64xf32, #tpu.memory_space<hbm>>
    %dma_wait3A_98 = arith.constant 0 : i32
    %dma_wait3A_99 = arith.constant 0 : i32
    %dma_wait3A_100 = tpu.memref_slice %dma_wait3A_97[%dma_wait3A_98, %dma_wait3A_99] : memref<10240x64xf32, #tpu.memory_space<hbm>> -> memref<10240x64xf32, #tpu.memory_space<hbm>>
    tpu.wait_indirect_dma semaphore(%arg17 : memref<!tpu.dma_semaphore, #tpu.memory_space<semaphore_mem>>) src(%dma_wait3A_100 : memref<10240x64xf32, #tpu.memory_space<hbm>>) dst(%arg10 : memref<128x64xf32, #tpu.memory_space<vmem>>)
    %run_scoped3A_101 = arith.constant 157 : i32
    "tpu.region"() ({
      %run_scoped3A_130 = tpu.sem_alloc : memref<!tpu.dma_semaphore, #tpu.memory_space<semaphore_mem>>
      %dma_start3A_131 = arith.constant 0 : i32
      %dma_start3A_132 = tpu.memref_slice %arg7[%run_scoped3A_101, %dma_start3A_131] : memref<160x128xi32, #tpu.memory_space<vmem>> -> memref<1x128xi32, #tpu.memory_space<vmem>>
      %dma_start3A_133 = tpu.memref_squeeze %dma_start3A_132 : memref<1x128xi32, #tpu.memory_space<vmem>> -> memref<128xi32, #tpu.memory_space<vmem>>
      %dma_start3A_134 = arith.constant 0 : i32
      %dma_start3A_135 = arith.constant 0 : i32
      %dma_start3A_136 = tpu.memref_slice %arg14[%dma_start3A_134, %dma_start3A_135] : memref<10240x64xf32, #tpu.memory_space<vmem_shared>> -> memref<10240x64xf32, #tpu.memory_space<vmem_shared>>
      tpu.enqueue_indirect_dma source(%arg10 : memref<128x64xf32, #tpu.memory_space<vmem>>) target(%dma_start3A_136 : memref<10240x64xf32, #tpu.memory_space<vmem_shared>>) offsets(%dma_start3A_133 : memref<128xi32, #tpu.memory_space<vmem>>) semaphore(%run_scoped3A_130 : memref<!tpu.dma_semaphore, #tpu.memory_space<semaphore_mem>>) {add = true}
      %dma_wait3A_137 = arith.constant 0 : i32
      %dma_wait3A_138 = tpu.memref_slice %arg7[%run_scoped3A_101, %dma_wait3A_137] : memref<160x128xi32, #tpu.memory_space<vmem>> -> memref<1x128xi32, #tpu.memory_space<vmem>>
      %dma_wait3A_139 = tpu.memref_squeeze %dma_wait3A_138 : memref<1x128xi32, #tpu.memory_space<vmem>> -> memref<128xi32, #tpu.memory_space<vmem>>
      %dma_wait3A_140 = arith.constant 0 : i32
      %dma_wait3A_141 = arith.constant 0 : i32
      %dma_wait3A_142 = tpu.memref_slice %arg14[%dma_wait3A_140, %dma_wait3A_141] : memref<10240x64xf32, #tpu.memory_space<vmem_shared>> -> memref<10240x64xf32, #tpu.memory_space<vmem_shared>>
      tpu.wait_indirect_dma semaphore(%run_scoped3A_130 : memref<!tpu.dma_semaphore, #tpu.memory_space<semaphore_mem>>) src(%arg10 : memref<128x64xf32, #tpu.memory_space<vmem>>) dst(%dma_wait3A_142 : memref<10240x64xf32, #tpu.memory_space<vmem_shared>>)
      tpu.yield
    }) : () -> ()
    %dma_wait3A_102 = arith.constant 158 : i32
    %dma_wait3A_103 = arith.constant 0 : i32
    %dma_wait3A_104 = tpu.memref_slice %arg6[%dma_wait3A_102, %dma_wait3A_103] : memref<160x128xi32, #tpu.memory_space<vmem>> -> memref<1x128xi32, #tpu.memory_space<vmem>>
    %dma_wait3A_105 = tpu.memref_squeeze %dma_wait3A_104 : memref<1x128xi32, #tpu.memory_space<vmem>> -> memref<128xi32, #tpu.memory_space<vmem>>
    %dma_wait3A_106 = arith.constant 0 : i32
    %dma_wait3A_107 = arith.constant 0 : i32
    %dma_wait3A_108 = tpu.memref_slice %arg2[%arg0, %dma_wait3A_106, %dma_wait3A_107] : memref<2x10240x64xf32, #tpu.memory_space<hbm>> -> memref<1x10240x64xf32, #tpu.memory_space<hbm>>
    %dma_wait3A_109 = tpu.memref_squeeze %dma_wait3A_108 : memref<1x10240x64xf32, #tpu.memory_space<hbm>> -> memref<10240x64xf32, #tpu.memory_space<hbm>>
    %dma_wait3A_110 = arith.constant 0 : i32
    %dma_wait3A_111 = arith.constant 0 : i32
    %dma_wait3A_112 = tpu.memref_slice %dma_wait3A_109[%dma_wait3A_110, %dma_wait3A_111] : memref<10240x64xf32, #tpu.memory_space<hbm>> -> memref<10240x64xf32, #tpu.memory_space<hbm>>
    tpu.wait_indirect_dma semaphore(%arg18 : memref<!tpu.dma_semaphore, #tpu.memory_space<semaphore_mem>>) src(%dma_wait3A_112 : memref<10240x64xf32, #tpu.memory_space<hbm>>) dst(%arg11 : memref<128x64xf32, #tpu.memory_space<vmem>>)
    %run_scoped3A_113 = arith.constant 158 : i32
    "tpu.region"() ({
      %run_scoped3A_130 = tpu.sem_alloc : memref<!tpu.dma_semaphore, #tpu.memory_space<semaphore_mem>>
      %dma_start3A_131 = arith.constant 0 : i32
      %dma_start3A_132 = tpu.memref_slice %arg7[%run_scoped3A_113, %dma_start3A_131] : memref<160x128xi32, #tpu.memory_space<vmem>> -> memref<1x128xi32, #tpu.memory_space<vmem>>
      %dma_start3A_133 = tpu.memref_squeeze %dma_start3A_132 : memref<1x128xi32, #tpu.memory_space<vmem>> -> memref<128xi32, #tpu.memory_space<vmem>>
      %dma_start3A_134 = arith.constant 0 : i32
      %dma_start3A_135 = arith.constant 0 : i32
      %dma_start3A_136 = tpu.memref_slice %arg14[%dma_start3A_134, %dma_start3A_135] : memref<10240x64xf32, #tpu.memory_space<vmem_shared>> -> memref<10240x64xf32, #tpu.memory_space<vmem_shared>>
      tpu.enqueue_indirect_dma source(%arg11 : memref<128x64xf32, #tpu.memory_space<vmem>>) target(%dma_start3A_136 : memref<10240x64xf32, #tpu.memory_space<vmem_shared>>) offsets(%dma_start3A_133 : memref<128xi32, #tpu.memory_space<vmem>>) semaphore(%run_scoped3A_130 : memref<!tpu.dma_semaphore, #tpu.memory_space<semaphore_mem>>) {add = true}
      %dma_wait3A_137 = arith.constant 0 : i32
      %dma_wait3A_138 = tpu.memref_slice %arg7[%run_scoped3A_113, %dma_wait3A_137] : memref<160x128xi32, #tpu.memory_space<vmem>> -> memref<1x128xi32, #tpu.memory_space<vmem>>
      %dma_wait3A_139 = tpu.memref_squeeze %dma_wait3A_138 : memref<1x128xi32, #tpu.memory_space<vmem>> -> memref<128xi32, #tpu.memory_space<vmem>>
      %dma_wait3A_140 = arith.constant 0 : i32
      %dma_wait3A_141 = arith.constant 0 : i32
      %dma_wait3A_142 = tpu.memref_slice %arg14[%dma_wait3A_140, %dma_wait3A_141] : memref<10240x64xf32, #tpu.memory_space<vmem_shared>> -> memref<10240x64xf32, #tpu.memory_space<vmem_shared>>
      tpu.wait_indirect_dma semaphore(%run_scoped3A_130 : memref<!tpu.dma_semaphore, #tpu.memory_space<semaphore_mem>>) src(%arg11 : memref<128x64xf32, #tpu.memory_space<vmem>>) dst(%dma_wait3A_142 : memref<10240x64xf32, #tpu.memory_space<vmem_shared>>)
      tpu.yield
    }) : () -> ()
    %dma_wait3A_114 = arith.constant 159 : i32
    %dma_wait3A_115 = arith.constant 0 : i32
    %dma_wait3A_116 = tpu.memref_slice %arg6[%dma_wait3A_114, %dma_wait3A_115] : memref<160x128xi32, #tpu.memory_space<vmem>> -> memref<1x128xi32, #tpu.memory_space<vmem>>
    %dma_wait3A_117 = tpu.memref_squeeze %dma_wait3A_116 : memref<1x128xi32, #tpu.memory_space<vmem>> -> memref<128xi32, #tpu.memory_space<vmem>>
    %dma_wait3A_118 = arith.constant 0 : i32
    %dma_wait3A_119 = arith.constant 0 : i32
    %dma_wait3A_120 = tpu.memref_slice %arg2[%arg0, %dma_wait3A_118, %dma_wait3A_119] : memref<2x10240x64xf32, #tpu.memory_space<hbm>> -> memref<1x10240x64xf32, #tpu.memory_space<hbm>>
    %dma_wait3A_121 = tpu.memref_squeeze %dma_wait3A_120 : memref<1x10240x64xf32, #tpu.memory_space<hbm>> -> memref<10240x64xf32, #tpu.memory_space<hbm>>
    %dma_wait3A_122 = arith.constant 0 : i32
    %dma_wait3A_123 = arith.constant 0 : i32
    %dma_wait3A_124 = tpu.memref_slice %dma_wait3A_121[%dma_wait3A_122, %dma_wait3A_123] : memref<10240x64xf32, #tpu.memory_space<hbm>> -> memref<10240x64xf32, #tpu.memory_space<hbm>>
    tpu.wait_indirect_dma semaphore(%arg19 : memref<!tpu.dma_semaphore, #tpu.memory_space<semaphore_mem>>) src(%dma_wait3A_124 : memref<10240x64xf32, #tpu.memory_space<hbm>>) dst(%arg12 : memref<128x64xf32, #tpu.memory_space<vmem>>)
    %run_scoped3A_125 = arith.constant 159 : i32
    "tpu.region"() ({
      %run_scoped3A_130 = tpu.sem_alloc : memref<!tpu.dma_semaphore, #tpu.memory_space<semaphore_mem>>
      %dma_start3A_131 = arith.constant 0 : i32
      %dma_start3A_132 = tpu.memref_slice %arg7[%run_scoped3A_125, %dma_start3A_131] : memref<160x128xi32, #tpu.memory_space<vmem>> -> memref<1x128xi32, #tpu.memory_space<vmem>>
      %dma_start3A_133 = tpu.memref_squeeze %dma_start3A_132 : memref<1x128xi32, #tpu.memory_space<vmem>> -> memref<128xi32, #tpu.memory_space<vmem>>
      %dma_start3A_134 = arith.constant 0 : i32
      %dma_start3A_135 = arith.constant 0 : i32
      %dma_start3A_136 = tpu.memref_slice %arg14[%dma_start3A_134, %dma_start3A_135] : memref<10240x64xf32, #tpu.memory_space<vmem_shared>> -> memref<10240x64xf32, #tpu.memory_space<vmem_shared>>
      tpu.enqueue_indirect_dma source(%arg12 : memref<128x64xf32, #tpu.memory_space<vmem>>) target(%dma_start3A_136 : memref<10240x64xf32, #tpu.memory_space<vmem_shared>>) offsets(%dma_start3A_133 : memref<128xi32, #tpu.memory_space<vmem>>) semaphore(%run_scoped3A_130 : memref<!tpu.dma_semaphore, #tpu.memory_space<semaphore_mem>>) {add = true}
      %dma_wait3A_137 = arith.constant 0 : i32
      %dma_wait3A_138 = tpu.memref_slice %arg7[%run_scoped3A_125, %dma_wait3A_137] : memref<160x128xi32, #tpu.memory_space<vmem>> -> memref<1x128xi32, #tpu.memory_space<vmem>>
      %dma_wait3A_139 = tpu.memref_squeeze %dma_wait3A_138 : memref<1x128xi32, #tpu.memory_space<vmem>> -> memref<128xi32, #tpu.memory_space<vmem>>
      %dma_wait3A_140 = arith.constant 0 : i32
      %dma_wait3A_141 = arith.constant 0 : i32
      %dma_wait3A_142 = tpu.memref_slice %arg14[%dma_wait3A_140, %dma_wait3A_141] : memref<10240x64xf32, #tpu.memory_space<vmem_shared>> -> memref<10240x64xf32, #tpu.memory_space<vmem_shared>>
      tpu.wait_indirect_dma semaphore(%run_scoped3A_130 : memref<!tpu.dma_semaphore, #tpu.memory_space<semaphore_mem>>) src(%arg12 : memref<128x64xf32, #tpu.memory_space<vmem>>) dst(%dma_wait3A_142 : memref<10240x64xf32, #tpu.memory_space<vmem_shared>>)
      tpu.yield
    }) : () -> ()
    %barrier3A_126 = arith.constant 0 : index
    tpu.barrier barrier_id(%barrier3A_126)
    %mul3A = arith.constant 640 : i32
    %mul3A_127 = arith.muli %arg1, %mul3A : i32
    %mul3A_128 = arith.constant 640 : i32
    %mul3A_129 = arith.muli %arg1, %mul3A_128 : i32
    "tpu.region"() ({
      %run_scoped3A_130 = tpu.sem_alloc : memref<!tpu.dma_semaphore, #tpu.memory_space<semaphore_mem>>
      %dma_start3A_131 = arith.constant 0 : i32
      %dma_start3A_132 = arith.constant 0 : i32
      %dma_start3A_133 = tpu.memref_slice %arg5[%arg0, %dma_start3A_131, %dma_start3A_132] : memref<2x10240x64xf32, #tpu.memory_space<hbm>> -> memref<1x10240x64xf32, #tpu.memory_space<hbm>>
      %dma_start3A_134 = tpu.memref_squeeze %dma_start3A_133 : memref<1x10240x64xf32, #tpu.memory_space<hbm>> -> memref<10240x64xf32, #tpu.memory_space<hbm>>
      %dma_start3A_135 = arith.constant 0 : i32
      %dma_start3A_136 = tpu.memref_slice %dma_start3A_134[%mul3A_129, %dma_start3A_135] : memref<10240x64xf32, #tpu.memory_space<hbm>> -> memref<640x64xf32, #tpu.memory_space<hbm>>
      %dma_start3A_137 = arith.constant 0 : i32
      %dma_start3A_138 = tpu.memref_slice %arg14[%mul3A_127, %dma_start3A_137] : memref<10240x64xf32, #tpu.memory_space<vmem_shared>> -> memref<640x64xf32, #tpu.memory_space<vmem_shared>>
      tpu.enqueue_dma source(%dma_start3A_138 : memref<640x64xf32, #tpu.memory_space<vmem_shared>>) target(%dma_start3A_136 : memref<640x64xf32, #tpu.memory_space<hbm>>) target_semaphore(%run_scoped3A_130 : memref<!tpu.dma_semaphore, #tpu.memory_space<semaphore_mem>>)
      %dma_wait3A_139 = arith.constant 0 : i32
      %dma_wait3A_140 = arith.constant 0 : i32
      %dma_wait3A_141 = tpu.memref_slice %arg5[%arg0, %dma_wait3A_139, %dma_wait3A_140] : memref<2x10240x64xf32, #tpu.memory_space<hbm>> -> memref<1x10240x64xf32, #tpu.memory_space<hbm>>
      %dma_wait3A_142 = tpu.memref_squeeze %dma_wait3A_141 : memref<1x10240x64xf32, #tpu.memory_space<hbm>> -> memref<10240x64xf32, #tpu.memory_space<hbm>>
      %dma_wait3A_143 = arith.constant 0 : i32
      %dma_wait3A_144 = tpu.memref_slice %dma_wait3A_142[%mul3A_129, %dma_wait3A_143] : memref<10240x64xf32, #tpu.memory_space<hbm>> -> memref<640x64xf32, #tpu.memory_space<hbm>>
      %dma_wait3A_145 = arith.constant 0 : i32
      %dma_wait3A_146 = tpu.memref_slice %arg14[%mul3A_127, %dma_wait3A_145] : memref<10240x64xf32, #tpu.memory_space<vmem_shared>> -> memref<640x64xf32, #tpu.memory_space<vmem_shared>>
      tpu.wait_dma2 semaphore(%run_scoped3A_130 : memref<!tpu.dma_semaphore, #tpu.memory_space<semaphore_mem>>) src(%dma_wait3A_146 : memref<640x64xf32, #tpu.memory_space<vmem_shared>>) dst(%dma_wait3A_144 : memref<640x64xf32, #tpu.memory_space<hbm>>)
      tpu.yield
    }) : () -> ()
    return
  }
}

module attributes {stable_mosaic.version = 14 : i64} {
  func.func @_tc_first(%arg0: memref<10240x128xf32, #tpu.memory_space<vmem>>, %arg1: memref<128x128xf32, #tpu.memory_space<vmem>>, %arg2: memref<2x10240x16xf32, #tpu.memory_space<vmem>>, %arg3: memref<2x10240x64xf32, #tpu.memory_space<vmem>>, %arg4: memref<10240x1xf32, #tpu.memory_space<vmem>>) attributes {dimension_semantics = [], scalar_prefetch = 0 : i64, scratch_operands = 0 : i64, tpu.core_type = #tpu.core_type<tc>} {
    %get3A = arith.constant 0 : index
    %get3A_0 = arith.constant 0 : index
    %get3A_1 = arith.constant 0 : index
    %get3A_2 = vector.load %arg2[%get3A, %get3A_0, %get3A_1] : memref<2x10240x16xf32, #tpu.memory_space<vmem>>, vector<1x10240x1xf32>
    %get3A_3 = vector.shape_cast %get3A_2 : vector<1x10240x1xf32> to vector<10240x1xf32>
    %get3A_4 = arith.constant 1 : index
    %get3A_5 = arith.constant 0 : index
    %get3A_6 = arith.constant 0 : index
    %get3A_7 = vector.load %arg2[%get3A_4, %get3A_5, %get3A_6] : memref<2x10240x16xf32, #tpu.memory_space<vmem>>, vector<1x10240x1xf32>
    %get3A_8 = vector.shape_cast %get3A_7 : vector<1x10240x1xf32> to vector<10240x1xf32>
    %add3A = arith.addf %get3A_3, %get3A_8 : vector<10240x1xf32>
    %add3A_9 = arith.constant 1.000000e+00 : f32
    %add3A_10 = vector.broadcast %add3A_9 : f32 to vector<10240x1xf32>
    %add3A_11 = arith.addf %add3A, %add3A_10 : vector<10240x1xf32>
    %rsqrt3A = math.rsqrt %add3A_11 : vector<10240x1xf32>
    %swap3A = arith.constant 0 : index
    %swap3A_12 = arith.constant 0 : index
    %swap3A_13 = vector.load %arg4[%swap3A, %swap3A_12] : memref<10240x1xf32, #tpu.memory_space<vmem>>, vector<10240x1xf32>
    tpu.vector_store %arg4[%swap3A, %swap3A_12], %rsqrt3A {strides = array<i32>} : memref<10240x1xf32, #tpu.memory_space<vmem>>, vector<10240x1xf32>,
    %get3A_14 = arith.constant 0 : index
    %get3A_15 = arith.constant 0 : index
    %get3A_16 = vector.load %arg0[%get3A_14, %get3A_15] : memref<10240x128xf32, #tpu.memory_space<vmem>>, vector<10240x128xf32>
    %get3A_17 = arith.constant 0 : index
    %get3A_18 = arith.constant 0 : index
    %get3A_19 = vector.load %arg1[%get3A_17, %get3A_18] : memref<128x128xf32, #tpu.memory_space<vmem>>, vector<128x128xf32>
    %dot_general3A = arith.constant dense<0.000000e+00> : vector<10240x128xf32>
    %dot_general3A_20 = tpu.matmul %get3A_16, %get3A_19, %dot_general3A {dimension_numbers = #tpu.dot_dimension_numbers<[1], [0], [0], [1], [0, 0, 1, 1], [], []>, transpose_lhs_hint = false} : vector<10240x128xf32>, vector<128x128xf32>, vector<10240x128xf32> -> vector<10240x128xf32>
    %mul3A = vector.broadcast %rsqrt3A : vector<10240x1xf32> to vector<10240x128xf32>
    %mul3A_21 = arith.mulf %dot_general3A_20, %mul3A : vector<10240x128xf32>
    %slice3A = vector.extract_strided_slice %mul3A_21 {offsets = [0, 0], sizes = [10240, 64], strides = [1, 1]} : vector<10240x128xf32> to vector<10240x64xf32>
    %swap3A_22 = arith.constant 0 : index
    %swap3A_23 = arith.constant 0 : index
    %swap3A_24 = arith.constant 0 : index
    %swap3A_25 = vector.load %arg3[%swap3A_22, %swap3A_23, %swap3A_24] : memref<2x10240x64xf32, #tpu.memory_space<vmem>>, vector<1x10240x64xf32>
    %swap3A_26 = vector.shape_cast %swap3A_25 : vector<1x10240x64xf32> to vector<10240x64xf32>
    %swap3A_27 = vector.shape_cast %slice3A : vector<10240x64xf32> to vector<1x10240x64xf32>
    tpu.vector_store %arg3[%swap3A_22, %swap3A_23, %swap3A_24], %swap3A_27 {strides = array<i32>} : memref<2x10240x64xf32, #tpu.memory_space<vmem>>, vector<1x10240x64xf32>,
    %slice3A_28 = vector.extract_strided_slice %mul3A_21 {offsets = [0, 64], sizes = [10240, 64], strides = [1, 1]} : vector<10240x128xf32> to vector<10240x64xf32>
    %swap3A_29 = arith.constant 1 : index
    %swap3A_30 = arith.constant 0 : index
    %swap3A_31 = arith.constant 0 : index
    %swap3A_32 = vector.load %arg3[%swap3A_29, %swap3A_30, %swap3A_31] : memref<2x10240x64xf32, #tpu.memory_space<vmem>>, vector<1x10240x64xf32>
    %swap3A_33 = vector.shape_cast %swap3A_32 : vector<1x10240x64xf32> to vector<10240x64xf32>
    %swap3A_34 = vector.shape_cast %slice3A_28 : vector<10240x64xf32> to vector<1x10240x64xf32>
    tpu.vector_store %arg3[%swap3A_29, %swap3A_30, %swap3A_31], %swap3A_34 {strides = array<i32>} : memref<2x10240x64xf32, #tpu.memory_space<vmem>>, vector<1x10240x64xf32>,
    return
  }
}

module attributes {stable_mosaic.version = 14 : i64} {
  func.func @_tc_mid(%arg0: memref<2x10240x64xf32, #tpu.memory_space<vmem>>, %arg1: memref<2x10240x64xf32, #tpu.memory_space<vmem>>, %arg2: memref<10240x1xf32, #tpu.memory_space<vmem>>, %arg3: memref<1x128xf32, #tpu.memory_space<vmem>>, %arg4: memref<128x128xf32, #tpu.memory_space<vmem>>, %arg5: memref<2x10240x64xf32, #tpu.memory_space<vmem>>) attributes {dimension_semantics = [], scalar_prefetch = 0 : i64, scratch_operands = 0 : i64, tpu.core_type = #tpu.core_type<tc>} {
    %get3A = arith.constant 0 : index
    %get3A_0 = arith.constant 0 : index
    %get3A_1 = arith.constant 0 : index
    %get3A_2 = vector.load %arg0[%get3A, %get3A_0, %get3A_1] : memref<2x10240x64xf32, #tpu.memory_space<vmem>>, vector<1x10240x64xf32>
    %get3A_3 = vector.shape_cast %get3A_2 : vector<1x10240x64xf32> to vector<10240x64xf32>
    %get3A_4 = arith.constant 0 : index
    %get3A_5 = arith.constant 0 : index
    %get3A_6 = arith.constant 0 : index
    %get3A_7 = vector.load %arg1[%get3A_4, %get3A_5, %get3A_6] : memref<2x10240x64xf32, #tpu.memory_space<vmem>>, vector<1x10240x64xf32>
    %get3A_8 = vector.shape_cast %get3A_7 : vector<1x10240x64xf32> to vector<10240x64xf32>
    %add3A = arith.addf %get3A_3, %get3A_8 : vector<10240x64xf32>
    %get3A_9 = arith.constant 1 : index
    %get3A_10 = arith.constant 0 : index
    %get3A_11 = arith.constant 0 : index
    %get3A_12 = vector.load %arg0[%get3A_9, %get3A_10, %get3A_11] : memref<2x10240x64xf32, #tpu.memory_space<vmem>>, vector<1x10240x64xf32>
    %get3A_13 = vector.shape_cast %get3A_12 : vector<1x10240x64xf32> to vector<10240x64xf32>
    %get3A_14 = arith.constant 1 : index
    %get3A_15 = arith.constant 0 : index
    %get3A_16 = arith.constant 0 : index
    %get3A_17 = vector.load %arg1[%get3A_14, %get3A_15, %get3A_16] : memref<2x10240x64xf32, #tpu.memory_space<vmem>>, vector<1x10240x64xf32>
    %get3A_18 = vector.shape_cast %get3A_17 : vector<1x10240x64xf32> to vector<10240x64xf32>
    %add3A_19 = arith.addf %get3A_13, %get3A_18 : vector<10240x64xf32>
    %concatenate3A = tpu.concatenate %add3A, %add3A_19 in 1 : vector<10240x64xf32>, vector<10240x64xf32> -> vector<10240x128xf32>
    %get3A_20 = arith.constant 0 : index
    %get3A_21 = arith.constant 0 : index
    %get3A_22 = vector.load %arg2[%get3A_20, %get3A_21] : memref<10240x1xf32, #tpu.memory_space<vmem>>, vector<10240x1xf32>
    %mul3A = vector.broadcast %get3A_22 : vector<10240x1xf32> to vector<10240x128xf32>
    %mul3A_23 = arith.mulf %concatenate3A, %mul3A : vector<10240x128xf32>
    %get3A_24 = arith.constant 0 : index
    %get3A_25 = arith.constant 0 : index
    %get3A_26 = vector.load %arg3[%get3A_24, %get3A_25] : memref<1x128xf32, #tpu.memory_space<vmem>>, vector<1x128xf32>
    %add3A_27 = vector.broadcast %get3A_26 : vector<1x128xf32> to vector<10240x128xf32>
    %add3A_28 = arith.addf %mul3A_23, %add3A_27 : vector<10240x128xf32>
    %max3A = arith.constant 0.000000e+00 : f32
    %max3A_29 = vector.broadcast %max3A : f32 to vector<10240x128xf32>
    %max3A_30 = arith.maximumf %add3A_28, %max3A_29 : vector<10240x128xf32>
    %get3A_31 = arith.constant 0 : index
    %get3A_32 = arith.constant 0 : index
    %get3A_33 = vector.load %arg4[%get3A_31, %get3A_32] : memref<128x128xf32, #tpu.memory_space<vmem>>, vector<128x128xf32>
    %dot_general3A = arith.constant dense<0.000000e+00> : vector<10240x128xf32>
    %dot_general3A_34 = tpu.matmul %max3A_30, %get3A_33, %dot_general3A {dimension_numbers = #tpu.dot_dimension_numbers<[1], [0], [0], [1], [0, 0, 1, 1], [], []>, transpose_lhs_hint = false} : vector<10240x128xf32>, vector<128x128xf32>, vector<10240x128xf32> -> vector<10240x128xf32>
    %get3A_35 = arith.constant 0 : index
    %get3A_36 = arith.constant 0 : index
    %get3A_37 = vector.load %arg2[%get3A_35, %get3A_36] : memref<10240x1xf32, #tpu.memory_space<vmem>>, vector<10240x1xf32>
    %mul3A_38 = vector.broadcast %get3A_37 : vector<10240x1xf32> to vector<10240x128xf32>
    %mul3A_39 = arith.mulf %dot_general3A_34, %mul3A_38 : vector<10240x128xf32>
    %slice3A = vector.extract_strided_slice %mul3A_39 {offsets = [0, 0], sizes = [10240, 64], strides = [1, 1]} : vector<10240x128xf32> to vector<10240x64xf32>
    %swap3A = arith.constant 0 : index
    %swap3A_40 = arith.constant 0 : index
    %swap3A_41 = arith.constant 0 : index
    %swap3A_42 = vector.load %arg5[%swap3A, %swap3A_40, %swap3A_41] : memref<2x10240x64xf32, #tpu.memory_space<vmem>>, vector<1x10240x64xf32>
    %swap3A_43 = vector.shape_cast %swap3A_42 : vector<1x10240x64xf32> to vector<10240x64xf32>
    %swap3A_44 = vector.shape_cast %slice3A : vector<10240x64xf32> to vector<1x10240x64xf32>
    tpu.vector_store %arg5[%swap3A, %swap3A_40, %swap3A_41], %swap3A_44 {strides = array<i32>} : memref<2x10240x64xf32, #tpu.memory_space<vmem>>, vector<1x10240x64xf32>,
    %slice3A_45 = vector.extract_strided_slice %mul3A_39 {offsets = [0, 64], sizes = [10240, 64], strides = [1, 1]} : vector<10240x128xf32> to vector<10240x64xf32>
    %swap3A_46 = arith.constant 1 : index
    %swap3A_47 = arith.constant 0 : index
    %swap3A_48 = arith.constant 0 : index
    %swap3A_49 = vector.load %arg5[%swap3A_46, %swap3A_47, %swap3A_48] : memref<2x10240x64xf32, #tpu.memory_space<vmem>>, vector<1x10240x64xf32>
    %swap3A_50 = vector.shape_cast %swap3A_49 : vector<1x10240x64xf32> to vector<10240x64xf32>
    %swap3A_51 = vector.shape_cast %slice3A_45 : vector<10240x64xf32> to vector<1x10240x64xf32>
    tpu.vector_store %arg5[%swap3A_46, %swap3A_47, %swap3A_48], %swap3A_51 {strides = array<i32>} : memref<2x10240x64xf32, #tpu.memory_space<vmem>>, vector<1x10240x64xf32>,
    return
  }
}

module attributes {stable_mosaic.version = 14 : i64} {
  func.func @_tc_final(%arg0: memref<2x10240x64xf32, #tpu.memory_space<vmem>>, %arg1: memref<2x10240x64xf32, #tpu.memory_space<vmem>>, %arg2: memref<10240x1xf32, #tpu.memory_space<vmem>>, %arg3: memref<1x128xf32, #tpu.memory_space<vmem>>, %arg4: memref<1x10240xi32, #tpu.memory_space<vmem>>, %arg5: memref<128x10xf32, #tpu.memory_space<vmem>>, %arg6: memref<1x10xf32, #tpu.memory_space<vmem>>, %arg7: memref<64x10xf32, #tpu.memory_space<vmem>>) attributes {dimension_semantics = [], scalar_prefetch = 0 : i64, scratch_operands = 0 : i64, tpu.core_type = #tpu.core_type<tc>} {
    %get3A = arith.constant 0 : index
    %get3A_0 = arith.constant 0 : index
    %get3A_1 = arith.constant 0 : index
    %get3A_2 = vector.load %arg0[%get3A, %get3A_0, %get3A_1] : memref<2x10240x64xf32, #tpu.memory_space<vmem>>, vector<1x10240x64xf32>
    %get3A_3 = vector.shape_cast %get3A_2 : vector<1x10240x64xf32> to vector<10240x64xf32>
    %get3A_4 = arith.constant 0 : index
    %get3A_5 = arith.constant 0 : index
    %get3A_6 = arith.constant 0 : index
    %get3A_7 = vector.load %arg1[%get3A_4, %get3A_5, %get3A_6] : memref<2x10240x64xf32, #tpu.memory_space<vmem>>, vector<1x10240x64xf32>
    %get3A_8 = vector.shape_cast %get3A_7 : vector<1x10240x64xf32> to vector<10240x64xf32>
    %add3A = arith.addf %get3A_3, %get3A_8 : vector<10240x64xf32>
    %get3A_9 = arith.constant 1 : index
    %get3A_10 = arith.constant 0 : index
    %get3A_11 = arith.constant 0 : index
    %get3A_12 = vector.load %arg0[%get3A_9, %get3A_10, %get3A_11] : memref<2x10240x64xf32, #tpu.memory_space<vmem>>, vector<1x10240x64xf32>
    %get3A_13 = vector.shape_cast %get3A_12 : vector<1x10240x64xf32> to vector<10240x64xf32>
    %get3A_14 = arith.constant 1 : index
    %get3A_15 = arith.constant 0 : index
    %get3A_16 = arith.constant 0 : index
    %get3A_17 = vector.load %arg1[%get3A_14, %get3A_15, %get3A_16] : memref<2x10240x64xf32, #tpu.memory_space<vmem>>, vector<1x10240x64xf32>
    %get3A_18 = vector.shape_cast %get3A_17 : vector<1x10240x64xf32> to vector<10240x64xf32>
    %add3A_19 = arith.addf %get3A_13, %get3A_18 : vector<10240x64xf32>
    %concatenate3A = tpu.concatenate %add3A, %add3A_19 in 1 : vector<10240x64xf32>, vector<10240x64xf32> -> vector<10240x128xf32>
    %get3A_20 = arith.constant 0 : index
    %get3A_21 = arith.constant 0 : index
    %get3A_22 = vector.load %arg2[%get3A_20, %get3A_21] : memref<10240x1xf32, #tpu.memory_space<vmem>>, vector<10240x1xf32>
    %mul3A = vector.broadcast %get3A_22 : vector<10240x1xf32> to vector<10240x128xf32>
    %mul3A_23 = arith.mulf %concatenate3A, %mul3A : vector<10240x128xf32>
    %get3A_24 = arith.constant 0 : index
    %get3A_25 = arith.constant 0 : index
    %get3A_26 = vector.load %arg3[%get3A_24, %get3A_25] : memref<1x128xf32, #tpu.memory_space<vmem>>, vector<1x128xf32>
    %add3A_27 = vector.broadcast %get3A_26 : vector<1x128xf32> to vector<10240x128xf32>
    %add3A_28 = arith.addf %mul3A_23, %add3A_27 : vector<10240x128xf32>
    %max3A = arith.constant 0.000000e+00 : f32
    %max3A_29 = vector.broadcast %max3A : f32 to vector<10240x128xf32>
    %max3A_30 = arith.maximumf %add3A_28, %max3A_29 : vector<10240x128xf32>
    %iota3A = tpu.iota {dimensions = array<i32: 0>} : vector<64x10240xi32>
    %get3A_31 = arith.constant 0 : index
    %get3A_32 = arith.constant 0 : index
    %get3A_33 = vector.load %arg4[%get3A_31, %get3A_32] : memref<1x10240xi32, #tpu.memory_space<vmem>>, vector<1x10240xi32>
    %eq3A = vector.broadcast %get3A_33 : vector<1x10240xi32> to vector<64x10240xi32>
    %eq3A_34 = arith.cmpi eq, %eq3A, %iota3A : vector<64x10240xi32>
    %jit3A = arith.constant 1.000000e+00 : f32
    %jit3A_35 = arith.constant 0.000000e+00 : f32
    %broadcast_in_dim3A = vector.broadcast %jit3A : f32 to vector<64x10240xf32>
    %broadcast_in_dim3A_36 = vector.broadcast %jit3A_35 : f32 to vector<64x10240xf32>
    %select_n3A = arith.select %eq3A_34, %broadcast_in_dim3A, %broadcast_in_dim3A_36 : vector<64x10240xi1>, vector<64x10240xf32>
    %dot_general3A = arith.constant dense<0.000000e+00> : vector<64x128xf32>
    %dot_general3A_37 = tpu.matmul %select_n3A, %max3A_30, %dot_general3A {dimension_numbers = #tpu.dot_dimension_numbers<[1], [0], [0], [1], [0, 0, 1, 1], [], []>, transpose_lhs_hint = false} : vector<64x10240xf32>, vector<10240x128xf32>, vector<64x128xf32> -> vector<64x128xf32>
    %reduce_sum3A = arith.constant dense<0.000000e+00> : vector<64xf32>
    %reduce_sum3A_38 = vector.multi_reduction <add>, %select_n3A, %reduce_sum3A [1] : vector<64x10240xf32> to vector<64xf32>
    %broadcast_in_dim3A_39 = vector.shape_cast %reduce_sum3A_38 : vector<64xf32> to vector<64x1xf32>
    %max3A_40 = arith.constant 1.000000e+00 : f32
    %max3A_41 = vector.broadcast %max3A_40 : f32 to vector<64x1xf32>
    %max3A_42 = arith.maximumf %broadcast_in_dim3A_39, %max3A_41 : vector<64x1xf32>
    %div3A = vector.broadcast %max3A_42 : vector<64x1xf32> to vector<64x128xf32>
    %div3A_43 = arith.divf %dot_general3A_37, %div3A : vector<64x128xf32>
    %get3A_44 = arith.constant 0 : index
    %get3A_45 = arith.constant 0 : index
    %get3A_46 = vector.load %arg5[%get3A_44, %get3A_45] : memref<128x10xf32, #tpu.memory_space<vmem>>, vector<128x10xf32>
    %dot_general3A_47 = arith.constant dense<0.000000e+00> : vector<64x10xf32>
    %dot_general3A_48 = tpu.matmul %div3A_43, %get3A_46, %dot_general3A_47 {dimension_numbers = #tpu.dot_dimension_numbers<[1], [0], [0], [1], [0, 0, 1, 1], [], []>, transpose_lhs_hint = false} : vector<64x128xf32>, vector<128x10xf32>, vector<64x10xf32> -> vector<64x10xf32>
    %get3A_49 = arith.constant 0 : index
    %get3A_50 = arith.constant 0 : index
    %get3A_51 = vector.load %arg6[%get3A_49, %get3A_50] : memref<1x10xf32, #tpu.memory_space<vmem>>, vector<1x10xf32>
    %add3A_52 = vector.broadcast %get3A_51 : vector<1x10xf32> to vector<64x10xf32>
    %add3A_53 = arith.addf %dot_general3A_48, %add3A_52 : vector<64x10xf32>
    %reduce_max3A = arith.constant dense<0xFF800000> : vector<64xf32>
    %reduce_max3A_54 = vector.multi_reduction <maximumf>, %add3A_53, %reduce_max3A [1] : vector<64x10xf32> to vector<64xf32>
    %broadcast_in_dim3A_55 = vector.shape_cast %reduce_max3A_54 : vector<64xf32> to vector<64x1xf32>
    %sub3A = vector.broadcast %broadcast_in_dim3A_55 : vector<64x1xf32> to vector<64x10xf32>
    %sub3A_56 = arith.subf %add3A_53, %sub3A : vector<64x10xf32>
    %exp3A = math.exp %sub3A_56 : vector<64x10xf32>
    %reduce_sum3A_57 = arith.constant dense<0.000000e+00> : vector<64xf32>
    %reduce_sum3A_58 = vector.multi_reduction <add>, %exp3A, %reduce_sum3A_57 [1] : vector<64x10xf32> to vector<64xf32>
    %broadcast_in_dim3A_59 = vector.shape_cast %reduce_sum3A_58 : vector<64xf32> to vector<64x1xf32>
    %log3A = math.log %broadcast_in_dim3A_59 : vector<64x1xf32>
    %sub3A_60 = vector.broadcast %log3A : vector<64x1xf32> to vector<64x10xf32>
    %sub3A_61 = arith.subf %sub3A_56, %sub3A_60 : vector<64x10xf32>
    %swap3A = arith.constant 0 : index
    %swap3A_62 = arith.constant 0 : index
    %swap3A_63 = vector.load %arg7[%swap3A, %swap3A_62] : memref<64x10xf32, #tpu.memory_space<vmem>>, vector<64x10xf32>
    tpu.vector_store %arg7[%swap3A, %swap3A_62], %sub3A_61 {strides = array<i32>} : memref<64x10xf32, #tpu.memory_space<vmem>>, vector<64x10xf32>,
    return
  }
}

</mosaic_0001>

<sc_bundles>
// kernel: kernel.10.cloned.1.call-start
scs
__scs_entry_jumppad:
0x0: {  	(pc) =	sbr.rel $0x88, $3  }
0x1: {  	(tag) =	ssettag $0x0;
	lr =	simm.s32 $0x1  }
0x2: {  	[smem:$0x3F96] =	sst lr;
	_ =	strace $0xD0000000  }
0x3: {  	_ = 	snop  }
0x4: {  	_ = 	snop  }
0x5: {  	_ = 	snop  }
0x6: {  	_ = 	snop  }
0x7: {  	_ = 	snop  }
__scs_overlays_trampoline_lowered:
0x8: {  	[smem:$0x3FA5] =	sst s0  }
0x9: {  	[smem:$0x3FA6] =	sst s1  }
0xa: {  	[smem:$0x3FA7] =	sst s2  }
0xb: {  	[smem:$0x3FA8] =	sst s3  }
0xc: {  	[smem:$0x3FA9] =	sst s4  }
0xd: {  	[smem:$0x3FAA] =	sst s5  }
0xe: {  	[smem:$0x3FAB] =	sst s6  }
0xf: {  	[smem:$0x3FAC] =	sst s7  }
0x10: {  	[smem:$0x3FAD] =	sst s8  }
0x11: {  	[smem:$0x3FAE] =	sst s9;
	s0 =	simm.s32 @!p0 $0x0  }
0x12: {  	s1 =	sld [smem:$0x3F94];
	s0 =	simm.s32 @p0 $0x1  }
0x13: {  	[smem:$0x3FAF] =	sst s0;
	s0 =	simm.s32 @!p1 $0x0  }
0x14: {  	s2 =	sld [smem:$0x3F93];
	s0 =	simm.s32 @p1 $0x1  }
0x15: {  	[smem:$0x3FB0] =	sst s0;
	s0 =	simm.s32 @!p2 $0x0  }
0x16: {  	s3 =	sld [smem:$0x3FDB];
	s0 =	simm.s32 @p2 $0x1  }
0x17: {  	s4 =	simm.s32 $0x1BF5;
	[smem:$0x3FB2] =	sst s0  }
0x18: {  	s0 =	sld [smem:$0x3F95];
	_ =	swait.ge [sflag:s4], $0x0  }
0x19: {  	s7 =	sld [smem:$0x3F96]  }
0x1a: {  	s8 =	sadd.s32 $0xFFFFE003, lr  }
0x1b: {  	s9 =	sadd.s32 $0xFFFFFEF7, lr;
	s5 =	simm.s32 $0xFFFFFFFF;
	p2 =	slt.u32 s8, $0xFFFFF086  }
0x1c: {  	p1 =	slt.u32 s9, $0xF7A;
	s5 =	simm.s32 @!p2 $0x0  }
0x1d: {  	s5 =	simm.s32 @p1 $0x1;
	p0 =	seq.s32 s7, s2  }
0x1e: {  	s7 =	smul.u32 @!p0 $0xF7A, s2;
	p2 =	seq.s32 @!p0 s5, $0x0  }
0x1f: {  	s9 =	smul.u32 $0xF7A, s1;
	s8 =	simm.s32 @!p0 $0x1BF5;
	p2 =	por !p2, p0  }
0x20: {  	[sflag:s8] =	ssyncset.s32 @!p0 $0xFFFFF086;
	s6 =	sadd.s32 @!p0 s3, s7;
	s7 =	simm.s32 @!p0 $0x108  }
0x21: {  	s3 =	sadd.s32 s3, s9;
	s6 =	sadd.s32 @!p0 $0x88, s6;
	s7 =	simm.s32 @p2 $0x1082  }
0x22: {  	[simem:s7], [sflag:s8] =	dma.local @!p0 [hbm:s6], $0xF7A  }
0x23: {  	s9 =	sor.u32 $0xD0000000, s2;
	s6 =	simm.s32 $0x108;
	_ =	swait.ge @!p0 [sflag:s8], $0x0  }
0x24: {  	s3 =	sadd.s32 $0x88, s3;
	s6 =	simm.s32 @!p1 $0x1082;
	[sflag:s4] =	ssyncset.s32 $0xFFFFF086  }
0x25: {  	[simem:s6], [sflag:s4] =	dma.local [hbm:s3], $0xF7A  }
0x26: {  	[smem:$0x3F96] =	sst s1;
	(tag) =	ssettag s2;
	_ =	strace s9  }
0x27: {  	s1 =	sld [smem:$0x3FA6]  }
0x28: {  	s2 =	sld [smem:$0x3FA7]  }
0x29: {  	s4 =	sld [smem:$0x3FA9]  }
0x2a: {  	p0 =	seq.s32 s5, $0x0;
	s5 =	sld [smem:$0x3FAA]  }
0x2b: {  	s6 =	sld [smem:$0x3FAB]  }
0x2c: {  	s7 =	sld [smem:$0x3FAC]  }
0x2d: {  	s3 =	simm.s32 $0x108;
	s8 =	sld [smem:$0x3FAD]  }
0x2e: {  	s3 =	simm.s32 @!p0 $0x1082;
	s9 =	sld [smem:$0x3FAE]  }
0x2f: {  	lr =	sadd.s32 s0, s3;
	s0 =	sld [smem:$0x3FA5]  }
0x30: {  	s3 =	sld [smem:$0x3FA8]  }
0x31: {  	[smem:$0x3FB1] =	sst s10  }
0x32: {  	s10 =	sld [smem:$0x3FAF];
	_ =	sdelay $0x3  }
0x33: {  	p0 =	seq.s32 s10, $0x1;
	s10 =	sld [smem:$0x3FB1];
	_ =	sdelay $0x3  }
0x34: {  	[smem:$0x3FB1] =	sst s10  }
0x35: {  	s10 =	sld [smem:$0x3FB0];
	_ =	sdelay $0x3  }
0x36: {  	p1 =	seq.s32 s10, $0x1;
	s10 =	sld [smem:$0x3FB1];
	_ =	sdelay $0x3  }
0x37: {  	[smem:$0x3FB1] =	sst s10  }
0x38: {  	s10 =	sld [smem:$0x3FB2]  }
0x39: {  	_ = 	snop;
	(pc) =	sbr.ind lr, $3  }
0x3a: {  	_ = 	snop  }
0x3b: {  	_ = 	snop  }
0x3c: {  	p2 =	seq.s32 s10, $0x1;
	s10 =	sld [smem:$0x3FB1]  }
0x3d: {  	_ =	shalt  }
0x3e: {  	_ =	shalt  }
0x3f: {  	_ =	shalt  }
0x40: {  	_ =	shalt  }
0x41: {  	_ =	shalt  }
0x42: {  	_ =	shalt  }
0x43: {  	_ =	shalt  }
0x44: {  	_ =	shalt  }
0x45: {  	_ =	shalt  }
0x46: {  	_ =	shalt  }
0x47: {  	_ =	shalt  }
0x48: {  	_ =	shalt  }
0x49: {  	_ =	shalt  }
0x4a: {  	_ =	shalt  }
0x4b: {  	_ =	shalt  }
0x4c: {  	_ =	shalt  }
0x4d: {  	_ =	shalt  }
0x4e: {  	_ =	shalt  }
0x4f: {  	_ =	shalt  }
0x50: {  	_ =	shalt  }
0x51: {  	_ =	shalt  }
0x52: {  	_ =	shalt  }
0x53: {  	_ =	shalt  }
0x54: {  	_ =	shalt  }
0x55: {  	_ =	shalt  }
0x56: {  	_ =	shalt  }
0x57: {  	_ =	shalt  }
0x58: {  	_ =	shalt  }
0x59: {  	_ =	shalt  }
0x5a: {  	_ =	shalt  }
0x5b: {  	_ =	shalt  }
0x5c: {  	_ =	shalt  }
0x5d: {  	_ =	shalt  }
0x5e: {  	_ =	shalt  }
0x5f: {  	_ =	shalt  }
0x60: {  	_ =	shalt  }
0x61: {  	_ =	shalt  }
0x62: {  	_ =	shalt  }
0x63: {  	_ =	shalt  }
0x64: {  	_ =	shalt  }
0x65: {  	_ =	shalt  }
0x66: {  	_ =	shalt  }
0x67: {  	_ =	shalt  }
0x68: {  	_ =	shalt  }
0x69: {  	_ =	shalt  }
0x6a: {  	_ =	shalt  }
0x6b: {  	_ =	shalt  }
0x6c: {  	_ =	shalt  }
0x6d: {  	_ =	shalt  }
0x6e: {  	_ =	shalt  }
0x6f: {  	_ =	shalt  }
0x70: {  	_ =	shalt  }
0x71: {  	_ =	shalt  }
0x72: {  	_ =	shalt  }
0x73: {  	_ =	shalt  }
0x74: {  	_ =	shalt  }
0x75: {  	_ =	shalt  }
0x76: {  	_ =	shalt  }
0x77: {  	_ =	shalt  }
0x78: {  	_ =	shalt  }
0x79: {  	_ =	shalt  }
0x7a: {  	_ =	shalt  }
0x7b: {  	_ =	shalt  }
0x7c: {  	_ =	shalt  }
0x7d: {  	_ =	shalt  }
0x7e: {  	_ =	shalt  }
0x7f: {  	_ =	shalt  }
0x80: {  	_ =	shalt  }
0x81: {  	_ =	shalt  }
0x82: {  	_ =	shalt  }
0x83: {  	_ =	shalt  }
0x84: {  	_ =	shalt  }
0x85: {  	_ =	shalt  }
0x86: {  	_ =	shalt  }
0x87: {  	_ =	shalt  }
.Lfunc_end0:
.L_simem_size_0:
called_computation_lowered:
.L_overlay_start_0:
0x88: {  	s2 =	sld [smem:$0x3FD9]  }
0x89: {  	s3 =	sld [smem:$0x3FFE];
	_ =	sdelay $0x1  }
0x8a: {  	s1 =	srdreg.scid  }
0x8b: {  	s0 =	sand.u32 $0x1, s1  }
0x8c: {  	s16 =	sshll.u32 s0, $0xA;
	s2 =	sadd.s32 s3, s2  }
0x8d: {  	s2 =	sadd.s32 s2, s16  }
0x8e: {  	[smem:$0x3FBD] =	sst s2  }
0x8f: {  	_ = 	snop  }
0x90: {  	(tm) =	ssettm $0x1  }
0x91: {  	s17 =	sld [smem:$0x3FFB];
	_ =	sdelay $0x3  }
0x92: {  	_ =	strace s17  }
0x93: {  	s2 =	sld [smem:$0x3FFC];
	_ =	sdelay $0x3  }
0x94: {  	_ =	strace s2  }
0x95: {  	s2 =	sld [smem:$0x3FFD];
	_ =	sdelay $0x3  }
0x96: {  	_ =	strace s2  }
0x97: {  	_ =	strace $0x8FFFFFFF  }
0x98: {  	s18 =	sld [smem:$0x3FDB];
	_ =	sdelay $0x1  }
0x99: {  	s19 =	simm.s32 $_scs_section_size  }
0x9a: {  	s4 =	simm.s32 $_size__tile_overlayer_lowered;
	s5 =	simm.s32 $_tile_overlayer_lowered  }
0x9b: {  	s22 =	simm.s32 $0x1BFF;
	s21 =	sshll.u32 s5, $0x1;
	s2 =	sadd.s32 s19, s18  }
0x9c: {  	s6 =	simm.s32 $0x0;
	s20 =	sshll.u32 s4, $0x1;
	s4 =	sadd.s32 s21, s2  }
0x9d: {  	[timem:s6], [sflag:s22] =	dma.local [hbm:s4], s20  }
0x9e: {  	_ =	swait.ge [sflag:s22], s20  }
0x9f: {  	s3 =	ssub.s32 $0x0, s20;
	[sflag:s22] =	ssyncset.done $0x0  }
0xa0: {  	[sflag:s22] =	ssyncadd.s32 s3;
	_ =	sdelay $0x1  }
0xa1: {  	s23 =	simm.s32 $0x1B8B  }
0xa2: {  	_ =	swait.ge [sflag:s23], $0x1  }
0xa3: {  	[sflag:s23] =	ssyncset.done $0x0  }
0xa4: {  	s25 =	simm.s32 $0x1B8E;
	s24 =	sld [smem:$0x3FFE];
	[sflag:s23] =	ssyncadd.s32 $0xFFFFFFFF  }
0xa5: {  	s26 =	simm.s32 $execute0_lowered;
	[smem:$0x3FD2] =	sst s25  }
0xa6: {  	s4 =	sshll.u32 s26, $0x1;
	_ =	strace $0x80000046;
	[dreg:$0x1] =	wrdreg $0xFFFFFFFF  }
0xa7: {  	s28 =	simm.s32 $_size_execute0_lowered;
	s2 =	sadd.s32 s2, s4;
	[dreg:$0x0] =	wrdreg $0x0  }
0xa8: {  	s4 =	sshll.u32 s28, $0x1;
	[dreg:$0x2] =	wrdreg s2  }
0xa9: {  	[dreg:$0x3] =	wrdreg s4  }
0xaa: {  	[dreg:$0x4] =	wrdreg $0xC0  }
0xab: {  	_ =	task [dreg:s6], $0x5FFFF  }
0xac: {  	[dreg:$0x1] =	wrdreg $0xFFFFFFFF  }
0xad: {  	[dreg:$0x0] =	wrdreg $0x60  }
0xae: {  	[dreg:$0x2] =	wrdreg s24  }
0xaf: {  	[dreg:$0x3] =	wrdreg $0x5C000  }
0xb0: {  	[dreg:$0x4] =	wrdreg $0x9  }
0xb1: {  	_ =	task.clear_ibuf [dreg:s6], $0x5FFFF;
	_ =	strace $0x90000046  }
0xb2: {  	s29 =	simm.s32 $0x9;
	_ =	strace $0x80000048  }
0xb3: {  	_ =	swait.ge [sflag:s29], $0x1  }
0xb4: {  	[sflag:s29] =	ssyncadd.s32 $0xFFFFFFFF  }
0xb5: {  	_ =	strace $0x90000048  }
0xb6: {  	_ =	sfence  }
0xb7: {  	s30 =	sld [smem:$0x0];
	_ =	sdelay $0x2  }
0xb8: {  	s31 =	sshll.u32 s1, $0xD;
	s1 =	sshrl.u32 s1, $0x2  }
0xb9: {  	s3 =	sand.u32 $0x4000, s31;
	s1 =	sadd.s32 s1, s30  }
0xba: {  	s0 =	sor.u32 s3, s0;
	s1 =	sshll.u32 s1, $0x11  }
0xbb: {  	s0 =	sor.u32 s1, s0  }
0xbc: {  	s0 =	sadd.s32 $0x8F2B, s0  }
0xbd: {  	[sflag:s0] =	ssyncadd.remote.s32 $0x1  }
0xbe: {  	_ =	sfence.sel $0xFFFF  }
0xbf: {  	[dreg:$0x0] =	wrdreg $0xFFFFFFFF;
	(pc) =	sbr.abs _section_cstart, $3  }
0xc0: {  	[dreg:$0x1] =	wrdreg $0xFFFFFFFF  }
0xc1: {  	_ =	task.clear_ibuf [dreg:s6], $0x2FFFF;
	_ =	strace $0x9FFFFFFF  }
0xc2: {  	(tm) =	ssettm $0x7FFFFFFF  }
0xc3: {  	_ =	shalt  }
tec
execute0_lowered:
.L_overlay_start_1:
0x0: {  	(tag) =	ssettag $0x1  }
0x1: {  	s4 =	rddreg [dreg:$0x0]  }
0x2: {  	s2 =	rddreg [dreg:$0x1]  }
0x3: {  	s0 =	rddreg [dreg:$0x2];
	s1 =	stileid.u32  }
0x4: {  	s5 =	srdreg.scid;
	s3 =	simm.s32 $0x0;
	s6 =	smul.u32 $0xA00, s1  }
0x5: {  	s17 =	simm.s32 $0x1;
	s18 =	simm.s32 $0x5800;
	s8 =	smul.u32 $0xA000, s1  }
0x6: {  	s19 =	simm.s32 $0x80;
	s12 =	sand.u32 $0x1, s5;
	s31 =	smul.u32 $0x2800, s1  }
0x7: {  	s20 =	simm.s32 $0x5000;
	[smem:$0x7FF] =	sst s3;
	s5 =	smul.u32 $0x5000, s12  }
0x8: {  	_ =	strace $0x80000047;
	s7 =	ssub.s32 $0x2, s12;
	s16 =	smul.u32 $0xA000, s12  }
0x9: {  	s6 =	sadd.s32 s6, s4;
	s29 =	sshrl.u32 s7, $0x1;
	s30 =	sshrl.u32 s8, $0x2  }
0xa: {  	s22 =	sshrl.u32 s31, $0x3;
	s23 =	sadd.s32 s31, s2;
	s9 =	sadd.s32 s5, s4  }
0xb: {  	s7 =	ssub.s32 s7, s29;
	s4 =	sadd.s32 $0xCC00, s6;
	s5 =	sadd.s32 s30, s2  }
0xc: {  	s16 =	sshrl.u32 s16, $0x2;
	s21 =	sadd.s32 $0x16C00, s9;
	s6 =	smax.u32 s7, $0x1  }
0xd: {  	s7 =	sadd.s32 $0x400, s5;
	s8 =	sadd.s32 $0x800, s5;
	s9 =	sadd.s32 $0xC00, s5  }
0xe: {  	s10 =	sadd.s32 $0x1000, s5;
	s11 =	sadd.s32 $0x1400, s5;
	s12 =	sadd.s32 $0x1800, s5  }
0xf: {  	s13 =	sadd.s32 $0x1C00, s5;
	s14 =	sadd.s32 $0x2000, s5;
	s15 =	sadd.s32 $0x2400, s5  }
0x10: {  	v0 =	vimm.f32 $1.000000000e+00;
	v1 =	vimm.f32 $0.0e+00;
	s21 =	sadd.s32 s22, s21;
	s22 =	sshrl.u32 s23, $0x3;
	s23 =	simm.s32 $0x0  }
.LBB2_1:
0x11: {  	[tilespmem:s3], [sflag:$0x1] =	stream.linear.gather [hbm4b:s4+s3], $0x5000, $0x38;
	[tilespmem:$0x8400] =	vst v63  }
0x12: {  	_ =	swait.ge [sflag:s17], $0x5000  }
0x13: {  	[sflag:s17] =	ssyncset.done $0x0  }
0x14: {  	s24 =	simm.s32 $0x0;
	[sflag:s17] =	ssyncadd.s32 $0xFFFFB000  }
.LBB2_2:
0x15: {  	p0 =	sne.s32 s24, $0x1FC0  }
.Ltmp0:
0x16: {  	_ = 	snop;
	(pc) =	sbr.rel @p0 .LBB2_2-.Ltmp0, $3  }
0x17: {  	_ =	sdelay $0x1  }
0x18: {  	s25 =	sshra.s32 s24, $0x2  }
0x19: {  	s24 =	sadd.s32 $0x40, s24;
	[tilespmem:s25+$0x5000] =	vst v0  }
0x1a: {  	s24 =	simm.s32 $0x40;
	s25 =	simm.s32 $0x0  }
.LBB2_4:
0x1b: {  	p0 =	sne.s32 s24, $0xFC0;
	[tilespmem:s25+$0x5800] =	vst v1;
	s25 =	smov.u32 s24;
	s24 =	sadd.s32 $0x40, s24  }
.Ltmp1:
0x1c: {  	(pc) =	sbr.rel @p0 .LBB2_4-.Ltmp1, $2  }
0x1d: {  	_ =	sdelay $0x2  }
0x1e: {  	s25 =	sshra.s32 s25, $0x2  }
0x1f: {  	[tilespmem:s25+$0x5800] =	vst v1  }
0x20: {  	[spmem:s5] =	stream.linear.scatter [tilespmem:s18], [sflag:$0x1], $0x400, $0x38;
	[tilespmem:$0x8400] =	vst v63  }
0x21: {  	_ =	swait.ge [sflag:s17], $0x400  }
0x22: {  	[sflag:s17] =	ssyncset.done $0x0  }
0x23: {  	[sflag:s17] =	ssyncadd.s32 $0xFFFFFC00  }
0x24: {  	[spmem:s7] =	stream.linear.scatter [tilespmem:s18], [sflag:$0x1], $0x400, $0x38;
	[tilespmem:$0x8400] =	vst v63  }
0x25: {  	_ =	swait.ge [sflag:s17], $0x400  }
0x26: {  	[sflag:s17] =	ssyncset.done $0x0  }
0x27: {  	[sflag:s17] =	ssyncadd.s32 $0xFFFFFC00  }
0x28: {  	[spmem:s8] =	stream.linear.scatter [tilespmem:s18], [sflag:$0x1], $0x400, $0x38;
	[tilespmem:$0x8400] =	vst v63  }
0x29: {  	_ =	swait.ge [sflag:s17], $0x400  }
0x2a: {  	[sflag:s17] =	ssyncset.done $0x0  }
0x2b: {  	[sflag:s17] =	ssyncadd.s32 $0xFFFFFC00  }
0x2c: {  	[spmem:s9] =	stream.linear.scatter [tilespmem:s18], [sflag:$0x1], $0x400, $0x38;
	[tilespmem:$0x8400] =	vst v63  }
0x2d: {  	_ =	swait.ge [sflag:s17], $0x400  }
0x2e: {  	[sflag:s17] =	ssyncset.done $0x0  }
0x2f: {  	[sflag:s17] =	ssyncadd.s32 $0xFFFFFC00  }
0x30: {  	[spmem:s10] =	stream.linear.scatter [tilespmem:s18], [sflag:$0x1], $0x400, $0x38;
	[tilespmem:$0x8400] =	vst v63  }
0x31: {  	_ =	swait.ge [sflag:s17], $0x400  }
0x32: {  	[sflag:s17] =	ssyncset.done $0x0  }
0x33: {  	[sflag:s17] =	ssyncadd.s32 $0xFFFFFC00  }
0x34: {  	[spmem:s11] =	stream.linear.scatter [tilespmem:s18], [sflag:$0x1], $0x400, $0x38;
	[tilespmem:$0x8400] =	vst v63  }
0x35: {  	_ =	swait.ge [sflag:s17], $0x400  }
0x36: {  	[sflag:s17] =	ssyncset.done $0x0  }
0x37: {  	[sflag:s17] =	ssyncadd.s32 $0xFFFFFC00  }
0x38: {  	[spmem:s12] =	stream.linear.scatter [tilespmem:s18], [sflag:$0x1], $0x400, $0x38;
	[tilespmem:$0x8400] =	vst v63  }
0x39: {  	_ =	swait.ge [sflag:s17], $0x400  }
0x3a: {  	[sflag:s17] =	ssyncset.done $0x0  }
0x3b: {  	[sflag:s17] =	ssyncadd.s32 $0xFFFFFC00  }
0x3c: {  	[spmem:s13] =	stream.linear.scatter [tilespmem:s18], [sflag:$0x1], $0x400, $0x38;
	[tilespmem:$0x8400] =	vst v63  }
0x3d: {  	_ =	swait.ge [sflag:s17], $0x400  }
0x3e: {  	[sflag:s17] =	ssyncset.done $0x0  }
0x3f: {  	[sflag:s17] =	ssyncadd.s32 $0xFFFFFC00  }
0x40: {  	[spmem:s14] =	stream.linear.scatter [tilespmem:s18], [sflag:$0x1], $0x400, $0x38;
	[tilespmem:$0x8400] =	vst v63  }
0x41: {  	_ =	swait.ge [sflag:s17], $0x400  }
0x42: {  	[sflag:s17] =	ssyncset.done $0x0  }
0x43: {  	[sflag:s17] =	ssyncadd.s32 $0xFFFFFC00  }
0x44: {  	[spmem:s15] =	stream.linear.scatter [tilespmem:s18], [sflag:$0x1], $0x400, $0x38;
	[tilespmem:$0x8400] =	vst v63  }
0x45: {  	_ =	swait.ge [sflag:s17], $0x400  }
0x46: {  	[sflag:s17] =	ssyncset.done $0x0  }
0x47: {  	[sflag:s17] =	ssyncadd.s32 $0xFFFFFC00  }
0x48: {  	s24 =	sadd.s32 $0x0, s16;
	[bflag:$0x0] =	sbarrier.arrive $0xFFFF  }
0x49: {  	[spmem:s2] =	stream.indirect.scatter.add.f32 [tilespmem:s20], [sflag:$0x1], $0x10, s24, s19, $0xb8;
	[tilespmem:$0x8400] =	vst v63  }
0x4a: {  	s24 =	simm.s32 $0x200;
	_ =	swait.ge [sflag:s17], $0x800  }
.LBB2_6:
0x4b: {  	s25 =	sshra.s32 s24, $0x2;
	[sflag:s17] =	ssyncset.done $0x0;
	p0 =	sne.s32 s24, $0x9E00  }
.Ltmp2:
0x4c: {  	s25 =	sadd.s32 s25, s16;
	[sflag:s17] =	ssyncadd.s32 $0xFFFFF800;
	(pc) =	sbr.rel @p0 .LBB2_6-.Ltmp2, $3  }
0x4d: {  	[spmem:s2] =	stream.indirect.scatter.add.f32 [tilespmem:s20], [sflag:$0x1], $0x10, s25, s19, $0xb8;
	[tilespmem:$0x8400] =	vst v63  }
0x4e: {  	s24 =	sadd.s32 $0x200, s24;
	_ =	sdelay $0x1  }
0x4f: {  	_ =	swait.ge [sflag:s17], $0x800  }
0x50: {  	[sflag:s17] =	ssyncset.done $0x0;
	s23 =	sadd.s32 $0x1, s23  }
0x51: {  	s24 =	sshll.u32 s1, $0x6;
	[sflag:s17] =	ssyncadd.s32 $0xFFFFF800;
	p0 =	sne.s32 s23, s6  }
.Ltmp3:
0x52: {  	s24 =	sor.u32 $0x1C01, s24;
	[bflag:$0x0] =	sbarrier.arrive $0xFFFF;
	(pc) =	sbr.rel @p0 .LBB2_1-.Ltmp3, $4  }
0x53: {  	[hbm:s21], [sflag:s24] =	dma.local [spmem:s22], $0x500  }
0x54: {  	_ =	swait.ge [sflag:s17], $0x500  }
0x55: {  	[sflag:s17] =	ssyncset.done $0x0  }
0x56: {  	[sflag:s17] =	ssyncadd.s32 $0xFFFFFB00  }
0x57: {  	_ =	sfence.sel $0x180000  }
0x58: {  	[bflag:$0x0] =	sbarrier.arrive $0xFFFF  }
0x59: {  	p0 =	sne.s32 s1, $0x0;
	_ =	strace $0x90000047  }
0x5a: {  	s0 =	sadd.s32 @!p0 $0x100000, s0;
	[bflag:$0x2] =	sbarrier.arrive $0xFFFF  }
0x5b: {  	[sflag:s0] =	ssyncadd.tile.s32 @!p0 $0x1;
	_ =	shalt  }
.Lfunc_end2:
_tile_overlayer_lowered:
.L_overlay_start_2:
0x5c: {  	(tag) =	ssettag $0x2  }
0x5d: {  	s0 =	rddreg [dreg:$0x0];
	s2 =	stileid.u32  }
0x5e: {  	s1 =	rddreg [dreg:$0x1];
	p0 =	sne.s32 s2, $0x0  }
0x5f: {  	s3 =	rddreg [dreg:$0x2];
	[bflag:$0x3] =	sbarrier.arrive $0xFFFF;
	s2 =	simm.s32 @!p0 $0x1C01  }
0x60: {  	[timem:s3], [sflag:s2] =	dma.local @!p0 [hbm:s0], s1  }
0x61: {  	s0 =	simm.s32 @!p0 $0x1  }
0x62: {  	_ =	swait.ge @!p0 [sflag:s0], s1  }
0x63: {  	s1 =	ssub.s32 @!p0 $0x0, s1;
	[sflag:s0] =	ssyncset.done @!p0 $0x0  }
0x64: {  	[sflag:s0] =	ssyncadd.s32 @!p0 s1  }
0x65: {  	[bflag:$0x3] =	sbarrier.arrive $0xFFFF  }
0x66: {  	_ =	shalt  }

// kernel: kernel.13.cloned.1.call-start
scs
__scs_entry_jumppad:
0x0: {  	(pc) =	sbr.rel $0x88, $3  }
0x1: {  	(tag) =	ssettag $0x0;
	lr =	simm.s32 $0x1  }
0x2: {  	[smem:$0x3F96] =	sst lr;
	_ =	strace $0xD0000000  }
0x3: {  	_ = 	snop  }
0x4: {  	_ = 	snop  }
0x5: {  	_ = 	snop  }
0x6: {  	_ = 	snop  }
0x7: {  	_ = 	snop  }
__scs_overlays_trampoline_lowered:
0x8: {  	[smem:$0x3FA5] =	sst s0  }
0x9: {  	[smem:$0x3FA6] =	sst s1  }
0xa: {  	[smem:$0x3FA7] =	sst s2  }
0xb: {  	[smem:$0x3FA8] =	sst s3  }
0xc: {  	[smem:$0x3FA9] =	sst s4  }
0xd: {  	[smem:$0x3FAA] =	sst s5  }
0xe: {  	[smem:$0x3FAB] =	sst s6  }
0xf: {  	[smem:$0x3FAC] =	sst s7  }
0x10: {  	[smem:$0x3FAD] =	sst s8  }
0x11: {  	[smem:$0x3FAE] =	sst s9;
	s0 =	simm.s32 @!p0 $0x0  }
0x12: {  	s1 =	sld [smem:$0x3F94];
	s0 =	simm.s32 @p0 $0x1  }
0x13: {  	[smem:$0x3FAF] =	sst s0;
	s0 =	simm.s32 @!p1 $0x0  }
0x14: {  	s2 =	sld [smem:$0x3F93];
	s0 =	simm.s32 @p1 $0x1  }
0x15: {  	[smem:$0x3FB0] =	sst s0;
	s0 =	simm.s32 @!p2 $0x0  }
0x16: {  	s3 =	sld [smem:$0x3FDB];
	s0 =	simm.s32 @p2 $0x1  }
0x17: {  	s4 =	simm.s32 $0x1BF5;
	[smem:$0x3FB2] =	sst s0  }
0x18: {  	s0 =	sld [smem:$0x3F95];
	_ =	swait.ge [sflag:s4], $0x0  }
0x19: {  	s7 =	sld [smem:$0x3F96]  }
0x1a: {  	s8 =	sadd.s32 $0xFFFFE003, lr  }
0x1b: {  	s9 =	sadd.s32 $0xFFFFFEF7, lr;
	s5 =	simm.s32 $0xFFFFFFFF;
	p2 =	slt.u32 s8, $0xFFFFF086  }
0x1c: {  	p1 =	slt.u32 s9, $0xF7A;
	s5 =	simm.s32 @!p2 $0x0  }
0x1d: {  	s5 =	simm.s32 @p1 $0x1;
	p0 =	seq.s32 s7, s2  }
0x1e: {  	s7 =	smul.u32 @!p0 $0xF7A, s2;
	p2 =	seq.s32 @!p0 s5, $0x0  }
0x1f: {  	s9 =	smul.u32 $0xF7A, s1;
	s8 =	simm.s32 @!p0 $0x1BF5;
	p2 =	por !p2, p0  }
0x20: {  	[sflag:s8] =	ssyncset.s32 @!p0 $0xFFFFF086;
	s6 =	sadd.s32 @!p0 s3, s7;
	s7 =	simm.s32 @!p0 $0x108  }
0x21: {  	s3 =	sadd.s32 s3, s9;
	s6 =	sadd.s32 @!p0 $0x88, s6;
	s7 =	simm.s32 @p2 $0x1082  }
0x22: {  	[simem:s7], [sflag:s8] =	dma.local @!p0 [hbm:s6], $0xF7A  }
0x23: {  	s9 =	sor.u32 $0xD0000000, s2;
	s6 =	simm.s32 $0x108;
	_ =	swait.ge @!p0 [sflag:s8], $0x0  }
0x24: {  	s3 =	sadd.s32 $0x88, s3;
	s6 =	simm.s32 @!p1 $0x1082;
	[sflag:s4] =	ssyncset.s32 $0xFFFFF086  }
0x25: {  	[simem:s6], [sflag:s4] =	dma.local [hbm:s3], $0xF7A  }
0x26: {  	[smem:$0x3F96] =	sst s1;
	(tag) =	ssettag s2;
	_ =	strace s9  }
0x27: {  	s1 =	sld [smem:$0x3FA6]  }
0x28: {  	s2 =	sld [smem:$0x3FA7]  }
0x29: {  	s4 =	sld [smem:$0x3FA9]  }
0x2a: {  	p0 =	seq.s32 s5, $0x0;
	s5 =	sld [smem:$0x3FAA]  }
0x2b: {  	s6 =	sld [smem:$0x3FAB]  }
0x2c: {  	s7 =	sld [smem:$0x3FAC]  }
0x2d: {  	s3 =	simm.s32 $0x108;
	s8 =	sld [smem:$0x3FAD]  }
0x2e: {  	s3 =	simm.s32 @!p0 $0x1082;
	s9 =	sld [smem:$0x3FAE]  }
0x2f: {  	lr =	sadd.s32 s0, s3;
	s0 =	sld [smem:$0x3FA5]  }
0x30: {  	s3 =	sld [smem:$0x3FA8]  }
0x31: {  	[smem:$0x3FB1] =	sst s10  }
0x32: {  	s10 =	sld [smem:$0x3FAF];
	_ =	sdelay $0x3  }
0x33: {  	p0 =	seq.s32 s10, $0x1;
	s10 =	sld [smem:$0x3FB1];
	_ =	sdelay $0x3  }
0x34: {  	[smem:$0x3FB1] =	sst s10  }
0x35: {  	s10 =	sld [smem:$0x3FB0];
	_ =	sdelay $0x3  }
0x36: {  	p1 =	seq.s32 s10, $0x1;
	s10 =	sld [smem:$0x3FB1];
	_ =	sdelay $0x3  }
0x37: {  	[smem:$0x3FB1] =	sst s10  }
0x38: {  	s10 =	sld [smem:$0x3FB2]  }
0x39: {  	_ = 	snop;
	(pc) =	sbr.ind lr, $3  }
0x3a: {  	_ = 	snop  }
0x3b: {  	_ = 	snop  }
0x3c: {  	p2 =	seq.s32 s10, $0x1;
	s10 =	sld [smem:$0x3FB1]  }
0x3d: {  	_ =	shalt  }
0x3e: {  	_ =	shalt  }
0x3f: {  	_ =	shalt  }
0x40: {  	_ =	shalt  }
0x41: {  	_ =	shalt  }
0x42: {  	_ =	shalt  }
0x43: {  	_ =	shalt  }
0x44: {  	_ =	shalt  }
0x45: {  	_ =	shalt  }
0x46: {  	_ =	shalt  }
0x47: {  	_ =	shalt  }
0x48: {  	_ =	shalt  }
0x49: {  	_ =	shalt  }
0x4a: {  	_ =	shalt  }
0x4b: {  	_ =	shalt  }
0x4c: {  	_ =	shalt  }
0x4d: {  	_ =	shalt  }
0x4e: {  	_ =	shalt  }
0x4f: {  	_ =	shalt  }
0x50: {  	_ =	shalt  }
0x51: {  	_ =	shalt  }
0x52: {  	_ =	shalt  }
0x53: {  	_ =	shalt  }
0x54: {  	_ =	shalt  }
0x55: {  	_ =	shalt  }
0x56: {  	_ =	shalt  }
0x57: {  	_ =	shalt  }
0x58: {  	_ =	shalt  }
0x59: {  	_ =	shalt  }
0x5a: {  	_ =	shalt  }
0x5b: {  	_ =	shalt  }
0x5c: {  	_ =	shalt  }
0x5d: {  	_ =	shalt  }
0x5e: {  	_ =	shalt  }
0x5f: {  	_ =	shalt  }
0x60: {  	_ =	shalt  }
0x61: {  	_ =	shalt  }
0x62: {  	_ =	shalt  }
0x63: {  	_ =	shalt  }
0x64: {  	_ =	shalt  }
0x65: {  	_ =	shalt  }
0x66: {  	_ =	shalt  }
0x67: {  	_ =	shalt  }
0x68: {  	_ =	shalt  }
0x69: {  	_ =	shalt  }
0x6a: {  	_ =	shalt  }
0x6b: {  	_ =	shalt  }
0x6c: {  	_ =	shalt  }
0x6d: {  	_ =	shalt  }
0x6e: {  	_ =	shalt  }
0x6f: {  	_ =	shalt  }
0x70: {  	_ =	shalt  }
0x71: {  	_ =	shalt  }
0x72: {  	_ =	shalt  }
0x73: {  	_ =	shalt  }
0x74: {  	_ =	shalt  }
0x75: {  	_ =	shalt  }
0x76: {  	_ =	shalt  }
0x77: {  	_ =	shalt  }
0x78: {  	_ =	shalt  }
0x79: {  	_ =	shalt  }
0x7a: {  	_ =	shalt  }
0x7b: {  	_ =	shalt  }
0x7c: {  	_ =	shalt  }
0x7d: {  	_ =	shalt  }
0x7e: {  	_ =	shalt  }
0x7f: {  	_ =	shalt  }
0x80: {  	_ =	shalt  }
0x81: {  	_ =	shalt  }
0x82: {  	_ =	shalt  }
0x83: {  	_ =	shalt  }
0x84: {  	_ =	shalt  }
0x85: {  	_ =	shalt  }
0x86: {  	_ =	shalt  }
0x87: {  	_ =	shalt  }
.Lfunc_end0:
.L_simem_size_0:
called_computation.1_lowered:
.L_overlay_start_0:
0x88: {  	s2 =	sld [smem:$0x3FD9]  }
0x89: {  	s3 =	sld [smem:$0x3FFE];
	_ =	sdelay $0x1  }
0x8a: {  	s1 =	srdreg.scid  }
0x8b: {  	s0 =	sand.u32 $0x1, s1  }
0x8c: {  	s16 =	sshll.u32 s0, $0xA;
	s2 =	sadd.s32 s3, s2  }
0x8d: {  	s2 =	sadd.s32 s2, s16  }
0x8e: {  	[smem:$0x3FBD] =	sst s2  }
0x8f: {  	_ = 	snop  }
0x90: {  	(tm) =	ssettm $0x1  }
0x91: {  	s17 =	sld [smem:$0x3FFB];
	_ =	sdelay $0x3  }
0x92: {  	_ =	strace s17  }
0x93: {  	s2 =	sld [smem:$0x3FFC];
	_ =	sdelay $0x3  }
0x94: {  	_ =	strace s2  }
0x95: {  	s2 =	sld [smem:$0x3FFD];
	_ =	sdelay $0x3  }
0x96: {  	_ =	strace s2  }
0x97: {  	_ =	strace $0x8FFFFFFF  }
0x98: {  	s18 =	sld [smem:$0x3FDB];
	_ =	sdelay $0x1  }
0x99: {  	s19 =	simm.s32 $_scs_section_size  }
0x9a: {  	s4 =	simm.s32 $_size__tile_overlayer_lowered;
	s5 =	simm.s32 $_tile_overlayer_lowered  }
0x9b: {  	s22 =	simm.s32 $0x1BFF;
	s21 =	sshll.u32 s5, $0x1;
	s2 =	sadd.s32 s19, s18  }
0x9c: {  	s6 =	simm.s32 $0x0;
	s20 =	sshll.u32 s4, $0x1;
	s4 =	sadd.s32 s21, s2  }
0x9d: {  	[timem:s6], [sflag:s22] =	dma.local [hbm:s4], s20  }
0x9e: {  	_ =	swait.ge [sflag:s22], s20  }
0x9f: {  	s3 =	ssub.s32 $0x0, s20;
	[sflag:s22] =	ssyncset.done $0x0  }
0xa0: {  	[sflag:s22] =	ssyncadd.s32 s3;
	_ =	sdelay $0x1  }
0xa1: {  	s23 =	simm.s32 $0x1B8B  }
0xa2: {  	_ =	swait.ge [sflag:s23], $0x1  }
0xa3: {  	[sflag:s23] =	ssyncset.done $0x0  }
0xa4: {  	s25 =	simm.s32 $0x1B8E;
	s24 =	sld [smem:$0x3FFE];
	[sflag:s23] =	ssyncadd.s32 $0xFFFFFFFF  }
0xa5: {  	s26 =	simm.s32 $execute0_lowered;
	[smem:$0x3FD2] =	sst s25  }
0xa6: {  	s4 =	sshll.u32 s26, $0x1;
	_ =	strace $0x80000049;
	[dreg:$0x1] =	wrdreg $0xFFFFFFFF  }
0xa7: {  	s28 =	simm.s32 $_size_execute0_lowered;
	s2 =	sadd.s32 s2, s4;
	[dreg:$0x0] =	wrdreg $0x0  }
0xa8: {  	s4 =	sshll.u32 s28, $0x1;
	[dreg:$0x2] =	wrdreg s2  }
0xa9: {  	[dreg:$0x3] =	wrdreg s4  }
0xaa: {  	[dreg:$0x4] =	wrdreg $0xC0  }
0xab: {  	_ =	task [dreg:s6], $0x5FFFF  }
0xac: {  	[dreg:$0x1] =	wrdreg $0xFFFFFFFF  }
0xad: {  	[dreg:$0x0] =	wrdreg $0x60  }
0xae: {  	[dreg:$0x2] =	wrdreg s24  }
0xaf: {  	[dreg:$0x3] =	wrdreg $0x150000  }
0xb0: {  	[dreg:$0x4] =	wrdreg $0x9  }
0xb1: {  	_ =	task.clear_ibuf [dreg:s6], $0x5FFFF;
	_ =	strace $0x90000049  }
0xb2: {  	s29 =	simm.s32 $0x9;
	_ =	strace $0x8000004B  }
0xb3: {  	_ =	swait.ge [sflag:s29], $0x1  }
0xb4: {  	[sflag:s29] =	ssyncadd.s32 $0xFFFFFFFF  }
0xb5: {  	_ =	strace $0x9000004B  }
0xb6: {  	_ =	sfence  }
0xb7: {  	s30 =	sld [smem:$0x0];
	_ =	sdelay $0x2  }
0xb8: {  	s31 =	sshll.u32 s1, $0xD;
	s1 =	sshrl.u32 s1, $0x2  }
0xb9: {  	s3 =	sand.u32 $0x4000, s31;
	s1 =	sadd.s32 s1, s30  }
0xba: {  	s0 =	sor.u32 s3, s0;
	s1 =	sshll.u32 s1, $0x11  }
0xbb: {  	s0 =	sor.u32 s1, s0  }
0xbc: {  	s0 =	sadd.s32 $0x8F2B, s0  }
0xbd: {  	[sflag:s0] =	ssyncadd.remote.s32 $0x1  }
0xbe: {  	_ =	sfence.sel $0xFFFF  }
0xbf: {  	[dreg:$0x0] =	wrdreg $0xFFFFFFFF;
	(pc) =	sbr.abs _section_cstart, $3  }
0xc0: {  	[dreg:$0x1] =	wrdreg $0xFFFFFFFF  }
0xc1: {  	_ =	task.clear_ibuf [dreg:s6], $0x2FFFF;
	_ =	strace $0x9FFFFFFF  }
0xc2: {  	(tm) =	ssettm $0x7FFFFFFF  }
0xc3: {  	_ =	shalt  }
tec
execute0_lowered:
.L_overlay_start_1:
0x0: {  	(tag) =	ssettag $0x1  }
0x1: {  	s0 =	rddreg [dreg:$0x0]  }
0x2: {  	s2 =	rddreg [dreg:$0x1];
	s6 =	stileid.u32  }
0x3: {  	s1 =	srdreg.scid;
	s4 =	simm.s32 $0x0;
	s18 =	simm.s32 $0x6  }
0x4: {  	s28 =	simm.s32 $0xE000;
	s30 =	simm.s32 $0x10000;
	s3 =	smul.u32 $0xA00, s6  }
0x5: {  	s19 =	simm.s32 $0x1;
	s29 =	simm.s32 $0x4;
	s5 =	smul.u32 $0x28000, s6  }
0x6: {  	s31 =	simm.s32 $0x5;
	s1 =	sand.u32 $0x1, s1;
	s23 =	smul.u32 $0xA000, s6  }
0x7: {  	[smem:$0x7FF] =	sst s4;
	s20 =	smul.u32 $0x14000, s1;
	s1 =	ssub.s32 $0x2, s1  }
0x8: {  	_ =	strace $0x8000004A;
	s3 =	sadd.s32 s3, s0;
	s21 =	sshrl.u32 s1, $0x1  }
0x9: {  	s22 =	sshrl.u32 s5, $0x2;
	s25 =	sshrl.u32 s23, $0x3;
	s26 =	sadd.s32 s23, s2  }
0xa: {  	s0 =	sadd.s32 s20, s0;
	s1 =	ssub.s32 s1, s21;
	s24 =	sadd.s32 $0x2C00, s3  }
0xb: {  	s3 =	sadd.s32 $0xCC00, s3;
	s6 =	sadd.s32 s22, s2;
	s20 =	simm.s32 $0x14000  }
0xc: {  	s21 =	simm.s32 $0x80;
	s22 =	simm.s32 $0xA000;
	[dreg:$0x3] =	wrdreg s24  }
0xd: {  	[dreg:$0x4] =	wrdreg s3;
	s7 =	sadd.s32 $0x66C00, s0;
	s0 =	sadd.s32 $0x8EC00, s0  }
0xe: {  	s1 =	smax.u32 s1, $0x1;
	s9 =	sadd.s32 $0x1000, s6;
	s10 =	sadd.s32 $0x2000, s6  }
0xf: {  	s11 =	sadd.s32 $0x3000, s6;
	s12 =	sadd.s32 $0x4000, s6;
	s13 =	sadd.s32 $0x5000, s6  }
0x10: {  	s14 =	sadd.s32 $0x6000, s6;
	s15 =	sadd.s32 $0x7000, s6;
	s16 =	sadd.s32 $0x8000, s6  }
0x11: {  	s17 =	sadd.s32 $0x9000, s6;
	s24 =	simm.s32 $0xC000;
	s3 =	simm.s32 $0x0  }
0x12: {  	[dreg:$0x5] =	wrdreg s1;
	s23 =	sadd.s32 s25, s0;
	s25 =	sshrl.u32 s26, $0x3  }
0x13: {  	v0 =	vimm.f32 $0.0e+00;
	s0 =	simm.s32 $0x12000;
	s1 =	simm.s32 $0x2;
	s26 =	simm.s32 $0x3  }
.LBB2_1:
0x14: {  	s4 =	simm.s32 $0x0;
	s5 =	rddreg [dreg:$0x3]  }
0x15: {  	[tilespmem:s4], [sflag:$0x6] =	stream.linear.gather [hbm4b:s5+s4], $0x5000, $0x38;
	[tilespmem:$0x1F000] =	vst v63  }
0x16: {  	_ =	swait.ge [sflag:s18], $0x5000  }
0x17: {  	[sflag:s18] =	ssyncset.done $0x0  }
0x18: {  	s8 =	simm.s32 $0x5000;
	s5 =	rddreg [dreg:$0x4];
	[sflag:s18] =	ssyncadd.s32 $0xFFFFB000  }
0x19: {  	[tilespmem:s8], [sflag:$0x6] =	stream.linear.gather [hbm4b:s5+s4], $0x5000, $0x38;
	[tilespmem:$0x1F000] =	vst v63  }
0x1a: {  	_ =	swait.ge [sflag:s18], $0x5000  }
0x1b: {  	[sflag:s18] =	ssyncset.done $0x0  }
0x1c: {  	s5 =	simm.s32 $0x100;
	s4 =	simm.s32 $0x0;
	[sflag:s18] =	ssyncadd.s32 $0xFFFFB000  }
.LBB2_2:
0x1d: {  	p0 =	sne.s32 s5, $0x3F00;
	[tilespmem:s4+$0x14030] =	vst v0;
	s8 =	smov.u32 s5;
	s5 =	sadd.s32 $0x100, s5  }
.Ltmp0:
0x1e: {  	[tilespmem:s4+$0x14020] =	vst v0;
	(pc) =	sbr.rel @p0 .LBB2_2-.Ltmp0, $3  }
0x1f: {  	[tilespmem:s4+$0x14000] =	vst v0  }
0x20: {  	[tilespmem:s4+$0x14010] =	vst v0;
	_ =	sdelay $0x1  }
0x21: {  	s4 =	sshra.s32 s8, $0x2  }
0x22: {  	[tilespmem:s4+$0x14030] =	vst v0  }
0x23: {  	[tilespmem:s4+$0x14020] =	vst v0  }
0x24: {  	[tilespmem:s4+$0x14000] =	vst v0  }
0x25: {  	[tilespmem:s4+$0x14010] =	vst v0  }
0x26: {  	[spmem:s6] =	stream.linear.scatter [tilespmem:s20], [sflag:$0x6], $0x1000, $0x38;
	[tilespmem:$0x1F000] =	vst v63  }
0x27: {  	_ =	swait.ge [sflag:s18], $0x1000  }
0x28: {  	[sflag:s18] =	ssyncset.done $0x0  }
0x29: {  	[sflag:s18] =	ssyncadd.s32 $0xFFFFF000  }
0x2a: {  	[spmem:s9] =	stream.linear.scatter [tilespmem:s20], [sflag:$0x6], $0x1000, $0x38;
	[tilespmem:$0x1F000] =	vst v63  }
0x2b: {  	_ =	swait.ge [sflag:s18], $0x1000  }
0x2c: {  	[sflag:s18] =	ssyncset.done $0x0  }
0x2d: {  	[sflag:s18] =	ssyncadd.s32 $0xFFFFF000  }
0x2e: {  	[spmem:s10] =	stream.linear.scatter [tilespmem:s20], [sflag:$0x6], $0x1000, $0x38;
	[tilespmem:$0x1F000] =	vst v63  }
0x2f: {  	_ =	swait.ge [sflag:s18], $0x1000  }
0x30: {  	[sflag:s18] =	ssyncset.done $0x0  }
0x31: {  	[sflag:s18] =	ssyncadd.s32 $0xFFFFF000  }
0x32: {  	[spmem:s11] =	stream.linear.scatter [tilespmem:s20], [sflag:$0x6], $0x1000, $0x38;
	[tilespmem:$0x1F000] =	vst v63  }
0x33: {  	_ =	swait.ge [sflag:s18], $0x1000  }
0x34: {  	[sflag:s18] =	ssyncset.done $0x0  }
0x35: {  	[sflag:s18] =	ssyncadd.s32 $0xFFFFF000  }
0x36: {  	[spmem:s12] =	stream.linear.scatter [tilespmem:s20], [sflag:$0x6], $0x1000, $0x38;
	[tilespmem:$0x1F000] =	vst v63  }
0x37: {  	_ =	swait.ge [sflag:s18], $0x1000  }
0x38: {  	[sflag:s18] =	ssyncset.done $0x0  }
0x39: {  	[sflag:s18] =	ssyncadd.s32 $0xFFFFF000  }
0x3a: {  	[spmem:s13] =	stream.linear.scatter [tilespmem:s20], [sflag:$0x6], $0x1000, $0x38;
	[tilespmem:$0x1F000] =	vst v63  }
0x3b: {  	_ =	swait.ge [sflag:s18], $0x1000  }
0x3c: {  	[sflag:s18] =	ssyncset.done $0x0  }
0x3d: {  	[sflag:s18] =	ssyncadd.s32 $0xFFFFF000  }
0x3e: {  	[spmem:s14] =	stream.linear.scatter [tilespmem:s20], [sflag:$0x6], $0x1000, $0x38;
	[tilespmem:$0x1F000] =	vst v63  }
0x3f: {  	_ =	swait.ge [sflag:s18], $0x1000  }
0x40: {  	[sflag:s18] =	ssyncset.done $0x0  }
0x41: {  	[sflag:s18] =	ssyncadd.s32 $0xFFFFF000  }
0x42: {  	[spmem:s15] =	stream.linear.scatter [tilespmem:s20], [sflag:$0x6], $0x1000, $0x38;
	[tilespmem:$0x1F000] =	vst v63  }
0x43: {  	_ =	swait.ge [sflag:s18], $0x1000  }
0x44: {  	[sflag:s18] =	ssyncset.done $0x0  }
0x45: {  	[sflag:s18] =	ssyncadd.s32 $0xFFFFF000  }
0x46: {  	[spmem:s16] =	stream.linear.scatter [tilespmem:s20], [sflag:$0x6], $0x1000, $0x38;
	[tilespmem:$0x1F000] =	vst v63  }
0x47: {  	_ =	swait.ge [sflag:s18], $0x1000  }
0x48: {  	[sflag:s18] =	ssyncset.done $0x0  }
0x49: {  	[sflag:s18] =	ssyncadd.s32 $0xFFFFF000  }
0x4a: {  	[spmem:s17] =	stream.linear.scatter [tilespmem:s20], [sflag:$0x6], $0x1000, $0x38;
	[tilespmem:$0x1F000] =	vst v63  }
0x4b: {  	_ =	swait.ge [sflag:s18], $0x1000  }
0x4c: {  	[sflag:s18] =	ssyncset.done $0x0  }
0x4d: {  	[sflag:s18] =	ssyncadd.s32 $0xFFFFF000  }
0x4e: {  	s8 =	simm.s32 $0x0;
	[bflag:$0x0] =	sbarrier.arrive $0xFFFF  }
0x4f: {  	[tilespmem:s22], [sflag:$0x1] =	stream.indirect.gather [hbm4b:s7+s21], $0x40, s8, s21, $0xb8;
	[tilespmem:$0x1F000] =	vst v63  }
0x50: {  	_ = 	snop  }
0x51: {  	[tilespmem:s24], [sflag:$0x2] =	stream.indirect.gather [hbm4b:s7+s21], $0x40, s21, s21, $0xb8;
	[tilespmem:$0x1F000] =	vst v63  }
0x52: {  	s5 =	simm.s32 $0x100  }
0x53: {  	[tilespmem:s28], [sflag:$0x3] =	stream.indirect.gather [hbm4b:s7+s21], $0x40, s5, s21, $0xb8;
	[tilespmem:$0x1F000] =	vst v63  }
0x54: {  	s8 =	simm.s32 $0x180  }
0x55: {  	[tilespmem:s30], [sflag:$0x4] =	stream.indirect.gather [hbm4b:s7+s21], $0x40, s8, s21, $0xb8;
	[tilespmem:$0x1F000] =	vst v63  }
0x56: {  	s5 =	simm.s32 $0x200  }
0x57: {  	[tilespmem:s0], [sflag:$0x5] =	stream.indirect.gather [hbm4b:s7+s21], $0x40, s5, s21, $0xb8;
	[tilespmem:$0x1F000] =	vst v63  }
0x58: {  	_ =	swait.ge [sflag:s19], $0x2000  }
0x59: {  	[sflag:s19] =	ssyncset.done $0x0  }
0x5a: {  	s8 =	simm.s32 $0x5000;
	[sflag:s19] =	ssyncadd.s32 $0xFFFFE000  }
0x5b: {  	[spmem:s2] =	stream.indirect.scatter.add.f32 [tilespmem:s22], [sflag:$0x6], $0x40, s8, s21, $0xb8;
	[tilespmem:$0x1F000] =	vst v63  }
0x5c: {  	_ =	swait.ge [sflag:s18], $0x2000  }
0x5d: {  	[sflag:s18] =	ssyncset.done $0x0  }
0x5e: {  	s5 =	simm.s32 $0x280;
	[sflag:s18] =	ssyncadd.s32 $0xFFFFE000  }
0x5f: {  	[tilespmem:s22], [sflag:$0x1] =	stream.indirect.gather [hbm4b:s7+s21], $0x40, s5, s21, $0xb8;
	[tilespmem:$0x1F000] =	vst v63  }
0x60: {  	_ =	swait.ge [sflag:s1], $0x2000  }
0x61: {  	[sflag:s1] =	ssyncset.done $0x0  }
0x62: {  	s8 =	simm.s32 $0x5080;
	[sflag:s1] =	ssyncadd.s32 $0xFFFFE000  }
0x63: {  	[spmem:s2] =	stream.indirect.scatter.add.f32 [tilespmem:s24], [sflag:$0x6], $0x40, s8, s21, $0xb8;
	[tilespmem:$0x1F000] =	vst v63  }
0x64: {  	_ =	swait.ge [sflag:s18], $0x2000  }
0x65: {  	[sflag:s18] =	ssyncset.done $0x0  }
0x66: {  	s5 =	simm.s32 $0x300;
	[sflag:s18] =	ssyncadd.s32 $0xFFFFE000  }
0x67: {  	[tilespmem:s24], [sflag:$0x2] =	stream.indirect.gather [hbm4b:s7+s21], $0x40, s5, s21, $0xb8;
	[tilespmem:$0x1F000] =	vst v63  }
0x68: {  	_ =	swait.ge [sflag:s26], $0x2000  }
0x69: {  	[sflag:s26] =	ssyncset.done $0x0  }
0x6a: {  	s8 =	simm.s32 $0x5100;
	[sflag:s26] =	ssyncadd.s32 $0xFFFFE000  }
0x6b: {  	[spmem:s2] =	stream.indirect.scatter.add.f32 [tilespmem:s28], [sflag:$0x6], $0x40, s8, s21, $0xb8;
	[tilespmem:$0x1F000] =	vst v63  }
0x6c: {  	_ =	swait.ge [sflag:s18], $0x2000  }
0x6d: {  	[sflag:s18] =	ssyncset.done $0x0  }
0x6e: {  	s5 =	simm.s32 $0x380;
	[sflag:s18] =	ssyncadd.s32 $0xFFFFE000  }
0x6f: {  	[tilespmem:s28], [sflag:$0x3] =	stream.indirect.gather [hbm4b:s7+s21], $0x40, s5, s21, $0xb8;
	[tilespmem:$0x1F000] =	vst v63  }
0x70: {  	_ =	swait.ge [sflag:s29], $0x2000  }
0x71: {  	[sflag:s29] =	ssyncset.done $0x0  }
0x72: {  	s8 =	simm.s32 $0x5180;
	[sflag:s29] =	ssyncadd.s32 $0xFFFFE000  }
0x73: {  	[spmem:s2] =	stream.indirect.scatter.add.f32 [tilespmem:s30], [sflag:$0x6], $0x40, s8, s21, $0xb8;
	[tilespmem:$0x1F000] =	vst v63  }
0x74: {  	_ =	swait.ge [sflag:s18], $0x2000  }
0x75: {  	[sflag:s18] =	ssyncset.done $0x0  }
0x76: {  	s5 =	simm.s32 $0x400;
	[sflag:s18] =	ssyncadd.s32 $0xFFFFE000  }
0x77: {  	[tilespmem:s30], [sflag:$0x4] =	stream.indirect.gather [hbm4b:s7+s21], $0x40, s5, s21, $0xb8;
	[tilespmem:$0x1F000] =	vst v63  }
0x78: {  	_ =	swait.ge [sflag:s31], $0x2000  }
0x79: {  	[sflag:s31] =	ssyncset.done $0x0  }
0x7a: {  	s8 =	simm.s32 $0x5200;
	[sflag:s31] =	ssyncadd.s32 $0xFFFFE000  }
0x7b: {  	[spmem:s2] =	stream.indirect.scatter.add.f32 [tilespmem:s0], [sflag:$0x6], $0x40, s8, s21, $0xb8;
	[tilespmem:$0x1F000] =	vst v63  }
0x7c: {  	_ =	swait.ge [sflag:s18], $0x2000  }
0x7d: {  	[sflag:s18] =	ssyncset.done $0x0  }
0x7e: {  	s4 =	simm.s32 $0xA00;
	s5 =	simm.s32 $0x480;
	[sflag:s18] =	ssyncadd.s32 $0xFFFFE000  }
.LBB2_4:
0x7f: {  	[tilespmem:s0], [sflag:$0x5] =	stream.indirect.gather [hbm4b:s7+s21], $0x40, s5, s21, $0xb8;
	[tilespmem:$0x1F000] =	vst v63  }
0x80: {  	s5 =	smov.u32 s4  }
0x81: {  	p0 =	sne.s32 s4, $0x12C00;
	s4 =	sadd.s32 $0xA00, s4;
	_ =	swait.ge [sflag:s19], $0x2000  }
0x82: {  	s5 =	sshra.s32 s5, $0x2;
	[sflag:s19] =	ssyncset.done $0x0  }
0x83: {  	s8 =	sadd.s32 $0x5000, s5;
	[sflag:s19] =	ssyncadd.s32 $0xFFFFE000  }
0x84: {  	[spmem:s2] =	stream.indirect.scatter.add.f32 [tilespmem:s22], [sflag:$0x6], $0x40, s8, s21, $0xb8;
	[tilespmem:$0x1F000] =	vst v63  }
0x85: {  	_ =	swait.ge [sflag:s18], $0x2000  }
0x86: {  	[sflag:s18] =	ssyncset.done $0x0  }
0x87: {  	s8 =	sadd.s32 $0x280, s5;
	[sflag:s18] =	ssyncadd.s32 $0xFFFFE000  }
0x88: {  	[tilespmem:s22], [sflag:$0x1] =	stream.indirect.gather [hbm4b:s7+s21], $0x40, s8, s21, $0xb8;
	[tilespmem:$0x1F000] =	vst v63  }
0x89: {  	_ =	swait.ge [sflag:s1], $0x2000  }
0x8a: {  	[sflag:s1] =	ssyncset.done $0x0  }
0x8b: {  	s8 =	sadd.s32 $0x5080, s5;
	[sflag:s1] =	ssyncadd.s32 $0xFFFFE000  }
0x8c: {  	[spmem:s2] =	stream.indirect.scatter.add.f32 [tilespmem:s24], [sflag:$0x6], $0x40, s8, s21, $0xb8;
	[tilespmem:$0x1F000] =	vst v63  }
0x8d: {  	_ =	swait.ge [sflag:s18], $0x2000  }
0x8e: {  	[sflag:s18] =	ssyncset.done $0x0  }
0x8f: {  	s8 =	sadd.s32 $0x300, s5;
	[sflag:s18] =	ssyncadd.s32 $0xFFFFE000  }
0x90: {  	[tilespmem:s24], [sflag:$0x2] =	stream.indirect.gather [hbm4b:s7+s21], $0x40, s8, s21, $0xb8;
	[tilespmem:$0x1F000] =	vst v63  }
0x91: {  	_ =	swait.ge [sflag:s26], $0x2000  }
0x92: {  	[sflag:s26] =	ssyncset.done $0x0  }
0x93: {  	s8 =	sadd.s32 $0x5100, s5;
	[sflag:s26] =	ssyncadd.s32 $0xFFFFE000  }
0x94: {  	[spmem:s2] =	stream.indirect.scatter.add.f32 [tilespmem:s28], [sflag:$0x6], $0x40, s8, s21, $0xb8;
	[tilespmem:$0x1F000] =	vst v63  }
0x95: {  	_ =	swait.ge [sflag:s18], $0x2000  }
0x96: {  	[sflag:s18] =	ssyncset.done $0x0  }
0x97: {  	s8 =	sadd.s32 $0x380, s5;
	[sflag:s18] =	ssyncadd.s32 $0xFFFFE000  }
0x98: {  	[tilespmem:s28], [sflag:$0x3] =	stream.indirect.gather [hbm4b:s7+s21], $0x40, s8, s21, $0xb8;
	[tilespmem:$0x1F000] =	vst v63  }
0x99: {  	_ =	swait.ge [sflag:s29], $0x2000  }
0x9a: {  	[sflag:s29] =	ssyncset.done $0x0  }
0x9b: {  	s8 =	sadd.s32 $0x5180, s5;
	[sflag:s29] =	ssyncadd.s32 $0xFFFFE000  }
0x9c: {  	[spmem:s2] =	stream.indirect.scatter.add.f32 [tilespmem:s30], [sflag:$0x6], $0x40, s8, s21, $0xb8;
	[tilespmem:$0x1F000] =	vst v63  }
0x9d: {  	_ =	swait.ge [sflag:s18], $0x2000  }
0x9e: {  	[sflag:s18] =	ssyncset.done $0x0  }
0x9f: {  	s8 =	sadd.s32 $0x400, s5;
	[sflag:s18] =	ssyncadd.s32 $0xFFFFE000  }
0xa0: {  	[tilespmem:s30], [sflag:$0x4] =	stream.indirect.gather [hbm4b:s7+s21], $0x40, s8, s21, $0xb8;
	[tilespmem:$0x1F000] =	vst v63  }
0xa1: {  	_ =	swait.ge [sflag:s31], $0x2000  }
0xa2: {  	[sflag:s31] =	ssyncset.done $0x0  }
.Ltmp1:
0xa3: {  	s8 =	sadd.s32 $0x5200, s5;
	[sflag:s31] =	ssyncadd.s32 $0xFFFFE000;
	(pc) =	sbr.rel @p0 .LBB2_4-.Ltmp1, $4  }
0xa4: {  	[spmem:s2] =	stream.indirect.scatter.add.f32 [tilespmem:s0], [sflag:$0x6], $0x40, s8, s21, $0xb8;
	[tilespmem:$0x1F000] =	vst v63  }
0xa5: {  	_ =	swait.ge [sflag:s18], $0x2000  }
0xa6: {  	[sflag:s18] =	ssyncset.done $0x0  }
0xa7: {  	s5 =	sadd.s32 $0x480, s5;
	[sflag:s18] =	ssyncadd.s32 $0xFFFFE000  }
0xa8: {  	[tilespmem:s0], [sflag:$0x5] =	stream.indirect.gather [hbm4b:s7+s21], $0x40, s5, s21, $0xb8;
	[tilespmem:$0x1F000] =	vst v63  }
0xa9: {  	_ =	swait.ge [sflag:s19], $0x2000  }
0xaa: {  	[sflag:s19] =	ssyncset.done $0x0  }
0xab: {  	s4 =	simm.s32 $0x9D80;
	[sflag:s19] =	ssyncadd.s32 $0xFFFFE000  }
0xac: {  	[spmem:s2] =	stream.indirect.scatter.add.f32 [tilespmem:s22], [sflag:$0x6], $0x40, s4, s21, $0xb8;
	[tilespmem:$0x1F000] =	vst v63  }
0xad: {  	_ =	swait.ge [sflag:s18], $0x2000  }
0xae: {  	[sflag:s18] =	ssyncset.done $0x0  }
0xaf: {  	[sflag:s18] =	ssyncadd.s32 $0xFFFFE000  }
0xb0: {  	_ =	swait.ge [sflag:s1], $0x2000  }
0xb1: {  	[sflag:s1] =	ssyncset.done $0x0  }
0xb2: {  	s5 =	simm.s32 $0x9E00;
	[sflag:s1] =	ssyncadd.s32 $0xFFFFE000  }
0xb3: {  	[spmem:s2] =	stream.indirect.scatter.add.f32 [tilespmem:s24], [sflag:$0x6], $0x40, s5, s21, $0xb8;
	[tilespmem:$0x1F000] =	vst v63  }
0xb4: {  	_ =	swait.ge [sflag:s18], $0x2000  }
0xb5: {  	[sflag:s18] =	ssyncset.done $0x0  }
0xb6: {  	[sflag:s18] =	ssyncadd.s32 $0xFFFFE000  }
0xb7: {  	_ =	swait.ge [sflag:s26], $0x2000  }
0xb8: {  	[sflag:s26] =	ssyncset.done $0x0  }
0xb9: {  	s8 =	simm.s32 $0x9E80;
	[sflag:s26] =	ssyncadd.s32 $0xFFFFE000  }
0xba: {  	[spmem:s2] =	stream.indirect.scatter.add.f32 [tilespmem:s28], [sflag:$0x6], $0x40, s8, s21, $0xb8;
	[tilespmem:$0x1F000] =	vst v63  }
0xbb: {  	_ =	swait.ge [sflag:s18], $0x2000  }
0xbc: {  	[sflag:s18] =	ssyncset.done $0x0  }
0xbd: {  	[sflag:s18] =	ssyncadd.s32 $0xFFFFE000  }
0xbe: {  	_ =	swait.ge [sflag:s29], $0x2000  }
0xbf: {  	[sflag:s29] =	ssyncset.done $0x0  }
0xc0: {  	s5 =	simm.s32 $0x9F00;
	[sflag:s29] =	ssyncadd.s32 $0xFFFFE000  }
0xc1: {  	[spmem:s2] =	stream.indirect.scatter.add.f32 [tilespmem:s30], [sflag:$0x6], $0x40, s5, s21, $0xb8;
	[tilespmem:$0x1F000] =	vst v63  }
0xc2: {  	_ =	swait.ge [sflag:s18], $0x2000  }
0xc3: {  	[sflag:s18] =	ssyncset.done $0x0  }
0xc4: {  	[sflag:s18] =	ssyncadd.s32 $0xFFFFE000  }
0xc5: {  	_ =	swait.ge [sflag:s31], $0x2000  }
0xc6: {  	[sflag:s31] =	ssyncset.done $0x0  }
0xc7: {  	s8 =	simm.s32 $0x9F80;
	[sflag:s31] =	ssyncadd.s32 $0xFFFFE000  }
0xc8: {  	[spmem:s2] =	stream.indirect.scatter.add.f32 [tilespmem:s0], [sflag:$0x6], $0x40, s8, s21, $0xb8;
	[tilespmem:$0x1F000] =	vst v63  }
0xc9: {  	_ =	swait.ge [sflag:s18], $0x2000  }
0xca: {  	s5 =	stileid.u32;
	[sflag:s18] =	ssyncset.done $0x0  }
0xcb: {  	s4 =	sshll.u32 s5, $0x6;
	[sflag:s18] =	ssyncadd.s32 $0xFFFFE000  }
0xcc: {  	s4 =	sor.u32 $0x1C06, s4;
	[bflag:$0x0] =	sbarrier.arrive $0xFFFF  }
0xcd: {  	[hbm:s23], [sflag:s4] =	dma.local [spmem:s25], $0x1400  }
0xce: {  	_ =	swait.ge [sflag:s18], $0x1400  }
0xcf: {  	s3 =	sadd.s32 $0x1, s3;
	s8 =	rddreg [dreg:$0x5]  }
0xd0: {  	p0 =	sne.s32 s3, s8  }
.Ltmp2:
0xd1: {  	_ = 	snop;
	(pc) =	sbr.rel @p0 .LBB2_1-.Ltmp2, $3  }
0xd2: {  	_ =	sdelay $0x1  }
0xd3: {  	[sflag:s18] =	ssyncset.done $0x0  }
0xd4: {  	[sflag:s18] =	ssyncadd.s32 $0xFFFFEC00  }
0xd5: {  	_ =	sfence.sel $0x180000  }
0xd6: {  	[bflag:$0x0] =	sbarrier.arrive $0xFFFF  }
0xd7: {  	_ =	strace $0x9000004A  }
0xd8: {  	s0 =	stileid.u32;
	[bflag:$0x2] =	sbarrier.arrive $0xFFFF  }
0xd9: {  	p0 =	sne.s32 s0, $0x0;
	s0 =	rddreg [dreg:$0x2]  }
0xda: {  	s0 =	sadd.s32 @!p0 $0x100000, s0  }
0xdb: {  	[sflag:s0] =	ssyncadd.tile.s32 @!p0 $0x1;
	_ =	shalt  }
.Lfunc_end2:
_tile_overlayer_lowered:
.L_overlay_start_2:
0xdc: {  	(tag) =	ssettag $0x2  }
0xdd: {  	s0 =	rddreg [dreg:$0x0];
	s2 =	stileid.u32  }
0xde: {  	s1 =	rddreg [dreg:$0x1];
	p0 =	sne.s32 s2, $0x0  }
0xdf: {  	s3 =	rddreg [dreg:$0x2];
	[bflag:$0x3] =	sbarrier.arrive $0xFFFF;
	s2 =	simm.s32 @!p0 $0x1C06  }
0xe0: {  	[timem:s3], [sflag:s2] =	dma.local @!p0 [hbm:s0], s1  }
0xe1: {  	s0 =	simm.s32 @!p0 $0x6  }
0xe2: {  	_ =	swait.ge @!p0 [sflag:s0], s1  }
0xe3: {  	s1 =	ssub.s32 @!p0 $0x0, s1;
	[sflag:s0] =	ssyncset.done @!p0 $0x0  }
0xe4: {  	[sflag:s0] =	ssyncadd.s32 @!p0 s1  }
0xe5: {  	[bflag:$0x3] =	sbarrier.arrive $0xFFFF  }
0xe6: {  	_ =	shalt  }

// kernel: kernel.16.cloned.1.call-start
scs
__scs_entry_jumppad:
0x0: {  	(pc) =	sbr.rel $0x88, $3  }
0x1: {  	(tag) =	ssettag $0x0;
	lr =	simm.s32 $0x1  }
0x2: {  	[smem:$0x3F96] =	sst lr;
	_ =	strace $0xD0000000  }
0x3: {  	_ = 	snop  }
0x4: {  	_ = 	snop  }
0x5: {  	_ = 	snop  }
0x6: {  	_ = 	snop  }
0x7: {  	_ = 	snop  }
__scs_overlays_trampoline_lowered:
0x8: {  	[smem:$0x3FA5] =	sst s0  }
0x9: {  	[smem:$0x3FA6] =	sst s1  }
0xa: {  	[smem:$0x3FA7] =	sst s2  }
0xb: {  	[smem:$0x3FA8] =	sst s3  }
0xc: {  	[smem:$0x3FA9] =	sst s4  }
0xd: {  	[smem:$0x3FAA] =	sst s5  }
0xe: {  	[smem:$0x3FAB] =	sst s6  }
0xf: {  	[smem:$0x3FAC] =	sst s7  }
0x10: {  	[smem:$0x3FAD] =	sst s8  }
0x11: {  	[smem:$0x3FAE] =	sst s9;
	s0 =	simm.s32 @!p0 $0x0  }
0x12: {  	s1 =	sld [smem:$0x3F94];
	s0 =	simm.s32 @p0 $0x1  }
0x13: {  	[smem:$0x3FAF] =	sst s0;
	s0 =	simm.s32 @!p1 $0x0  }
0x14: {  	s2 =	sld [smem:$0x3F93];
	s0 =	simm.s32 @p1 $0x1  }
0x15: {  	[smem:$0x3FB0] =	sst s0;
	s0 =	simm.s32 @!p2 $0x0  }
0x16: {  	s3 =	sld [smem:$0x3FDB];
	s0 =	simm.s32 @p2 $0x1  }
0x17: {  	s4 =	simm.s32 $0x1BF5;
	[smem:$0x3FB2] =	sst s0  }
0x18: {  	s0 =	sld [smem:$0x3F95];
	_ =	swait.ge [sflag:s4], $0x0  }
0x19: {  	s7 =	sld [smem:$0x3F96]  }
0x1a: {  	s8 =	sadd.s32 $0xFFFFE003, lr  }
0x1b: {  	s9 =	sadd.s32 $0xFFFFFEF7, lr;
	s5 =	simm.s32 $0xFFFFFFFF;
	p2 =	slt.u32 s8, $0xFFFFF086  }
0x1c: {  	p1 =	slt.u32 s9, $0xF7A;
	s5 =	simm.s32 @!p2 $0x0  }
0x1d: {  	s5 =	simm.s32 @p1 $0x1;
	p0 =	seq.s32 s7, s2  }
0x1e: {  	s7 =	smul.u32 @!p0 $0xF7A, s2;
	p2 =	seq.s32 @!p0 s5, $0x0  }
0x1f: {  	s9 =	smul.u32 $0xF7A, s1;
	s8 =	simm.s32 @!p0 $0x1BF5;
	p2 =	por !p2, p0  }
0x20: {  	[sflag:s8] =	ssyncset.s32 @!p0 $0xFFFFF086;
	s6 =	sadd.s32 @!p0 s3, s7;
	s7 =	simm.s32 @!p0 $0x108  }
0x21: {  	s3 =	sadd.s32 s3, s9;
	s6 =	sadd.s32 @!p0 $0x88, s6;
	s7 =	simm.s32 @p2 $0x1082  }
0x22: {  	[simem:s7], [sflag:s8] =	dma.local @!p0 [hbm:s6], $0xF7A  }
0x23: {  	s9 =	sor.u32 $0xD0000000, s2;
	s6 =	simm.s32 $0x108;
	_ =	swait.ge @!p0 [sflag:s8], $0x0  }
0x24: {  	s3 =	sadd.s32 $0x88, s3;
	s6 =	simm.s32 @!p1 $0x1082;
	[sflag:s4] =	ssyncset.s32 $0xFFFFF086  }
0x25: {  	[simem:s6], [sflag:s4] =	dma.local [hbm:s3], $0xF7A  }
0x26: {  	[smem:$0x3F96] =	sst s1;
	(tag) =	ssettag s2;
	_ =	strace s9  }
0x27: {  	s1 =	sld [smem:$0x3FA6]  }
0x28: {  	s2 =	sld [smem:$0x3FA7]  }
0x29: {  	s4 =	sld [smem:$0x3FA9]  }
0x2a: {  	p0 =	seq.s32 s5, $0x0;
	s5 =	sld [smem:$0x3FAA]  }
0x2b: {  	s6 =	sld [smem:$0x3FAB]  }
0x2c: {  	s7 =	sld [smem:$0x3FAC]  }
0x2d: {  	s3 =	simm.s32 $0x108;
	s8 =	sld [smem:$0x3FAD]  }
0x2e: {  	s3 =	simm.s32 @!p0 $0x1082;
	s9 =	sld [smem:$0x3FAE]  }
0x2f: {  	lr =	sadd.s32 s0, s3;
	s0 =	sld [smem:$0x3FA5]  }
0x30: {  	s3 =	sld [smem:$0x3FA8]  }
0x31: {  	[smem:$0x3FB1] =	sst s10  }
0x32: {  	s10 =	sld [smem:$0x3FAF];
	_ =	sdelay $0x3  }
0x33: {  	p0 =	seq.s32 s10, $0x1;
	s10 =	sld [smem:$0x3FB1];
	_ =	sdelay $0x3  }
0x34: {  	[smem:$0x3FB1] =	sst s10  }
0x35: {  	s10 =	sld [smem:$0x3FB0];
	_ =	sdelay $0x3  }
0x36: {  	p1 =	seq.s32 s10, $0x1;
	s10 =	sld [smem:$0x3FB1];
	_ =	sdelay $0x3  }
0x37: {  	[smem:$0x3FB1] =	sst s10  }
0x38: {  	s10 =	sld [smem:$0x3FB2]  }
0x39: {  	_ = 	snop;
	(pc) =	sbr.ind lr, $3  }
0x3a: {  	_ = 	snop  }
0x3b: {  	_ = 	snop  }
0x3c: {  	p2 =	seq.s32 s10, $0x1;
	s10 =	sld [smem:$0x3FB1]  }
0x3d: {  	_ =	shalt  }
0x3e: {  	_ =	shalt  }
0x3f: {  	_ =	shalt  }
0x40: {  	_ =	shalt  }
0x41: {  	_ =	shalt  }
0x42: {  	_ =	shalt  }
0x43: {  	_ =	shalt  }
0x44: {  	_ =	shalt  }
0x45: {  	_ =	shalt  }
0x46: {  	_ =	shalt  }
0x47: {  	_ =	shalt  }
0x48: {  	_ =	shalt  }
0x49: {  	_ =	shalt  }
0x4a: {  	_ =	shalt  }
0x4b: {  	_ =	shalt  }
0x4c: {  	_ =	shalt  }
0x4d: {  	_ =	shalt  }
0x4e: {  	_ =	shalt  }
0x4f: {  	_ =	shalt  }
0x50: {  	_ =	shalt  }
0x51: {  	_ =	shalt  }
0x52: {  	_ =	shalt  }
0x53: {  	_ =	shalt  }
0x54: {  	_ =	shalt  }
0x55: {  	_ =	shalt  }
0x56: {  	_ =	shalt  }
0x57: {  	_ =	shalt  }
0x58: {  	_ =	shalt  }
0x59: {  	_ =	shalt  }
0x5a: {  	_ =	shalt  }
0x5b: {  	_ =	shalt  }
0x5c: {  	_ =	shalt  }
0x5d: {  	_ =	shalt  }
0x5e: {  	_ =	shalt  }
0x5f: {  	_ =	shalt  }
0x60: {  	_ =	shalt  }
0x61: {  	_ =	shalt  }
0x62: {  	_ =	shalt  }
0x63: {  	_ =	shalt  }
0x64: {  	_ =	shalt  }
0x65: {  	_ =	shalt  }
0x66: {  	_ =	shalt  }
0x67: {  	_ =	shalt  }
0x68: {  	_ =	shalt  }
0x69: {  	_ =	shalt  }
0x6a: {  	_ =	shalt  }
0x6b: {  	_ =	shalt  }
0x6c: {  	_ =	shalt  }
0x6d: {  	_ =	shalt  }
0x6e: {  	_ =	shalt  }
0x6f: {  	_ =	shalt  }
0x70: {  	_ =	shalt  }
0x71: {  	_ =	shalt  }
0x72: {  	_ =	shalt  }
0x73: {  	_ =	shalt  }
0x74: {  	_ =	shalt  }
0x75: {  	_ =	shalt  }
0x76: {  	_ =	shalt  }
0x77: {  	_ =	shalt  }
0x78: {  	_ =	shalt  }
0x79: {  	_ =	shalt  }
0x7a: {  	_ =	shalt  }
0x7b: {  	_ =	shalt  }
0x7c: {  	_ =	shalt  }
0x7d: {  	_ =	shalt  }
0x7e: {  	_ =	shalt  }
0x7f: {  	_ =	shalt  }
0x80: {  	_ =	shalt  }
0x81: {  	_ =	shalt  }
0x82: {  	_ =	shalt  }
0x83: {  	_ =	shalt  }
0x84: {  	_ =	shalt  }
0x85: {  	_ =	shalt  }
0x86: {  	_ =	shalt  }
0x87: {  	_ =	shalt  }
.Lfunc_end0:
.L_simem_size_0:
called_computation.2_lowered:
.L_overlay_start_0:
0x88: {  	s2 =	sld [smem:$0x3FD9]  }
0x89: {  	s3 =	sld [smem:$0x3FFE];
	_ =	sdelay $0x1  }
0x8a: {  	s1 =	srdreg.scid  }
0x8b: {  	s0 =	sand.u32 $0x1, s1  }
0x8c: {  	s16 =	sshll.u32 s0, $0xA;
	s2 =	sadd.s32 s3, s2  }
0x8d: {  	s2 =	sadd.s32 s2, s16  }
0x8e: {  	[smem:$0x3FBD] =	sst s2  }
0x8f: {  	_ = 	snop  }
0x90: {  	(tm) =	ssettm $0x1  }
0x91: {  	s17 =	sld [smem:$0x3FFB];
	_ =	sdelay $0x3  }
0x92: {  	_ =	strace s17  }
0x93: {  	s2 =	sld [smem:$0x3FFC];
	_ =	sdelay $0x3  }
0x94: {  	_ =	strace s2  }
0x95: {  	s2 =	sld [smem:$0x3FFD];
	_ =	sdelay $0x3  }
0x96: {  	_ =	strace s2  }
0x97: {  	_ =	strace $0x8FFFFFFF  }
0x98: {  	s18 =	sld [smem:$0x3FDB];
	_ =	sdelay $0x1  }
0x99: {  	s19 =	simm.s32 $_scs_section_size  }
0x9a: {  	s4 =	simm.s32 $_size__tile_overlayer_lowered;
	s5 =	simm.s32 $_tile_overlayer_lowered  }
0x9b: {  	s22 =	simm.s32 $0x1BFF;
	s21 =	sshll.u32 s5, $0x1;
	s2 =	sadd.s32 s19, s18  }
0x9c: {  	s6 =	simm.s32 $0x0;
	s20 =	sshll.u32 s4, $0x1;
	s4 =	sadd.s32 s21, s2  }
0x9d: {  	[timem:s6], [sflag:s22] =	dma.local [hbm:s4], s20  }
0x9e: {  	_ =	swait.ge [sflag:s22], s20  }
0x9f: {  	s3 =	ssub.s32 $0x0, s20;
	[sflag:s22] =	ssyncset.done $0x0  }
0xa0: {  	[sflag:s22] =	ssyncadd.s32 s3;
	_ =	sdelay $0x1  }
0xa1: {  	s23 =	simm.s32 $0x1B8B  }
0xa2: {  	_ =	swait.ge [sflag:s23], $0x1  }
0xa3: {  	[sflag:s23] =	ssyncset.done $0x0  }
0xa4: {  	s25 =	simm.s32 $0x1B8E;
	s24 =	sld [smem:$0x3FFE];
	[sflag:s23] =	ssyncadd.s32 $0xFFFFFFFF  }
0xa5: {  	s26 =	simm.s32 $execute0_lowered;
	[smem:$0x3FD2] =	sst s25  }
0xa6: {  	s4 =	sshll.u32 s26, $0x1;
	_ =	strace $0x8000004C;
	[dreg:$0x1] =	wrdreg $0xFFFFFFFF  }
0xa7: {  	s28 =	simm.s32 $_size_execute0_lowered;
	s2 =	sadd.s32 s2, s4;
	[dreg:$0x0] =	wrdreg $0x0  }
0xa8: {  	s4 =	sshll.u32 s28, $0x1;
	[dreg:$0x2] =	wrdreg s2  }
0xa9: {  	[dreg:$0x3] =	wrdreg s4  }
0xaa: {  	[dreg:$0x4] =	wrdreg $0xC0  }
0xab: {  	_ =	task [dreg:s6], $0x5FFFF  }
0xac: {  	[dreg:$0x1] =	wrdreg $0xFFFFFFFF  }
0xad: {  	[dreg:$0x0] =	wrdreg $0x60  }
0xae: {  	[dreg:$0x2] =	wrdreg s24  }
0xaf: {  	[dreg:$0x3] =	wrdreg $0x150000  }
0xb0: {  	[dreg:$0x4] =	wrdreg $0x9  }
0xb1: {  	_ =	task.clear_ibuf [dreg:s6], $0x5FFFF;
	_ =	strace $0x9000004C  }
0xb2: {  	s29 =	simm.s32 $0x9;
	_ =	strace $0x8000004E  }
0xb3: {  	_ =	swait.ge [sflag:s29], $0x1  }
0xb4: {  	[sflag:s29] =	ssyncadd.s32 $0xFFFFFFFF  }
0xb5: {  	_ =	strace $0x9000004E  }
0xb6: {  	_ =	sfence  }
0xb7: {  	s30 =	sld [smem:$0x0];
	_ =	sdelay $0x2  }
0xb8: {  	s31 =	sshll.u32 s1, $0xD;
	s1 =	sshrl.u32 s1, $0x2  }
0xb9: {  	s3 =	sand.u32 $0x4000, s31;
	s1 =	sadd.s32 s1, s30  }
0xba: {  	s0 =	sor.u32 s3, s0;
	s1 =	sshll.u32 s1, $0x11  }
0xbb: {  	s0 =	sor.u32 s1, s0  }
0xbc: {  	s0 =	sadd.s32 $0x8F2B, s0  }
0xbd: {  	[sflag:s0] =	ssyncadd.remote.s32 $0x1  }
0xbe: {  	_ =	sfence.sel $0xFFFF  }
0xbf: {  	[dreg:$0x0] =	wrdreg $0xFFFFFFFF;
	(pc) =	sbr.abs _section_cstart, $3  }
0xc0: {  	[dreg:$0x1] =	wrdreg $0xFFFFFFFF  }
0xc1: {  	_ =	task.clear_ibuf [dreg:s6], $0x2FFFF;
	_ =	strace $0x9FFFFFFF  }
0xc2: {  	(tm) =	ssettm $0x7FFFFFFF  }
0xc3: {  	_ =	shalt  }
tec
execute0_lowered:
.L_overlay_start_1:
0x0: {  	(tag) =	ssettag $0x1  }
0x1: {  	s0 =	rddreg [dreg:$0x0]  }
0x2: {  	s2 =	rddreg [dreg:$0x1];
	s6 =	stileid.u32  }
0x3: {  	s1 =	srdreg.scid;
	s4 =	simm.s32 $0x0;
	s18 =	simm.s32 $0x6  }
0x4: {  	s28 =	simm.s32 $0xE000;
	s30 =	simm.s32 $0x10000;
	s3 =	smul.u32 $0xA00, s6  }
0x5: {  	s19 =	simm.s32 $0x1;
	s29 =	simm.s32 $0x4;
	s5 =	smul.u32 $0x28000, s6  }
0x6: {  	s31 =	simm.s32 $0x5;
	s1 =	sand.u32 $0x1, s1;
	s23 =	smul.u32 $0xA000, s6  }
0x7: {  	[smem:$0x7FF] =	sst s4;
	s20 =	smul.u32 $0x14000, s1;
	s1 =	ssub.s32 $0x2, s1  }
0x8: {  	_ =	strace $0x8000004D;
	s3 =	sadd.s32 s3, s0;
	s21 =	sshrl.u32 s1, $0x1  }
0x9: {  	s22 =	sshrl.u32 s5, $0x2;
	s25 =	sshrl.u32 s23, $0x3;
	s26 =	sadd.s32 s23, s2  }
0xa: {  	s0 =	sadd.s32 s20, s0;
	s1 =	ssub.s32 s1, s21;
	s24 =	sadd.s32 $0x2C00, s3  }
0xb: {  	s3 =	sadd.s32 $0xCC00, s3;
	s6 =	sadd.s32 s22, s2;
	s20 =	simm.s32 $0x14000  }
0xc: {  	s21 =	simm.s32 $0x80;
	s22 =	simm.s32 $0xA000;
	[dreg:$0x3] =	wrdreg s24  }
0xd: {  	[dreg:$0x4] =	wrdreg s3;
	s7 =	sadd.s32 $0x66C00, s0;
	s0 =	sadd.s32 $0x8EC00, s0  }
0xe: {  	s1 =	smax.u32 s1, $0x1;
	s9 =	sadd.s32 $0x1000, s6;
	s10 =	sadd.s32 $0x2000, s6  }
0xf: {  	s11 =	sadd.s32 $0x3000, s6;
	s12 =	sadd.s32 $0x4000, s6;
	s13 =	sadd.s32 $0x5000, s6  }
0x10: {  	s14 =	sadd.s32 $0x6000, s6;
	s15 =	sadd.s32 $0x7000, s6;
	s16 =	sadd.s32 $0x8000, s6  }
0x11: {  	s17 =	sadd.s32 $0x9000, s6;
	s24 =	simm.s32 $0xC000;
	s3 =	simm.s32 $0x0  }
0x12: {  	[dreg:$0x5] =	wrdreg s1;
	s23 =	sadd.s32 s25, s0;
	s25 =	sshrl.u32 s26, $0x3  }
0x13: {  	v0 =	vimm.f32 $0.0e+00;
	s0 =	simm.s32 $0x12000;
	s1 =	simm.s32 $0x2;
	s26 =	simm.s32 $0x3  }
.LBB2_1:
0x14: {  	s4 =	simm.s32 $0x0;
	s5 =	rddreg [dreg:$0x3]  }
0x15: {  	[tilespmem:s4], [sflag:$0x6] =	stream.linear.gather [hbm4b:s5+s4], $0x5000, $0x38;
	[tilespmem:$0x1F000] =	vst v63  }
0x16: {  	_ =	swait.ge [sflag:s18], $0x5000  }
0x17: {  	[sflag:s18] =	ssyncset.done $0x0  }
0x18: {  	s8 =	simm.s32 $0x5000;
	s5 =	rddreg [dreg:$0x4];
	[sflag:s18] =	ssyncadd.s32 $0xFFFFB000  }
0x19: {  	[tilespmem:s8], [sflag:$0x6] =	stream.linear.gather [hbm4b:s5+s4], $0x5000, $0x38;
	[tilespmem:$0x1F000] =	vst v63  }
0x1a: {  	_ =	swait.ge [sflag:s18], $0x5000  }
0x1b: {  	[sflag:s18] =	ssyncset.done $0x0  }
0x1c: {  	s5 =	simm.s32 $0x100;
	s4 =	simm.s32 $0x0;
	[sflag:s18] =	ssyncadd.s32 $0xFFFFB000  }
.LBB2_2:
0x1d: {  	p0 =	sne.s32 s5, $0x3F00;
	[tilespmem:s4+$0x14030] =	vst v0;
	s8 =	smov.u32 s5;
	s5 =	sadd.s32 $0x100, s5  }
.Ltmp0:
0x1e: {  	[tilespmem:s4+$0x14020] =	vst v0;
	(pc) =	sbr.rel @p0 .LBB2_2-.Ltmp0, $3  }
0x1f: {  	[tilespmem:s4+$0x14000] =	vst v0  }
0x20: {  	[tilespmem:s4+$0x14010] =	vst v0;
	_ =	sdelay $0x1  }
0x21: {  	s4 =	sshra.s32 s8, $0x2  }
0x22: {  	[tilespmem:s4+$0x14030] =	vst v0  }
0x23: {  	[tilespmem:s4+$0x14020] =	vst v0  }
0x24: {  	[tilespmem:s4+$0x14000] =	vst v0  }
0x25: {  	[tilespmem:s4+$0x14010] =	vst v0  }
0x26: {  	[spmem:s6] =	stream.linear.scatter [tilespmem:s20], [sflag:$0x6], $0x1000, $0x38;
	[tilespmem:$0x1F000] =	vst v63  }
0x27: {  	_ =	swait.ge [sflag:s18], $0x1000  }
0x28: {  	[sflag:s18] =	ssyncset.done $0x0  }
0x29: {  	[sflag:s18] =	ssyncadd.s32 $0xFFFFF000  }
0x2a: {  	[spmem:s9] =	stream.linear.scatter [tilespmem:s20], [sflag:$0x6], $0x1000, $0x38;
	[tilespmem:$0x1F000] =	vst v63  }
0x2b: {  	_ =	swait.ge [sflag:s18], $0x1000  }
0x2c: {  	[sflag:s18] =	ssyncset.done $0x0  }
0x2d: {  	[sflag:s18] =	ssyncadd.s32 $0xFFFFF000  }
0x2e: {  	[spmem:s10] =	stream.linear.scatter [tilespmem:s20], [sflag:$0x6], $0x1000, $0x38;
	[tilespmem:$0x1F000] =	vst v63  }
0x2f: {  	_ =	swait.ge [sflag:s18], $0x1000  }
0x30: {  	[sflag:s18] =	ssyncset.done $0x0  }
0x31: {  	[sflag:s18] =	ssyncadd.s32 $0xFFFFF000  }
0x32: {  	[spmem:s11] =	stream.linear.scatter [tilespmem:s20], [sflag:$0x6], $0x1000, $0x38;
	[tilespmem:$0x1F000] =	vst v63  }
0x33: {  	_ =	swait.ge [sflag:s18], $0x1000  }
0x34: {  	[sflag:s18] =	ssyncset.done $0x0  }
0x35: {  	[sflag:s18] =	ssyncadd.s32 $0xFFFFF000  }
0x36: {  	[spmem:s12] =	stream.linear.scatter [tilespmem:s20], [sflag:$0x6], $0x1000, $0x38;
	[tilespmem:$0x1F000] =	vst v63  }
0x37: {  	_ =	swait.ge [sflag:s18], $0x1000  }
0x38: {  	[sflag:s18] =	ssyncset.done $0x0  }
0x39: {  	[sflag:s18] =	ssyncadd.s32 $0xFFFFF000  }
0x3a: {  	[spmem:s13] =	stream.linear.scatter [tilespmem:s20], [sflag:$0x6], $0x1000, $0x38;
	[tilespmem:$0x1F000] =	vst v63  }
0x3b: {  	_ =	swait.ge [sflag:s18], $0x1000  }
0x3c: {  	[sflag:s18] =	ssyncset.done $0x0  }
0x3d: {  	[sflag:s18] =	ssyncadd.s32 $0xFFFFF000  }
0x3e: {  	[spmem:s14] =	stream.linear.scatter [tilespmem:s20], [sflag:$0x6], $0x1000, $0x38;
	[tilespmem:$0x1F000] =	vst v63  }
0x3f: {  	_ =	swait.ge [sflag:s18], $0x1000  }
0x40: {  	[sflag:s18] =	ssyncset.done $0x0  }
0x41: {  	[sflag:s18] =	ssyncadd.s32 $0xFFFFF000  }
0x42: {  	[spmem:s15] =	stream.linear.scatter [tilespmem:s20], [sflag:$0x6], $0x1000, $0x38;
	[tilespmem:$0x1F000] =	vst v63  }
0x43: {  	_ =	swait.ge [sflag:s18], $0x1000  }
0x44: {  	[sflag:s18] =	ssyncset.done $0x0  }
0x45: {  	[sflag:s18] =	ssyncadd.s32 $0xFFFFF000  }
0x46: {  	[spmem:s16] =	stream.linear.scatter [tilespmem:s20], [sflag:$0x6], $0x1000, $0x38;
	[tilespmem:$0x1F000] =	vst v63  }
0x47: {  	_ =	swait.ge [sflag:s18], $0x1000  }
0x48: {  	[sflag:s18] =	ssyncset.done $0x0  }
0x49: {  	[sflag:s18] =	ssyncadd.s32 $0xFFFFF000  }
0x4a: {  	[spmem:s17] =	stream.linear.scatter [tilespmem:s20], [sflag:$0x6], $0x1000, $0x38;
	[tilespmem:$0x1F000] =	vst v63  }
0x4b: {  	_ =	swait.ge [sflag:s18], $0x1000  }
0x4c: {  	[sflag:s18] =	ssyncset.done $0x0  }
0x4d: {  	[sflag:s18] =	ssyncadd.s32 $0xFFFFF000  }
0x4e: {  	s8 =	simm.s32 $0x0;
	[bflag:$0x0] =	sbarrier.arrive $0xFFFF  }
0x4f: {  	[tilespmem:s22], [sflag:$0x1] =	stream.indirect.gather [hbm4b:s7+s21], $0x40, s8, s21, $0xb8;
	[tilespmem:$0x1F000] =	vst v63  }
0x50: {  	_ = 	snop  }
0x51: {  	[tilespmem:s24], [sflag:$0x2] =	stream.indirect.gather [hbm4b:s7+s21], $0x40, s21, s21, $0xb8;
	[tilespmem:$0x1F000] =	vst v63  }
0x52: {  	s5 =	simm.s32 $0x100  }
0x53: {  	[tilespmem:s28], [sflag:$0x3] =	stream.indirect.gather [hbm4b:s7+s21], $0x40, s5, s21, $0xb8;
	[tilespmem:$0x1F000] =	vst v63  }
0x54: {  	s8 =	simm.s32 $0x180  }
0x55: {  	[tilespmem:s30], [sflag:$0x4] =	stream.indirect.gather [hbm4b:s7+s21], $0x40, s8, s21, $0xb8;
	[tilespmem:$0x1F000] =	vst v63  }
0x56: {  	s5 =	simm.s32 $0x200  }
0x57: {  	[tilespmem:s0], [sflag:$0x5] =	stream.indirect.gather [hbm4b:s7+s21], $0x40, s5, s21, $0xb8;
	[tilespmem:$0x1F000] =	vst v63  }
0x58: {  	_ =	swait.ge [sflag:s19], $0x2000  }
0x59: {  	[sflag:s19] =	ssyncset.done $0x0  }
0x5a: {  	s8 =	simm.s32 $0x5000;
	[sflag:s19] =	ssyncadd.s32 $0xFFFFE000  }
0x5b: {  	[spmem:s2] =	stream.indirect.scatter.add.f32 [tilespmem:s22], [sflag:$0x6], $0x40, s8, s21, $0xb8;
	[tilespmem:$0x1F000] =	vst v63  }
0x5c: {  	_ =	swait.ge [sflag:s18], $0x2000  }
0x5d: {  	[sflag:s18] =	ssyncset.done $0x0  }
0x5e: {  	s5 =	simm.s32 $0x280;
	[sflag:s18] =	ssyncadd.s32 $0xFFFFE000  }
0x5f: {  	[tilespmem:s22], [sflag:$0x1] =	stream.indirect.gather [hbm4b:s7+s21], $0x40, s5, s21, $0xb8;
	[tilespmem:$0x1F000] =	vst v63  }
0x60: {  	_ =	swait.ge [sflag:s1], $0x2000  }
0x61: {  	[sflag:s1] =	ssyncset.done $0x0  }
0x62: {  	s8 =	simm.s32 $0x5080;
	[sflag:s1] =	ssyncadd.s32 $0xFFFFE000  }
0x63: {  	[spmem:s2] =	stream.indirect.scatter.add.f32 [tilespmem:s24], [sflag:$0x6], $0x40, s8, s21, $0xb8;
	[tilespmem:$0x1F000] =	vst v63  }
0x64: {  	_ =	swait.ge [sflag:s18], $0x2000  }
0x65: {  	[sflag:s18] =	ssyncset.done $0x0  }
0x66: {  	s5 =	simm.s32 $0x300;
	[sflag:s18] =	ssyncadd.s32 $0xFFFFE000  }
0x67: {  	[tilespmem:s24], [sflag:$0x2] =	stream.indirect.gather [hbm4b:s7+s21], $0x40, s5, s21, $0xb8;
	[tilespmem:$0x1F000] =	vst v63  }
0x68: {  	_ =	swait.ge [sflag:s26], $0x2000  }
0x69: {  	[sflag:s26] =	ssyncset.done $0x0  }
0x6a: {  	s8 =	simm.s32 $0x5100;
	[sflag:s26] =	ssyncadd.s32 $0xFFFFE000  }
0x6b: {  	[spmem:s2] =	stream.indirect.scatter.add.f32 [tilespmem:s28], [sflag:$0x6], $0x40, s8, s21, $0xb8;
	[tilespmem:$0x1F000] =	vst v63  }
0x6c: {  	_ =	swait.ge [sflag:s18], $0x2000  }
0x6d: {  	[sflag:s18] =	ssyncset.done $0x0  }
0x6e: {  	s5 =	simm.s32 $0x380;
	[sflag:s18] =	ssyncadd.s32 $0xFFFFE000  }
0x6f: {  	[tilespmem:s28], [sflag:$0x3] =	stream.indirect.gather [hbm4b:s7+s21], $0x40, s5, s21, $0xb8;
	[tilespmem:$0x1F000] =	vst v63  }
0x70: {  	_ =	swait.ge [sflag:s29], $0x2000  }
0x71: {  	[sflag:s29] =	ssyncset.done $0x0  }
0x72: {  	s8 =	simm.s32 $0x5180;
	[sflag:s29] =	ssyncadd.s32 $0xFFFFE000  }
0x73: {  	[spmem:s2] =	stream.indirect.scatter.add.f32 [tilespmem:s30], [sflag:$0x6], $0x40, s8, s21, $0xb8;
	[tilespmem:$0x1F000] =	vst v63  }
0x74: {  	_ =	swait.ge [sflag:s18], $0x2000  }
0x75: {  	[sflag:s18] =	ssyncset.done $0x0  }
0x76: {  	s5 =	simm.s32 $0x400;
	[sflag:s18] =	ssyncadd.s32 $0xFFFFE000  }
0x77: {  	[tilespmem:s30], [sflag:$0x4] =	stream.indirect.gather [hbm4b:s7+s21], $0x40, s5, s21, $0xb8;
	[tilespmem:$0x1F000] =	vst v63  }
0x78: {  	_ =	swait.ge [sflag:s31], $0x2000  }
0x79: {  	[sflag:s31] =	ssyncset.done $0x0  }
0x7a: {  	s8 =	simm.s32 $0x5200;
	[sflag:s31] =	ssyncadd.s32 $0xFFFFE000  }
0x7b: {  	[spmem:s2] =	stream.indirect.scatter.add.f32 [tilespmem:s0], [sflag:$0x6], $0x40, s8, s21, $0xb8;
	[tilespmem:$0x1F000] =	vst v63  }
0x7c: {  	_ =	swait.ge [sflag:s18], $0x2000  }
0x7d: {  	[sflag:s18] =	ssyncset.done $0x0  }
0x7e: {  	s4 =	simm.s32 $0xA00;
	s5 =	simm.s32 $0x480;
	[sflag:s18] =	ssyncadd.s32 $0xFFFFE000  }
.LBB2_4:
0x7f: {  	[tilespmem:s0], [sflag:$0x5] =	stream.indirect.gather [hbm4b:s7+s21], $0x40, s5, s21, $0xb8;
	[tilespmem:$0x1F000] =	vst v63  }
0x80: {  	s5 =	smov.u32 s4  }
0x81: {  	p0 =	sne.s32 s4, $0x12C00;
	s4 =	sadd.s32 $0xA00, s4;
	_ =	swait.ge [sflag:s19], $0x2000  }
0x82: {  	s5 =	sshra.s32 s5, $0x2;
	[sflag:s19] =	ssyncset.done $0x0  }
0x83: {  	s8 =	sadd.s32 $0x5000, s5;
	[sflag:s19] =	ssyncadd.s32 $0xFFFFE000  }
0x84: {  	[spmem:s2] =	stream.indirect.scatter.add.f32 [tilespmem:s22], [sflag:$0x6], $0x40, s8, s21, $0xb8;
	[tilespmem:$0x1F000] =	vst v63  }
0x85: {  	_ =	swait.ge [sflag:s18], $0x2000  }
0x86: {  	[sflag:s18] =	ssyncset.done $0x0  }
0x87: {  	s8 =	sadd.s32 $0x280, s5;
	[sflag:s18] =	ssyncadd.s32 $0xFFFFE000  }
0x88: {  	[tilespmem:s22], [sflag:$0x1] =	stream.indirect.gather [hbm4b:s7+s21], $0x40, s8, s21, $0xb8;
	[tilespmem:$0x1F000] =	vst v63  }
0x89: {  	_ =	swait.ge [sflag:s1], $0x2000  }
0x8a: {  	[sflag:s1] =	ssyncset.done $0x0  }
0x8b: {  	s8 =	sadd.s32 $0x5080, s5;
	[sflag:s1] =	ssyncadd.s32 $0xFFFFE000  }
0x8c: {  	[spmem:s2] =	stream.indirect.scatter.add.f32 [tilespmem:s24], [sflag:$0x6], $0x40, s8, s21, $0xb8;
	[tilespmem:$0x1F000] =	vst v63  }
0x8d: {  	_ =	swait.ge [sflag:s18], $0x2000  }
0x8e: {  	[sflag:s18] =	ssyncset.done $0x0  }
0x8f: {  	s8 =	sadd.s32 $0x300, s5;
	[sflag:s18] =	ssyncadd.s32 $0xFFFFE000  }
0x90: {  	[tilespmem:s24], [sflag:$0x2] =	stream.indirect.gather [hbm4b:s7+s21], $0x40, s8, s21, $0xb8;
	[tilespmem:$0x1F000] =	vst v63  }
0x91: {  	_ =	swait.ge [sflag:s26], $0x2000  }
0x92: {  	[sflag:s26] =	ssyncset.done $0x0  }
0x93: {  	s8 =	sadd.s32 $0x5100, s5;
	[sflag:s26] =	ssyncadd.s32 $0xFFFFE000  }
0x94: {  	[spmem:s2] =	stream.indirect.scatter.add.f32 [tilespmem:s28], [sflag:$0x6], $0x40, s8, s21, $0xb8;
	[tilespmem:$0x1F000] =	vst v63  }
0x95: {  	_ =	swait.ge [sflag:s18], $0x2000  }
0x96: {  	[sflag:s18] =	ssyncset.done $0x0  }
0x97: {  	s8 =	sadd.s32 $0x380, s5;
	[sflag:s18] =	ssyncadd.s32 $0xFFFFE000  }
0x98: {  	[tilespmem:s28], [sflag:$0x3] =	stream.indirect.gather [hbm4b:s7+s21], $0x40, s8, s21, $0xb8;
	[tilespmem:$0x1F000] =	vst v63  }
0x99: {  	_ =	swait.ge [sflag:s29], $0x2000  }
0x9a: {  	[sflag:s29] =	ssyncset.done $0x0  }
0x9b: {  	s8 =	sadd.s32 $0x5180, s5;
	[sflag:s29] =	ssyncadd.s32 $0xFFFFE000  }
0x9c: {  	[spmem:s2] =	stream.indirect.scatter.add.f32 [tilespmem:s30], [sflag:$0x6], $0x40, s8, s21, $0xb8;
	[tilespmem:$0x1F000] =	vst v63  }
0x9d: {  	_ =	swait.ge [sflag:s18], $0x2000  }
0x9e: {  	[sflag:s18] =	ssyncset.done $0x0  }
0x9f: {  	s8 =	sadd.s32 $0x400, s5;
	[sflag:s18] =	ssyncadd.s32 $0xFFFFE000  }
0xa0: {  	[tilespmem:s30], [sflag:$0x4] =	stream.indirect.gather [hbm4b:s7+s21], $0x40, s8, s21, $0xb8;
	[tilespmem:$0x1F000] =	vst v63  }
0xa1: {  	_ =	swait.ge [sflag:s31], $0x2000  }
0xa2: {  	[sflag:s31] =	ssyncset.done $0x0  }
.Ltmp1:
0xa3: {  	s8 =	sadd.s32 $0x5200, s5;
	[sflag:s31] =	ssyncadd.s32 $0xFFFFE000;
	(pc) =	sbr.rel @p0 .LBB2_4-.Ltmp1, $4  }
0xa4: {  	[spmem:s2] =	stream.indirect.scatter.add.f32 [tilespmem:s0], [sflag:$0x6], $0x40, s8, s21, $0xb8;
	[tilespmem:$0x1F000] =	vst v63  }
0xa5: {  	_ =	swait.ge [sflag:s18], $0x2000  }
0xa6: {  	[sflag:s18] =	ssyncset.done $0x0  }
0xa7: {  	s5 =	sadd.s32 $0x480, s5;
	[sflag:s18] =	ssyncadd.s32 $0xFFFFE000  }
0xa8: {  	[tilespmem:s0], [sflag:$0x5] =	stream.indirect.gather [hbm4b:s7+s21], $0x40, s5, s21, $0xb8;
	[tilespmem:$0x1F000] =	vst v63  }
0xa9: {  	_ =	swait.ge [sflag:s19], $0x2000  }
0xaa: {  	[sflag:s19] =	ssyncset.done $0x0  }
0xab: {  	s4 =	simm.s32 $0x9D80;
	[sflag:s19] =	ssyncadd.s32 $0xFFFFE000  }
0xac: {  	[spmem:s2] =	stream.indirect.scatter.add.f32 [tilespmem:s22], [sflag:$0x6], $0x40, s4, s21, $0xb8;
	[tilespmem:$0x1F000] =	vst v63  }
0xad: {  	_ =	swait.ge [sflag:s18], $0x2000  }
0xae: {  	[sflag:s18] =	ssyncset.done $0x0  }
0xaf: {  	[sflag:s18] =	ssyncadd.s32 $0xFFFFE000  }
0xb0: {  	_ =	swait.ge [sflag:s1], $0x2000  }
0xb1: {  	[sflag:s1] =	ssyncset.done $0x0  }
0xb2: {  	s5 =	simm.s32 $0x9E00;
	[sflag:s1] =	ssyncadd.s32 $0xFFFFE000  }
0xb3: {  	[spmem:s2] =	stream.indirect.scatter.add.f32 [tilespmem:s24], [sflag:$0x6], $0x40, s5, s21, $0xb8;
	[tilespmem:$0x1F000] =	vst v63  }
0xb4: {  	_ =	swait.ge [sflag:s18], $0x2000  }
0xb5: {  	[sflag:s18] =	ssyncset.done $0x0  }
0xb6: {  	[sflag:s18] =	ssyncadd.s32 $0xFFFFE000  }
0xb7: {  	_ =	swait.ge [sflag:s26], $0x2000  }
0xb8: {  	[sflag:s26] =	ssyncset.done $0x0  }
0xb9: {  	s8 =	simm.s32 $0x9E80;
	[sflag:s26] =	ssyncadd.s32 $0xFFFFE000  }
0xba: {  	[spmem:s2] =	stream.indirect.scatter.add.f32 [tilespmem:s28], [sflag:$0x6], $0x40, s8, s21, $0xb8;
	[tilespmem:$0x1F000] =	vst v63  }
0xbb: {  	_ =	swait.ge [sflag:s18], $0x2000  }
0xbc: {  	[sflag:s18] =	ssyncset.done $0x0  }
0xbd: {  	[sflag:s18] =	ssyncadd.s32 $0xFFFFE000  }
0xbe: {  	_ =	swait.ge [sflag:s29], $0x2000  }
0xbf: {  	[sflag:s29] =	ssyncset.done $0x0  }
0xc0: {  	s5 =	simm.s32 $0x9F00;
	[sflag:s29] =	ssyncadd.s32 $0xFFFFE000  }
0xc1: {  	[spmem:s2] =	stream.indirect.scatter.add.f32 [tilespmem:s30], [sflag:$0x6], $0x40, s5, s21, $0xb8;
	[tilespmem:$0x1F000] =	vst v63  }
0xc2: {  	_ =	swait.ge [sflag:s18], $0x2000  }
0xc3: {  	[sflag:s18] =	ssyncset.done $0x0  }
0xc4: {  	[sflag:s18] =	ssyncadd.s32 $0xFFFFE000  }
0xc5: {  	_ =	swait.ge [sflag:s31], $0x2000  }
0xc6: {  	[sflag:s31] =	ssyncset.done $0x0  }
0xc7: {  	s8 =	simm.s32 $0x9F80;
	[sflag:s31] =	ssyncadd.s32 $0xFFFFE000  }
0xc8: {  	[spmem:s2] =	stream.indirect.scatter.add.f32 [tilespmem:s0], [sflag:$0x6], $0x40, s8, s21, $0xb8;
	[tilespmem:$0x1F000] =	vst v63  }
0xc9: {  	_ =	swait.ge [sflag:s18], $0x2000  }
0xca: {  	s5 =	stileid.u32;
	[sflag:s18] =	ssyncset.done $0x0  }
0xcb: {  	s4 =	sshll.u32 s5, $0x6;
	[sflag:s18] =	ssyncadd.s32 $0xFFFFE000  }
0xcc: {  	s4 =	sor.u32 $0x1C06, s4;
	[bflag:$0x0] =	sbarrier.arrive $0xFFFF  }
0xcd: {  	[hbm:s23], [sflag:s4] =	dma.local [spmem:s25], $0x1400  }
0xce: {  	_ =	swait.ge [sflag:s18], $0x1400  }
0xcf: {  	s3 =	sadd.s32 $0x1, s3;
	s8 =	rddreg [dreg:$0x5]  }
0xd0: {  	p0 =	sne.s32 s3, s8  }
.Ltmp2:
0xd1: {  	_ = 	snop;
	(pc) =	sbr.rel @p0 .LBB2_1-.Ltmp2, $3  }
0xd2: {  	_ =	sdelay $0x1  }
0xd3: {  	[sflag:s18] =	ssyncset.done $0x0  }
0xd4: {  	[sflag:s18] =	ssyncadd.s32 $0xFFFFEC00  }
0xd5: {  	_ =	sfence.sel $0x180000  }
0xd6: {  	[bflag:$0x0] =	sbarrier.arrive $0xFFFF  }
0xd7: {  	_ =	strace $0x9000004D  }
0xd8: {  	s0 =	stileid.u32;
	[bflag:$0x2] =	sbarrier.arrive $0xFFFF  }
0xd9: {  	p0 =	sne.s32 s0, $0x0;
	s0 =	rddreg [dreg:$0x2]  }
0xda: {  	s0 =	sadd.s32 @!p0 $0x100000, s0  }
0xdb: {  	[sflag:s0] =	ssyncadd.tile.s32 @!p0 $0x1;
	_ =	shalt  }
.Lfunc_end2:
_tile_overlayer_lowered:
.L_overlay_start_2:
0xdc: {  	(tag) =	ssettag $0x2  }
0xdd: {  	s0 =	rddreg [dreg:$0x0];
	s2 =	stileid.u32  }
0xde: {  	s1 =	rddreg [dreg:$0x1];
	p0 =	sne.s32 s2, $0x0  }
0xdf: {  	s3 =	rddreg [dreg:$0x2];
	[bflag:$0x3] =	sbarrier.arrive $0xFFFF;
	s2 =	simm.s32 @!p0 $0x1C06  }
0xe0: {  	[timem:s3], [sflag:s2] =	dma.local @!p0 [hbm:s0], s1  }
0xe1: {  	s0 =	simm.s32 @!p0 $0x6  }
0xe2: {  	_ =	swait.ge @!p0 [sflag:s0], s1  }
0xe3: {  	s1 =	ssub.s32 @!p0 $0x0, s1;
	[sflag:s0] =	ssyncset.done @!p0 $0x0  }
0xe4: {  	[sflag:s0] =	ssyncadd.s32 @!p0 s1  }
0xe5: {  	[bflag:$0x3] =	sbarrier.arrive $0xFFFF  }
0xe6: {  	_ =	shalt  }

// kernel: kernel.19.cloned.1.call-start
scs
__scs_entry_jumppad:
0x0: {  	(pc) =	sbr.rel $0x88, $3  }
0x1: {  	(tag) =	ssettag $0x0;
	lr =	simm.s32 $0x1  }
0x2: {  	[smem:$0x3F96] =	sst lr;
	_ =	strace $0xD0000000  }
0x3: {  	_ = 	snop  }
0x4: {  	_ = 	snop  }
0x5: {  	_ = 	snop  }
0x6: {  	_ = 	snop  }
0x7: {  	_ = 	snop  }
__scs_overlays_trampoline_lowered:
0x8: {  	[smem:$0x3FA5] =	sst s0  }
0x9: {  	[smem:$0x3FA6] =	sst s1  }
0xa: {  	[smem:$0x3FA7] =	sst s2  }
0xb: {  	[smem:$0x3FA8] =	sst s3  }
0xc: {  	[smem:$0x3FA9] =	sst s4  }
0xd: {  	[smem:$0x3FAA] =	sst s5  }
0xe: {  	[smem:$0x3FAB] =	sst s6  }
0xf: {  	[smem:$0x3FAC] =	sst s7  }
0x10: {  	[smem:$0x3FAD] =	sst s8  }
0x11: {  	[smem:$0x3FAE] =	sst s9;
	s0 =	simm.s32 @!p0 $0x0  }
0x12: {  	s1 =	sld [smem:$0x3F94];
	s0 =	simm.s32 @p0 $0x1  }
0x13: {  	[smem:$0x3FAF] =	sst s0;
	s0 =	simm.s32 @!p1 $0x0  }
0x14: {  	s2 =	sld [smem:$0x3F93];
	s0 =	simm.s32 @p1 $0x1  }
0x15: {  	[smem:$0x3FB0] =	sst s0;
	s0 =	simm.s32 @!p2 $0x0  }
0x16: {  	s3 =	sld [smem:$0x3FDB];
	s0 =	simm.s32 @p2 $0x1  }
0x17: {  	s4 =	simm.s32 $0x1BF5;
	[smem:$0x3FB2] =	sst s0  }
0x18: {  	s0 =	sld [smem:$0x3F95];
	_ =	swait.ge [sflag:s4], $0x0  }
0x19: {  	s7 =	sld [smem:$0x3F96]  }
0x1a: {  	s8 =	sadd.s32 $0xFFFFE003, lr  }
0x1b: {  	s9 =	sadd.s32 $0xFFFFFEF7, lr;
	s5 =	simm.s32 $0xFFFFFFFF;
	p2 =	slt.u32 s8, $0xFFFFF086  }
0x1c: {  	p1 =	slt.u32 s9, $0xF7A;
	s5 =	simm.s32 @!p2 $0x0  }
0x1d: {  	s5 =	simm.s32 @p1 $0x1;
	p0 =	seq.s32 s7, s2  }
0x1e: {  	s7 =	smul.u32 @!p0 $0xF7A, s2;
	p2 =	seq.s32 @!p0 s5, $0x0  }
0x1f: {  	s9 =	smul.u32 $0xF7A, s1;
	s8 =	simm.s32 @!p0 $0x1BF5;
	p2 =	por !p2, p0  }
0x20: {  	[sflag:s8] =	ssyncset.s32 @!p0 $0xFFFFF086;
	s6 =	sadd.s32 @!p0 s3, s7;
	s7 =	simm.s32 @!p0 $0x108  }
0x21: {  	s3 =	sadd.s32 s3, s9;
	s6 =	sadd.s32 @!p0 $0x88, s6;
	s7 =	simm.s32 @p2 $0x1082  }
0x22: {  	[simem:s7], [sflag:s8] =	dma.local @!p0 [hbm:s6], $0xF7A  }
0x23: {  	s9 =	sor.u32 $0xD0000000, s2;
	s6 =	simm.s32 $0x108;
	_ =	swait.ge @!p0 [sflag:s8], $0x0  }
0x24: {  	s3 =	sadd.s32 $0x88, s3;
	s6 =	simm.s32 @!p1 $0x1082;
	[sflag:s4] =	ssyncset.s32 $0xFFFFF086  }
0x25: {  	[simem:s6], [sflag:s4] =	dma.local [hbm:s3], $0xF7A  }
0x26: {  	[smem:$0x3F96] =	sst s1;
	(tag) =	ssettag s2;
	_ =	strace s9  }
0x27: {  	s1 =	sld [smem:$0x3FA6]  }
0x28: {  	s2 =	sld [smem:$0x3FA7]  }
0x29: {  	s4 =	sld [smem:$0x3FA9]  }
0x2a: {  	p0 =	seq.s32 s5, $0x0;
	s5 =	sld [smem:$0x3FAA]  }
0x2b: {  	s6 =	sld [smem:$0x3FAB]  }
0x2c: {  	s7 =	sld [smem:$0x3FAC]  }
0x2d: {  	s3 =	simm.s32 $0x108;
	s8 =	sld [smem:$0x3FAD]  }
0x2e: {  	s3 =	simm.s32 @!p0 $0x1082;
	s9 =	sld [smem:$0x3FAE]  }
0x2f: {  	lr =	sadd.s32 s0, s3;
	s0 =	sld [smem:$0x3FA5]  }
0x30: {  	s3 =	sld [smem:$0x3FA8]  }
0x31: {  	[smem:$0x3FB1] =	sst s10  }
0x32: {  	s10 =	sld [smem:$0x3FAF];
	_ =	sdelay $0x3  }
0x33: {  	p0 =	seq.s32 s10, $0x1;
	s10 =	sld [smem:$0x3FB1];
	_ =	sdelay $0x3  }
0x34: {  	[smem:$0x3FB1] =	sst s10  }
0x35: {  	s10 =	sld [smem:$0x3FB0];
	_ =	sdelay $0x3  }
0x36: {  	p1 =	seq.s32 s10, $0x1;
	s10 =	sld [smem:$0x3FB1];
	_ =	sdelay $0x3  }
0x37: {  	[smem:$0x3FB1] =	sst s10  }
0x38: {  	s10 =	sld [smem:$0x3FB2]  }
0x39: {  	_ = 	snop;
	(pc) =	sbr.ind lr, $3  }
0x3a: {  	_ = 	snop  }
0x3b: {  	_ = 	snop  }
0x3c: {  	p2 =	seq.s32 s10, $0x1;
	s10 =	sld [smem:$0x3FB1]  }
0x3d: {  	_ =	shalt  }
0x3e: {  	_ =	shalt  }
0x3f: {  	_ =	shalt  }
0x40: {  	_ =	shalt  }
0x41: {  	_ =	shalt  }
0x42: {  	_ =	shalt  }
0x43: {  	_ =	shalt  }
0x44: {  	_ =	shalt  }
0x45: {  	_ =	shalt  }
0x46: {  	_ =	shalt  }
0x47: {  	_ =	shalt  }
0x48: {  	_ =	shalt  }
0x49: {  	_ =	shalt  }
0x4a: {  	_ =	shalt  }
0x4b: {  	_ =	shalt  }
0x4c: {  	_ =	shalt  }
0x4d: {  	_ =	shalt  }
0x4e: {  	_ =	shalt  }
0x4f: {  	_ =	shalt  }
0x50: {  	_ =	shalt  }
0x51: {  	_ =	shalt  }
0x52: {  	_ =	shalt  }
0x53: {  	_ =	shalt  }
0x54: {  	_ =	shalt  }
0x55: {  	_ =	shalt  }
0x56: {  	_ =	shalt  }
0x57: {  	_ =	shalt  }
0x58: {  	_ =	shalt  }
0x59: {  	_ =	shalt  }
0x5a: {  	_ =	shalt  }
0x5b: {  	_ =	shalt  }
0x5c: {  	_ =	shalt  }
0x5d: {  	_ =	shalt  }
0x5e: {  	_ =	shalt  }
0x5f: {  	_ =	shalt  }
0x60: {  	_ =	shalt  }
0x61: {  	_ =	shalt  }
0x62: {  	_ =	shalt  }
0x63: {  	_ =	shalt  }
0x64: {  	_ =	shalt  }
0x65: {  	_ =	shalt  }
0x66: {  	_ =	shalt  }
0x67: {  	_ =	shalt  }
0x68: {  	_ =	shalt  }
0x69: {  	_ =	shalt  }
0x6a: {  	_ =	shalt  }
0x6b: {  	_ =	shalt  }
0x6c: {  	_ =	shalt  }
0x6d: {  	_ =	shalt  }
0x6e: {  	_ =	shalt  }
0x6f: {  	_ =	shalt  }
0x70: {  	_ =	shalt  }
0x71: {  	_ =	shalt  }
0x72: {  	_ =	shalt  }
0x73: {  	_ =	shalt  }
0x74: {  	_ =	shalt  }
0x75: {  	_ =	shalt  }
0x76: {  	_ =	shalt  }
0x77: {  	_ =	shalt  }
0x78: {  	_ =	shalt  }
0x79: {  	_ =	shalt  }
0x7a: {  	_ =	shalt  }
0x7b: {  	_ =	shalt  }
0x7c: {  	_ =	shalt  }
0x7d: {  	_ =	shalt  }
0x7e: {  	_ =	shalt  }
0x7f: {  	_ =	shalt  }
0x80: {  	_ =	shalt  }
0x81: {  	_ =	shalt  }
0x82: {  	_ =	shalt  }
0x83: {  	_ =	shalt  }
0x84: {  	_ =	shalt  }
0x85: {  	_ =	shalt  }
0x86: {  	_ =	shalt  }
0x87: {  	_ =	shalt  }
.Lfunc_end0:
.L_simem_size_0:
called_computation.3_lowered:
.L_overlay_start_0:
0x88: {  	s2 =	sld [smem:$0x3FD9]  }
0x89: {  	s3 =	sld [smem:$0x3FFE];
	_ =	sdelay $0x1  }
0x8a: {  	s1 =	srdreg.scid  }
0x8b: {  	s0 =	sand.u32 $0x1, s1  }
0x8c: {  	s16 =	sshll.u32 s0, $0xA;
	s2 =	sadd.s32 s3, s2  }
0x8d: {  	s2 =	sadd.s32 s2, s16  }
0x8e: {  	[smem:$0x3FBD] =	sst s2  }
0x8f: {  	_ = 	snop  }
0x90: {  	(tm) =	ssettm $0x1  }
0x91: {  	s17 =	sld [smem:$0x3FFB];
	_ =	sdelay $0x3  }
0x92: {  	_ =	strace s17  }
0x93: {  	s2 =	sld [smem:$0x3FFC];
	_ =	sdelay $0x3  }
0x94: {  	_ =	strace s2  }
0x95: {  	s2 =	sld [smem:$0x3FFD];
	_ =	sdelay $0x3  }
0x96: {  	_ =	strace s2  }
0x97: {  	_ =	strace $0x8FFFFFFF  }
0x98: {  	s18 =	sld [smem:$0x3FDB];
	_ =	sdelay $0x1  }
0x99: {  	s19 =	simm.s32 $_scs_section_size  }
0x9a: {  	s4 =	simm.s32 $_size__tile_overlayer_lowered;
	s5 =	simm.s32 $_tile_overlayer_lowered  }
0x9b: {  	s22 =	simm.s32 $0x1BFF;
	s21 =	sshll.u32 s5, $0x1;
	s2 =	sadd.s32 s19, s18  }
0x9c: {  	s6 =	simm.s32 $0x0;
	s20 =	sshll.u32 s4, $0x1;
	s4 =	sadd.s32 s21, s2  }
0x9d: {  	[timem:s6], [sflag:s22] =	dma.local [hbm:s4], s20  }
0x9e: {  	_ =	swait.ge [sflag:s22], s20  }
0x9f: {  	s3 =	ssub.s32 $0x0, s20;
	[sflag:s22] =	ssyncset.done $0x0  }
0xa0: {  	[sflag:s22] =	ssyncadd.s32 s3;
	_ =	sdelay $0x1  }
0xa1: {  	s23 =	simm.s32 $0x1B8B  }
0xa2: {  	_ =	swait.ge [sflag:s23], $0x1  }
0xa3: {  	[sflag:s23] =	ssyncset.done $0x0  }
0xa4: {  	s25 =	simm.s32 $0x1B8E;
	s24 =	sld [smem:$0x3FFE];
	[sflag:s23] =	ssyncadd.s32 $0xFFFFFFFF  }
0xa5: {  	s26 =	simm.s32 $execute0_lowered;
	[smem:$0x3FD2] =	sst s25  }
0xa6: {  	s4 =	sshll.u32 s26, $0x1;
	_ =	strace $0x8000004F;
	[dreg:$0x1] =	wrdreg $0xFFFFFFFF  }
0xa7: {  	s28 =	simm.s32 $_size_execute0_lowered;
	s2 =	sadd.s32 s2, s4;
	[dreg:$0x0] =	wrdreg $0x0  }
0xa8: {  	s4 =	sshll.u32 s28, $0x1;
	[dreg:$0x2] =	wrdreg s2  }
0xa9: {  	[dreg:$0x3] =	wrdreg s4  }
0xaa: {  	[dreg:$0x4] =	wrdreg $0xC0  }
0xab: {  	_ =	task [dreg:s6], $0x5FFFF  }
0xac: {  	[dreg:$0x1] =	wrdreg $0xFFFFFFFF  }
0xad: {  	[dreg:$0x0] =	wrdreg $0x60  }
0xae: {  	[dreg:$0x2] =	wrdreg s24  }
0xaf: {  	[dreg:$0x3] =	wrdreg $0x150000  }
0xb0: {  	[dreg:$0x4] =	wrdreg $0x9  }
0xb1: {  	_ =	task.clear_ibuf [dreg:s6], $0x5FFFF;
	_ =	strace $0x9000004F  }
0xb2: {  	s29 =	simm.s32 $0x9;
	_ =	strace $0x80000051  }
0xb3: {  	_ =	swait.ge [sflag:s29], $0x1  }
0xb4: {  	[sflag:s29] =	ssyncadd.s32 $0xFFFFFFFF  }
0xb5: {  	_ =	strace $0x90000051  }
0xb6: {  	_ =	sfence  }
0xb7: {  	s30 =	sld [smem:$0x0];
	_ =	sdelay $0x2  }
0xb8: {  	s31 =	sshll.u32 s1, $0xD;
	s1 =	sshrl.u32 s1, $0x2  }
0xb9: {  	s3 =	sand.u32 $0x4000, s31;
	s1 =	sadd.s32 s1, s30  }
0xba: {  	s0 =	sor.u32 s3, s0;
	s1 =	sshll.u32 s1, $0x11  }
0xbb: {  	s0 =	sor.u32 s1, s0  }
0xbc: {  	s0 =	sadd.s32 $0x8F2B, s0  }
0xbd: {  	[sflag:s0] =	ssyncadd.remote.s32 $0x1  }
0xbe: {  	_ =	sfence.sel $0xFFFF  }
0xbf: {  	[dreg:$0x0] =	wrdreg $0xFFFFFFFF;
	(pc) =	sbr.abs _section_cstart, $3  }
0xc0: {  	[dreg:$0x1] =	wrdreg $0xFFFFFFFF  }
0xc1: {  	_ =	task.clear_ibuf [dreg:s6], $0x2FFFF;
	_ =	strace $0x9FFFFFFF  }
0xc2: {  	(tm) =	ssettm $0x7FFFFFFF  }
0xc3: {  	_ =	shalt  }
tec
execute0_lowered:
.L_overlay_start_1:
0x0: {  	(tag) =	ssettag $0x1  }
0x1: {  	s0 =	rddreg [dreg:$0x0]  }
0x2: {  	s2 =	rddreg [dreg:$0x1];
	s6 =	stileid.u32  }
0x3: {  	s1 =	srdreg.scid;
	s4 =	simm.s32 $0x0;
	s18 =	simm.s32 $0x6  }
0x4: {  	s28 =	simm.s32 $0xE000;
	s30 =	simm.s32 $0x10000;
	s3 =	smul.u32 $0xA00, s6  }
0x5: {  	s19 =	simm.s32 $0x1;
	s29 =	simm.s32 $0x4;
	s5 =	smul.u32 $0x28000, s6  }
0x6: {  	s31 =	simm.s32 $0x5;
	s1 =	sand.u32 $0x1, s1;
	s23 =	smul.u32 $0xA000, s6  }
0x7: {  	[smem:$0x7FF] =	sst s4;
	s20 =	smul.u32 $0x14000, s1;
	s1 =	ssub.s32 $0x2, s1  }
0x8: {  	_ =	strace $0x80000050;
	s3 =	sadd.s32 s3, s0;
	s21 =	sshrl.u32 s1, $0x1  }
0x9: {  	s22 =	sshrl.u32 s5, $0x2;
	s25 =	sshrl.u32 s23, $0x3;
	s26 =	sadd.s32 s23, s2  }
0xa: {  	s0 =	sadd.s32 s20, s0;
	s1 =	ssub.s32 s1, s21;
	s24 =	sadd.s32 $0x2C00, s3  }
0xb: {  	s3 =	sadd.s32 $0xCC00, s3;
	s6 =	sadd.s32 s22, s2;
	s20 =	simm.s32 $0x14000  }
0xc: {  	s21 =	simm.s32 $0x80;
	s22 =	simm.s32 $0xA000;
	[dreg:$0x3] =	wrdreg s24  }
0xd: {  	[dreg:$0x4] =	wrdreg s3;
	s7 =	sadd.s32 $0x66C00, s0;
	s0 =	sadd.s32 $0x8EC00, s0  }
0xe: {  	s1 =	smax.u32 s1, $0x1;
	s9 =	sadd.s32 $0x1000, s6;
	s10 =	sadd.s32 $0x2000, s6  }
0xf: {  	s11 =	sadd.s32 $0x3000, s6;
	s12 =	sadd.s32 $0x4000, s6;
	s13 =	sadd.s32 $0x5000, s6  }
0x10: {  	s14 =	sadd.s32 $0x6000, s6;
	s15 =	sadd.s32 $0x7000, s6;
	s16 =	sadd.s32 $0x8000, s6  }
0x11: {  	s17 =	sadd.s32 $0x9000, s6;
	s24 =	simm.s32 $0xC000;
	s3 =	simm.s32 $0x0  }
0x12: {  	[dreg:$0x5] =	wrdreg s1;
	s23 =	sadd.s32 s25, s0;
	s25 =	sshrl.u32 s26, $0x3  }
0x13: {  	v0 =	vimm.f32 $0.0e+00;
	s0 =	simm.s32 $0x12000;
	s1 =	simm.s32 $0x2;
	s26 =	simm.s32 $0x3  }
.LBB2_1:
0x14: {  	s4 =	simm.s32 $0x0;
	s5 =	rddreg [dreg:$0x3]  }
0x15: {  	[tilespmem:s4], [sflag:$0x6] =	stream.linear.gather [hbm4b:s5+s4], $0x5000, $0x38;
	[tilespmem:$0x1F000] =	vst v63  }
0x16: {  	_ =	swait.ge [sflag:s18], $0x5000  }
0x17: {  	[sflag:s18] =	ssyncset.done $0x0  }
0x18: {  	s8 =	simm.s32 $0x5000;
	s5 =	rddreg [dreg:$0x4];
	[sflag:s18] =	ssyncadd.s32 $0xFFFFB000  }
0x19: {  	[tilespmem:s8], [sflag:$0x6] =	stream.linear.gather [hbm4b:s5+s4], $0x5000, $0x38;
	[tilespmem:$0x1F000] =	vst v63  }
0x1a: {  	_ =	swait.ge [sflag:s18], $0x5000  }
0x1b: {  	[sflag:s18] =	ssyncset.done $0x0  }
0x1c: {  	s5 =	simm.s32 $0x100;
	s4 =	simm.s32 $0x0;
	[sflag:s18] =	ssyncadd.s32 $0xFFFFB000  }
.LBB2_2:
0x1d: {  	p0 =	sne.s32 s5, $0x3F00;
	[tilespmem:s4+$0x14030] =	vst v0;
	s8 =	smov.u32 s5;
	s5 =	sadd.s32 $0x100, s5  }
.Ltmp0:
0x1e: {  	[tilespmem:s4+$0x14020] =	vst v0;
	(pc) =	sbr.rel @p0 .LBB2_2-.Ltmp0, $3  }
0x1f: {  	[tilespmem:s4+$0x14000] =	vst v0  }
0x20: {  	[tilespmem:s4+$0x14010] =	vst v0;
	_ =	sdelay $0x1  }
0x21: {  	s4 =	sshra.s32 s8, $0x2  }
0x22: {  	[tilespmem:s4+$0x14030] =	vst v0  }
0x23: {  	[tilespmem:s4+$0x14020] =	vst v0  }
0x24: {  	[tilespmem:s4+$0x14000] =	vst v0  }
0x25: {  	[tilespmem:s4+$0x14010] =	vst v0  }
0x26: {  	[spmem:s6] =	stream.linear.scatter [tilespmem:s20], [sflag:$0x6], $0x1000, $0x38;
	[tilespmem:$0x1F000] =	vst v63  }
0x27: {  	_ =	swait.ge [sflag:s18], $0x1000  }
0x28: {  	[sflag:s18] =	ssyncset.done $0x0  }
0x29: {  	[sflag:s18] =	ssyncadd.s32 $0xFFFFF000  }
0x2a: {  	[spmem:s9] =	stream.linear.scatter [tilespmem:s20], [sflag:$0x6], $0x1000, $0x38;
	[tilespmem:$0x1F000] =	vst v63  }
0x2b: {  	_ =	swait.ge [sflag:s18], $0x1000  }
0x2c: {  	[sflag:s18] =	ssyncset.done $0x0  }
0x2d: {  	[sflag:s18] =	ssyncadd.s32 $0xFFFFF000  }
0x2e: {  	[spmem:s10] =	stream.linear.scatter [tilespmem:s20], [sflag:$0x6], $0x1000, $0x38;
	[tilespmem:$0x1F000] =	vst v63  }
0x2f: {  	_ =	swait.ge [sflag:s18], $0x1000  }
0x30: {  	[sflag:s18] =	ssyncset.done $0x0  }
0x31: {  	[sflag:s18] =	ssyncadd.s32 $0xFFFFF000  }
0x32: {  	[spmem:s11] =	stream.linear.scatter [tilespmem:s20], [sflag:$0x6], $0x1000, $0x38;
	[tilespmem:$0x1F000] =	vst v63  }
0x33: {  	_ =	swait.ge [sflag:s18], $0x1000  }
0x34: {  	[sflag:s18] =	ssyncset.done $0x0  }
0x35: {  	[sflag:s18] =	ssyncadd.s32 $0xFFFFF000  }
0x36: {  	[spmem:s12] =	stream.linear.scatter [tilespmem:s20], [sflag:$0x6], $0x1000, $0x38;
	[tilespmem:$0x1F000] =	vst v63  }
0x37: {  	_ =	swait.ge [sflag:s18], $0x1000  }
0x38: {  	[sflag:s18] =	ssyncset.done $0x0  }
0x39: {  	[sflag:s18] =	ssyncadd.s32 $0xFFFFF000  }
0x3a: {  	[spmem:s13] =	stream.linear.scatter [tilespmem:s20], [sflag:$0x6], $0x1000, $0x38;
	[tilespmem:$0x1F000] =	vst v63  }
0x3b: {  	_ =	swait.ge [sflag:s18], $0x1000  }
0x3c: {  	[sflag:s18] =	ssyncset.done $0x0  }
0x3d: {  	[sflag:s18] =	ssyncadd.s32 $0xFFFFF000  }
0x3e: {  	[spmem:s14] =	stream.linear.scatter [tilespmem:s20], [sflag:$0x6], $0x1000, $0x38;
	[tilespmem:$0x1F000] =	vst v63  }
0x3f: {  	_ =	swait.ge [sflag:s18], $0x1000  }
0x40: {  	[sflag:s18] =	ssyncset.done $0x0  }
0x41: {  	[sflag:s18] =	ssyncadd.s32 $0xFFFFF000  }
0x42: {  	[spmem:s15] =	stream.linear.scatter [tilespmem:s20], [sflag:$0x6], $0x1000, $0x38;
	[tilespmem:$0x1F000] =	vst v63  }
0x43: {  	_ =	swait.ge [sflag:s18], $0x1000  }
0x44: {  	[sflag:s18] =	ssyncset.done $0x0  }
0x45: {  	[sflag:s18] =	ssyncadd.s32 $0xFFFFF000  }
0x46: {  	[spmem:s16] =	stream.linear.scatter [tilespmem:s20], [sflag:$0x6], $0x1000, $0x38;
	[tilespmem:$0x1F000] =	vst v63  }
0x47: {  	_ =	swait.ge [sflag:s18], $0x1000  }
0x48: {  	[sflag:s18] =	ssyncset.done $0x0  }
0x49: {  	[sflag:s18] =	ssyncadd.s32 $0xFFFFF000  }
0x4a: {  	[spmem:s17] =	stream.linear.scatter [tilespmem:s20], [sflag:$0x6], $0x1000, $0x38;
	[tilespmem:$0x1F000] =	vst v63  }
0x4b: {  	_ =	swait.ge [sflag:s18], $0x1000  }
0x4c: {  	[sflag:s18] =	ssyncset.done $0x0  }
0x4d: {  	[sflag:s18] =	ssyncadd.s32 $0xFFFFF000  }
0x4e: {  	s8 =	simm.s32 $0x0;
	[bflag:$0x0] =	sbarrier.arrive $0xFFFF  }
0x4f: {  	[tilespmem:s22], [sflag:$0x1] =	stream.indirect.gather [hbm4b:s7+s21], $0x40, s8, s21, $0xb8;
	[tilespmem:$0x1F000] =	vst v63  }
0x50: {  	_ = 	snop  }
0x51: {  	[tilespmem:s24], [sflag:$0x2] =	stream.indirect.gather [hbm4b:s7+s21], $0x40, s21, s21, $0xb8;
	[tilespmem:$0x1F000] =	vst v63  }
0x52: {  	s5 =	simm.s32 $0x100  }
0x53: {  	[tilespmem:s28], [sflag:$0x3] =	stream.indirect.gather [hbm4b:s7+s21], $0x40, s5, s21, $0xb8;
	[tilespmem:$0x1F000] =	vst v63  }
0x54: {  	s8 =	simm.s32 $0x180  }
0x55: {  	[tilespmem:s30], [sflag:$0x4] =	stream.indirect.gather [hbm4b:s7+s21], $0x40, s8, s21, $0xb8;
	[tilespmem:$0x1F000] =	vst v63  }
0x56: {  	s5 =	simm.s32 $0x200  }
0x57: {  	[tilespmem:s0], [sflag:$0x5] =	stream.indirect.gather [hbm4b:s7+s21], $0x40, s5, s21, $0xb8;
	[tilespmem:$0x1F000] =	vst v63  }
0x58: {  	_ =	swait.ge [sflag:s19], $0x2000  }
0x59: {  	[sflag:s19] =	ssyncset.done $0x0  }
0x5a: {  	s8 =	simm.s32 $0x5000;
	[sflag:s19] =	ssyncadd.s32 $0xFFFFE000  }
0x5b: {  	[spmem:s2] =	stream.indirect.scatter.add.f32 [tilespmem:s22], [sflag:$0x6], $0x40, s8, s21, $0xb8;
	[tilespmem:$0x1F000] =	vst v63  }
0x5c: {  	_ =	swait.ge [sflag:s18], $0x2000  }
0x5d: {  	[sflag:s18] =	ssyncset.done $0x0  }
0x5e: {  	s5 =	simm.s32 $0x280;
	[sflag:s18] =	ssyncadd.s32 $0xFFFFE000  }
0x5f: {  	[tilespmem:s22], [sflag:$0x1] =	stream.indirect.gather [hbm4b:s7+s21], $0x40, s5, s21, $0xb8;
	[tilespmem:$0x1F000] =	vst v63  }
0x60: {  	_ =	swait.ge [sflag:s1], $0x2000  }
0x61: {  	[sflag:s1] =	ssyncset.done $0x0  }
0x62: {  	s8 =	simm.s32 $0x5080;
	[sflag:s1] =	ssyncadd.s32 $0xFFFFE000  }
0x63: {  	[spmem:s2] =	stream.indirect.scatter.add.f32 [tilespmem:s24], [sflag:$0x6], $0x40, s8, s21, $0xb8;
	[tilespmem:$0x1F000] =	vst v63  }
0x64: {  	_ =	swait.ge [sflag:s18], $0x2000  }
0x65: {  	[sflag:s18] =	ssyncset.done $0x0  }
0x66: {  	s5 =	simm.s32 $0x300;
	[sflag:s18] =	ssyncadd.s32 $0xFFFFE000  }
0x67: {  	[tilespmem:s24], [sflag:$0x2] =	stream.indirect.gather [hbm4b:s7+s21], $0x40, s5, s21, $0xb8;
	[tilespmem:$0x1F000] =	vst v63  }
0x68: {  	_ =	swait.ge [sflag:s26], $0x2000  }
0x69: {  	[sflag:s26] =	ssyncset.done $0x0  }
0x6a: {  	s8 =	simm.s32 $0x5100;
	[sflag:s26] =	ssyncadd.s32 $0xFFFFE000  }
0x6b: {  	[spmem:s2] =	stream.indirect.scatter.add.f32 [tilespmem:s28], [sflag:$0x6], $0x40, s8, s21, $0xb8;
	[tilespmem:$0x1F000] =	vst v63  }
0x6c: {  	_ =	swait.ge [sflag:s18], $0x2000  }
0x6d: {  	[sflag:s18] =	ssyncset.done $0x0  }
0x6e: {  	s5 =	simm.s32 $0x380;
	[sflag:s18] =	ssyncadd.s32 $0xFFFFE000  }
0x6f: {  	[tilespmem:s28], [sflag:$0x3] =	stream.indirect.gather [hbm4b:s7+s21], $0x40, s5, s21, $0xb8;
	[tilespmem:$0x1F000] =	vst v63  }
0x70: {  	_ =	swait.ge [sflag:s29], $0x2000  }
0x71: {  	[sflag:s29] =	ssyncset.done $0x0  }
0x72: {  	s8 =	simm.s32 $0x5180;
	[sflag:s29] =	ssyncadd.s32 $0xFFFFE000  }
0x73: {  	[spmem:s2] =	stream.indirect.scatter.add.f32 [tilespmem:s30], [sflag:$0x6], $0x40, s8, s21, $0xb8;
	[tilespmem:$0x1F000] =	vst v63  }
0x74: {  	_ =	swait.ge [sflag:s18], $0x2000  }
0x75: {  	[sflag:s18] =	ssyncset.done $0x0  }
0x76: {  	s5 =	simm.s32 $0x400;
	[sflag:s18] =	ssyncadd.s32 $0xFFFFE000  }
0x77: {  	[tilespmem:s30], [sflag:$0x4] =	stream.indirect.gather [hbm4b:s7+s21], $0x40, s5, s21, $0xb8;
	[tilespmem:$0x1F000] =	vst v63  }
0x78: {  	_ =	swait.ge [sflag:s31], $0x2000  }
0x79: {  	[sflag:s31] =	ssyncset.done $0x0  }
0x7a: {  	s8 =	simm.s32 $0x5200;
	[sflag:s31] =	ssyncadd.s32 $0xFFFFE000  }
0x7b: {  	[spmem:s2] =	stream.indirect.scatter.add.f32 [tilespmem:s0], [sflag:$0x6], $0x40, s8, s21, $0xb8;
	[tilespmem:$0x1F000] =	vst v63  }
0x7c: {  	_ =	swait.ge [sflag:s18], $0x2000  }
0x7d: {  	[sflag:s18] =	ssyncset.done $0x0  }
0x7e: {  	s4 =	simm.s32 $0xA00;
	s5 =	simm.s32 $0x480;
	[sflag:s18] =	ssyncadd.s32 $0xFFFFE000  }
.LBB2_4:
0x7f: {  	[tilespmem:s0], [sflag:$0x5] =	stream.indirect.gather [hbm4b:s7+s21], $0x40, s5, s21, $0xb8;
	[tilespmem:$0x1F000] =	vst v63  }
0x80: {  	s5 =	smov.u32 s4  }
0x81: {  	p0 =	sne.s32 s4, $0x12C00;
	s4 =	sadd.s32 $0xA00, s4;
	_ =	swait.ge [sflag:s19], $0x2000  }
0x82: {  	s5 =	sshra.s32 s5, $0x2;
	[sflag:s19] =	ssyncset.done $0x0  }
0x83: {  	s8 =	sadd.s32 $0x5000, s5;
	[sflag:s19] =	ssyncadd.s32 $0xFFFFE000  }
0x84: {  	[spmem:s2] =	stream.indirect.scatter.add.f32 [tilespmem:s22], [sflag:$0x6], $0x40, s8, s21, $0xb8;
	[tilespmem:$0x1F000] =	vst v63  }
0x85: {  	_ =	swait.ge [sflag:s18], $0x2000  }
0x86: {  	[sflag:s18] =	ssyncset.done $0x0  }
0x87: {  	s8 =	sadd.s32 $0x280, s5;
	[sflag:s18] =	ssyncadd.s32 $0xFFFFE000  }
0x88: {  	[tilespmem:s22], [sflag:$0x1] =	stream.indirect.gather [hbm4b:s7+s21], $0x40, s8, s21, $0xb8;
	[tilespmem:$0x1F000] =	vst v63  }
0x89: {  	_ =	swait.ge [sflag:s1], $0x2000  }
0x8a: {  	[sflag:s1] =	ssyncset.done $0x0  }
0x8b: {  	s8 =	sadd.s32 $0x5080, s5;
	[sflag:s1] =	ssyncadd.s32 $0xFFFFE000  }
0x8c: {  	[spmem:s2] =	stream.indirect.scatter.add.f32 [tilespmem:s24], [sflag:$0x6], $0x40, s8, s21, $0xb8;
	[tilespmem:$0x1F000] =	vst v63  }
0x8d: {  	_ =	swait.ge [sflag:s18], $0x2000  }
0x8e: {  	[sflag:s18] =	ssyncset.done $0x0  }
0x8f: {  	s8 =	sadd.s32 $0x300, s5;
	[sflag:s18] =	ssyncadd.s32 $0xFFFFE000  }
0x90: {  	[tilespmem:s24], [sflag:$0x2] =	stream.indirect.gather [hbm4b:s7+s21], $0x40, s8, s21, $0xb8;
	[tilespmem:$0x1F000] =	vst v63  }
0x91: {  	_ =	swait.ge [sflag:s26], $0x2000  }
0x92: {  	[sflag:s26] =	ssyncset.done $0x0  }
0x93: {  	s8 =	sadd.s32 $0x5100, s5;
	[sflag:s26] =	ssyncadd.s32 $0xFFFFE000  }
0x94: {  	[spmem:s2] =	stream.indirect.scatter.add.f32 [tilespmem:s28], [sflag:$0x6], $0x40, s8, s21, $0xb8;
	[tilespmem:$0x1F000] =	vst v63  }
0x95: {  	_ =	swait.ge [sflag:s18], $0x2000  }
0x96: {  	[sflag:s18] =	ssyncset.done $0x0  }
0x97: {  	s8 =	sadd.s32 $0x380, s5;
	[sflag:s18] =	ssyncadd.s32 $0xFFFFE000  }
0x98: {  	[tilespmem:s28], [sflag:$0x3] =	stream.indirect.gather [hbm4b:s7+s21], $0x40, s8, s21, $0xb8;
	[tilespmem:$0x1F000] =	vst v63  }
0x99: {  	_ =	swait.ge [sflag:s29], $0x2000  }
0x9a: {  	[sflag:s29] =	ssyncset.done $0x0  }
0x9b: {  	s8 =	sadd.s32 $0x5180, s5;
	[sflag:s29] =	ssyncadd.s32 $0xFFFFE000  }
0x9c: {  	[spmem:s2] =	stream.indirect.scatter.add.f32 [tilespmem:s30], [sflag:$0x6], $0x40, s8, s21, $0xb8;
	[tilespmem:$0x1F000] =	vst v63  }
0x9d: {  	_ =	swait.ge [sflag:s18], $0x2000  }
0x9e: {  	[sflag:s18] =	ssyncset.done $0x0  }
0x9f: {  	s8 =	sadd.s32 $0x400, s5;
	[sflag:s18] =	ssyncadd.s32 $0xFFFFE000  }
0xa0: {  	[tilespmem:s30], [sflag:$0x4] =	stream.indirect.gather [hbm4b:s7+s21], $0x40, s8, s21, $0xb8;
	[tilespmem:$0x1F000] =	vst v63  }
0xa1: {  	_ =	swait.ge [sflag:s31], $0x2000  }
0xa2: {  	[sflag:s31] =	ssyncset.done $0x0  }
.Ltmp1:
0xa3: {  	s8 =	sadd.s32 $0x5200, s5;
	[sflag:s31] =	ssyncadd.s32 $0xFFFFE000;
	(pc) =	sbr.rel @p0 .LBB2_4-.Ltmp1, $4  }
0xa4: {  	[spmem:s2] =	stream.indirect.scatter.add.f32 [tilespmem:s0], [sflag:$0x6], $0x40, s8, s21, $0xb8;
	[tilespmem:$0x1F000] =	vst v63  }
0xa5: {  	_ =	swait.ge [sflag:s18], $0x2000  }
0xa6: {  	[sflag:s18] =	ssyncset.done $0x0  }
0xa7: {  	s5 =	sadd.s32 $0x480, s5;
	[sflag:s18] =	ssyncadd.s32 $0xFFFFE000  }
0xa8: {  	[tilespmem:s0], [sflag:$0x5] =	stream.indirect.gather [hbm4b:s7+s21], $0x40, s5, s21, $0xb8;
	[tilespmem:$0x1F000] =	vst v63  }
0xa9: {  	_ =	swait.ge [sflag:s19], $0x2000  }
0xaa: {  	[sflag:s19] =	ssyncset.done $0x0  }
0xab: {  	s4 =	simm.s32 $0x9D80;
	[sflag:s19] =	ssyncadd.s32 $0xFFFFE000  }
0xac: {  	[spmem:s2] =	stream.indirect.scatter.add.f32 [tilespmem:s22], [sflag:$0x6], $0x40, s4, s21, $0xb8;
	[tilespmem:$0x1F000] =	vst v63  }
0xad: {  	_ =	swait.ge [sflag:s18], $0x2000  }
0xae: {  	[sflag:s18] =	ssyncset.done $0x0  }
0xaf: {  	[sflag:s18] =	ssyncadd.s32 $0xFFFFE000  }
0xb0: {  	_ =	swait.ge [sflag:s1], $0x2000  }
0xb1: {  	[sflag:s1] =	ssyncset.done $0x0  }
0xb2: {  	s5 =	simm.s32 $0x9E00;
	[sflag:s1] =	ssyncadd.s32 $0xFFFFE000  }
0xb3: {  	[spmem:s2] =	stream.indirect.scatter.add.f32 [tilespmem:s24], [sflag:$0x6], $0x40, s5, s21, $0xb8;
	[tilespmem:$0x1F000] =	vst v63  }
0xb4: {  	_ =	swait.ge [sflag:s18], $0x2000  }
0xb5: {  	[sflag:s18] =	ssyncset.done $0x0  }
0xb6: {  	[sflag:s18] =	ssyncadd.s32 $0xFFFFE000  }
0xb7: {  	_ =	swait.ge [sflag:s26], $0x2000  }
0xb8: {  	[sflag:s26] =	ssyncset.done $0x0  }
0xb9: {  	s8 =	simm.s32 $0x9E80;
	[sflag:s26] =	ssyncadd.s32 $0xFFFFE000  }
0xba: {  	[spmem:s2] =	stream.indirect.scatter.add.f32 [tilespmem:s28], [sflag:$0x6], $0x40, s8, s21, $0xb8;
	[tilespmem:$0x1F000] =	vst v63  }
0xbb: {  	_ =	swait.ge [sflag:s18], $0x2000  }
0xbc: {  	[sflag:s18] =	ssyncset.done $0x0  }
0xbd: {  	[sflag:s18] =	ssyncadd.s32 $0xFFFFE000  }
0xbe: {  	_ =	swait.ge [sflag:s29], $0x2000  }
0xbf: {  	[sflag:s29] =	ssyncset.done $0x0  }
0xc0: {  	s5 =	simm.s32 $0x9F00;
	[sflag:s29] =	ssyncadd.s32 $0xFFFFE000  }
0xc1: {  	[spmem:s2] =	stream.indirect.scatter.add.f32 [tilespmem:s30], [sflag:$0x6], $0x40, s5, s21, $0xb8;
	[tilespmem:$0x1F000] =	vst v63  }
0xc2: {  	_ =	swait.ge [sflag:s18], $0x2000  }
0xc3: {  	[sflag:s18] =	ssyncset.done $0x0  }
0xc4: {  	[sflag:s18] =	ssyncadd.s32 $0xFFFFE000  }
0xc5: {  	_ =	swait.ge [sflag:s31], $0x2000  }
0xc6: {  	[sflag:s31] =	ssyncset.done $0x0  }
0xc7: {  	s8 =	simm.s32 $0x9F80;
	[sflag:s31] =	ssyncadd.s32 $0xFFFFE000  }
0xc8: {  	[spmem:s2] =	stream.indirect.scatter.add.f32 [tilespmem:s0], [sflag:$0x6], $0x40, s8, s21, $0xb8;
	[tilespmem:$0x1F000] =	vst v63  }
0xc9: {  	_ =	swait.ge [sflag:s18], $0x2000  }
0xca: {  	s5 =	stileid.u32;
	[sflag:s18] =	ssyncset.done $0x0  }
0xcb: {  	s4 =	sshll.u32 s5, $0x6;
	[sflag:s18] =	ssyncadd.s32 $0xFFFFE000  }
0xcc: {  	s4 =	sor.u32 $0x1C06, s4;
	[bflag:$0x0] =	sbarrier.arrive $0xFFFF  }
0xcd: {  	[hbm:s23], [sflag:s4] =	dma.local [spmem:s25], $0x1400  }
0xce: {  	_ =	swait.ge [sflag:s18], $0x1400  }
0xcf: {  	s3 =	sadd.s32 $0x1, s3;
	s8 =	rddreg [dreg:$0x5]  }
0xd0: {  	p0 =	sne.s32 s3, s8  }
.Ltmp2:
0xd1: {  	_ = 	snop;
	(pc) =	sbr.rel @p0 .LBB2_1-.Ltmp2, $3  }
0xd2: {  	_ =	sdelay $0x1  }
0xd3: {  	[sflag:s18] =	ssyncset.done $0x0  }
0xd4: {  	[sflag:s18] =	ssyncadd.s32 $0xFFFFEC00  }
0xd5: {  	_ =	sfence.sel $0x180000  }
0xd6: {  	[bflag:$0x0] =	sbarrier.arrive $0xFFFF  }
0xd7: {  	_ =	strace $0x90000050  }
0xd8: {  	s0 =	stileid.u32;
	[bflag:$0x2] =	sbarrier.arrive $0xFFFF  }
0xd9: {  	p0 =	sne.s32 s0, $0x0;
	s0 =	rddreg [dreg:$0x2]  }
0xda: {  	s0 =	sadd.s32 @!p0 $0x100000, s0  }
0xdb: {  	[sflag:s0] =	ssyncadd.tile.s32 @!p0 $0x1;
	_ =	shalt  }
.Lfunc_end2:
_tile_overlayer_lowered:
.L_overlay_start_2:
0xdc: {  	(tag) =	ssettag $0x2  }
0xdd: {  	s0 =	rddreg [dreg:$0x0];
	s2 =	stileid.u32  }
0xde: {  	s1 =	rddreg [dreg:$0x1];
	p0 =	sne.s32 s2, $0x0  }
0xdf: {  	s3 =	rddreg [dreg:$0x2];
	[bflag:$0x3] =	sbarrier.arrive $0xFFFF;
	s2 =	simm.s32 @!p0 $0x1C06  }
0xe0: {  	[timem:s3], [sflag:s2] =	dma.local @!p0 [hbm:s0], s1  }
0xe1: {  	s0 =	simm.s32 @!p0 $0x6  }
0xe2: {  	_ =	swait.ge @!p0 [sflag:s0], s1  }
0xe3: {  	s1 =	ssub.s32 @!p0 $0x0, s1;
	[sflag:s0] =	ssyncset.done @!p0 $0x0  }
0xe4: {  	[sflag:s0] =	ssyncadd.s32 @!p0 s1  }
0xe5: {  	[bflag:$0x3] =	sbarrier.arrive $0xFFFF  }
0xe6: {  	_ =	shalt  }

</sc_bundles>
